<compile_context>
chip_gen: v7x
topology: tpu7x:2x2x1
jax: 0.10.2.dev20260603
libtpu: 0.0.44.dev20260713+nightly
codegen_flags: <defaults>
</compile_context>

<pallas_src>
import functools

import jax
import jax.numpy as jnp
from jax import lax
from jax.experimental import pallas as pl
from jax.experimental.pallas import tpu as pltpu
from jax.experimental.pallas import tpu_sc as plsc

_N = 10000
_E = 320000
_D = 128
_HE = 10000
_HID = 128
_DH = 64

_NT = 16
_L = 16

_RPT = 160
_RTOT = _NT * _RPT
_EPAD = _RTOT * 128
_NP = 10240
_SL = 640
_IB = 16
_NG = _RPT // 4
_PAD_ID = 10000


def _sc_propagate(xh, nidp, eidp, z2, z1):
  mesh = plsc.VectorSubcoreMesh(core_axis_name="c", subcore_axis_name="s")

  @functools.partial(
      pl.kernel,
      out_type=jax.ShapeDtypeStruct((2, _N, _DH), jnp.float32),
      mesh=mesh,
      scratch_types=[
          pltpu.VMEM((512, _DH), jnp.float32),
          pltpu.VMEM((2, _IB, 128), jnp.int32),
          pltpu.VMEM((2, _IB, 128), jnp.int32),
          pltpu.VMEM((128,), jnp.float32),
          pltpu.VMEM((_SL,), jnp.float32),
          pltpu.VMEM((_SL + _L,), jnp.float32),
          pltpu.VMEM_SHARED((_NP, _DH), jnp.float32),
          pltpu.VMEM_SHARED((_NP, _DH), jnp.float32),
          pltpu.VMEM_SHARED((_NP,), jnp.float32),
          pltpu.VMEM_SHARED((_NP,), jnp.float32),
          pltpu.SemaphoreType.DMA,
          pltpu.SemaphoreType.DMA,
          pltpu.SemaphoreType.DMA,
          pltpu.SemaphoreType.DMA,
          pltpu.SemaphoreType.DMA,
          pltpu.SemaphoreType.DMA,
          pltpu.SemaphoreType.DMA,
          pltpu.SemaphoreType.DMA,
      ],
      compiler_params=pltpu.CompilerParams(use_tc_tiling_on_sc=False),
  )
  def k(xh_hbm, nid_hbm, eid_hbm, z2_hbm, z1_hbm, out_hbm,
        buf, gidx, sidx, ones_v, vals_v, inv_v,
        acc, xs, edeg, deg, *sems):
    gsems = sems[0:4]
    ssems = sems[4:8]
    c = lax.axis_index("c")
    s = lax.axis_index("s")
    base = s * _SL

    def drain_rows(sm):
      pltpu.make_async_copy(z2_hbm.at[pl.ds(0, 128)],
                            buf.at[pl.ds(0, 128)], sm).wait()

    def drain_ones(sm):
      pltpu.make_async_copy(z1_hbm.at[pl.ds(0, 128)], ones_v, sm).wait()

    for j in range(128 // _L):
      ones_v[pl.ds(j * _L, _L)] = jnp.full((_L,), 1.0, jnp.float32)

    pltpu.sync_copy(z2_hbm, acc.at[pl.ds(base, _SL)])
    pltpu.sync_copy(xh_hbm.at[pl.ds(c * _NP + base, _SL)],
                    xs.at[pl.ds(base, _SL)])
    pltpu.sync_copy(z1_hbm, edeg.at[pl.ds(base, _SL)])
    pltpu.sync_copy(z1_hbm, deg.at[pl.ds(base, _SL)])

    plsc.subcore_barrier()

    def run_pass(gtable, load_blk, sdst, cdst):
      def fire_gather(h, t):
        bslot = lax.rem(h // _IB, 2)
        r = lax.rem(h, _IB)
        pltpu.async_copy(gtable.at[gidx.at[bslot, r]],
                         buf.at[pl.ds(t * 128, 128)], gsems[t])

      def fire_scatter(h, t):
        bslot = lax.rem(h // _IB, 2)
        r = lax.rem(h, _IB)
        pltpu.async_copy(buf.at[pl.ds(t * 128, 128)],
                         sdst.at[sidx.at[bslot, r]], ssems[t], add=True)
        pltpu.async_copy(ones_v, cdst.at[sidx.at[bslot, r]], ssems[t],
                         add=True)

      load_blk(0, 0)

      def body(i, carry):
        @pl.when((lax.rem(i, 4) == 0) & (i > 0))
        def _():
          b = i // 4
          load_blk(b, lax.rem(b, 2))

        for t in range(4):
          h = 4 * i + t

          @pl.when(i >= 1)
          def _():
            drain_rows(ssems[t])
            drain_ones(ssems[t])
          fire_gather(h, t)
          t2 = (t + 2) % 4

          @pl.when((i >= 1) | (t >= 2))
          def _():
            drain_rows(gsems[t2])
            fire_scatter(h - 2, t2)
        return carry

      lax.fori_loop(0, _NG, body, 0)
      ns = 4 * _NG
      for h in (ns - 2, ns - 1):
        t = h % 4
        drain_rows(gsems[t])
        fire_scatter(h, t)
      for t in range(4):
        drain_rows(ssems[t])
        drain_ones(ssems[t])

    def scale_slice(src, off, write_back):
      pltpu.sync_copy(src.at[pl.ds(base + off, 320)], buf.at[pl.ds(0, 320)])

      def scale_body(r, carry):
        sp = jnp.zeros((_L,), jnp.float32) + inv_v[pl.ds(r + off, _L)][0]
        for q in range(_DH // _L):
          buf[r, pl.ds(q * _L, _L)] = buf[r, pl.ds(q * _L, _L)] * sp
        return carry

      lax.fori_loop(0, 320, scale_body, 0)
      if write_back:
        pltpu.sync_copy(buf.at[pl.ds(0, 320)], src.at[pl.ds(base + off, 320)])

    def load_recips(darr):
      pltpu.sync_copy(darr.at[pl.ds(base, _SL)], vals_v)
      for j in range(_SL // _L):
        v = vals_v[pl.ds(j * _L, _L)]
        inv_v[pl.ds(j * _L, _L)] = jnp.where(v > 0.0, 1.0 / v, 0.0)

    def load_blk1(b, slot):
      rb = s * _RPT + b * _IB
      pltpu.sync_copy(nid_hbm.at[pl.ds(rb, _IB)], gidx.at[slot])
      pltpu.sync_copy(eid_hbm.at[pl.ds(rb, _IB)], sidx.at[slot])

    run_pass(xs, load_blk1, acc, edeg)
    plsc.subcore_barrier()

    load_recips(edeg)
    scale_slice(acc, 0, True)
    scale_slice(acc, 320, True)
    pltpu.sync_copy(z2_hbm, xs.at[pl.ds(base, _SL)])
    plsc.subcore_barrier()

    def load_blk2(b, slot):
      rb = s * _RPT + b * _IB
      pltpu.sync_copy(eid_hbm.at[pl.ds(rb, _IB)], gidx.at[slot])
      pltpu.sync_copy(nid_hbm.at[pl.ds(rb, _IB)], sidx.at[slot])

    run_pass(acc, load_blk2, xs, deg)
    plsc.subcore_barrier()

    load_recips(deg)
    for off in (0, 320):
      scale_slice(xs, off, False)

      @pl.when(s < _NT - 1)
      def _():
        pltpu.sync_copy(buf.at[pl.ds(0, 320)],
                        out_hbm.at[c, pl.ds(base + off, 320)])

      last0 = (_NT - 1) * _SL + off
      sz15 = min(320, _N - last0)
      @pl.when(s == _NT - 1)
      def _():
        pltpu.sync_copy(buf.at[pl.ds(0, sz15)],
                        out_hbm.at[c, pl.ds(last0, sz15)])

  return k(xh, nidp, eidp, z2, z1)


_RB = 2000


def _stage1_body(px0_ref, px1_ref, w0_ref, b0_ref, w1_ref, b1_ref,
                 a1w_ref, a1b_ref, wd_ref, bd_ref, ss_ref):
  i = pl.program_id(0)
  px0 = px0_ref[0]
  px1 = px1_ref[0]
  w0 = w0_ref[...]
  w1 = w1_ref[...]
  out0 = (jnp.dot(px0, w0[:_DH], preferred_element_type=jnp.float32)
          + jnp.dot(px1, w0[_DH:], preferred_element_type=jnp.float32)
          + b0_ref[...])
  out1 = (jnp.dot(px0, w1[:_DH], preferred_element_type=jnp.float32)
          + jnp.dot(px1, w1[_DH:], preferred_element_type=jnp.float32)
          + b1_ref[...])
  nf = (out0 + out1) * 0.5
  a1 = jnp.maximum(
      jnp.dot(nf, a1w_ref[...], preferred_element_type=jnp.float32) + a1b_ref[...],
      0.0)
  d = jnp.sum(a1 * wd_ref[...], axis=1, keepdims=True) + bd_ref[0, 0]
  att0 = 1.0 / (1.0 + jnp.exp(d))
  part = jnp.sum(att0, axis=0, keepdims=True)

  @pl.when(i == 0)
  def _():
    ss_ref[...] = jnp.zeros_like(ss_ref)

  ss_ref[...] += part


def _tc_stage1(px2, w0, b0, w1, b1, a1w, a1b, wd, bd):
  full = pl.BlockSpec((_D, _D), lambda i: (0, 0))
  vec = pl.BlockSpec((1, _D), lambda i: (0, 0))
  one = pl.BlockSpec((1, 1), lambda i: (0, 0))
  half = pl.BlockSpec((1, _RB, _DH), lambda i: (0, i, 0))
  return pl.pallas_call(
      _stage1_body,
      grid=(_N // _RB,),
      in_specs=[half, half, full, vec, full, vec, full, vec, vec, one],
      out_specs=one,
      out_shape=jax.ShapeDtypeStruct((1, 1), jnp.float32),
  )(px2[0:1], px2[1:2], w0, b0, w1, b1, a1w, a1b, wd, bd)


def _layernorm_relu(h, g_ref, be_ref):
  mu = jnp.mean(h, axis=1, keepdims=True)
  var = jnp.mean((h - mu) ** 2, axis=1, keepdims=True)
  return jnp.maximum((h - mu) * lax.rsqrt(var + 1e-5) * g_ref[...] + be_ref[...],
                     0.0)


def _stage2_body(px0_ref, px1_ref, w0_ref, b0_ref, w1_ref, b1_ref,
                 t0w_ref, t0b_ref, g0_ref, be0_ref,
                 t1w_ref, t1b_ref, g1_ref, be1_ref, c_ref, out_ref):
  px0 = px0_ref[0]
  px1 = px1_ref[0]
  w0 = w0_ref[...]
  w1 = w1_ref[...]
  out0 = (jnp.dot(px0, w0[:_DH], preferred_element_type=jnp.float32)
          + jnp.dot(px1, w0[_DH:], preferred_element_type=jnp.float32)
          + b0_ref[...])
  out1 = (jnp.dot(px0, w1[:_DH], preferred_element_type=jnp.float32)
          + jnp.dot(px1, w1[_DH:], preferred_element_type=jnp.float32)
          + b1_ref[...])
  h0 = jnp.dot(out0, t0w_ref[...], preferred_element_type=jnp.float32) + t0b_ref[...]
  h1 = jnp.dot(out1, t1w_ref[...], preferred_element_type=jnp.float32) + t1b_ref[...]
  t0 = _layernorm_relu(h0, g0_ref, be0_ref)
  t1 = _layernorm_relu(h1, g1_ref, be1_ref)
  out_ref[...] = c_ref[0, 0] * t0 + c_ref[0, 1] * t1


def _tc_stage2(px2, w0, b0, w1, b1, t0w, t0b, g0, be0, t1w, t1b, g1, be1, c01):
  full = pl.BlockSpec((_D, _D), lambda i: (0, 0))
  vec = pl.BlockSpec((1, _D), lambda i: (0, 0))
  two = pl.BlockSpec((1, 2), lambda i: (0, 0))
  half = pl.BlockSpec((1, _RB, _DH), lambda i: (0, i, 0))
  blk = pl.BlockSpec((_RB, _D), lambda i: (i, 0))
  return pl.pallas_call(
      _stage2_body,
      grid=(_N // _RB,),
      in_specs=[half, half, full, vec, full, vec, full, vec, vec, vec,
                full, vec, vec, vec, two],
      out_specs=blk,
      out_shape=jax.ShapeDtypeStruct((_N, _D), jnp.float32),
  )(px2[0:1], px2[1:2], w0, b0, w1, b1, t0w, t0b, g0, be0,
    t1w, t1b, g1, be1, c01)


def kernel(x, hyperedge_index, W0, b0, W1, b1, scale_weights,
           A1_w, A1_b, A2_w, A2_b, T0_w, T0_b, g0, be0, T1_w, T1_b, g1, be1):
  nidx = hyperedge_index[0].astype(jnp.int32)
  eidx = hyperedge_index[1].astype(jnp.int32)

  pad = jnp.full((_EPAD - _E,), _PAD_ID, jnp.int32)
  nid_p = jnp.concatenate([nidx, pad]).reshape(_RTOT, 128)
  eid_p = jnp.concatenate([eidx, pad]).reshape(_RTOT, 128)

  xh = jnp.pad(x.reshape(_N, 2, _DH).transpose(1, 0, 2),
               ((0, 0), (0, _NP - _N), (0, 0))).reshape(2 * _NP, _DH)
  z2 = jnp.zeros((_SL, _DH), jnp.float32)
  z1 = jnp.zeros((_SL,), jnp.float32)

  px2 = _sc_propagate(xh, nid_p, eid_p, z2, z1)

  wd = (A2_w[:, 1] - A2_w[:, 0]).reshape(1, _HID)
  bd = (A2_b[1] - A2_b[0]).reshape(1, 1)
  b0r = b0.reshape(1, _D)
  b1r = b1.reshape(1, _D)

  ssum = _tc_stage1(px2, W0, b0r, W1, b1r, A1_w, A1_b.reshape(1, _HID), wd, bd)
  dyn0 = ssum[0, 0] / _N
  sw = jax.nn.softmax(scale_weights)
  c0 = (sw[0] + dyn0) * 0.5
  c1 = (sw[1] + (1.0 - dyn0)) * 0.5
  c01 = jnp.stack([c0, c1]).reshape(1, 2)

  return _tc_stage2(px2, W0, b0r, W1, b1r,
                    T0_w, T0_b.reshape(1, _D), g0.reshape(1, _D),
                    be0.reshape(1, _D),
                    T1_w, T1_b.reshape(1, _D), g1.reshape(1, _D),
                    be1.reshape(1, _D), c01)

# --- scband reference (transcript-rebuilt; emitter-appended) ---
"""Pipeline reference for scband-multi-scale-hypergraph-conv-67010079752613 (READ-ONLY COPY).

The authoritative reference and input builder live on the scoring server;
editing this copy changes nothing except your own understanding.
"""

import jax, jax.numpy as jnp
import numpy as np

N = 10000
E = 320000
D = 128
NUM_HE = 10000
HID = 128
NS = 2


def setup_inputs(seed: int = 0) -> dict:
    key = jax.random.key(seed)
    ks = jax.random.split(key, 24)
    s = 1.0 / np.sqrt(D)
    inp = {}
    inp['x'] = jax.random.normal(ks[0], (N, D), dtype=jnp.float32)
    inp['hyperedge_index'] = jax.random.randint(ks[1], (2, E), 0, N, dtype=jnp.int32)
    # HypergraphConv (use_attention=False) linear weights (no bias on lin) + output bias
    inp['W0'] = jax.random.normal(ks[2], (D, D), dtype=jnp.float32) * s
    inp['b0'] = jnp.zeros((D,), dtype=jnp.float32)
    inp['W1'] = jax.random.normal(ks[3], (D, D), dtype=jnp.float32) * s
    inp['b1'] = jnp.zeros((D,), dtype=jnp.float32)
    # static scale weights
    inp['scale_weights'] = jnp.ones((NS,), dtype=jnp.float32)
    # scale_attention: Linear(D,128) -> ReLU -> Linear(128,NS) -> Softmax
    inp['A1_w'] = jax.random.normal(ks[4], (D, HID), dtype=jnp.float32) * s
    inp['A1_b'] = jnp.zeros((HID,), dtype=jnp.float32)
    inp['A2_w'] = jax.random.normal(ks[5], (HID, NS), dtype=jnp.float32) * (1.0 / np.sqrt(HID))
    inp['A2_b'] = jnp.zeros((NS,), dtype=jnp.float32)
    # scale_transforms: Linear(D,D) -> LayerNorm(D) -> ReLU (dropout off in eval)
    inp['T0_w'] = jax.random.normal(ks[6], (D, D), dtype=jnp.float32) * s
    inp['T0_b'] = jnp.zeros((D,), dtype=jnp.float32)
    inp['g0'] = jnp.ones((D,), dtype=jnp.float32)
    inp['be0'] = jnp.zeros((D,), dtype=jnp.float32)
    inp['T1_w'] = jax.random.normal(ks[7], (D, D), dtype=jnp.float32) * s
    inp['T1_b'] = jnp.zeros((D,), dtype=jnp.float32)
    inp['g1'] = jnp.ones((D,), dtype=jnp.float32)
    inp['be1'] = jnp.zeros((D,), dtype=jnp.float32)
    return inp


def _hconv(x, W, bias, node_idx, edge_idx):
    # PyG HypergraphConv, use_attention=False: X' = D^-1 H B^-1 H^T (X Theta) + bias
    xl = x @ W
    ones = jnp.ones((node_idx.shape[0],), dtype=x.dtype)
    deg = jax.ops.segment_sum(ones, node_idx, num_segments=N)
    Dinv = jnp.where(deg > 0, 1.0 / deg, 0.0)
    edeg = jax.ops.segment_sum(ones, edge_idx, num_segments=NUM_HE)
    Binv = jnp.where(edeg > 0, 1.0 / edeg, 0.0)
    # node -> hyperedge aggregation (scatter-add), scaled by B^-1
    msg = Binv[:, None] * jax.ops.segment_sum(jnp.take(xl, node_idx, axis=0), edge_idx, num_segments=NUM_HE)
    # hyperedge -> node aggregation (gather + scatter-add), scaled by D^-1
    out = Dinv[:, None] * jax.ops.segment_sum(jnp.take(msg, edge_idx, axis=0), node_idx, num_segments=N)
    return out + bias


def _layernorm(x, g, b):
    mu = jnp.mean(x, axis=-1, keepdims=True)
    var = jnp.mean((x - mu) ** 2, axis=-1, keepdims=True)
    return (x - mu) / jnp.sqrt(var + 1e-5) * g + b


def reference(x, hyperedge_index, W0, b0, W1, b1, scale_weights, A1_w, A1_b, A2_w, A2_b,
              T0_w, T0_b, g0, be0, T1_w, T1_b, g1, be1):
    # NOTE: scale=2 expansion in the original code calls torch.intersect1d (does not
    # exist), raising inside a try/except that falls back to the ORIGINAL
    # hyperedge_index. So both scale branches use the same incidence structure.
    node_idx = hyperedge_index[0]
    edge_idx = hyperedge_index[1]
    out0 = _hconv(x, W0, b0, node_idx, edge_idx)
    out1 = _hconv(x, W1, b1, node_idx, edge_idx)
    t0 = jax.nn.relu(_layernorm(out0 @ T0_w + T0_b, g0, be0))
    t1 = jax.nn.relu(_layernorm(out1 @ T1_w + T1_b, g1, be1))
    static_w = jax.nn.softmax(scale_weights, axis=0)
    node_features = (out0 + out1) / 2.0
    attn = jax.nn.softmax(jax.nn.relu(node_features @ A1_w + A1_b) @ A2_w + A2_b, axis=-1)
    dyn = jnp.mean(attn, axis=0)
    comb = (static_w + dyn) / 2.0
    return comb[0] * t0 + comb[1] * t1


if False:  # reference __main__ guard neutralized (emitter)
    out = reference(**setup_inputs())
    print(out.shape, out.dtype)

if __name__ == "__main__":
    import jax
    _d = setup_inputs()
    print(jax.jit(kernel)(*tuple(_d.values())))

</pallas_src>

<mosaic_0001>
#map = affine_map<(d0, d1) -> (0, 0)>
#map1 = affine_map<(d0, d1) -> (0)>
#map2 = affine_map<(d0, d1) -> (0, 0, 0)>
module attributes {stable_mosaic.version = 14 : i64} {
  func.func @k(%arg0: i32, %arg1: i32, %arg2: memref<20480x64xf32, #tpu.memory_space<hbm>>, %arg3: memref<2560x128xi32, #tpu.memory_space<hbm>>, %arg4: memref<2560x128xi32, #tpu.memory_space<hbm>>, %arg5: memref<640x64xf32, #tpu.memory_space<hbm>>, %arg6: memref<640xf32, #tpu.memory_space<hbm>>, %arg7: memref<2x10000x64xf32, #tpu.memory_space<hbm>>, %arg8: memref<512x64xf32, #tpu.memory_space<vmem>>, %arg9: memref<2x16x128xi32, #tpu.memory_space<vmem>>, %arg10: memref<2x16x128xi32, #tpu.memory_space<vmem>>, %arg11: memref<128xf32, #tpu.memory_space<vmem>>, %arg12: memref<640xf32, #tpu.memory_space<vmem>>, %arg13: memref<656xf32, #tpu.memory_space<vmem>>, %arg14: memref<10240x64xf32, #tpu.memory_space<vmem_shared>>, %arg15: memref<10240x64xf32, #tpu.memory_space<vmem_shared>>, %arg16: memref<10240xf32, #tpu.memory_space<vmem_shared>>, %arg17: memref<10240xf32, #tpu.memory_space<vmem_shared>>, %arg18: memref<!tpu.dma_semaphore, #tpu.memory_space<semaphore_mem>>, %arg19: memref<!tpu.dma_semaphore, #tpu.memory_space<semaphore_mem>>, %arg20: memref<!tpu.dma_semaphore, #tpu.memory_space<semaphore_mem>>, %arg21: memref<!tpu.dma_semaphore, #tpu.memory_space<semaphore_mem>>, %arg22: memref<!tpu.dma_semaphore, #tpu.memory_space<semaphore_mem>>, %arg23: memref<!tpu.dma_semaphore, #tpu.memory_space<semaphore_mem>>, %arg24: memref<!tpu.dma_semaphore, #tpu.memory_space<semaphore_mem>>, %arg25: memref<!tpu.dma_semaphore, #tpu.memory_space<semaphore_mem>>) attributes {dimension_semantics = [#tpu.dimension_semantics<core_parallel>, #tpu.dimension_semantics<subcore_parallel>], iteration_bounds = array<i64: 2, 16>, scalar_prefetch = 0 : i64, scratch_operands = 18 : i64, tpu.core_type = #tpu.core_type<sc_vector_subcore>, window_params = [{transform_indices = #map}, {transform_indices = #map}, {transform_indices = #map}, {transform_indices = #map}, {transform_indices = #map1}, {transform_indices = #map2}]} {
    %mul3A = arith.constant 640 : i32
    %mul3A_0 = arith.muli %arg1, %mul3A : i32
    %broadcast_in_dim3A = arith.constant 1.000000e+00 : f32
    %broadcast_in_dim3A_1 = vector.broadcast %broadcast_in_dim3A : f32 to vector<16xf32>
    %swap3A = arith.constant 0 : index
    %swap3A_2 = tpu.vector_load %arg11[%swap3A] {strides = array<i32>} : memref<128xf32, #tpu.memory_space<vmem>>, vector<16xf32>,
    %swap3A_3 = vector.shape_cast %swap3A_2 : vector<16xf32> to vector<16xf32>
    %swap3A_4 = vector.shape_cast %broadcast_in_dim3A_1 : vector<16xf32> to vector<16xf32>
    tpu.vector_store %arg11[%swap3A], %swap3A_4 {strides = array<i32>} : memref<128xf32, #tpu.memory_space<vmem>>, vector<16xf32>,
    %broadcast_in_dim3A_5 = arith.constant 1.000000e+00 : f32
    %broadcast_in_dim3A_6 = vector.broadcast %broadcast_in_dim3A_5 : f32 to vector<16xf32>
    %swap3A_7 = arith.constant 16 : index
    %swap3A_8 = tpu.vector_load %arg11[%swap3A_7] {strides = array<i32>} : memref<128xf32, #tpu.memory_space<vmem>>, vector<16xf32>,
    %swap3A_9 = vector.shape_cast %swap3A_8 : vector<16xf32> to vector<16xf32>
    %swap3A_10 = vector.shape_cast %broadcast_in_dim3A_6 : vector<16xf32> to vector<16xf32>
    tpu.vector_store %arg11[%swap3A_7], %swap3A_10 {strides = array<i32>} : memref<128xf32, #tpu.memory_space<vmem>>, vector<16xf32>,
    %broadcast_in_dim3A_11 = arith.constant 1.000000e+00 : f32
    %broadcast_in_dim3A_12 = vector.broadcast %broadcast_in_dim3A_11 : f32 to vector<16xf32>
    %swap3A_13 = arith.constant 32 : index
    %swap3A_14 = tpu.vector_load %arg11[%swap3A_13] {strides = array<i32>} : memref<128xf32, #tpu.memory_space<vmem>>, vector<16xf32>,
    %swap3A_15 = vector.shape_cast %swap3A_14 : vector<16xf32> to vector<16xf32>
    %swap3A_16 = vector.shape_cast %broadcast_in_dim3A_12 : vector<16xf32> to vector<16xf32>
    tpu.vector_store %arg11[%swap3A_13], %swap3A_16 {strides = array<i32>} : memref<128xf32, #tpu.memory_space<vmem>>, vector<16xf32>,
    %broadcast_in_dim3A_17 = arith.constant 1.000000e+00 : f32
    %broadcast_in_dim3A_18 = vector.broadcast %broadcast_in_dim3A_17 : f32 to vector<16xf32>
    %swap3A_19 = arith.constant 48 : index
    %swap3A_20 = tpu.vector_load %arg11[%swap3A_19] {strides = array<i32>} : memref<128xf32, #tpu.memory_space<vmem>>, vector<16xf32>,
    %swap3A_21 = vector.shape_cast %swap3A_20 : vector<16xf32> to vector<16xf32>
    %swap3A_22 = vector.shape_cast %broadcast_in_dim3A_18 : vector<16xf32> to vector<16xf32>
    tpu.vector_store %arg11[%swap3A_19], %swap3A_22 {strides = array<i32>} : memref<128xf32, #tpu.memory_space<vmem>>, vector<16xf32>,
    %broadcast_in_dim3A_23 = arith.constant 1.000000e+00 : f32
    %broadcast_in_dim3A_24 = vector.broadcast %broadcast_in_dim3A_23 : f32 to vector<16xf32>
    %swap3A_25 = arith.constant 64 : index
    %swap3A_26 = tpu.vector_load %arg11[%swap3A_25] {strides = array<i32>} : memref<128xf32, #tpu.memory_space<vmem>>, vector<16xf32>,
    %swap3A_27 = vector.shape_cast %swap3A_26 : vector<16xf32> to vector<16xf32>
    %swap3A_28 = vector.shape_cast %broadcast_in_dim3A_24 : vector<16xf32> to vector<16xf32>
    tpu.vector_store %arg11[%swap3A_25], %swap3A_28 {strides = array<i32>} : memref<128xf32, #tpu.memory_space<vmem>>, vector<16xf32>,
    %broadcast_in_dim3A_29 = arith.constant 1.000000e+00 : f32
    %broadcast_in_dim3A_30 = vector.broadcast %broadcast_in_dim3A_29 : f32 to vector<16xf32>
    %swap3A_31 = arith.constant 80 : index
    %swap3A_32 = tpu.vector_load %arg11[%swap3A_31] {strides = array<i32>} : memref<128xf32, #tpu.memory_space<vmem>>, vector<16xf32>,
    %swap3A_33 = vector.shape_cast %swap3A_32 : vector<16xf32> to vector<16xf32>
    %swap3A_34 = vector.shape_cast %broadcast_in_dim3A_30 : vector<16xf32> to vector<16xf32>
    tpu.vector_store %arg11[%swap3A_31], %swap3A_34 {strides = array<i32>} : memref<128xf32, #tpu.memory_space<vmem>>, vector<16xf32>,
    %broadcast_in_dim3A_35 = arith.constant 1.000000e+00 : f32
    %broadcast_in_dim3A_36 = vector.broadcast %broadcast_in_dim3A_35 : f32 to vector<16xf32>
    %swap3A_37 = arith.constant 96 : index
    %swap3A_38 = tpu.vector_load %arg11[%swap3A_37] {strides = array<i32>} : memref<128xf32, #tpu.memory_space<vmem>>, vector<16xf32>,
    %swap3A_39 = vector.shape_cast %swap3A_38 : vector<16xf32> to vector<16xf32>
    %swap3A_40 = vector.shape_cast %broadcast_in_dim3A_36 : vector<16xf32> to vector<16xf32>
    tpu.vector_store %arg11[%swap3A_37], %swap3A_40 {strides = array<i32>} : memref<128xf32, #tpu.memory_space<vmem>>, vector<16xf32>,
    %broadcast_in_dim3A_41 = arith.constant 1.000000e+00 : f32
    %broadcast_in_dim3A_42 = vector.broadcast %broadcast_in_dim3A_41 : f32 to vector<16xf32>
    %swap3A_43 = arith.constant 112 : index
    %swap3A_44 = tpu.vector_load %arg11[%swap3A_43] {strides = array<i32>} : memref<128xf32, #tpu.memory_space<vmem>>, vector<16xf32>,
    %swap3A_45 = vector.shape_cast %swap3A_44 : vector<16xf32> to vector<16xf32>
    %swap3A_46 = vector.shape_cast %broadcast_in_dim3A_42 : vector<16xf32> to vector<16xf32>
    tpu.vector_store %arg11[%swap3A_43], %swap3A_46 {strides = array<i32>} : memref<128xf32, #tpu.memory_space<vmem>>, vector<16xf32>,
    "tpu.region"() ({
      %run_scoped3A_1654 = tpu.sem_alloc : memref<!tpu.dma_semaphore, #tpu.memory_space<semaphore_mem>>
      %dma_start3A_1655 = arith.constant 0 : i32
      %dma_start3A_1656 = tpu.memref_slice %arg14[%mul3A_0, %dma_start3A_1655] : memref<10240x64xf32, #tpu.memory_space<vmem_shared>> -> memref<640x64xf32, #tpu.memory_space<vmem_shared>>
      tpu.enqueue_dma source(%arg5 : memref<640x64xf32, #tpu.memory_space<hbm>>) target(%dma_start3A_1656 : memref<640x64xf32, #tpu.memory_space<vmem_shared>>) target_semaphore(%run_scoped3A_1654 : memref<!tpu.dma_semaphore, #tpu.memory_space<semaphore_mem>>)
      %dma_wait3A_1657 = arith.constant 0 : i32
      %dma_wait3A_1658 = tpu.memref_slice %arg14[%mul3A_0, %dma_wait3A_1657] : memref<10240x64xf32, #tpu.memory_space<vmem_shared>> -> memref<640x64xf32, #tpu.memory_space<vmem_shared>>
      tpu.wait_dma2 semaphore(%run_scoped3A_1654 : memref<!tpu.dma_semaphore, #tpu.memory_space<semaphore_mem>>) src(%arg5 : memref<640x64xf32, #tpu.memory_space<hbm>>) dst(%dma_wait3A_1658 : memref<640x64xf32, #tpu.memory_space<vmem_shared>>)
      tpu.yield
    }) : () -> ()
    %mul3A_47 = arith.constant 10240 : i32
    %mul3A_48 = arith.muli %arg0, %mul3A_47 : i32
    %add3A = arith.addi %mul3A_48, %mul3A_0 : i32
    "tpu.region"() ({
      %run_scoped3A_1654 = tpu.sem_alloc : memref<!tpu.dma_semaphore, #tpu.memory_space<semaphore_mem>>
      %dma_start3A_1655 = arith.constant 0 : i32
      %dma_start3A_1656 = tpu.memref_slice %arg15[%mul3A_0, %dma_start3A_1655] : memref<10240x64xf32, #tpu.memory_space<vmem_shared>> -> memref<640x64xf32, #tpu.memory_space<vmem_shared>>
      %dma_start3A_1657 = arith.constant 0 : i32
      %dma_start3A_1658 = tpu.memref_slice %arg2[%add3A, %dma_start3A_1657] : memref<20480x64xf32, #tpu.memory_space<hbm>> -> memref<640x64xf32, #tpu.memory_space<hbm>>
      tpu.enqueue_dma source(%dma_start3A_1658 : memref<640x64xf32, #tpu.memory_space<hbm>>) target(%dma_start3A_1656 : memref<640x64xf32, #tpu.memory_space<vmem_shared>>) target_semaphore(%run_scoped3A_1654 : memref<!tpu.dma_semaphore, #tpu.memory_space<semaphore_mem>>)
      %dma_wait3A_1659 = arith.constant 0 : i32
      %dma_wait3A_1660 = tpu.memref_slice %arg15[%mul3A_0, %dma_wait3A_1659] : memref<10240x64xf32, #tpu.memory_space<vmem_shared>> -> memref<640x64xf32, #tpu.memory_space<vmem_shared>>
      %dma_wait3A_1661 = arith.constant 0 : i32
      %dma_wait3A_1662 = tpu.memref_slice %arg2[%add3A, %dma_wait3A_1661] : memref<20480x64xf32, #tpu.memory_space<hbm>> -> memref<640x64xf32, #tpu.memory_space<hbm>>
      tpu.wait_dma2 semaphore(%run_scoped3A_1654 : memref<!tpu.dma_semaphore, #tpu.memory_space<semaphore_mem>>) src(%dma_wait3A_1662 : memref<640x64xf32, #tpu.memory_space<hbm>>) dst(%dma_wait3A_1660 : memref<640x64xf32, #tpu.memory_space<vmem_shared>>)
      tpu.yield
    }) : () -> ()
    "tpu.region"() ({
      %run_scoped3A_1654 = tpu.sem_alloc : memref<!tpu.dma_semaphore, #tpu.memory_space<semaphore_mem>>
      %dma_start3A_1655 = tpu.memref_slice %arg16[%mul3A_0] : memref<10240xf32, #tpu.memory_space<vmem_shared>> -> memref<640xf32, #tpu.memory_space<vmem_shared>>
      tpu.enqueue_dma source(%arg6 : memref<640xf32, #tpu.memory_space<hbm>>) target(%dma_start3A_1655 : memref<640xf32, #tpu.memory_space<vmem_shared>>) target_semaphore(%run_scoped3A_1654 : memref<!tpu.dma_semaphore, #tpu.memory_space<semaphore_mem>>)
      %dma_wait3A_1656 = tpu.memref_slice %arg16[%mul3A_0] : memref<10240xf32, #tpu.memory_space<vmem_shared>> -> memref<640xf32, #tpu.memory_space<vmem_shared>>
      tpu.wait_dma2 semaphore(%run_scoped3A_1654 : memref<!tpu.dma_semaphore, #tpu.memory_space<semaphore_mem>>) src(%arg6 : memref<640xf32, #tpu.memory_space<hbm>>) dst(%dma_wait3A_1656 : memref<640xf32, #tpu.memory_space<vmem_shared>>)
      tpu.yield
    }) : () -> ()
    "tpu.region"() ({
      %run_scoped3A_1654 = tpu.sem_alloc : memref<!tpu.dma_semaphore, #tpu.memory_space<semaphore_mem>>
      %dma_start3A_1655 = tpu.memref_slice %arg17[%mul3A_0] : memref<10240xf32, #tpu.memory_space<vmem_shared>> -> memref<640xf32, #tpu.memory_space<vmem_shared>>
      tpu.enqueue_dma source(%arg6 : memref<640xf32, #tpu.memory_space<hbm>>) target(%dma_start3A_1655 : memref<640xf32, #tpu.memory_space<vmem_shared>>) target_semaphore(%run_scoped3A_1654 : memref<!tpu.dma_semaphore, #tpu.memory_space<semaphore_mem>>)
      %dma_wait3A_1656 = tpu.memref_slice %arg17[%mul3A_0] : memref<10240xf32, #tpu.memory_space<vmem_shared>> -> memref<640xf32, #tpu.memory_space<vmem_shared>>
      tpu.wait_dma2 semaphore(%run_scoped3A_1654 : memref<!tpu.dma_semaphore, #tpu.memory_space<semaphore_mem>>) src(%arg6 : memref<640xf32, #tpu.memory_space<hbm>>) dst(%dma_wait3A_1656 : memref<640xf32, #tpu.memory_space<vmem_shared>>)
      tpu.yield
    }) : () -> ()
    %barrier3A = arith.constant 0 : index
    tpu.barrier barrier_id(%barrier3A)
    %mul3A_49 = arith.constant 160 : i32
    %mul3A_50 = arith.muli %arg1, %mul3A_49 : i32
    %add3A_51 = arith.constant 0 : i32
    %add3A_52 = arith.addi %mul3A_50, %add3A_51 : i32
    %run_scoped3A = arith.constant 0 : i32
    "tpu.region"() ({
      %run_scoped3A_1654 = tpu.sem_alloc : memref<!tpu.dma_semaphore, #tpu.memory_space<semaphore_mem>>
      %dma_start3A_1655 = arith.constant 0 : i32
      %dma_start3A_1656 = arith.constant 0 : i32
      %dma_start3A_1657 = tpu.memref_slice %arg9[%run_scoped3A, %dma_start3A_1655, %dma_start3A_1656] : memref<2x16x128xi32, #tpu.memory_space<vmem>> -> memref<1x16x128xi32, #tpu.memory_space<vmem>>
      %dma_start3A_1658 = tpu.memref_squeeze %dma_start3A_1657 : memref<1x16x128xi32, #tpu.memory_space<vmem>> -> memref<16x128xi32, #tpu.memory_space<vmem>>
      %dma_start3A_1659 = arith.constant 0 : i32
      %dma_start3A_1660 = tpu.memref_slice %arg3[%add3A_52, %dma_start3A_1659] : memref<2560x128xi32, #tpu.memory_space<hbm>> -> memref<16x128xi32, #tpu.memory_space<hbm>>
      %dma_start3A_1661 = arith.constant 0 : i32
      %dma_start3A_1662 = arith.constant 0 : i32
      %dma_start3A_1663 = tpu.memref_slice %arg9[%run_scoped3A, %dma_start3A_1661, %dma_start3A_1662] : memref<2x16x128xi32, #tpu.memory_space<vmem>> -> memref<1x16x128xi32, #tpu.memory_space<vmem>>
      %dma_start3A_1664 = tpu.memref_squeeze %dma_start3A_1663 : memref<1x16x128xi32, #tpu.memory_space<vmem>> -> memref<16x128xi32, #tpu.memory_space<vmem>>
      %dma_start3A_1665 = arith.constant 0 : i32
      %dma_start3A_1666 = tpu.memref_slice %arg3[%add3A_52, %dma_start3A_1665] : memref<2560x128xi32, #tpu.memory_space<hbm>> -> memref<16x128xi32, #tpu.memory_space<hbm>>
      tpu.enqueue_dma source(%dma_start3A_1666 : memref<16x128xi32, #tpu.memory_space<hbm>>) target(%dma_start3A_1664 : memref<16x128xi32, #tpu.memory_space<vmem>>) target_semaphore(%run_scoped3A_1654 : memref<!tpu.dma_semaphore, #tpu.memory_space<semaphore_mem>>)
      %dma_wait3A_1667 = arith.constant 0 : i32
      %dma_wait3A_1668 = arith.constant 0 : i32
      %dma_wait3A_1669 = tpu.memref_slice %arg9[%run_scoped3A, %dma_wait3A_1667, %dma_wait3A_1668] : memref<2x16x128xi32, #tpu.memory_space<vmem>> -> memref<1x16x128xi32, #tpu.memory_space<vmem>>
      %dma_wait3A_1670 = tpu.memref_squeeze %dma_wait3A_1669 : memref<1x16x128xi32, #tpu.memory_space<vmem>> -> memref<16x128xi32, #tpu.memory_space<vmem>>
      %dma_wait3A_1671 = arith.constant 0 : i32
      %dma_wait3A_1672 = tpu.memref_slice %arg3[%add3A_52, %dma_wait3A_1671] : memref<2560x128xi32, #tpu.memory_space<hbm>> -> memref<16x128xi32, #tpu.memory_space<hbm>>
      %dma_wait3A_1673 = arith.constant 0 : i32
      %dma_wait3A_1674 = arith.constant 0 : i32
      %dma_wait3A_1675 = tpu.memref_slice %arg9[%run_scoped3A, %dma_wait3A_1673, %dma_wait3A_1674] : memref<2x16x128xi32, #tpu.memory_space<vmem>> -> memref<1x16x128xi32, #tpu.memory_space<vmem>>
      %dma_wait3A_1676 = tpu.memref_squeeze %dma_wait3A_1675 : memref<1x16x128xi32, #tpu.memory_space<vmem>> -> memref<16x128xi32, #tpu.memory_space<vmem>>
      %dma_wait3A_1677 = arith.constant 0 : i32
      %dma_wait3A_1678 = tpu.memref_slice %arg3[%add3A_52, %dma_wait3A_1677] : memref<2560x128xi32, #tpu.memory_space<hbm>> -> memref<16x128xi32, #tpu.memory_space<hbm>>
      tpu.wait_dma2 semaphore(%run_scoped3A_1654 : memref<!tpu.dma_semaphore, #tpu.memory_space<semaphore_mem>>) src(%dma_wait3A_1678 : memref<16x128xi32, #tpu.memory_space<hbm>>) dst(%dma_wait3A_1676 : memref<16x128xi32, #tpu.memory_space<vmem>>)
      tpu.yield
    }) : () -> ()
    %run_scoped3A_53 = arith.constant 0 : i32
    "tpu.region"() ({
      %run_scoped3A_1654 = tpu.sem_alloc : memref<!tpu.dma_semaphore, #tpu.memory_space<semaphore_mem>>
      %dma_start3A_1655 = arith.constant 0 : i32
      %dma_start3A_1656 = arith.constant 0 : i32
      %dma_start3A_1657 = tpu.memref_slice %arg10[%run_scoped3A_53, %dma_start3A_1655, %dma_start3A_1656] : memref<2x16x128xi32, #tpu.memory_space<vmem>> -> memref<1x16x128xi32, #tpu.memory_space<vmem>>
      %dma_start3A_1658 = tpu.memref_squeeze %dma_start3A_1657 : memref<1x16x128xi32, #tpu.memory_space<vmem>> -> memref<16x128xi32, #tpu.memory_space<vmem>>
      %dma_start3A_1659 = arith.constant 0 : i32
      %dma_start3A_1660 = tpu.memref_slice %arg4[%add3A_52, %dma_start3A_1659] : memref<2560x128xi32, #tpu.memory_space<hbm>> -> memref<16x128xi32, #tpu.memory_space<hbm>>
      %dma_start3A_1661 = arith.constant 0 : i32
      %dma_start3A_1662 = arith.constant 0 : i32
      %dma_start3A_1663 = tpu.memref_slice %arg10[%run_scoped3A_53, %dma_start3A_1661, %dma_start3A_1662] : memref<2x16x128xi32, #tpu.memory_space<vmem>> -> memref<1x16x128xi32, #tpu.memory_space<vmem>>
      %dma_start3A_1664 = tpu.memref_squeeze %dma_start3A_1663 : memref<1x16x128xi32, #tpu.memory_space<vmem>> -> memref<16x128xi32, #tpu.memory_space<vmem>>
      %dma_start3A_1665 = arith.constant 0 : i32
      %dma_start3A_1666 = tpu.memref_slice %arg4[%add3A_52, %dma_start3A_1665] : memref<2560x128xi32, #tpu.memory_space<hbm>> -> memref<16x128xi32, #tpu.memory_space<hbm>>
      tpu.enqueue_dma source(%dma_start3A_1666 : memref<16x128xi32, #tpu.memory_space<hbm>>) target(%dma_start3A_1664 : memref<16x128xi32, #tpu.memory_space<vmem>>) target_semaphore(%run_scoped3A_1654 : memref<!tpu.dma_semaphore, #tpu.memory_space<semaphore_mem>>)
      %dma_wait3A_1667 = arith.constant 0 : i32
      %dma_wait3A_1668 = arith.constant 0 : i32
      %dma_wait3A_1669 = tpu.memref_slice %arg10[%run_scoped3A_53, %dma_wait3A_1667, %dma_wait3A_1668] : memref<2x16x128xi32, #tpu.memory_space<vmem>> -> memref<1x16x128xi32, #tpu.memory_space<vmem>>
      %dma_wait3A_1670 = tpu.memref_squeeze %dma_wait3A_1669 : memref<1x16x128xi32, #tpu.memory_space<vmem>> -> memref<16x128xi32, #tpu.memory_space<vmem>>
      %dma_wait3A_1671 = arith.constant 0 : i32
      %dma_wait3A_1672 = tpu.memref_slice %arg4[%add3A_52, %dma_wait3A_1671] : memref<2560x128xi32, #tpu.memory_space<hbm>> -> memref<16x128xi32, #tpu.memory_space<hbm>>
      %dma_wait3A_1673 = arith.constant 0 : i32
      %dma_wait3A_1674 = arith.constant 0 : i32
      %dma_wait3A_1675 = tpu.memref_slice %arg10[%run_scoped3A_53, %dma_wait3A_1673, %dma_wait3A_1674] : memref<2x16x128xi32, #tpu.memory_space<vmem>> -> memref<1x16x128xi32, #tpu.memory_space<vmem>>
      %dma_wait3A_1676 = tpu.memref_squeeze %dma_wait3A_1675 : memref<1x16x128xi32, #tpu.memory_space<vmem>> -> memref<16x128xi32, #tpu.memory_space<vmem>>
      %dma_wait3A_1677 = arith.constant 0 : i32
      %dma_wait3A_1678 = tpu.memref_slice %arg4[%add3A_52, %dma_wait3A_1677] : memref<2560x128xi32, #tpu.memory_space<hbm>> -> memref<16x128xi32, #tpu.memory_space<hbm>>
      tpu.wait_dma2 semaphore(%run_scoped3A_1654 : memref<!tpu.dma_semaphore, #tpu.memory_space<semaphore_mem>>) src(%dma_wait3A_1678 : memref<16x128xi32, #tpu.memory_space<hbm>>) dst(%dma_wait3A_1676 : memref<16x128xi32, #tpu.memory_space<vmem>>)
      tpu.yield
    }) : () -> ()
    %scan3A = arith.constant 0 : i32
    %scan3A_54 = arith.constant 0 : i32
    %scan3A_55 = arith.constant 40 : i32
    %scan3A_56 = arith.addi %scan3A_54, %scan3A_55 : i32
    %scan3A_57 = arith.constant 1 : i32
    scf.for %scan3A_1654 = %scan3A_54 to %scan3A_56 step %scan3A_57  : i32 {
      %rem3A_1655 = arith.constant 4 : i32
      %rem3A_1656 = arith.remsi %scan3A_1654, %rem3A_1655 : i32
      %eq3A_1657 = arith.constant 0 : i32
      %eq3A_1658 = arith.cmpi eq, %rem3A_1656, %eq3A_1657 : i32
      %gt3A_1659 = arith.constant 0 : i32
      %gt3A_1660 = arith.cmpi sgt, %scan3A_1654, %gt3A_1659 : i32
      %and3A = arith.andi %eq3A_1658, %gt3A_1660 : i1
      %convert_element_type3A_1661 = arith.extui %and3A : i1 to i32
      %cond3A_1662 = arith.constant 0 : i32
      %cond3A_1663 = arith.cmpi ne, %convert_element_type3A_1661, %cond3A_1662 : i32
      scf.if %cond3A_1663 {
        %jit3A_1871 = arith.constant 4 : i32
        %div3A_1872 = arith.divsi %scan3A_1654, %jit3A_1871 : i32
        %sign3A_1873 = arith.constant 0 : i32
        %sign3A_1874 = arith.cmpi sgt, %scan3A_1654, %sign3A_1873 : i32
        %sign3A_1875 = arith.extui %sign3A_1874 : i1 to i32
        %sign3A_1876 = arith.constant 0 : i32
        %sign3A_1877 = arith.cmpi slt, %scan3A_1654, %sign3A_1876 : i32
        %sign3A_1878 = arith.extui %sign3A_1877 : i1 to i32
        %sign3A_1879 = arith.subi %sign3A_1875, %sign3A_1878 : i32
        %sign3A_1880 = arith.constant 0 : i32
        %sign3A_1881 = arith.cmpi sgt, %jit3A_1871, %sign3A_1880 : i32
        %sign3A_1882 = arith.extui %sign3A_1881 : i1 to i32
        %sign3A_1883 = arith.constant 0 : i32
        %sign3A_1884 = arith.cmpi slt, %jit3A_1871, %sign3A_1883 : i32
        %sign3A_1885 = arith.extui %sign3A_1884 : i1 to i32
        %sign3A_1886 = arith.subi %sign3A_1882, %sign3A_1885 : i32
        %ne3A_1887 = arith.cmpi ne, %sign3A_1879, %sign3A_1886 : i32
        %rem3A_1888 = arith.remsi %scan3A_1654, %jit3A_1871 : i32
        %ne3A_1889 = arith.constant 0 : i32
        %ne3A_1890 = arith.cmpi ne, %rem3A_1888, %ne3A_1889 : i32
        %and3A_1891 = arith.andi %ne3A_1887, %ne3A_1890 : i1
        %sub3A_1892 = arith.constant 1 : i32
        %sub3A_1893 = arith.subi %div3A_1872, %sub3A_1892 : i32
        %select_n3A_1894 = arith.select %and3A_1891, %sub3A_1893, %div3A_1872 : i32
        %rem3A_1895 = arith.constant 2 : i32
        %rem3A_1896 = arith.remsi %select_n3A_1894, %rem3A_1895 : i32
        %mul3A_1897 = arith.constant 160 : i32
        %mul3A_1898 = arith.muli %arg1, %mul3A_1897 : i32
        %mul3A_1899 = arith.constant 16 : i32
        %mul3A_1900 = arith.muli %select_n3A_1894, %mul3A_1899 : i32
        %add3A_1901 = arith.addi %mul3A_1898, %mul3A_1900 : i32
        "tpu.region"() ({
          %run_scoped3A_1902 = tpu.sem_alloc : memref<!tpu.dma_semaphore, #tpu.memory_space<semaphore_mem>>
          %dma_start3A_1903 = arith.constant 0 : i32
          %dma_start3A_1904 = arith.constant 0 : i32
          %dma_start3A_1905 = tpu.memref_slice %arg9[%rem3A_1896, %dma_start3A_1903, %dma_start3A_1904] : memref<2x16x128xi32, #tpu.memory_space<vmem>> -> memref<1x16x128xi32, #tpu.memory_space<vmem>>
          %dma_start3A_1906 = tpu.memref_squeeze %dma_start3A_1905 : memref<1x16x128xi32, #tpu.memory_space<vmem>> -> memref<16x128xi32, #tpu.memory_space<vmem>>
          %dma_start3A_1907 = arith.constant 0 : i32
          %dma_start3A_1908 = tpu.memref_slice %arg3[%add3A_1901, %dma_start3A_1907] : memref<2560x128xi32, #tpu.memory_space<hbm>> -> memref<16x128xi32, #tpu.memory_space<hbm>>
          %dma_start3A_1909 = arith.constant 0 : i32
          %dma_start3A_1910 = arith.constant 0 : i32
          %dma_start3A_1911 = tpu.memref_slice %arg9[%rem3A_1896, %dma_start3A_1909, %dma_start3A_1910] : memref<2x16x128xi32, #tpu.memory_space<vmem>> -> memref<1x16x128xi32, #tpu.memory_space<vmem>>
          %dma_start3A_1912 = tpu.memref_squeeze %dma_start3A_1911 : memref<1x16x128xi32, #tpu.memory_space<vmem>> -> memref<16x128xi32, #tpu.memory_space<vmem>>
          %dma_start3A_1913 = arith.constant 0 : i32
          %dma_start3A_1914 = tpu.memref_slice %arg3[%add3A_1901, %dma_start3A_1913] : memref<2560x128xi32, #tpu.memory_space<hbm>> -> memref<16x128xi32, #tpu.memory_space<hbm>>
          tpu.enqueue_dma source(%dma_start3A_1914 : memref<16x128xi32, #tpu.memory_space<hbm>>) target(%dma_start3A_1912 : memref<16x128xi32, #tpu.memory_space<vmem>>) target_semaphore(%run_scoped3A_1902 : memref<!tpu.dma_semaphore, #tpu.memory_space<semaphore_mem>>)
          %dma_wait3A_1915 = arith.constant 0 : i32
          %dma_wait3A_1916 = arith.constant 0 : i32
          %dma_wait3A_1917 = tpu.memref_slice %arg9[%rem3A_1896, %dma_wait3A_1915, %dma_wait3A_1916] : memref<2x16x128xi32, #tpu.memory_space<vmem>> -> memref<1x16x128xi32, #tpu.memory_space<vmem>>
          %dma_wait3A_1918 = tpu.memref_squeeze %dma_wait3A_1917 : memref<1x16x128xi32, #tpu.memory_space<vmem>> -> memref<16x128xi32, #tpu.memory_space<vmem>>
          %dma_wait3A_1919 = arith.constant 0 : i32
          %dma_wait3A_1920 = tpu.memref_slice %arg3[%add3A_1901, %dma_wait3A_1919] : memref<2560x128xi32, #tpu.memory_space<hbm>> -> memref<16x128xi32, #tpu.memory_space<hbm>>
          %dma_wait3A_1921 = arith.constant 0 : i32
          %dma_wait3A_1922 = arith.constant 0 : i32
          %dma_wait3A_1923 = tpu.memref_slice %arg9[%rem3A_1896, %dma_wait3A_1921, %dma_wait3A_1922] : memref<2x16x128xi32, #tpu.memory_space<vmem>> -> memref<1x16x128xi32, #tpu.memory_space<vmem>>
          %dma_wait3A_1924 = tpu.memref_squeeze %dma_wait3A_1923 : memref<1x16x128xi32, #tpu.memory_space<vmem>> -> memref<16x128xi32, #tpu.memory_space<vmem>>
          %dma_wait3A_1925 = arith.constant 0 : i32
          %dma_wait3A_1926 = tpu.memref_slice %arg3[%add3A_1901, %dma_wait3A_1925] : memref<2560x128xi32, #tpu.memory_space<hbm>> -> memref<16x128xi32, #tpu.memory_space<hbm>>
          tpu.wait_dma2 semaphore(%run_scoped3A_1902 : memref<!tpu.dma_semaphore, #tpu.memory_space<semaphore_mem>>) src(%dma_wait3A_1926 : memref<16x128xi32, #tpu.memory_space<hbm>>) dst(%dma_wait3A_1924 : memref<16x128xi32, #tpu.memory_space<vmem>>)
          tpu.yield
        }) : () -> ()
        "tpu.region"() ({
          %run_scoped3A_1902 = tpu.sem_alloc : memref<!tpu.dma_semaphore, #tpu.memory_space<semaphore_mem>>
          %dma_start3A_1903 = arith.constant 0 : i32
          %dma_start3A_1904 = arith.constant 0 : i32
          %dma_start3A_1905 = tpu.memref_slice %arg10[%rem3A_1896, %dma_start3A_1903, %dma_start3A_1904] : memref<2x16x128xi32, #tpu.memory_space<vmem>> -> memref<1x16x128xi32, #tpu.memory_space<vmem>>
          %dma_start3A_1906 = tpu.memref_squeeze %dma_start3A_1905 : memref<1x16x128xi32, #tpu.memory_space<vmem>> -> memref<16x128xi32, #tpu.memory_space<vmem>>
          %dma_start3A_1907 = arith.constant 0 : i32
          %dma_start3A_1908 = tpu.memref_slice %arg4[%add3A_1901, %dma_start3A_1907] : memref<2560x128xi32, #tpu.memory_space<hbm>> -> memref<16x128xi32, #tpu.memory_space<hbm>>
          %dma_start3A_1909 = arith.constant 0 : i32
          %dma_start3A_1910 = arith.constant 0 : i32
          %dma_start3A_1911 = tpu.memref_slice %arg10[%rem3A_1896, %dma_start3A_1909, %dma_start3A_1910] : memref<2x16x128xi32, #tpu.memory_space<vmem>> -> memref<1x16x128xi32, #tpu.memory_space<vmem>>
          %dma_start3A_1912 = tpu.memref_squeeze %dma_start3A_1911 : memref<1x16x128xi32, #tpu.memory_space<vmem>> -> memref<16x128xi32, #tpu.memory_space<vmem>>
          %dma_start3A_1913 = arith.constant 0 : i32
          %dma_start3A_1914 = tpu.memref_slice %arg4[%add3A_1901, %dma_start3A_1913] : memref<2560x128xi32, #tpu.memory_space<hbm>> -> memref<16x128xi32, #tpu.memory_space<hbm>>
          tpu.enqueue_dma source(%dma_start3A_1914 : memref<16x128xi32, #tpu.memory_space<hbm>>) target(%dma_start3A_1912 : memref<16x128xi32, #tpu.memory_space<vmem>>) target_semaphore(%run_scoped3A_1902 : memref<!tpu.dma_semaphore, #tpu.memory_space<semaphore_mem>>)
          %dma_wait3A_1915 = arith.constant 0 : i32
          %dma_wait3A_1916 = arith.constant 0 : i32
          %dma_wait3A_1917 = tpu.memref_slice %arg10[%rem3A_1896, %dma_wait3A_1915, %dma_wait3A_1916] : memref<2x16x128xi32, #tpu.memory_space<vmem>> -> memref<1x16x128xi32, #tpu.memory_space<vmem>>
          %dma_wait3A_1918 = tpu.memref_squeeze %dma_wait3A_1917 : memref<1x16x128xi32, #tpu.memory_space<vmem>> -> memref<16x128xi32, #tpu.memory_space<vmem>>
          %dma_wait3A_1919 = arith.constant 0 : i32
          %dma_wait3A_1920 = tpu.memref_slice %arg4[%add3A_1901, %dma_wait3A_1919] : memref<2560x128xi32, #tpu.memory_space<hbm>> -> memref<16x128xi32, #tpu.memory_space<hbm>>
          %dma_wait3A_1921 = arith.constant 0 : i32
          %dma_wait3A_1922 = arith.constant 0 : i32
          %dma_wait3A_1923 = tpu.memref_slice %arg10[%rem3A_1896, %dma_wait3A_1921, %dma_wait3A_1922] : memref<2x16x128xi32, #tpu.memory_space<vmem>> -> memref<1x16x128xi32, #tpu.memory_space<vmem>>
          %dma_wait3A_1924 = tpu.memref_squeeze %dma_wait3A_1923 : memref<1x16x128xi32, #tpu.memory_space<vmem>> -> memref<16x128xi32, #tpu.memory_space<vmem>>
          %dma_wait3A_1925 = arith.constant 0 : i32
          %dma_wait3A_1926 = tpu.memref_slice %arg4[%add3A_1901, %dma_wait3A_1925] : memref<2560x128xi32, #tpu.memory_space<hbm>> -> memref<16x128xi32, #tpu.memory_space<hbm>>
          tpu.wait_dma2 semaphore(%run_scoped3A_1902 : memref<!tpu.dma_semaphore, #tpu.memory_space<semaphore_mem>>) src(%dma_wait3A_1926 : memref<16x128xi32, #tpu.memory_space<hbm>>) dst(%dma_wait3A_1924 : memref<16x128xi32, #tpu.memory_space<vmem>>)
          tpu.yield
        }) : () -> ()
      } else {
      }
      %mul3A_1664 = arith.constant 4 : i32
      %mul3A_1665 = arith.muli %mul3A_1664, %scan3A_1654 : i32
      %add3A_1666 = arith.constant 0 : i32
      %add3A_1667 = arith.addi %mul3A_1665, %add3A_1666 : i32
      %ge3A = arith.constant 1 : i32
      %ge3A_1668 = arith.cmpi sge, %scan3A_1654, %ge3A : i32
      %convert_element_type3A_1669 = arith.extui %ge3A_1668 : i1 to i32
      %cond3A_1670 = arith.constant 0 : i32
      %cond3A_1671 = arith.cmpi ne, %convert_element_type3A_1669, %cond3A_1670 : i32
      scf.if %cond3A_1671 {
        %dma_wait3A_1871 = arith.constant 0 : i32
        %dma_wait3A_1872 = arith.constant 0 : i32
        %dma_wait3A_1873 = tpu.memref_slice %arg8[%dma_wait3A_1871, %dma_wait3A_1872] : memref<512x64xf32, #tpu.memory_space<vmem>> -> memref<128x64xf32, #tpu.memory_space<vmem>>
        %dma_wait3A_1874 = arith.constant 0 : i32
        %dma_wait3A_1875 = arith.constant 0 : i32
        %dma_wait3A_1876 = tpu.memref_slice %arg5[%dma_wait3A_1874, %dma_wait3A_1875] : memref<640x64xf32, #tpu.memory_space<hbm>> -> memref<128x64xf32, #tpu.memory_space<hbm>>
        %dma_wait3A_1877 = arith.constant 0 : i32
        %dma_wait3A_1878 = arith.constant 0 : i32
        %dma_wait3A_1879 = tpu.memref_slice %arg8[%dma_wait3A_1877, %dma_wait3A_1878] : memref<512x64xf32, #tpu.memory_space<vmem>> -> memref<128x64xf32, #tpu.memory_space<vmem>>
        %dma_wait3A_1880 = arith.constant 0 : i32
        %dma_wait3A_1881 = arith.constant 0 : i32
        %dma_wait3A_1882 = tpu.memref_slice %arg5[%dma_wait3A_1880, %dma_wait3A_1881] : memref<640x64xf32, #tpu.memory_space<hbm>> -> memref<128x64xf32, #tpu.memory_space<hbm>>
        tpu.wait_dma2 semaphore(%arg22 : memref<!tpu.dma_semaphore, #tpu.memory_space<semaphore_mem>>) src(%dma_wait3A_1882 : memref<128x64xf32, #tpu.memory_space<hbm>>) dst(%dma_wait3A_1879 : memref<128x64xf32, #tpu.memory_space<vmem>>)
        %dma_wait3A_1883 = arith.constant 0 : i32
        %dma_wait3A_1884 = tpu.memref_slice %arg6[%dma_wait3A_1883] : memref<640xf32, #tpu.memory_space<hbm>> -> memref<128xf32, #tpu.memory_space<hbm>>
        %dma_wait3A_1885 = arith.constant 0 : i32
        %dma_wait3A_1886 = tpu.memref_slice %arg6[%dma_wait3A_1885] : memref<640xf32, #tpu.memory_space<hbm>> -> memref<128xf32, #tpu.memory_space<hbm>>
        tpu.wait_dma2 semaphore(%arg22 : memref<!tpu.dma_semaphore, #tpu.memory_space<semaphore_mem>>) src(%dma_wait3A_1886 : memref<128xf32, #tpu.memory_space<hbm>>) dst(%arg11 : memref<128xf32, #tpu.memory_space<vmem>>)
      } else {
      }
      %jit3A_1672 = arith.constant 16 : i32
      %div3A_1673 = arith.divsi %add3A_1667, %jit3A_1672 : i32
      %sign3A = arith.constant 0 : i32
      %sign3A_1674 = arith.cmpi sgt, %add3A_1667, %sign3A : i32
      %sign3A_1675 = arith.extui %sign3A_1674 : i1 to i32
      %sign3A_1676 = arith.constant 0 : i32
      %sign3A_1677 = arith.cmpi slt, %add3A_1667, %sign3A_1676 : i32
      %sign3A_1678 = arith.extui %sign3A_1677 : i1 to i32
      %sign3A_1679 = arith.subi %sign3A_1675, %sign3A_1678 : i32
      %sign3A_1680 = arith.constant 0 : i32
      %sign3A_1681 = arith.cmpi sgt, %jit3A_1672, %sign3A_1680 : i32
      %sign3A_1682 = arith.extui %sign3A_1681 : i1 to i32
      %sign3A_1683 = arith.constant 0 : i32
      %sign3A_1684 = arith.cmpi slt, %jit3A_1672, %sign3A_1683 : i32
      %sign3A_1685 = arith.extui %sign3A_1684 : i1 to i32
      %sign3A_1686 = arith.subi %sign3A_1682, %sign3A_1685 : i32
      %ne3A = arith.cmpi ne, %sign3A_1679, %sign3A_1686 : i32
      %rem3A_1687 = arith.remsi %add3A_1667, %jit3A_1672 : i32
      %ne3A_1688 = arith.constant 0 : i32
      %ne3A_1689 = arith.cmpi ne, %rem3A_1687, %ne3A_1688 : i32
      %and3A_1690 = arith.andi %ne3A, %ne3A_1689 : i1
      %sub3A = arith.constant 1 : i32
      %sub3A_1691 = arith.subi %div3A_1673, %sub3A : i32
      %select_n3A_1692 = arith.select %and3A_1690, %sub3A_1691, %div3A_1673 : i32
      %rem3A_1693 = arith.constant 2 : i32
      %rem3A_1694 = arith.remsi %select_n3A_1692, %rem3A_1693 : i32
      %rem3A_1695 = arith.constant 16 : i32
      %rem3A_1696 = arith.remsi %add3A_1667, %rem3A_1695 : i32
      %dma_start3A_1697 = arith.constant 0 : i32
      %dma_start3A_1698 = arith.constant 0 : i32
      %dma_start3A_1699 = tpu.memref_slice %arg8[%dma_start3A_1697, %dma_start3A_1698] : memref<512x64xf32, #tpu.memory_space<vmem>> -> memref<128x64xf32, #tpu.memory_space<vmem>>
      %dma_start3A_1700 = arith.constant 0 : i32
      %dma_start3A_1701 = tpu.memref_slice %arg9[%rem3A_1694, %rem3A_1696, %dma_start3A_1700] : memref<2x16x128xi32, #tpu.memory_space<vmem>> -> memref<1x1x128xi32, #tpu.memory_space<vmem>>
      %dma_start3A_1702 = tpu.memref_squeeze %dma_start3A_1701 : memref<1x1x128xi32, #tpu.memory_space<vmem>> -> memref<128xi32, #tpu.memory_space<vmem>>
      %dma_start3A_1703 = arith.constant 0 : i32
      %dma_start3A_1704 = arith.constant 0 : i32
      %dma_start3A_1705 = tpu.memref_slice %arg15[%dma_start3A_1703, %dma_start3A_1704] : memref<10240x64xf32, #tpu.memory_space<vmem_shared>> -> memref<10240x64xf32, #tpu.memory_space<vmem_shared>>
      tpu.enqueue_indirect_dma source(%dma_start3A_1705 : memref<10240x64xf32, #tpu.memory_space<vmem_shared>>) target(%dma_start3A_1699 : memref<128x64xf32, #tpu.memory_space<vmem>>) offsets(%dma_start3A_1702 : memref<128xi32, #tpu.memory_space<vmem>>) semaphore(%arg18 : memref<!tpu.dma_semaphore, #tpu.memory_space<semaphore_mem>>)
      %ge3A_1706 = arith.constant 1 : i32
      %ge3A_1707 = arith.cmpi sge, %scan3A_1654, %ge3A_1706 : i32
      %or3A = arith.constant false
      %or3A_1708 = arith.ori %ge3A_1707, %or3A : i1
      %convert_element_type3A_1709 = arith.extui %or3A_1708 : i1 to i32
      %cond3A_1710 = arith.constant 0 : i32
      %cond3A_1711 = arith.cmpi ne, %convert_element_type3A_1709, %cond3A_1710 : i32
      scf.if %cond3A_1711 {
        %dma_wait3A_1871 = arith.constant 0 : i32
        %dma_wait3A_1872 = arith.constant 0 : i32
        %dma_wait3A_1873 = tpu.memref_slice %arg8[%dma_wait3A_1871, %dma_wait3A_1872] : memref<512x64xf32, #tpu.memory_space<vmem>> -> memref<128x64xf32, #tpu.memory_space<vmem>>
        %dma_wait3A_1874 = arith.constant 0 : i32
        %dma_wait3A_1875 = arith.constant 0 : i32
        %dma_wait3A_1876 = tpu.memref_slice %arg5[%dma_wait3A_1874, %dma_wait3A_1875] : memref<640x64xf32, #tpu.memory_space<hbm>> -> memref<128x64xf32, #tpu.memory_space<hbm>>
        %dma_wait3A_1877 = arith.constant 0 : i32
        %dma_wait3A_1878 = arith.constant 0 : i32
        %dma_wait3A_1879 = tpu.memref_slice %arg8[%dma_wait3A_1877, %dma_wait3A_1878] : memref<512x64xf32, #tpu.memory_space<vmem>> -> memref<128x64xf32, #tpu.memory_space<vmem>>
        %dma_wait3A_1880 = arith.constant 0 : i32
        %dma_wait3A_1881 = arith.constant 0 : i32
        %dma_wait3A_1882 = tpu.memref_slice %arg5[%dma_wait3A_1880, %dma_wait3A_1881] : memref<640x64xf32, #tpu.memory_space<hbm>> -> memref<128x64xf32, #tpu.memory_space<hbm>>
        tpu.wait_dma2 semaphore(%arg20 : memref<!tpu.dma_semaphore, #tpu.memory_space<semaphore_mem>>) src(%dma_wait3A_1882 : memref<128x64xf32, #tpu.memory_space<hbm>>) dst(%dma_wait3A_1879 : memref<128x64xf32, #tpu.memory_space<vmem>>)
        %sub3A_1883 = arith.constant 2 : i32
        %sub3A_1884 = arith.subi %add3A_1667, %sub3A_1883 : i32
        %jit3A_1885 = arith.constant 16 : i32
        %div3A_1886 = arith.divsi %sub3A_1884, %jit3A_1885 : i32
        %sign3A_1887 = arith.constant 0 : i32
        %sign3A_1888 = arith.cmpi sgt, %sub3A_1884, %sign3A_1887 : i32
        %sign3A_1889 = arith.extui %sign3A_1888 : i1 to i32
        %sign3A_1890 = arith.constant 0 : i32
        %sign3A_1891 = arith.cmpi slt, %sub3A_1884, %sign3A_1890 : i32
        %sign3A_1892 = arith.extui %sign3A_1891 : i1 to i32
        %sign3A_1893 = arith.subi %sign3A_1889, %sign3A_1892 : i32
        %sign3A_1894 = arith.constant 0 : i32
        %sign3A_1895 = arith.cmpi sgt, %jit3A_1885, %sign3A_1894 : i32
        %sign3A_1896 = arith.extui %sign3A_1895 : i1 to i32
        %sign3A_1897 = arith.constant 0 : i32
        %sign3A_1898 = arith.cmpi slt, %jit3A_1885, %sign3A_1897 : i32
        %sign3A_1899 = arith.extui %sign3A_1898 : i1 to i32
        %sign3A_1900 = arith.subi %sign3A_1896, %sign3A_1899 : i32
        %ne3A_1901 = arith.cmpi ne, %sign3A_1893, %sign3A_1900 : i32
        %rem3A_1902 = arith.remsi %sub3A_1884, %jit3A_1885 : i32
        %ne3A_1903 = arith.constant 0 : i32
        %ne3A_1904 = arith.cmpi ne, %rem3A_1902, %ne3A_1903 : i32
        %and3A_1905 = arith.andi %ne3A_1901, %ne3A_1904 : i1
        %sub3A_1906 = arith.constant 1 : i32
        %sub3A_1907 = arith.subi %div3A_1886, %sub3A_1906 : i32
        %select_n3A_1908 = arith.select %and3A_1905, %sub3A_1907, %div3A_1886 : i32
        %rem3A_1909 = arith.constant 2 : i32
        %rem3A_1910 = arith.remsi %select_n3A_1908, %rem3A_1909 : i32
        %rem3A_1911 = arith.constant 16 : i32
        %rem3A_1912 = arith.remsi %sub3A_1884, %rem3A_1911 : i32
        %dma_start3A_1913 = arith.constant 256 : i32
        %dma_start3A_1914 = arith.constant 0 : i32
        %dma_start3A_1915 = tpu.memref_slice %arg8[%dma_start3A_1913, %dma_start3A_1914] : memref<512x64xf32, #tpu.memory_space<vmem>> -> memref<128x64xf32, #tpu.memory_space<vmem>>
        %dma_start3A_1916 = arith.constant 0 : i32
        %dma_start3A_1917 = tpu.memref_slice %arg10[%rem3A_1910, %rem3A_1912, %dma_start3A_1916] : memref<2x16x128xi32, #tpu.memory_space<vmem>> -> memref<1x1x128xi32, #tpu.memory_space<vmem>>
        %dma_start3A_1918 = tpu.memref_squeeze %dma_start3A_1917 : memref<1x1x128xi32, #tpu.memory_space<vmem>> -> memref<128xi32, #tpu.memory_space<vmem>>
        %dma_start3A_1919 = arith.constant 0 : i32
        %dma_start3A_1920 = arith.constant 0 : i32
        %dma_start3A_1921 = tpu.memref_slice %arg14[%dma_start3A_1919, %dma_start3A_1920] : memref<10240x64xf32, #tpu.memory_space<vmem_shared>> -> memref<10240x64xf32, #tpu.memory_space<vmem_shared>>
        tpu.enqueue_indirect_dma source(%dma_start3A_1915 : memref<128x64xf32, #tpu.memory_space<vmem>>) target(%dma_start3A_1921 : memref<10240x64xf32, #tpu.memory_space<vmem_shared>>) offsets(%dma_start3A_1918 : memref<128xi32, #tpu.memory_space<vmem>>) semaphore(%arg24 : memref<!tpu.dma_semaphore, #tpu.memory_space<semaphore_mem>>) {add = true}
        %dma_start3A_1922 = arith.constant 0 : i32
        %dma_start3A_1923 = tpu.memref_slice %arg10[%rem3A_1910, %rem3A_1912, %dma_start3A_1922] : memref<2x16x128xi32, #tpu.memory_space<vmem>> -> memref<1x1x128xi32, #tpu.memory_space<vmem>>
        %dma_start3A_1924 = tpu.memref_squeeze %dma_start3A_1923 : memref<1x1x128xi32, #tpu.memory_space<vmem>> -> memref<128xi32, #tpu.memory_space<vmem>>
        %dma_start3A_1925 = arith.constant 0 : i32
        %dma_start3A_1926 = tpu.memref_slice %arg16[%dma_start3A_1925] : memref<10240xf32, #tpu.memory_space<vmem_shared>> -> memref<10240xf32, #tpu.memory_space<vmem_shared>>
        tpu.enqueue_indirect_dma source(%arg11 : memref<128xf32, #tpu.memory_space<vmem>>) target(%dma_start3A_1926 : memref<10240xf32, #tpu.memory_space<vmem_shared>>) offsets(%dma_start3A_1924 : memref<128xi32, #tpu.memory_space<vmem>>) semaphore(%arg24 : memref<!tpu.dma_semaphore, #tpu.memory_space<semaphore_mem>>) {add = true}
      } else {
      }
      %mul3A_1712 = arith.constant 4 : i32
      %mul3A_1713 = arith.muli %mul3A_1712, %scan3A_1654 : i32
      %add3A_1714 = arith.constant 1 : i32
      %add3A_1715 = arith.addi %mul3A_1713, %add3A_1714 : i32
      %ge3A_1716 = arith.constant 1 : i32
      %ge3A_1717 = arith.cmpi sge, %scan3A_1654, %ge3A_1716 : i32
      %convert_element_type3A_1718 = arith.extui %ge3A_1717 : i1 to i32
      %cond3A_1719 = arith.constant 0 : i32
      %cond3A_1720 = arith.cmpi ne, %convert_element_type3A_1718, %cond3A_1719 : i32
      scf.if %cond3A_1720 {
        %dma_wait3A_1871 = arith.constant 0 : i32
        %dma_wait3A_1872 = arith.constant 0 : i32
        %dma_wait3A_1873 = tpu.memref_slice %arg8[%dma_wait3A_1871, %dma_wait3A_1872] : memref<512x64xf32, #tpu.memory_space<vmem>> -> memref<128x64xf32, #tpu.memory_space<vmem>>
        %dma_wait3A_1874 = arith.constant 0 : i32
        %dma_wait3A_1875 = arith.constant 0 : i32
        %dma_wait3A_1876 = tpu.memref_slice %arg5[%dma_wait3A_1874, %dma_wait3A_1875] : memref<640x64xf32, #tpu.memory_space<hbm>> -> memref<128x64xf32, #tpu.memory_space<hbm>>
        %dma_wait3A_1877 = arith.constant 0 : i32
        %dma_wait3A_1878 = arith.constant 0 : i32
        %dma_wait3A_1879 = tpu.memref_slice %arg8[%dma_wait3A_1877, %dma_wait3A_1878] : memref<512x64xf32, #tpu.memory_space<vmem>> -> memref<128x64xf32, #tpu.memory_space<vmem>>
        %dma_wait3A_1880 = arith.constant 0 : i32
        %dma_wait3A_1881 = arith.constant 0 : i32
        %dma_wait3A_1882 = tpu.memref_slice %arg5[%dma_wait3A_1880, %dma_wait3A_1881] : memref<640x64xf32, #tpu.memory_space<hbm>> -> memref<128x64xf32, #tpu.memory_space<hbm>>
        tpu.wait_dma2 semaphore(%arg23 : memref<!tpu.dma_semaphore, #tpu.memory_space<semaphore_mem>>) src(%dma_wait3A_1882 : memref<128x64xf32, #tpu.memory_space<hbm>>) dst(%dma_wait3A_1879 : memref<128x64xf32, #tpu.memory_space<vmem>>)
        %dma_wait3A_1883 = arith.constant 0 : i32
        %dma_wait3A_1884 = tpu.memref_slice %arg6[%dma_wait3A_1883] : memref<640xf32, #tpu.memory_space<hbm>> -> memref<128xf32, #tpu.memory_space<hbm>>
        %dma_wait3A_1885 = arith.constant 0 : i32
        %dma_wait3A_1886 = tpu.memref_slice %arg6[%dma_wait3A_1885] : memref<640xf32, #tpu.memory_space<hbm>> -> memref<128xf32, #tpu.memory_space<hbm>>
        tpu.wait_dma2 semaphore(%arg23 : memref<!tpu.dma_semaphore, #tpu.memory_space<semaphore_mem>>) src(%dma_wait3A_1886 : memref<128xf32, #tpu.memory_space<hbm>>) dst(%arg11 : memref<128xf32, #tpu.memory_space<vmem>>)
      } else {
      }
      %jit3A_1721 = arith.constant 16 : i32
      %div3A_1722 = arith.divsi %add3A_1715, %jit3A_1721 : i32
      %sign3A_1723 = arith.constant 0 : i32
      %sign3A_1724 = arith.cmpi sgt, %add3A_1715, %sign3A_1723 : i32
      %sign3A_1725 = arith.extui %sign3A_1724 : i1 to i32
      %sign3A_1726 = arith.constant 0 : i32
      %sign3A_1727 = arith.cmpi slt, %add3A_1715, %sign3A_1726 : i32
      %sign3A_1728 = arith.extui %sign3A_1727 : i1 to i32
      %sign3A_1729 = arith.subi %sign3A_1725, %sign3A_1728 : i32
      %sign3A_1730 = arith.constant 0 : i32
      %sign3A_1731 = arith.cmpi sgt, %jit3A_1721, %sign3A_1730 : i32
      %sign3A_1732 = arith.extui %sign3A_1731 : i1 to i32
      %sign3A_1733 = arith.constant 0 : i32
      %sign3A_1734 = arith.cmpi slt, %jit3A_1721, %sign3A_1733 : i32
      %sign3A_1735 = arith.extui %sign3A_1734 : i1 to i32
      %sign3A_1736 = arith.subi %sign3A_1732, %sign3A_1735 : i32
      %ne3A_1737 = arith.cmpi ne, %sign3A_1729, %sign3A_1736 : i32
      %rem3A_1738 = arith.remsi %add3A_1715, %jit3A_1721 : i32
      %ne3A_1739 = arith.constant 0 : i32
      %ne3A_1740 = arith.cmpi ne, %rem3A_1738, %ne3A_1739 : i32
      %and3A_1741 = arith.andi %ne3A_1737, %ne3A_1740 : i1
      %sub3A_1742 = arith.constant 1 : i32
      %sub3A_1743 = arith.subi %div3A_1722, %sub3A_1742 : i32
      %select_n3A_1744 = arith.select %and3A_1741, %sub3A_1743, %div3A_1722 : i32
      %rem3A_1745 = arith.constant 2 : i32
      %rem3A_1746 = arith.remsi %select_n3A_1744, %rem3A_1745 : i32
      %rem3A_1747 = arith.constant 16 : i32
      %rem3A_1748 = arith.remsi %add3A_1715, %rem3A_1747 : i32
      %dma_start3A_1749 = arith.constant 128 : i32
      %dma_start3A_1750 = arith.constant 0 : i32
      %dma_start3A_1751 = tpu.memref_slice %arg8[%dma_start3A_1749, %dma_start3A_1750] : memref<512x64xf32, #tpu.memory_space<vmem>> -> memref<128x64xf32, #tpu.memory_space<vmem>>
      %dma_start3A_1752 = arith.constant 0 : i32
      %dma_start3A_1753 = tpu.memref_slice %arg9[%rem3A_1746, %rem3A_1748, %dma_start3A_1752] : memref<2x16x128xi32, #tpu.memory_space<vmem>> -> memref<1x1x128xi32, #tpu.memory_space<vmem>>
      %dma_start3A_1754 = tpu.memref_squeeze %dma_start3A_1753 : memref<1x1x128xi32, #tpu.memory_space<vmem>> -> memref<128xi32, #tpu.memory_space<vmem>>
      %dma_start3A_1755 = arith.constant 0 : i32
      %dma_start3A_1756 = arith.constant 0 : i32
      %dma_start3A_1757 = tpu.memref_slice %arg15[%dma_start3A_1755, %dma_start3A_1756] : memref<10240x64xf32, #tpu.memory_space<vmem_shared>> -> memref<10240x64xf32, #tpu.memory_space<vmem_shared>>
      tpu.enqueue_indirect_dma source(%dma_start3A_1757 : memref<10240x64xf32, #tpu.memory_space<vmem_shared>>) target(%dma_start3A_1751 : memref<128x64xf32, #tpu.memory_space<vmem>>) offsets(%dma_start3A_1754 : memref<128xi32, #tpu.memory_space<vmem>>) semaphore(%arg19 : memref<!tpu.dma_semaphore, #tpu.memory_space<semaphore_mem>>)
      %ge3A_1758 = arith.constant 1 : i32
      %ge3A_1759 = arith.cmpi sge, %scan3A_1654, %ge3A_1758 : i32
      %or3A_1760 = arith.constant false
      %or3A_1761 = arith.ori %ge3A_1759, %or3A_1760 : i1
      %convert_element_type3A_1762 = arith.extui %or3A_1761 : i1 to i32
      %cond3A_1763 = arith.constant 0 : i32
      %cond3A_1764 = arith.cmpi ne, %convert_element_type3A_1762, %cond3A_1763 : i32
      scf.if %cond3A_1764 {
        %dma_wait3A_1871 = arith.constant 0 : i32
        %dma_wait3A_1872 = arith.constant 0 : i32
        %dma_wait3A_1873 = tpu.memref_slice %arg8[%dma_wait3A_1871, %dma_wait3A_1872] : memref<512x64xf32, #tpu.memory_space<vmem>> -> memref<128x64xf32, #tpu.memory_space<vmem>>
        %dma_wait3A_1874 = arith.constant 0 : i32
        %dma_wait3A_1875 = arith.constant 0 : i32
        %dma_wait3A_1876 = tpu.memref_slice %arg5[%dma_wait3A_1874, %dma_wait3A_1875] : memref<640x64xf32, #tpu.memory_space<hbm>> -> memref<128x64xf32, #tpu.memory_space<hbm>>
        %dma_wait3A_1877 = arith.constant 0 : i32
        %dma_wait3A_1878 = arith.constant 0 : i32
        %dma_wait3A_1879 = tpu.memref_slice %arg8[%dma_wait3A_1877, %dma_wait3A_1878] : memref<512x64xf32, #tpu.memory_space<vmem>> -> memref<128x64xf32, #tpu.memory_space<vmem>>
        %dma_wait3A_1880 = arith.constant 0 : i32
        %dma_wait3A_1881 = arith.constant 0 : i32
        %dma_wait3A_1882 = tpu.memref_slice %arg5[%dma_wait3A_1880, %dma_wait3A_1881] : memref<640x64xf32, #tpu.memory_space<hbm>> -> memref<128x64xf32, #tpu.memory_space<hbm>>
        tpu.wait_dma2 semaphore(%arg21 : memref<!tpu.dma_semaphore, #tpu.memory_space<semaphore_mem>>) src(%dma_wait3A_1882 : memref<128x64xf32, #tpu.memory_space<hbm>>) dst(%dma_wait3A_1879 : memref<128x64xf32, #tpu.memory_space<vmem>>)
        %sub3A_1883 = arith.constant 2 : i32
        %sub3A_1884 = arith.subi %add3A_1715, %sub3A_1883 : i32
        %jit3A_1885 = arith.constant 16 : i32
        %div3A_1886 = arith.divsi %sub3A_1884, %jit3A_1885 : i32
        %sign3A_1887 = arith.constant 0 : i32
        %sign3A_1888 = arith.cmpi sgt, %sub3A_1884, %sign3A_1887 : i32
        %sign3A_1889 = arith.extui %sign3A_1888 : i1 to i32
        %sign3A_1890 = arith.constant 0 : i32
        %sign3A_1891 = arith.cmpi slt, %sub3A_1884, %sign3A_1890 : i32
        %sign3A_1892 = arith.extui %sign3A_1891 : i1 to i32
        %sign3A_1893 = arith.subi %sign3A_1889, %sign3A_1892 : i32
        %sign3A_1894 = arith.constant 0 : i32
        %sign3A_1895 = arith.cmpi sgt, %jit3A_1885, %sign3A_1894 : i32
        %sign3A_1896 = arith.extui %sign3A_1895 : i1 to i32
        %sign3A_1897 = arith.constant 0 : i32
        %sign3A_1898 = arith.cmpi slt, %jit3A_1885, %sign3A_1897 : i32
        %sign3A_1899 = arith.extui %sign3A_1898 : i1 to i32
        %sign3A_1900 = arith.subi %sign3A_1896, %sign3A_1899 : i32
        %ne3A_1901 = arith.cmpi ne, %sign3A_1893, %sign3A_1900 : i32
        %rem3A_1902 = arith.remsi %sub3A_1884, %jit3A_1885 : i32
        %ne3A_1903 = arith.constant 0 : i32
        %ne3A_1904 = arith.cmpi ne, %rem3A_1902, %ne3A_1903 : i32
        %and3A_1905 = arith.andi %ne3A_1901, %ne3A_1904 : i1
        %sub3A_1906 = arith.constant 1 : i32
        %sub3A_1907 = arith.subi %div3A_1886, %sub3A_1906 : i32
        %select_n3A_1908 = arith.select %and3A_1905, %sub3A_1907, %div3A_1886 : i32
        %rem3A_1909 = arith.constant 2 : i32
        %rem3A_1910 = arith.remsi %select_n3A_1908, %rem3A_1909 : i32
        %rem3A_1911 = arith.constant 16 : i32
        %rem3A_1912 = arith.remsi %sub3A_1884, %rem3A_1911 : i32
        %dma_start3A_1913 = arith.constant 384 : i32
        %dma_start3A_1914 = arith.constant 0 : i32
        %dma_start3A_1915 = tpu.memref_slice %arg8[%dma_start3A_1913, %dma_start3A_1914] : memref<512x64xf32, #tpu.memory_space<vmem>> -> memref<128x64xf32, #tpu.memory_space<vmem>>
        %dma_start3A_1916 = arith.constant 0 : i32
        %dma_start3A_1917 = tpu.memref_slice %arg10[%rem3A_1910, %rem3A_1912, %dma_start3A_1916] : memref<2x16x128xi32, #tpu.memory_space<vmem>> -> memref<1x1x128xi32, #tpu.memory_space<vmem>>
        %dma_start3A_1918 = tpu.memref_squeeze %dma_start3A_1917 : memref<1x1x128xi32, #tpu.memory_space<vmem>> -> memref<128xi32, #tpu.memory_space<vmem>>
        %dma_start3A_1919 = arith.constant 0 : i32
        %dma_start3A_1920 = arith.constant 0 : i32
        %dma_start3A_1921 = tpu.memref_slice %arg14[%dma_start3A_1919, %dma_start3A_1920] : memref<10240x64xf32, #tpu.memory_space<vmem_shared>> -> memref<10240x64xf32, #tpu.memory_space<vmem_shared>>
        tpu.enqueue_indirect_dma source(%dma_start3A_1915 : memref<128x64xf32, #tpu.memory_space<vmem>>) target(%dma_start3A_1921 : memref<10240x64xf32, #tpu.memory_space<vmem_shared>>) offsets(%dma_start3A_1918 : memref<128xi32, #tpu.memory_space<vmem>>) semaphore(%arg25 : memref<!tpu.dma_semaphore, #tpu.memory_space<semaphore_mem>>) {add = true}
        %dma_start3A_1922 = arith.constant 0 : i32
        %dma_start3A_1923 = tpu.memref_slice %arg10[%rem3A_1910, %rem3A_1912, %dma_start3A_1922] : memref<2x16x128xi32, #tpu.memory_space<vmem>> -> memref<1x1x128xi32, #tpu.memory_space<vmem>>
        %dma_start3A_1924 = tpu.memref_squeeze %dma_start3A_1923 : memref<1x1x128xi32, #tpu.memory_space<vmem>> -> memref<128xi32, #tpu.memory_space<vmem>>
        %dma_start3A_1925 = arith.constant 0 : i32
        %dma_start3A_1926 = tpu.memref_slice %arg16[%dma_start3A_1925] : memref<10240xf32, #tpu.memory_space<vmem_shared>> -> memref<10240xf32, #tpu.memory_space<vmem_shared>>
        tpu.enqueue_indirect_dma source(%arg11 : memref<128xf32, #tpu.memory_space<vmem>>) target(%dma_start3A_1926 : memref<10240xf32, #tpu.memory_space<vmem_shared>>) offsets(%dma_start3A_1924 : memref<128xi32, #tpu.memory_space<vmem>>) semaphore(%arg25 : memref<!tpu.dma_semaphore, #tpu.memory_space<semaphore_mem>>) {add = true}
      } else {
      }
      %mul3A_1765 = arith.constant 4 : i32
      %mul3A_1766 = arith.muli %mul3A_1765, %scan3A_1654 : i32
      %add3A_1767 = arith.constant 2 : i32
      %add3A_1768 = arith.addi %mul3A_1766, %add3A_1767 : i32
      %ge3A_1769 = arith.constant 1 : i32
      %ge3A_1770 = arith.cmpi sge, %scan3A_1654, %ge3A_1769 : i32
      %convert_element_type3A_1771 = arith.extui %ge3A_1770 : i1 to i32
      %cond3A_1772 = arith.constant 0 : i32
      %cond3A_1773 = arith.cmpi ne, %convert_element_type3A_1771, %cond3A_1772 : i32
      scf.if %cond3A_1773 {
        %dma_wait3A_1871 = arith.constant 0 : i32
        %dma_wait3A_1872 = arith.constant 0 : i32
        %dma_wait3A_1873 = tpu.memref_slice %arg8[%dma_wait3A_1871, %dma_wait3A_1872] : memref<512x64xf32, #tpu.memory_space<vmem>> -> memref<128x64xf32, #tpu.memory_space<vmem>>
        %dma_wait3A_1874 = arith.constant 0 : i32
        %dma_wait3A_1875 = arith.constant 0 : i32
        %dma_wait3A_1876 = tpu.memref_slice %arg5[%dma_wait3A_1874, %dma_wait3A_1875] : memref<640x64xf32, #tpu.memory_space<hbm>> -> memref<128x64xf32, #tpu.memory_space<hbm>>
        %dma_wait3A_1877 = arith.constant 0 : i32
        %dma_wait3A_1878 = arith.constant 0 : i32
        %dma_wait3A_1879 = tpu.memref_slice %arg8[%dma_wait3A_1877, %dma_wait3A_1878] : memref<512x64xf32, #tpu.memory_space<vmem>> -> memref<128x64xf32, #tpu.memory_space<vmem>>
        %dma_wait3A_1880 = arith.constant 0 : i32
        %dma_wait3A_1881 = arith.constant 0 : i32
        %dma_wait3A_1882 = tpu.memref_slice %arg5[%dma_wait3A_1880, %dma_wait3A_1881] : memref<640x64xf32, #tpu.memory_space<hbm>> -> memref<128x64xf32, #tpu.memory_space<hbm>>
        tpu.wait_dma2 semaphore(%arg24 : memref<!tpu.dma_semaphore, #tpu.memory_space<semaphore_mem>>) src(%dma_wait3A_1882 : memref<128x64xf32, #tpu.memory_space<hbm>>) dst(%dma_wait3A_1879 : memref<128x64xf32, #tpu.memory_space<vmem>>)
        %dma_wait3A_1883 = arith.constant 0 : i32
        %dma_wait3A_1884 = tpu.memref_slice %arg6[%dma_wait3A_1883] : memref<640xf32, #tpu.memory_space<hbm>> -> memref<128xf32, #tpu.memory_space<hbm>>
        %dma_wait3A_1885 = arith.constant 0 : i32
        %dma_wait3A_1886 = tpu.memref_slice %arg6[%dma_wait3A_1885] : memref<640xf32, #tpu.memory_space<hbm>> -> memref<128xf32, #tpu.memory_space<hbm>>
        tpu.wait_dma2 semaphore(%arg24 : memref<!tpu.dma_semaphore, #tpu.memory_space<semaphore_mem>>) src(%dma_wait3A_1886 : memref<128xf32, #tpu.memory_space<hbm>>) dst(%arg11 : memref<128xf32, #tpu.memory_space<vmem>>)
      } else {
      }
      %jit3A_1774 = arith.constant 16 : i32
      %div3A_1775 = arith.divsi %add3A_1768, %jit3A_1774 : i32
      %sign3A_1776 = arith.constant 0 : i32
      %sign3A_1777 = arith.cmpi sgt, %add3A_1768, %sign3A_1776 : i32
      %sign3A_1778 = arith.extui %sign3A_1777 : i1 to i32
      %sign3A_1779 = arith.constant 0 : i32
      %sign3A_1780 = arith.cmpi slt, %add3A_1768, %sign3A_1779 : i32
      %sign3A_1781 = arith.extui %sign3A_1780 : i1 to i32
      %sign3A_1782 = arith.subi %sign3A_1778, %sign3A_1781 : i32
      %sign3A_1783 = arith.constant 0 : i32
      %sign3A_1784 = arith.cmpi sgt, %jit3A_1774, %sign3A_1783 : i32
      %sign3A_1785 = arith.extui %sign3A_1784 : i1 to i32
      %sign3A_1786 = arith.constant 0 : i32
      %sign3A_1787 = arith.cmpi slt, %jit3A_1774, %sign3A_1786 : i32
      %sign3A_1788 = arith.extui %sign3A_1787 : i1 to i32
      %sign3A_1789 = arith.subi %sign3A_1785, %sign3A_1788 : i32
      %ne3A_1790 = arith.cmpi ne, %sign3A_1782, %sign3A_1789 : i32
      %rem3A_1791 = arith.remsi %add3A_1768, %jit3A_1774 : i32
      %ne3A_1792 = arith.constant 0 : i32
      %ne3A_1793 = arith.cmpi ne, %rem3A_1791, %ne3A_1792 : i32
      %and3A_1794 = arith.andi %ne3A_1790, %ne3A_1793 : i1
      %sub3A_1795 = arith.constant 1 : i32
      %sub3A_1796 = arith.subi %div3A_1775, %sub3A_1795 : i32
      %select_n3A_1797 = arith.select %and3A_1794, %sub3A_1796, %div3A_1775 : i32
      %rem3A_1798 = arith.constant 2 : i32
      %rem3A_1799 = arith.remsi %select_n3A_1797, %rem3A_1798 : i32
      %rem3A_1800 = arith.constant 16 : i32
      %rem3A_1801 = arith.remsi %add3A_1768, %rem3A_1800 : i32
      %dma_start3A_1802 = arith.constant 256 : i32
      %dma_start3A_1803 = arith.constant 0 : i32
      %dma_start3A_1804 = tpu.memref_slice %arg8[%dma_start3A_1802, %dma_start3A_1803] : memref<512x64xf32, #tpu.memory_space<vmem>> -> memref<128x64xf32, #tpu.memory_space<vmem>>
      %dma_start3A_1805 = arith.constant 0 : i32
      %dma_start3A_1806 = tpu.memref_slice %arg9[%rem3A_1799, %rem3A_1801, %dma_start3A_1805] : memref<2x16x128xi32, #tpu.memory_space<vmem>> -> memref<1x1x128xi32, #tpu.memory_space<vmem>>
      %dma_start3A_1807 = tpu.memref_squeeze %dma_start3A_1806 : memref<1x1x128xi32, #tpu.memory_space<vmem>> -> memref<128xi32, #tpu.memory_space<vmem>>
      %dma_start3A_1808 = arith.constant 0 : i32
      %dma_start3A_1809 = arith.constant 0 : i32
      %dma_start3A_1810 = tpu.memref_slice %arg15[%dma_start3A_1808, %dma_start3A_1809] : memref<10240x64xf32, #tpu.memory_space<vmem_shared>> -> memref<10240x64xf32, #tpu.memory_space<vmem_shared>>
      tpu.enqueue_indirect_dma source(%dma_start3A_1810 : memref<10240x64xf32, #tpu.memory_space<vmem_shared>>) target(%dma_start3A_1804 : memref<128x64xf32, #tpu.memory_space<vmem>>) offsets(%dma_start3A_1807 : memref<128xi32, #tpu.memory_space<vmem>>) semaphore(%arg20 : memref<!tpu.dma_semaphore, #tpu.memory_space<semaphore_mem>>)
      %ge3A_1811 = arith.constant 1 : i32
      %ge3A_1812 = arith.cmpi sge, %scan3A_1654, %ge3A_1811 : i32
      %or3A_1813 = arith.constant true
      %or3A_1814 = arith.ori %ge3A_1812, %or3A_1813 : i1
      %convert_element_type3A_1815 = arith.extui %or3A_1814 : i1 to i32
      %cond3A_1816 = arith.constant 0 : i32
      %cond3A_1817 = arith.cmpi ne, %convert_element_type3A_1815, %cond3A_1816 : i32
      scf.if %cond3A_1817 {
        %dma_wait3A_1871 = arith.constant 0 : i32
        %dma_wait3A_1872 = arith.constant 0 : i32
        %dma_wait3A_1873 = tpu.memref_slice %arg8[%dma_wait3A_1871, %dma_wait3A_1872] : memref<512x64xf32, #tpu.memory_space<vmem>> -> memref<128x64xf32, #tpu.memory_space<vmem>>
        %dma_wait3A_1874 = arith.constant 0 : i32
        %dma_wait3A_1875 = arith.constant 0 : i32
        %dma_wait3A_1876 = tpu.memref_slice %arg5[%dma_wait3A_1874, %dma_wait3A_1875] : memref<640x64xf32, #tpu.memory_space<hbm>> -> memref<128x64xf32, #tpu.memory_space<hbm>>
        %dma_wait3A_1877 = arith.constant 0 : i32
        %dma_wait3A_1878 = arith.constant 0 : i32
        %dma_wait3A_1879 = tpu.memref_slice %arg8[%dma_wait3A_1877, %dma_wait3A_1878] : memref<512x64xf32, #tpu.memory_space<vmem>> -> memref<128x64xf32, #tpu.memory_space<vmem>>
        %dma_wait3A_1880 = arith.constant 0 : i32
        %dma_wait3A_1881 = arith.constant 0 : i32
        %dma_wait3A_1882 = tpu.memref_slice %arg5[%dma_wait3A_1880, %dma_wait3A_1881] : memref<640x64xf32, #tpu.memory_space<hbm>> -> memref<128x64xf32, #tpu.memory_space<hbm>>
        tpu.wait_dma2 semaphore(%arg18 : memref<!tpu.dma_semaphore, #tpu.memory_space<semaphore_mem>>) src(%dma_wait3A_1882 : memref<128x64xf32, #tpu.memory_space<hbm>>) dst(%dma_wait3A_1879 : memref<128x64xf32, #tpu.memory_space<vmem>>)
        %sub3A_1883 = arith.constant 2 : i32
        %sub3A_1884 = arith.subi %add3A_1768, %sub3A_1883 : i32
        %jit3A_1885 = arith.constant 16 : i32
        %div3A_1886 = arith.divsi %sub3A_1884, %jit3A_1885 : i32
        %sign3A_1887 = arith.constant 0 : i32
        %sign3A_1888 = arith.cmpi sgt, %sub3A_1884, %sign3A_1887 : i32
        %sign3A_1889 = arith.extui %sign3A_1888 : i1 to i32
        %sign3A_1890 = arith.constant 0 : i32
        %sign3A_1891 = arith.cmpi slt, %sub3A_1884, %sign3A_1890 : i32
        %sign3A_1892 = arith.extui %sign3A_1891 : i1 to i32
        %sign3A_1893 = arith.subi %sign3A_1889, %sign3A_1892 : i32
        %sign3A_1894 = arith.constant 0 : i32
        %sign3A_1895 = arith.cmpi sgt, %jit3A_1885, %sign3A_1894 : i32
        %sign3A_1896 = arith.extui %sign3A_1895 : i1 to i32
        %sign3A_1897 = arith.constant 0 : i32
        %sign3A_1898 = arith.cmpi slt, %jit3A_1885, %sign3A_1897 : i32
        %sign3A_1899 = arith.extui %sign3A_1898 : i1 to i32
        %sign3A_1900 = arith.subi %sign3A_1896, %sign3A_1899 : i32
        %ne3A_1901 = arith.cmpi ne, %sign3A_1893, %sign3A_1900 : i32
        %rem3A_1902 = arith.remsi %sub3A_1884, %jit3A_1885 : i32
        %ne3A_1903 = arith.constant 0 : i32
        %ne3A_1904 = arith.cmpi ne, %rem3A_1902, %ne3A_1903 : i32
        %and3A_1905 = arith.andi %ne3A_1901, %ne3A_1904 : i1
        %sub3A_1906 = arith.constant 1 : i32
        %sub3A_1907 = arith.subi %div3A_1886, %sub3A_1906 : i32
        %select_n3A_1908 = arith.select %and3A_1905, %sub3A_1907, %div3A_1886 : i32
        %rem3A_1909 = arith.constant 2 : i32
        %rem3A_1910 = arith.remsi %select_n3A_1908, %rem3A_1909 : i32
        %rem3A_1911 = arith.constant 16 : i32
        %rem3A_1912 = arith.remsi %sub3A_1884, %rem3A_1911 : i32
        %dma_start3A_1913 = arith.constant 0 : i32
        %dma_start3A_1914 = arith.constant 0 : i32
        %dma_start3A_1915 = tpu.memref_slice %arg8[%dma_start3A_1913, %dma_start3A_1914] : memref<512x64xf32, #tpu.memory_space<vmem>> -> memref<128x64xf32, #tpu.memory_space<vmem>>
        %dma_start3A_1916 = arith.constant 0 : i32
        %dma_start3A_1917 = tpu.memref_slice %arg10[%rem3A_1910, %rem3A_1912, %dma_start3A_1916] : memref<2x16x128xi32, #tpu.memory_space<vmem>> -> memref<1x1x128xi32, #tpu.memory_space<vmem>>
        %dma_start3A_1918 = tpu.memref_squeeze %dma_start3A_1917 : memref<1x1x128xi32, #tpu.memory_space<vmem>> -> memref<128xi32, #tpu.memory_space<vmem>>
        %dma_start3A_1919 = arith.constant 0 : i32
        %dma_start3A_1920 = arith.constant 0 : i32
        %dma_start3A_1921 = tpu.memref_slice %arg14[%dma_start3A_1919, %dma_start3A_1920] : memref<10240x64xf32, #tpu.memory_space<vmem_shared>> -> memref<10240x64xf32, #tpu.memory_space<vmem_shared>>
        tpu.enqueue_indirect_dma source(%dma_start3A_1915 : memref<128x64xf32, #tpu.memory_space<vmem>>) target(%dma_start3A_1921 : memref<10240x64xf32, #tpu.memory_space<vmem_shared>>) offsets(%dma_start3A_1918 : memref<128xi32, #tpu.memory_space<vmem>>) semaphore(%arg22 : memref<!tpu.dma_semaphore, #tpu.memory_space<semaphore_mem>>) {add = true}
        %dma_start3A_1922 = arith.constant 0 : i32
        %dma_start3A_1923 = tpu.memref_slice %arg10[%rem3A_1910, %rem3A_1912, %dma_start3A_1922] : memref<2x16x128xi32, #tpu.memory_space<vmem>> -> memref<1x1x128xi32, #tpu.memory_space<vmem>>
        %dma_start3A_1924 = tpu.memref_squeeze %dma_start3A_1923 : memref<1x1x128xi32, #tpu.memory_space<vmem>> -> memref<128xi32, #tpu.memory_space<vmem>>
        %dma_start3A_1925 = arith.constant 0 : i32
        %dma_start3A_1926 = tpu.memref_slice %arg16[%dma_start3A_1925] : memref<10240xf32, #tpu.memory_space<vmem_shared>> -> memref<10240xf32, #tpu.memory_space<vmem_shared>>
        tpu.enqueue_indirect_dma source(%arg11 : memref<128xf32, #tpu.memory_space<vmem>>) target(%dma_start3A_1926 : memref<10240xf32, #tpu.memory_space<vmem_shared>>) offsets(%dma_start3A_1924 : memref<128xi32, #tpu.memory_space<vmem>>) semaphore(%arg22 : memref<!tpu.dma_semaphore, #tpu.memory_space<semaphore_mem>>) {add = true}
      } else {
      }
      %mul3A_1818 = arith.constant 4 : i32
      %mul3A_1819 = arith.muli %mul3A_1818, %scan3A_1654 : i32
      %add3A_1820 = arith.constant 3 : i32
      %add3A_1821 = arith.addi %mul3A_1819, %add3A_1820 : i32
      %ge3A_1822 = arith.constant 1 : i32
      %ge3A_1823 = arith.cmpi sge, %scan3A_1654, %ge3A_1822 : i32
      %convert_element_type3A_1824 = arith.extui %ge3A_1823 : i1 to i32
      %cond3A_1825 = arith.constant 0 : i32
      %cond3A_1826 = arith.cmpi ne, %convert_element_type3A_1824, %cond3A_1825 : i32
      scf.if %cond3A_1826 {
        %dma_wait3A_1871 = arith.constant 0 : i32
        %dma_wait3A_1872 = arith.constant 0 : i32
        %dma_wait3A_1873 = tpu.memref_slice %arg8[%dma_wait3A_1871, %dma_wait3A_1872] : memref<512x64xf32, #tpu.memory_space<vmem>> -> memref<128x64xf32, #tpu.memory_space<vmem>>
        %dma_wait3A_1874 = arith.constant 0 : i32
        %dma_wait3A_1875 = arith.constant 0 : i32
        %dma_wait3A_1876 = tpu.memref_slice %arg5[%dma_wait3A_1874, %dma_wait3A_1875] : memref<640x64xf32, #tpu.memory_space<hbm>> -> memref<128x64xf32, #tpu.memory_space<hbm>>
        %dma_wait3A_1877 = arith.constant 0 : i32
        %dma_wait3A_1878 = arith.constant 0 : i32
        %dma_wait3A_1879 = tpu.memref_slice %arg8[%dma_wait3A_1877, %dma_wait3A_1878] : memref<512x64xf32, #tpu.memory_space<vmem>> -> memref<128x64xf32, #tpu.memory_space<vmem>>
        %dma_wait3A_1880 = arith.constant 0 : i32
        %dma_wait3A_1881 = arith.constant 0 : i32
        %dma_wait3A_1882 = tpu.memref_slice %arg5[%dma_wait3A_1880, %dma_wait3A_1881] : memref<640x64xf32, #tpu.memory_space<hbm>> -> memref<128x64xf32, #tpu.memory_space<hbm>>
        tpu.wait_dma2 semaphore(%arg25 : memref<!tpu.dma_semaphore, #tpu.memory_space<semaphore_mem>>) src(%dma_wait3A_1882 : memref<128x64xf32, #tpu.memory_space<hbm>>) dst(%dma_wait3A_1879 : memref<128x64xf32, #tpu.memory_space<vmem>>)
        %dma_wait3A_1883 = arith.constant 0 : i32
        %dma_wait3A_1884 = tpu.memref_slice %arg6[%dma_wait3A_1883] : memref<640xf32, #tpu.memory_space<hbm>> -> memref<128xf32, #tpu.memory_space<hbm>>
        %dma_wait3A_1885 = arith.constant 0 : i32
        %dma_wait3A_1886 = tpu.memref_slice %arg6[%dma_wait3A_1885] : memref<640xf32, #tpu.memory_space<hbm>> -> memref<128xf32, #tpu.memory_space<hbm>>
        tpu.wait_dma2 semaphore(%arg25 : memref<!tpu.dma_semaphore, #tpu.memory_space<semaphore_mem>>) src(%dma_wait3A_1886 : memref<128xf32, #tpu.memory_space<hbm>>) dst(%arg11 : memref<128xf32, #tpu.memory_space<vmem>>)
      } else {
      }
      %jit3A_1827 = arith.constant 16 : i32
      %div3A_1828 = arith.divsi %add3A_1821, %jit3A_1827 : i32
      %sign3A_1829 = arith.constant 0 : i32
      %sign3A_1830 = arith.cmpi sgt, %add3A_1821, %sign3A_1829 : i32
      %sign3A_1831 = arith.extui %sign3A_1830 : i1 to i32
      %sign3A_1832 = arith.constant 0 : i32
      %sign3A_1833 = arith.cmpi slt, %add3A_1821, %sign3A_1832 : i32
      %sign3A_1834 = arith.extui %sign3A_1833 : i1 to i32
      %sign3A_1835 = arith.subi %sign3A_1831, %sign3A_1834 : i32
      %sign3A_1836 = arith.constant 0 : i32
      %sign3A_1837 = arith.cmpi sgt, %jit3A_1827, %sign3A_1836 : i32
      %sign3A_1838 = arith.extui %sign3A_1837 : i1 to i32
      %sign3A_1839 = arith.constant 0 : i32
      %sign3A_1840 = arith.cmpi slt, %jit3A_1827, %sign3A_1839 : i32
      %sign3A_1841 = arith.extui %sign3A_1840 : i1 to i32
      %sign3A_1842 = arith.subi %sign3A_1838, %sign3A_1841 : i32
      %ne3A_1843 = arith.cmpi ne, %sign3A_1835, %sign3A_1842 : i32
      %rem3A_1844 = arith.remsi %add3A_1821, %jit3A_1827 : i32
      %ne3A_1845 = arith.constant 0 : i32
      %ne3A_1846 = arith.cmpi ne, %rem3A_1844, %ne3A_1845 : i32
      %and3A_1847 = arith.andi %ne3A_1843, %ne3A_1846 : i1
      %sub3A_1848 = arith.constant 1 : i32
      %sub3A_1849 = arith.subi %div3A_1828, %sub3A_1848 : i32
      %select_n3A_1850 = arith.select %and3A_1847, %sub3A_1849, %div3A_1828 : i32
      %rem3A_1851 = arith.constant 2 : i32
      %rem3A_1852 = arith.remsi %select_n3A_1850, %rem3A_1851 : i32
      %rem3A_1853 = arith.constant 16 : i32
      %rem3A_1854 = arith.remsi %add3A_1821, %rem3A_1853 : i32
      %dma_start3A_1855 = arith.constant 384 : i32
      %dma_start3A_1856 = arith.constant 0 : i32
      %dma_start3A_1857 = tpu.memref_slice %arg8[%dma_start3A_1855, %dma_start3A_1856] : memref<512x64xf32, #tpu.memory_space<vmem>> -> memref<128x64xf32, #tpu.memory_space<vmem>>
      %dma_start3A_1858 = arith.constant 0 : i32
      %dma_start3A_1859 = tpu.memref_slice %arg9[%rem3A_1852, %rem3A_1854, %dma_start3A_1858] : memref<2x16x128xi32, #tpu.memory_space<vmem>> -> memref<1x1x128xi32, #tpu.memory_space<vmem>>
      %dma_start3A_1860 = tpu.memref_squeeze %dma_start3A_1859 : memref<1x1x128xi32, #tpu.memory_space<vmem>> -> memref<128xi32, #tpu.memory_space<vmem>>
      %dma_start3A_1861 = arith.constant 0 : i32
      %dma_start3A_1862 = arith.constant 0 : i32
      %dma_start3A_1863 = tpu.memref_slice %arg15[%dma_start3A_1861, %dma_start3A_1862] : memref<10240x64xf32, #tpu.memory_space<vmem_shared>> -> memref<10240x64xf32, #tpu.memory_space<vmem_shared>>
      tpu.enqueue_indirect_dma source(%dma_start3A_1863 : memref<10240x64xf32, #tpu.memory_space<vmem_shared>>) target(%dma_start3A_1857 : memref<128x64xf32, #tpu.memory_space<vmem>>) offsets(%dma_start3A_1860 : memref<128xi32, #tpu.memory_space<vmem>>) semaphore(%arg21 : memref<!tpu.dma_semaphore, #tpu.memory_space<semaphore_mem>>)
      %ge3A_1864 = arith.constant 1 : i32
      %ge3A_1865 = arith.cmpi sge, %scan3A_1654, %ge3A_1864 : i32
      %or3A_1866 = arith.constant true
      %or3A_1867 = arith.ori %ge3A_1865, %or3A_1866 : i1
      %convert_element_type3A_1868 = arith.extui %or3A_1867 : i1 to i32
      %cond3A_1869 = arith.constant 0 : i32
      %cond3A_1870 = arith.cmpi ne, %convert_element_type3A_1868, %cond3A_1869 : i32
      scf.if %cond3A_1870 {
        %dma_wait3A_1871 = arith.constant 0 : i32
        %dma_wait3A_1872 = arith.constant 0 : i32
        %dma_wait3A_1873 = tpu.memref_slice %arg8[%dma_wait3A_1871, %dma_wait3A_1872] : memref<512x64xf32, #tpu.memory_space<vmem>> -> memref<128x64xf32, #tpu.memory_space<vmem>>
        %dma_wait3A_1874 = arith.constant 0 : i32
        %dma_wait3A_1875 = arith.constant 0 : i32
        %dma_wait3A_1876 = tpu.memref_slice %arg5[%dma_wait3A_1874, %dma_wait3A_1875] : memref<640x64xf32, #tpu.memory_space<hbm>> -> memref<128x64xf32, #tpu.memory_space<hbm>>
        %dma_wait3A_1877 = arith.constant 0 : i32
        %dma_wait3A_1878 = arith.constant 0 : i32
        %dma_wait3A_1879 = tpu.memref_slice %arg8[%dma_wait3A_1877, %dma_wait3A_1878] : memref<512x64xf32, #tpu.memory_space<vmem>> -> memref<128x64xf32, #tpu.memory_space<vmem>>
        %dma_wait3A_1880 = arith.constant 0 : i32
        %dma_wait3A_1881 = arith.constant 0 : i32
        %dma_wait3A_1882 = tpu.memref_slice %arg5[%dma_wait3A_1880, %dma_wait3A_1881] : memref<640x64xf32, #tpu.memory_space<hbm>> -> memref<128x64xf32, #tpu.memory_space<hbm>>
        tpu.wait_dma2 semaphore(%arg19 : memref<!tpu.dma_semaphore, #tpu.memory_space<semaphore_mem>>) src(%dma_wait3A_1882 : memref<128x64xf32, #tpu.memory_space<hbm>>) dst(%dma_wait3A_1879 : memref<128x64xf32, #tpu.memory_space<vmem>>)
        %sub3A_1883 = arith.constant 2 : i32
        %sub3A_1884 = arith.subi %add3A_1821, %sub3A_1883 : i32
        %jit3A_1885 = arith.constant 16 : i32
        %div3A_1886 = arith.divsi %sub3A_1884, %jit3A_1885 : i32
        %sign3A_1887 = arith.constant 0 : i32
        %sign3A_1888 = arith.cmpi sgt, %sub3A_1884, %sign3A_1887 : i32
        %sign3A_1889 = arith.extui %sign3A_1888 : i1 to i32
        %sign3A_1890 = arith.constant 0 : i32
        %sign3A_1891 = arith.cmpi slt, %sub3A_1884, %sign3A_1890 : i32
        %sign3A_1892 = arith.extui %sign3A_1891 : i1 to i32
        %sign3A_1893 = arith.subi %sign3A_1889, %sign3A_1892 : i32
        %sign3A_1894 = arith.constant 0 : i32
        %sign3A_1895 = arith.cmpi sgt, %jit3A_1885, %sign3A_1894 : i32
        %sign3A_1896 = arith.extui %sign3A_1895 : i1 to i32
        %sign3A_1897 = arith.constant 0 : i32
        %sign3A_1898 = arith.cmpi slt, %jit3A_1885, %sign3A_1897 : i32
        %sign3A_1899 = arith.extui %sign3A_1898 : i1 to i32
        %sign3A_1900 = arith.subi %sign3A_1896, %sign3A_1899 : i32
        %ne3A_1901 = arith.cmpi ne, %sign3A_1893, %sign3A_1900 : i32
        %rem3A_1902 = arith.remsi %sub3A_1884, %jit3A_1885 : i32
        %ne3A_1903 = arith.constant 0 : i32
        %ne3A_1904 = arith.cmpi ne, %rem3A_1902, %ne3A_1903 : i32
        %and3A_1905 = arith.andi %ne3A_1901, %ne3A_1904 : i1
        %sub3A_1906 = arith.constant 1 : i32
        %sub3A_1907 = arith.subi %div3A_1886, %sub3A_1906 : i32
        %select_n3A_1908 = arith.select %and3A_1905, %sub3A_1907, %div3A_1886 : i32
        %rem3A_1909 = arith.constant 2 : i32
        %rem3A_1910 = arith.remsi %select_n3A_1908, %rem3A_1909 : i32
        %rem3A_1911 = arith.constant 16 : i32
        %rem3A_1912 = arith.remsi %sub3A_1884, %rem3A_1911 : i32
        %dma_start3A_1913 = arith.constant 128 : i32
        %dma_start3A_1914 = arith.constant 0 : i32
        %dma_start3A_1915 = tpu.memref_slice %arg8[%dma_start3A_1913, %dma_start3A_1914] : memref<512x64xf32, #tpu.memory_space<vmem>> -> memref<128x64xf32, #tpu.memory_space<vmem>>
        %dma_start3A_1916 = arith.constant 0 : i32
        %dma_start3A_1917 = tpu.memref_slice %arg10[%rem3A_1910, %rem3A_1912, %dma_start3A_1916] : memref<2x16x128xi32, #tpu.memory_space<vmem>> -> memref<1x1x128xi32, #tpu.memory_space<vmem>>
        %dma_start3A_1918 = tpu.memref_squeeze %dma_start3A_1917 : memref<1x1x128xi32, #tpu.memory_space<vmem>> -> memref<128xi32, #tpu.memory_space<vmem>>
        %dma_start3A_1919 = arith.constant 0 : i32
        %dma_start3A_1920 = arith.constant 0 : i32
        %dma_start3A_1921 = tpu.memref_slice %arg14[%dma_start3A_1919, %dma_start3A_1920] : memref<10240x64xf32, #tpu.memory_space<vmem_shared>> -> memref<10240x64xf32, #tpu.memory_space<vmem_shared>>
        tpu.enqueue_indirect_dma source(%dma_start3A_1915 : memref<128x64xf32, #tpu.memory_space<vmem>>) target(%dma_start3A_1921 : memref<10240x64xf32, #tpu.memory_space<vmem_shared>>) offsets(%dma_start3A_1918 : memref<128xi32, #tpu.memory_space<vmem>>) semaphore(%arg23 : memref<!tpu.dma_semaphore, #tpu.memory_space<semaphore_mem>>) {add = true}
        %dma_start3A_1922 = arith.constant 0 : i32
        %dma_start3A_1923 = tpu.memref_slice %arg10[%rem3A_1910, %rem3A_1912, %dma_start3A_1922] : memref<2x16x128xi32, #tpu.memory_space<vmem>> -> memref<1x1x128xi32, #tpu.memory_space<vmem>>
        %dma_start3A_1924 = tpu.memref_squeeze %dma_start3A_1923 : memref<1x1x128xi32, #tpu.memory_space<vmem>> -> memref<128xi32, #tpu.memory_space<vmem>>
        %dma_start3A_1925 = arith.constant 0 : i32
        %dma_start3A_1926 = tpu.memref_slice %arg16[%dma_start3A_1925] : memref<10240xf32, #tpu.memory_space<vmem_shared>> -> memref<10240xf32, #tpu.memory_space<vmem_shared>>
        tpu.enqueue_indirect_dma source(%arg11 : memref<128xf32, #tpu.memory_space<vmem>>) target(%dma_start3A_1926 : memref<10240xf32, #tpu.memory_space<vmem_shared>>) offsets(%dma_start3A_1924 : memref<128xi32, #tpu.memory_space<vmem>>) semaphore(%arg23 : memref<!tpu.dma_semaphore, #tpu.memory_space<semaphore_mem>>) {add = true}
      } else {
      }
    }
    %scan3A_58 = arith.constant 40 : i32
    %dma_wait3A = arith.constant 0 : i32
    %dma_wait3A_59 = arith.constant 0 : i32
    %dma_wait3A_60 = tpu.memref_slice %arg8[%dma_wait3A, %dma_wait3A_59] : memref<512x64xf32, #tpu.memory_space<vmem>> -> memref<128x64xf32, #tpu.memory_space<vmem>>
    %dma_wait3A_61 = arith.constant 0 : i32
    %dma_wait3A_62 = arith.constant 0 : i32
    %dma_wait3A_63 = tpu.memref_slice %arg5[%dma_wait3A_61, %dma_wait3A_62] : memref<640x64xf32, #tpu.memory_space<hbm>> -> memref<128x64xf32, #tpu.memory_space<hbm>>
    %dma_wait3A_64 = arith.constant 0 : i32
    %dma_wait3A_65 = arith.constant 0 : i32
    %dma_wait3A_66 = tpu.memref_slice %arg8[%dma_wait3A_64, %dma_wait3A_65] : memref<512x64xf32, #tpu.memory_space<vmem>> -> memref<128x64xf32, #tpu.memory_space<vmem>>
    %dma_wait3A_67 = arith.constant 0 : i32
    %dma_wait3A_68 = arith.constant 0 : i32
    %dma_wait3A_69 = tpu.memref_slice %arg5[%dma_wait3A_67, %dma_wait3A_68] : memref<640x64xf32, #tpu.memory_space<hbm>> -> memref<128x64xf32, #tpu.memory_space<hbm>>
    tpu.wait_dma2 semaphore(%arg20 : memref<!tpu.dma_semaphore, #tpu.memory_space<semaphore_mem>>) src(%dma_wait3A_69 : memref<128x64xf32, #tpu.memory_space<hbm>>) dst(%dma_wait3A_66 : memref<128x64xf32, #tpu.memory_space<vmem>>)
    %rem3A = arith.constant 9 : i32
    %rem3A_70 = arith.constant 2 : i32
    %rem3A_71 = arith.remsi %rem3A, %rem3A_70 : i32
    %rem3A_72 = arith.constant 158 : i32
    %rem3A_73 = arith.constant 16 : i32
    %rem3A_74 = arith.remsi %rem3A_72, %rem3A_73 : i32
    %dma_start3A = arith.constant 256 : i32
    %dma_start3A_75 = arith.constant 0 : i32
    %dma_start3A_76 = tpu.memref_slice %arg8[%dma_start3A, %dma_start3A_75] : memref<512x64xf32, #tpu.memory_space<vmem>> -> memref<128x64xf32, #tpu.memory_space<vmem>>
    %dma_start3A_77 = arith.constant 0 : i32
    %dma_start3A_78 = tpu.memref_slice %arg10[%rem3A_71, %rem3A_74, %dma_start3A_77] : memref<2x16x128xi32, #tpu.memory_space<vmem>> -> memref<1x1x128xi32, #tpu.memory_space<vmem>>
    %dma_start3A_79 = tpu.memref_squeeze %dma_start3A_78 : memref<1x1x128xi32, #tpu.memory_space<vmem>> -> memref<128xi32, #tpu.memory_space<vmem>>
    %dma_start3A_80 = arith.constant 0 : i32
    %dma_start3A_81 = arith.constant 0 : i32
    %dma_start3A_82 = tpu.memref_slice %arg14[%dma_start3A_80, %dma_start3A_81] : memref<10240x64xf32, #tpu.memory_space<vmem_shared>> -> memref<10240x64xf32, #tpu.memory_space<vmem_shared>>
    tpu.enqueue_indirect_dma source(%dma_start3A_76 : memref<128x64xf32, #tpu.memory_space<vmem>>) target(%dma_start3A_82 : memref<10240x64xf32, #tpu.memory_space<vmem_shared>>) offsets(%dma_start3A_79 : memref<128xi32, #tpu.memory_space<vmem>>) semaphore(%arg24 : memref<!tpu.dma_semaphore, #tpu.memory_space<semaphore_mem>>) {add = true}
    %dma_start3A_83 = arith.constant 0 : i32
    %dma_start3A_84 = tpu.memref_slice %arg10[%rem3A_71, %rem3A_74, %dma_start3A_83] : memref<2x16x128xi32, #tpu.memory_space<vmem>> -> memref<1x1x128xi32, #tpu.memory_space<vmem>>
    %dma_start3A_85 = tpu.memref_squeeze %dma_start3A_84 : memref<1x1x128xi32, #tpu.memory_space<vmem>> -> memref<128xi32, #tpu.memory_space<vmem>>
    %dma_start3A_86 = arith.constant 0 : i32
    %dma_start3A_87 = tpu.memref_slice %arg16[%dma_start3A_86] : memref<10240xf32, #tpu.memory_space<vmem_shared>> -> memref<10240xf32, #tpu.memory_space<vmem_shared>>
    tpu.enqueue_indirect_dma source(%arg11 : memref<128xf32, #tpu.memory_space<vmem>>) target(%dma_start3A_87 : memref<10240xf32, #tpu.memory_space<vmem_shared>>) offsets(%dma_start3A_85 : memref<128xi32, #tpu.memory_space<vmem>>) semaphore(%arg24 : memref<!tpu.dma_semaphore, #tpu.memory_space<semaphore_mem>>) {add = true}
    %dma_wait3A_88 = arith.constant 0 : i32
    %dma_wait3A_89 = arith.constant 0 : i32
    %dma_wait3A_90 = tpu.memref_slice %arg8[%dma_wait3A_88, %dma_wait3A_89] : memref<512x64xf32, #tpu.memory_space<vmem>> -> memref<128x64xf32, #tpu.memory_space<vmem>>
    %dma_wait3A_91 = arith.constant 0 : i32
    %dma_wait3A_92 = arith.constant 0 : i32
    %dma_wait3A_93 = tpu.memref_slice %arg5[%dma_wait3A_91, %dma_wait3A_92] : memref<640x64xf32, #tpu.memory_space<hbm>> -> memref<128x64xf32, #tpu.memory_space<hbm>>
    %dma_wait3A_94 = arith.constant 0 : i32
    %dma_wait3A_95 = arith.constant 0 : i32
    %dma_wait3A_96 = tpu.memref_slice %arg8[%dma_wait3A_94, %dma_wait3A_95] : memref<512x64xf32, #tpu.memory_space<vmem>> -> memref<128x64xf32, #tpu.memory_space<vmem>>
    %dma_wait3A_97 = arith.constant 0 : i32
    %dma_wait3A_98 = arith.constant 0 : i32
    %dma_wait3A_99 = tpu.memref_slice %arg5[%dma_wait3A_97, %dma_wait3A_98] : memref<640x64xf32, #tpu.memory_space<hbm>> -> memref<128x64xf32, #tpu.memory_space<hbm>>
    tpu.wait_dma2 semaphore(%arg21 : memref<!tpu.dma_semaphore, #tpu.memory_space<semaphore_mem>>) src(%dma_wait3A_99 : memref<128x64xf32, #tpu.memory_space<hbm>>) dst(%dma_wait3A_96 : memref<128x64xf32, #tpu.memory_space<vmem>>)
    %rem3A_100 = arith.constant 9 : i32
    %rem3A_101 = arith.constant 2 : i32
    %rem3A_102 = arith.remsi %rem3A_100, %rem3A_101 : i32
    %rem3A_103 = arith.constant 159 : i32
    %rem3A_104 = arith.constant 16 : i32
    %rem3A_105 = arith.remsi %rem3A_103, %rem3A_104 : i32
    %dma_start3A_106 = arith.constant 384 : i32
    %dma_start3A_107 = arith.constant 0 : i32
    %dma_start3A_108 = tpu.memref_slice %arg8[%dma_start3A_106, %dma_start3A_107] : memref<512x64xf32, #tpu.memory_space<vmem>> -> memref<128x64xf32, #tpu.memory_space<vmem>>
    %dma_start3A_109 = arith.constant 0 : i32
    %dma_start3A_110 = tpu.memref_slice %arg10[%rem3A_102, %rem3A_105, %dma_start3A_109] : memref<2x16x128xi32, #tpu.memory_space<vmem>> -> memref<1x1x128xi32, #tpu.memory_space<vmem>>
    %dma_start3A_111 = tpu.memref_squeeze %dma_start3A_110 : memref<1x1x128xi32, #tpu.memory_space<vmem>> -> memref<128xi32, #tpu.memory_space<vmem>>
    %dma_start3A_112 = arith.constant 0 : i32
    %dma_start3A_113 = arith.constant 0 : i32
    %dma_start3A_114 = tpu.memref_slice %arg14[%dma_start3A_112, %dma_start3A_113] : memref<10240x64xf32, #tpu.memory_space<vmem_shared>> -> memref<10240x64xf32, #tpu.memory_space<vmem_shared>>
    tpu.enqueue_indirect_dma source(%dma_start3A_108 : memref<128x64xf32, #tpu.memory_space<vmem>>) target(%dma_start3A_114 : memref<10240x64xf32, #tpu.memory_space<vmem_shared>>) offsets(%dma_start3A_111 : memref<128xi32, #tpu.memory_space<vmem>>) semaphore(%arg25 : memref<!tpu.dma_semaphore, #tpu.memory_space<semaphore_mem>>) {add = true}
    %dma_start3A_115 = arith.constant 0 : i32
    %dma_start3A_116 = tpu.memref_slice %arg10[%rem3A_102, %rem3A_105, %dma_start3A_115] : memref<2x16x128xi32, #tpu.memory_space<vmem>> -> memref<1x1x128xi32, #tpu.memory_space<vmem>>
    %dma_start3A_117 = tpu.memref_squeeze %dma_start3A_116 : memref<1x1x128xi32, #tpu.memory_space<vmem>> -> memref<128xi32, #tpu.memory_space<vmem>>
    %dma_start3A_118 = arith.constant 0 : i32
    %dma_start3A_119 = tpu.memref_slice %arg16[%dma_start3A_118] : memref<10240xf32, #tpu.memory_space<vmem_shared>> -> memref<10240xf32, #tpu.memory_space<vmem_shared>>
    tpu.enqueue_indirect_dma source(%arg11 : memref<128xf32, #tpu.memory_space<vmem>>) target(%dma_start3A_119 : memref<10240xf32, #tpu.memory_space<vmem_shared>>) offsets(%dma_start3A_117 : memref<128xi32, #tpu.memory_space<vmem>>) semaphore(%arg25 : memref<!tpu.dma_semaphore, #tpu.memory_space<semaphore_mem>>) {add = true}
    %dma_wait3A_120 = arith.constant 0 : i32
    %dma_wait3A_121 = arith.constant 0 : i32
    %dma_wait3A_122 = tpu.memref_slice %arg8[%dma_wait3A_120, %dma_wait3A_121] : memref<512x64xf32, #tpu.memory_space<vmem>> -> memref<128x64xf32, #tpu.memory_space<vmem>>
    %dma_wait3A_123 = arith.constant 0 : i32
    %dma_wait3A_124 = arith.constant 0 : i32
    %dma_wait3A_125 = tpu.memref_slice %arg5[%dma_wait3A_123, %dma_wait3A_124] : memref<640x64xf32, #tpu.memory_space<hbm>> -> memref<128x64xf32, #tpu.memory_space<hbm>>
    %dma_wait3A_126 = arith.constant 0 : i32
    %dma_wait3A_127 = arith.constant 0 : i32
    %dma_wait3A_128 = tpu.memref_slice %arg8[%dma_wait3A_126, %dma_wait3A_127] : memref<512x64xf32, #tpu.memory_space<vmem>> -> memref<128x64xf32, #tpu.memory_space<vmem>>
    %dma_wait3A_129 = arith.constant 0 : i32
    %dma_wait3A_130 = arith.constant 0 : i32
    %dma_wait3A_131 = tpu.memref_slice %arg5[%dma_wait3A_129, %dma_wait3A_130] : memref<640x64xf32, #tpu.memory_space<hbm>> -> memref<128x64xf32, #tpu.memory_space<hbm>>
    tpu.wait_dma2 semaphore(%arg22 : memref<!tpu.dma_semaphore, #tpu.memory_space<semaphore_mem>>) src(%dma_wait3A_131 : memref<128x64xf32, #tpu.memory_space<hbm>>) dst(%dma_wait3A_128 : memref<128x64xf32, #tpu.memory_space<vmem>>)
    %dma_wait3A_132 = arith.constant 0 : i32
    %dma_wait3A_133 = tpu.memref_slice %arg6[%dma_wait3A_132] : memref<640xf32, #tpu.memory_space<hbm>> -> memref<128xf32, #tpu.memory_space<hbm>>
    %dma_wait3A_134 = arith.constant 0 : i32
    %dma_wait3A_135 = tpu.memref_slice %arg6[%dma_wait3A_134] : memref<640xf32, #tpu.memory_space<hbm>> -> memref<128xf32, #tpu.memory_space<hbm>>
    tpu.wait_dma2 semaphore(%arg22 : memref<!tpu.dma_semaphore, #tpu.memory_space<semaphore_mem>>) src(%dma_wait3A_135 : memref<128xf32, #tpu.memory_space<hbm>>) dst(%arg11 : memref<128xf32, #tpu.memory_space<vmem>>)
    %dma_wait3A_136 = arith.constant 0 : i32
    %dma_wait3A_137 = arith.constant 0 : i32
    %dma_wait3A_138 = tpu.memref_slice %arg8[%dma_wait3A_136, %dma_wait3A_137] : memref<512x64xf32, #tpu.memory_space<vmem>> -> memref<128x64xf32, #tpu.memory_space<vmem>>
    %dma_wait3A_139 = arith.constant 0 : i32
    %dma_wait3A_140 = arith.constant 0 : i32
    %dma_wait3A_141 = tpu.memref_slice %arg5[%dma_wait3A_139, %dma_wait3A_140] : memref<640x64xf32, #tpu.memory_space<hbm>> -> memref<128x64xf32, #tpu.memory_space<hbm>>
    %dma_wait3A_142 = arith.constant 0 : i32
    %dma_wait3A_143 = arith.constant 0 : i32
    %dma_wait3A_144 = tpu.memref_slice %arg8[%dma_wait3A_142, %dma_wait3A_143] : memref<512x64xf32, #tpu.memory_space<vmem>> -> memref<128x64xf32, #tpu.memory_space<vmem>>
    %dma_wait3A_145 = arith.constant 0 : i32
    %dma_wait3A_146 = arith.constant 0 : i32
    %dma_wait3A_147 = tpu.memref_slice %arg5[%dma_wait3A_145, %dma_wait3A_146] : memref<640x64xf32, #tpu.memory_space<hbm>> -> memref<128x64xf32, #tpu.memory_space<hbm>>
    tpu.wait_dma2 semaphore(%arg23 : memref<!tpu.dma_semaphore, #tpu.memory_space<semaphore_mem>>) src(%dma_wait3A_147 : memref<128x64xf32, #tpu.memory_space<hbm>>) dst(%dma_wait3A_144 : memref<128x64xf32, #tpu.memory_space<vmem>>)
    %dma_wait3A_148 = arith.constant 0 : i32
    %dma_wait3A_149 = tpu.memref_slice %arg6[%dma_wait3A_148] : memref<640xf32, #tpu.memory_space<hbm>> -> memref<128xf32, #tpu.memory_space<hbm>>
    %dma_wait3A_150 = arith.constant 0 : i32
    %dma_wait3A_151 = tpu.memref_slice %arg6[%dma_wait3A_150] : memref<640xf32, #tpu.memory_space<hbm>> -> memref<128xf32, #tpu.memory_space<hbm>>
    tpu.wait_dma2 semaphore(%arg23 : memref<!tpu.dma_semaphore, #tpu.memory_space<semaphore_mem>>) src(%dma_wait3A_151 : memref<128xf32, #tpu.memory_space<hbm>>) dst(%arg11 : memref<128xf32, #tpu.memory_space<vmem>>)
    %dma_wait3A_152 = arith.constant 0 : i32
    %dma_wait3A_153 = arith.constant 0 : i32
    %dma_wait3A_154 = tpu.memref_slice %arg8[%dma_wait3A_152, %dma_wait3A_153] : memref<512x64xf32, #tpu.memory_space<vmem>> -> memref<128x64xf32, #tpu.memory_space<vmem>>
    %dma_wait3A_155 = arith.constant 0 : i32
    %dma_wait3A_156 = arith.constant 0 : i32
    %dma_wait3A_157 = tpu.memref_slice %arg5[%dma_wait3A_155, %dma_wait3A_156] : memref<640x64xf32, #tpu.memory_space<hbm>> -> memref<128x64xf32, #tpu.memory_space<hbm>>
    %dma_wait3A_158 = arith.constant 0 : i32
    %dma_wait3A_159 = arith.constant 0 : i32
    %dma_wait3A_160 = tpu.memref_slice %arg8[%dma_wait3A_158, %dma_wait3A_159] : memref<512x64xf32, #tpu.memory_space<vmem>> -> memref<128x64xf32, #tpu.memory_space<vmem>>
    %dma_wait3A_161 = arith.constant 0 : i32
    %dma_wait3A_162 = arith.constant 0 : i32
    %dma_wait3A_163 = tpu.memref_slice %arg5[%dma_wait3A_161, %dma_wait3A_162] : memref<640x64xf32, #tpu.memory_space<hbm>> -> memref<128x64xf32, #tpu.memory_space<hbm>>
    tpu.wait_dma2 semaphore(%arg24 : memref<!tpu.dma_semaphore, #tpu.memory_space<semaphore_mem>>) src(%dma_wait3A_163 : memref<128x64xf32, #tpu.memory_space<hbm>>) dst(%dma_wait3A_160 : memref<128x64xf32, #tpu.memory_space<vmem>>)
    %dma_wait3A_164 = arith.constant 0 : i32
    %dma_wait3A_165 = tpu.memref_slice %arg6[%dma_wait3A_164] : memref<640xf32, #tpu.memory_space<hbm>> -> memref<128xf32, #tpu.memory_space<hbm>>
    %dma_wait3A_166 = arith.constant 0 : i32
    %dma_wait3A_167 = tpu.memref_slice %arg6[%dma_wait3A_166] : memref<640xf32, #tpu.memory_space<hbm>> -> memref<128xf32, #tpu.memory_space<hbm>>
    tpu.wait_dma2 semaphore(%arg24 : memref<!tpu.dma_semaphore, #tpu.memory_space<semaphore_mem>>) src(%dma_wait3A_167 : memref<128xf32, #tpu.memory_space<hbm>>) dst(%arg11 : memref<128xf32, #tpu.memory_space<vmem>>)
    %dma_wait3A_168 = arith.constant 0 : i32
    %dma_wait3A_169 = arith.constant 0 : i32
    %dma_wait3A_170 = tpu.memref_slice %arg8[%dma_wait3A_168, %dma_wait3A_169] : memref<512x64xf32, #tpu.memory_space<vmem>> -> memref<128x64xf32, #tpu.memory_space<vmem>>
    %dma_wait3A_171 = arith.constant 0 : i32
    %dma_wait3A_172 = arith.constant 0 : i32
    %dma_wait3A_173 = tpu.memref_slice %arg5[%dma_wait3A_171, %dma_wait3A_172] : memref<640x64xf32, #tpu.memory_space<hbm>> -> memref<128x64xf32, #tpu.memory_space<hbm>>
    %dma_wait3A_174 = arith.constant 0 : i32
    %dma_wait3A_175 = arith.constant 0 : i32
    %dma_wait3A_176 = tpu.memref_slice %arg8[%dma_wait3A_174, %dma_wait3A_175] : memref<512x64xf32, #tpu.memory_space<vmem>> -> memref<128x64xf32, #tpu.memory_space<vmem>>
    %dma_wait3A_177 = arith.constant 0 : i32
    %dma_wait3A_178 = arith.constant 0 : i32
    %dma_wait3A_179 = tpu.memref_slice %arg5[%dma_wait3A_177, %dma_wait3A_178] : memref<640x64xf32, #tpu.memory_space<hbm>> -> memref<128x64xf32, #tpu.memory_space<hbm>>
    tpu.wait_dma2 semaphore(%arg25 : memref<!tpu.dma_semaphore, #tpu.memory_space<semaphore_mem>>) src(%dma_wait3A_179 : memref<128x64xf32, #tpu.memory_space<hbm>>) dst(%dma_wait3A_176 : memref<128x64xf32, #tpu.memory_space<vmem>>)
    %dma_wait3A_180 = arith.constant 0 : i32
    %dma_wait3A_181 = tpu.memref_slice %arg6[%dma_wait3A_180] : memref<640xf32, #tpu.memory_space<hbm>> -> memref<128xf32, #tpu.memory_space<hbm>>
    %dma_wait3A_182 = arith.constant 0 : i32
    %dma_wait3A_183 = tpu.memref_slice %arg6[%dma_wait3A_182] : memref<640xf32, #tpu.memory_space<hbm>> -> memref<128xf32, #tpu.memory_space<hbm>>
    tpu.wait_dma2 semaphore(%arg25 : memref<!tpu.dma_semaphore, #tpu.memory_space<semaphore_mem>>) src(%dma_wait3A_183 : memref<128xf32, #tpu.memory_space<hbm>>) dst(%arg11 : memref<128xf32, #tpu.memory_space<vmem>>)
    %barrier3A_184 = arith.constant 0 : index
    tpu.barrier barrier_id(%barrier3A_184)
    "tpu.region"() ({
      %run_scoped3A_1654 = tpu.sem_alloc : memref<!tpu.dma_semaphore, #tpu.memory_space<semaphore_mem>>
      %dma_start3A_1655 = tpu.memref_slice %arg16[%mul3A_0] : memref<10240xf32, #tpu.memory_space<vmem_shared>> -> memref<640xf32, #tpu.memory_space<vmem_shared>>
      %dma_start3A_1656 = tpu.memref_slice %arg16[%mul3A_0] : memref<10240xf32, #tpu.memory_space<vmem_shared>> -> memref<640xf32, #tpu.memory_space<vmem_shared>>
      tpu.enqueue_dma source(%dma_start3A_1656 : memref<640xf32, #tpu.memory_space<vmem_shared>>) target(%arg12 : memref<640xf32, #tpu.memory_space<vmem>>) target_semaphore(%run_scoped3A_1654 : memref<!tpu.dma_semaphore, #tpu.memory_space<semaphore_mem>>)
      %dma_wait3A_1657 = tpu.memref_slice %arg16[%mul3A_0] : memref<10240xf32, #tpu.memory_space<vmem_shared>> -> memref<640xf32, #tpu.memory_space<vmem_shared>>
      %dma_wait3A_1658 = tpu.memref_slice %arg16[%mul3A_0] : memref<10240xf32, #tpu.memory_space<vmem_shared>> -> memref<640xf32, #tpu.memory_space<vmem_shared>>
      tpu.wait_dma2 semaphore(%run_scoped3A_1654 : memref<!tpu.dma_semaphore, #tpu.memory_space<semaphore_mem>>) src(%dma_wait3A_1658 : memref<640xf32, #tpu.memory_space<vmem_shared>>) dst(%arg12 : memref<640xf32, #tpu.memory_space<vmem>>)
      tpu.yield
    }) : () -> ()
    %get3A = arith.constant 0 : index
    %get3A_185 = tpu.vector_load %arg12[%get3A] {strides = array<i32>} : memref<640xf32, #tpu.memory_space<vmem>>, vector<16xf32>,
    %get3A_186 = vector.shape_cast %get3A_185 : vector<16xf32> to vector<16xf32>
    %gt3A = arith.constant 0.000000e+00 : f32
    %gt3A_187 = vector.broadcast %gt3A : f32 to vector<16xf32>
    %gt3A_188 = arith.cmpf ogt, %get3A_186, %gt3A_187 : vector<16xf32>
    %div3A = arith.constant 1.000000e+00 : f32
    %div3A_189 = vector.broadcast %div3A : f32 to vector<16xf32>
    %div3A_190 = arith.divf %div3A_189, %get3A_186 : vector<16xf32>
    %jit3A = arith.constant 0.000000e+00 : f32
    %broadcast_in_dim3A_191 = vector.broadcast %jit3A : f32 to vector<16xf32>
    %select_n3A = arith.select %gt3A_188, %div3A_190, %broadcast_in_dim3A_191 : vector<16xi1>, vector<16xf32>
    %swap3A_192 = arith.constant 0 : index
    %swap3A_193 = tpu.vector_load %arg13[%swap3A_192] {strides = array<i32>} : memref<656xf32, #tpu.memory_space<vmem>>, vector<16xf32>,
    %swap3A_194 = vector.shape_cast %swap3A_193 : vector<16xf32> to vector<16xf32>
    %swap3A_195 = vector.shape_cast %select_n3A : vector<16xf32> to vector<16xf32>
    tpu.vector_store %arg13[%swap3A_192], %swap3A_195 {strides = array<i32>} : memref<656xf32, #tpu.memory_space<vmem>>, vector<16xf32>,
    %get3A_196 = arith.constant 16 : index
    %get3A_197 = tpu.vector_load %arg12[%get3A_196] {strides = array<i32>} : memref<640xf32, #tpu.memory_space<vmem>>, vector<16xf32>,
    %get3A_198 = vector.shape_cast %get3A_197 : vector<16xf32> to vector<16xf32>
    %gt3A_199 = arith.constant 0.000000e+00 : f32
    %gt3A_200 = vector.broadcast %gt3A_199 : f32 to vector<16xf32>
    %gt3A_201 = arith.cmpf ogt, %get3A_198, %gt3A_200 : vector<16xf32>
    %div3A_202 = arith.constant 1.000000e+00 : f32
    %div3A_203 = vector.broadcast %div3A_202 : f32 to vector<16xf32>
    %div3A_204 = arith.divf %div3A_203, %get3A_198 : vector<16xf32>
    %jit3A_205 = arith.constant 0.000000e+00 : f32
    %broadcast_in_dim3A_206 = vector.broadcast %jit3A_205 : f32 to vector<16xf32>
    %select_n3A_207 = arith.select %gt3A_201, %div3A_204, %broadcast_in_dim3A_206 : vector<16xi1>, vector<16xf32>
    %swap3A_208 = arith.constant 16 : index
    %swap3A_209 = tpu.vector_load %arg13[%swap3A_208] {strides = array<i32>} : memref<656xf32, #tpu.memory_space<vmem>>, vector<16xf32>,
    %swap3A_210 = vector.shape_cast %swap3A_209 : vector<16xf32> to vector<16xf32>
    %swap3A_211 = vector.shape_cast %select_n3A_207 : vector<16xf32> to vector<16xf32>
    tpu.vector_store %arg13[%swap3A_208], %swap3A_211 {strides = array<i32>} : memref<656xf32, #tpu.memory_space<vmem>>, vector<16xf32>,
    %get3A_212 = arith.constant 32 : index
    %get3A_213 = tpu.vector_load %arg12[%get3A_212] {strides = array<i32>} : memref<640xf32, #tpu.memory_space<vmem>>, vector<16xf32>,
    %get3A_214 = vector.shape_cast %get3A_213 : vector<16xf32> to vector<16xf32>
    %gt3A_215 = arith.constant 0.000000e+00 : f32
    %gt3A_216 = vector.broadcast %gt3A_215 : f32 to vector<16xf32>
    %gt3A_217 = arith.cmpf ogt, %get3A_214, %gt3A_216 : vector<16xf32>
    %div3A_218 = arith.constant 1.000000e+00 : f32
    %div3A_219 = vector.broadcast %div3A_218 : f32 to vector<16xf32>
    %div3A_220 = arith.divf %div3A_219, %get3A_214 : vector<16xf32>
    %jit3A_221 = arith.constant 0.000000e+00 : f32
    %broadcast_in_dim3A_222 = vector.broadcast %jit3A_221 : f32 to vector<16xf32>
    %select_n3A_223 = arith.select %gt3A_217, %div3A_220, %broadcast_in_dim3A_222 : vector<16xi1>, vector<16xf32>
    %swap3A_224 = arith.constant 32 : index
    %swap3A_225 = tpu.vector_load %arg13[%swap3A_224] {strides = array<i32>} : memref<656xf32, #tpu.memory_space<vmem>>, vector<16xf32>,
    %swap3A_226 = vector.shape_cast %swap3A_225 : vector<16xf32> to vector<16xf32>
    %swap3A_227 = vector.shape_cast %select_n3A_223 : vector<16xf32> to vector<16xf32>
    tpu.vector_store %arg13[%swap3A_224], %swap3A_227 {strides = array<i32>} : memref<656xf32, #tpu.memory_space<vmem>>, vector<16xf32>,
    %get3A_228 = arith.constant 48 : index
    %get3A_229 = tpu.vector_load %arg12[%get3A_228] {strides = array<i32>} : memref<640xf32, #tpu.memory_space<vmem>>, vector<16xf32>,
    %get3A_230 = vector.shape_cast %get3A_229 : vector<16xf32> to vector<16xf32>
    %gt3A_231 = arith.constant 0.000000e+00 : f32
    %gt3A_232 = vector.broadcast %gt3A_231 : f32 to vector<16xf32>
    %gt3A_233 = arith.cmpf ogt, %get3A_230, %gt3A_232 : vector<16xf32>
    %div3A_234 = arith.constant 1.000000e+00 : f32
    %div3A_235 = vector.broadcast %div3A_234 : f32 to vector<16xf32>
    %div3A_236 = arith.divf %div3A_235, %get3A_230 : vector<16xf32>
    %jit3A_237 = arith.constant 0.000000e+00 : f32
    %broadcast_in_dim3A_238 = vector.broadcast %jit3A_237 : f32 to vector<16xf32>
    %select_n3A_239 = arith.select %gt3A_233, %div3A_236, %broadcast_in_dim3A_238 : vector<16xi1>, vector<16xf32>
    %swap3A_240 = arith.constant 48 : index
    %swap3A_241 = tpu.vector_load %arg13[%swap3A_240] {strides = array<i32>} : memref<656xf32, #tpu.memory_space<vmem>>, vector<16xf32>,
    %swap3A_242 = vector.shape_cast %swap3A_241 : vector<16xf32> to vector<16xf32>
    %swap3A_243 = vector.shape_cast %select_n3A_239 : vector<16xf32> to vector<16xf32>
    tpu.vector_store %arg13[%swap3A_240], %swap3A_243 {strides = array<i32>} : memref<656xf32, #tpu.memory_space<vmem>>, vector<16xf32>,
    %get3A_244 = arith.constant 64 : index
    %get3A_245 = tpu.vector_load %arg12[%get3A_244] {strides = array<i32>} : memref<640xf32, #tpu.memory_space<vmem>>, vector<16xf32>,
    %get3A_246 = vector.shape_cast %get3A_245 : vector<16xf32> to vector<16xf32>
    %gt3A_247 = arith.constant 0.000000e+00 : f32
    %gt3A_248 = vector.broadcast %gt3A_247 : f32 to vector<16xf32>
    %gt3A_249 = arith.cmpf ogt, %get3A_246, %gt3A_248 : vector<16xf32>
    %div3A_250 = arith.constant 1.000000e+00 : f32
    %div3A_251 = vector.broadcast %div3A_250 : f32 to vector<16xf32>
    %div3A_252 = arith.divf %div3A_251, %get3A_246 : vector<16xf32>
    %jit3A_253 = arith.constant 0.000000e+00 : f32
    %broadcast_in_dim3A_254 = vector.broadcast %jit3A_253 : f32 to vector<16xf32>
    %select_n3A_255 = arith.select %gt3A_249, %div3A_252, %broadcast_in_dim3A_254 : vector<16xi1>, vector<16xf32>
    %swap3A_256 = arith.constant 64 : index
    %swap3A_257 = tpu.vector_load %arg13[%swap3A_256] {strides = array<i32>} : memref<656xf32, #tpu.memory_space<vmem>>, vector<16xf32>,
    %swap3A_258 = vector.shape_cast %swap3A_257 : vector<16xf32> to vector<16xf32>
    %swap3A_259 = vector.shape_cast %select_n3A_255 : vector<16xf32> to vector<16xf32>
    tpu.vector_store %arg13[%swap3A_256], %swap3A_259 {strides = array<i32>} : memref<656xf32, #tpu.memory_space<vmem>>, vector<16xf32>,
    %get3A_260 = arith.constant 80 : index
    %get3A_261 = tpu.vector_load %arg12[%get3A_260] {strides = array<i32>} : memref<640xf32, #tpu.memory_space<vmem>>, vector<16xf32>,
    %get3A_262 = vector.shape_cast %get3A_261 : vector<16xf32> to vector<16xf32>
    %gt3A_263 = arith.constant 0.000000e+00 : f32
    %gt3A_264 = vector.broadcast %gt3A_263 : f32 to vector<16xf32>
    %gt3A_265 = arith.cmpf ogt, %get3A_262, %gt3A_264 : vector<16xf32>
    %div3A_266 = arith.constant 1.000000e+00 : f32
    %div3A_267 = vector.broadcast %div3A_266 : f32 to vector<16xf32>
    %div3A_268 = arith.divf %div3A_267, %get3A_262 : vector<16xf32>
    %jit3A_269 = arith.constant 0.000000e+00 : f32
    %broadcast_in_dim3A_270 = vector.broadcast %jit3A_269 : f32 to vector<16xf32>
    %select_n3A_271 = arith.select %gt3A_265, %div3A_268, %broadcast_in_dim3A_270 : vector<16xi1>, vector<16xf32>
    %swap3A_272 = arith.constant 80 : index
    %swap3A_273 = tpu.vector_load %arg13[%swap3A_272] {strides = array<i32>} : memref<656xf32, #tpu.memory_space<vmem>>, vector<16xf32>,
    %swap3A_274 = vector.shape_cast %swap3A_273 : vector<16xf32> to vector<16xf32>
    %swap3A_275 = vector.shape_cast %select_n3A_271 : vector<16xf32> to vector<16xf32>
    tpu.vector_store %arg13[%swap3A_272], %swap3A_275 {strides = array<i32>} : memref<656xf32, #tpu.memory_space<vmem>>, vector<16xf32>,
    %get3A_276 = arith.constant 96 : index
    %get3A_277 = tpu.vector_load %arg12[%get3A_276] {strides = array<i32>} : memref<640xf32, #tpu.memory_space<vmem>>, vector<16xf32>,
    %get3A_278 = vector.shape_cast %get3A_277 : vector<16xf32> to vector<16xf32>
    %gt3A_279 = arith.constant 0.000000e+00 : f32
    %gt3A_280 = vector.broadcast %gt3A_279 : f32 to vector<16xf32>
    %gt3A_281 = arith.cmpf ogt, %get3A_278, %gt3A_280 : vector<16xf32>
    %div3A_282 = arith.constant 1.000000e+00 : f32
    %div3A_283 = vector.broadcast %div3A_282 : f32 to vector<16xf32>
    %div3A_284 = arith.divf %div3A_283, %get3A_278 : vector<16xf32>
    %jit3A_285 = arith.constant 0.000000e+00 : f32
    %broadcast_in_dim3A_286 = vector.broadcast %jit3A_285 : f32 to vector<16xf32>
    %select_n3A_287 = arith.select %gt3A_281, %div3A_284, %broadcast_in_dim3A_286 : vector<16xi1>, vector<16xf32>
    %swap3A_288 = arith.constant 96 : index
    %swap3A_289 = tpu.vector_load %arg13[%swap3A_288] {strides = array<i32>} : memref<656xf32, #tpu.memory_space<vmem>>, vector<16xf32>,
    %swap3A_290 = vector.shape_cast %swap3A_289 : vector<16xf32> to vector<16xf32>
    %swap3A_291 = vector.shape_cast %select_n3A_287 : vector<16xf32> to vector<16xf32>
    tpu.vector_store %arg13[%swap3A_288], %swap3A_291 {strides = array<i32>} : memref<656xf32, #tpu.memory_space<vmem>>, vector<16xf32>,
    %get3A_292 = arith.constant 112 : index
    %get3A_293 = tpu.vector_load %arg12[%get3A_292] {strides = array<i32>} : memref<640xf32, #tpu.memory_space<vmem>>, vector<16xf32>,
    %get3A_294 = vector.shape_cast %get3A_293 : vector<16xf32> to vector<16xf32>
    %gt3A_295 = arith.constant 0.000000e+00 : f32
    %gt3A_296 = vector.broadcast %gt3A_295 : f32 to vector<16xf32>
    %gt3A_297 = arith.cmpf ogt, %get3A_294, %gt3A_296 : vector<16xf32>
    %div3A_298 = arith.constant 1.000000e+00 : f32
    %div3A_299 = vector.broadcast %div3A_298 : f32 to vector<16xf32>
    %div3A_300 = arith.divf %div3A_299, %get3A_294 : vector<16xf32>
    %jit3A_301 = arith.constant 0.000000e+00 : f32
    %broadcast_in_dim3A_302 = vector.broadcast %jit3A_301 : f32 to vector<16xf32>
    %select_n3A_303 = arith.select %gt3A_297, %div3A_300, %broadcast_in_dim3A_302 : vector<16xi1>, vector<16xf32>
    %swap3A_304 = arith.constant 112 : index
    %swap3A_305 = tpu.vector_load %arg13[%swap3A_304] {strides = array<i32>} : memref<656xf32, #tpu.memory_space<vmem>>, vector<16xf32>,
    %swap3A_306 = vector.shape_cast %swap3A_305 : vector<16xf32> to vector<16xf32>
    %swap3A_307 = vector.shape_cast %select_n3A_303 : vector<16xf32> to vector<16xf32>
    tpu.vector_store %arg13[%swap3A_304], %swap3A_307 {strides = array<i32>} : memref<656xf32, #tpu.memory_space<vmem>>, vector<16xf32>,
    %get3A_308 = arith.constant 128 : index
    %get3A_309 = tpu.vector_load %arg12[%get3A_308] {strides = array<i32>} : memref<640xf32, #tpu.memory_space<vmem>>, vector<16xf32>,
    %get3A_310 = vector.shape_cast %get3A_309 : vector<16xf32> to vector<16xf32>
    %gt3A_311 = arith.constant 0.000000e+00 : f32
    %gt3A_312 = vector.broadcast %gt3A_311 : f32 to vector<16xf32>
    %gt3A_313 = arith.cmpf ogt, %get3A_310, %gt3A_312 : vector<16xf32>
    %div3A_314 = arith.constant 1.000000e+00 : f32
    %div3A_315 = vector.broadcast %div3A_314 : f32 to vector<16xf32>
    %div3A_316 = arith.divf %div3A_315, %get3A_310 : vector<16xf32>
    %jit3A_317 = arith.constant 0.000000e+00 : f32
    %broadcast_in_dim3A_318 = vector.broadcast %jit3A_317 : f32 to vector<16xf32>
    %select_n3A_319 = arith.select %gt3A_313, %div3A_316, %broadcast_in_dim3A_318 : vector<16xi1>, vector<16xf32>
    %swap3A_320 = arith.constant 128 : index
    %swap3A_321 = tpu.vector_load %arg13[%swap3A_320] {strides = array<i32>} : memref<656xf32, #tpu.memory_space<vmem>>, vector<16xf32>,
    %swap3A_322 = vector.shape_cast %swap3A_321 : vector<16xf32> to vector<16xf32>
    %swap3A_323 = vector.shape_cast %select_n3A_319 : vector<16xf32> to vector<16xf32>
    tpu.vector_store %arg13[%swap3A_320], %swap3A_323 {strides = array<i32>} : memref<656xf32, #tpu.memory_space<vmem>>, vector<16xf32>,
    %get3A_324 = arith.constant 144 : index
    %get3A_325 = tpu.vector_load %arg12[%get3A_324] {strides = array<i32>} : memref<640xf32, #tpu.memory_space<vmem>>, vector<16xf32>,
    %get3A_326 = vector.shape_cast %get3A_325 : vector<16xf32> to vector<16xf32>
    %gt3A_327 = arith.constant 0.000000e+00 : f32
    %gt3A_328 = vector.broadcast %gt3A_327 : f32 to vector<16xf32>
    %gt3A_329 = arith.cmpf ogt, %get3A_326, %gt3A_328 : vector<16xf32>
    %div3A_330 = arith.constant 1.000000e+00 : f32
    %div3A_331 = vector.broadcast %div3A_330 : f32 to vector<16xf32>
    %div3A_332 = arith.divf %div3A_331, %get3A_326 : vector<16xf32>
    %jit3A_333 = arith.constant 0.000000e+00 : f32
    %broadcast_in_dim3A_334 = vector.broadcast %jit3A_333 : f32 to vector<16xf32>
    %select_n3A_335 = arith.select %gt3A_329, %div3A_332, %broadcast_in_dim3A_334 : vector<16xi1>, vector<16xf32>
    %swap3A_336 = arith.constant 144 : index
    %swap3A_337 = tpu.vector_load %arg13[%swap3A_336] {strides = array<i32>} : memref<656xf32, #tpu.memory_space<vmem>>, vector<16xf32>,
    %swap3A_338 = vector.shape_cast %swap3A_337 : vector<16xf32> to vector<16xf32>
    %swap3A_339 = vector.shape_cast %select_n3A_335 : vector<16xf32> to vector<16xf32>
    tpu.vector_store %arg13[%swap3A_336], %swap3A_339 {strides = array<i32>} : memref<656xf32, #tpu.memory_space<vmem>>, vector<16xf32>,
    %get3A_340 = arith.constant 160 : index
    %get3A_341 = tpu.vector_load %arg12[%get3A_340] {strides = array<i32>} : memref<640xf32, #tpu.memory_space<vmem>>, vector<16xf32>,
    %get3A_342 = vector.shape_cast %get3A_341 : vector<16xf32> to vector<16xf32>
    %gt3A_343 = arith.constant 0.000000e+00 : f32
    %gt3A_344 = vector.broadcast %gt3A_343 : f32 to vector<16xf32>
    %gt3A_345 = arith.cmpf ogt, %get3A_342, %gt3A_344 : vector<16xf32>
    %div3A_346 = arith.constant 1.000000e+00 : f32
    %div3A_347 = vector.broadcast %div3A_346 : f32 to vector<16xf32>
    %div3A_348 = arith.divf %div3A_347, %get3A_342 : vector<16xf32>
    %jit3A_349 = arith.constant 0.000000e+00 : f32
    %broadcast_in_dim3A_350 = vector.broadcast %jit3A_349 : f32 to vector<16xf32>
    %select_n3A_351 = arith.select %gt3A_345, %div3A_348, %broadcast_in_dim3A_350 : vector<16xi1>, vector<16xf32>
    %swap3A_352 = arith.constant 160 : index
    %swap3A_353 = tpu.vector_load %arg13[%swap3A_352] {strides = array<i32>} : memref<656xf32, #tpu.memory_space<vmem>>, vector<16xf32>,
    %swap3A_354 = vector.shape_cast %swap3A_353 : vector<16xf32> to vector<16xf32>
    %swap3A_355 = vector.shape_cast %select_n3A_351 : vector<16xf32> to vector<16xf32>
    tpu.vector_store %arg13[%swap3A_352], %swap3A_355 {strides = array<i32>} : memref<656xf32, #tpu.memory_space<vmem>>, vector<16xf32>,
    %get3A_356 = arith.constant 176 : index
    %get3A_357 = tpu.vector_load %arg12[%get3A_356] {strides = array<i32>} : memref<640xf32, #tpu.memory_space<vmem>>, vector<16xf32>,
    %get3A_358 = vector.shape_cast %get3A_357 : vector<16xf32> to vector<16xf32>
    %gt3A_359 = arith.constant 0.000000e+00 : f32
    %gt3A_360 = vector.broadcast %gt3A_359 : f32 to vector<16xf32>
    %gt3A_361 = arith.cmpf ogt, %get3A_358, %gt3A_360 : vector<16xf32>
    %div3A_362 = arith.constant 1.000000e+00 : f32
    %div3A_363 = vector.broadcast %div3A_362 : f32 to vector<16xf32>
    %div3A_364 = arith.divf %div3A_363, %get3A_358 : vector<16xf32>
    %jit3A_365 = arith.constant 0.000000e+00 : f32
    %broadcast_in_dim3A_366 = vector.broadcast %jit3A_365 : f32 to vector<16xf32>
    %select_n3A_367 = arith.select %gt3A_361, %div3A_364, %broadcast_in_dim3A_366 : vector<16xi1>, vector<16xf32>
    %swap3A_368 = arith.constant 176 : index
    %swap3A_369 = tpu.vector_load %arg13[%swap3A_368] {strides = array<i32>} : memref<656xf32, #tpu.memory_space<vmem>>, vector<16xf32>,
    %swap3A_370 = vector.shape_cast %swap3A_369 : vector<16xf32> to vector<16xf32>
    %swap3A_371 = vector.shape_cast %select_n3A_367 : vector<16xf32> to vector<16xf32>
    tpu.vector_store %arg13[%swap3A_368], %swap3A_371 {strides = array<i32>} : memref<656xf32, #tpu.memory_space<vmem>>, vector<16xf32>,
    %get3A_372 = arith.constant 192 : index
    %get3A_373 = tpu.vector_load %arg12[%get3A_372] {strides = array<i32>} : memref<640xf32, #tpu.memory_space<vmem>>, vector<16xf32>,
    %get3A_374 = vector.shape_cast %get3A_373 : vector<16xf32> to vector<16xf32>
    %gt3A_375 = arith.constant 0.000000e+00 : f32
    %gt3A_376 = vector.broadcast %gt3A_375 : f32 to vector<16xf32>
    %gt3A_377 = arith.cmpf ogt, %get3A_374, %gt3A_376 : vector<16xf32>
    %div3A_378 = arith.constant 1.000000e+00 : f32
    %div3A_379 = vector.broadcast %div3A_378 : f32 to vector<16xf32>
    %div3A_380 = arith.divf %div3A_379, %get3A_374 : vector<16xf32>
    %jit3A_381 = arith.constant 0.000000e+00 : f32
    %broadcast_in_dim3A_382 = vector.broadcast %jit3A_381 : f32 to vector<16xf32>
    %select_n3A_383 = arith.select %gt3A_377, %div3A_380, %broadcast_in_dim3A_382 : vector<16xi1>, vector<16xf32>
    %swap3A_384 = arith.constant 192 : index
    %swap3A_385 = tpu.vector_load %arg13[%swap3A_384] {strides = array<i32>} : memref<656xf32, #tpu.memory_space<vmem>>, vector<16xf32>,
    %swap3A_386 = vector.shape_cast %swap3A_385 : vector<16xf32> to vector<16xf32>
    %swap3A_387 = vector.shape_cast %select_n3A_383 : vector<16xf32> to vector<16xf32>
    tpu.vector_store %arg13[%swap3A_384], %swap3A_387 {strides = array<i32>} : memref<656xf32, #tpu.memory_space<vmem>>, vector<16xf32>,
    %get3A_388 = arith.constant 208 : index
    %get3A_389 = tpu.vector_load %arg12[%get3A_388] {strides = array<i32>} : memref<640xf32, #tpu.memory_space<vmem>>, vector<16xf32>,
    %get3A_390 = vector.shape_cast %get3A_389 : vector<16xf32> to vector<16xf32>
    %gt3A_391 = arith.constant 0.000000e+00 : f32
    %gt3A_392 = vector.broadcast %gt3A_391 : f32 to vector<16xf32>
    %gt3A_393 = arith.cmpf ogt, %get3A_390, %gt3A_392 : vector<16xf32>
    %div3A_394 = arith.constant 1.000000e+00 : f32
    %div3A_395 = vector.broadcast %div3A_394 : f32 to vector<16xf32>
    %div3A_396 = arith.divf %div3A_395, %get3A_390 : vector<16xf32>
    %jit3A_397 = arith.constant 0.000000e+00 : f32
    %broadcast_in_dim3A_398 = vector.broadcast %jit3A_397 : f32 to vector<16xf32>
    %select_n3A_399 = arith.select %gt3A_393, %div3A_396, %broadcast_in_dim3A_398 : vector<16xi1>, vector<16xf32>
    %swap3A_400 = arith.constant 208 : index
    %swap3A_401 = tpu.vector_load %arg13[%swap3A_400] {strides = array<i32>} : memref<656xf32, #tpu.memory_space<vmem>>, vector<16xf32>,
    %swap3A_402 = vector.shape_cast %swap3A_401 : vector<16xf32> to vector<16xf32>
    %swap3A_403 = vector.shape_cast %select_n3A_399 : vector<16xf32> to vector<16xf32>
    tpu.vector_store %arg13[%swap3A_400], %swap3A_403 {strides = array<i32>} : memref<656xf32, #tpu.memory_space<vmem>>, vector<16xf32>,
    %get3A_404 = arith.constant 224 : index
    %get3A_405 = tpu.vector_load %arg12[%get3A_404] {strides = array<i32>} : memref<640xf32, #tpu.memory_space<vmem>>, vector<16xf32>,
    %get3A_406 = vector.shape_cast %get3A_405 : vector<16xf32> to vector<16xf32>
    %gt3A_407 = arith.constant 0.000000e+00 : f32
    %gt3A_408 = vector.broadcast %gt3A_407 : f32 to vector<16xf32>
    %gt3A_409 = arith.cmpf ogt, %get3A_406, %gt3A_408 : vector<16xf32>
    %div3A_410 = arith.constant 1.000000e+00 : f32
    %div3A_411 = vector.broadcast %div3A_410 : f32 to vector<16xf32>
    %div3A_412 = arith.divf %div3A_411, %get3A_406 : vector<16xf32>
    %jit3A_413 = arith.constant 0.000000e+00 : f32
    %broadcast_in_dim3A_414 = vector.broadcast %jit3A_413 : f32 to vector<16xf32>
    %select_n3A_415 = arith.select %gt3A_409, %div3A_412, %broadcast_in_dim3A_414 : vector<16xi1>, vector<16xf32>
    %swap3A_416 = arith.constant 224 : index
    %swap3A_417 = tpu.vector_load %arg13[%swap3A_416] {strides = array<i32>} : memref<656xf32, #tpu.memory_space<vmem>>, vector<16xf32>,
    %swap3A_418 = vector.shape_cast %swap3A_417 : vector<16xf32> to vector<16xf32>
    %swap3A_419 = vector.shape_cast %select_n3A_415 : vector<16xf32> to vector<16xf32>
    tpu.vector_store %arg13[%swap3A_416], %swap3A_419 {strides = array<i32>} : memref<656xf32, #tpu.memory_space<vmem>>, vector<16xf32>,
    %get3A_420 = arith.constant 240 : index
    %get3A_421 = tpu.vector_load %arg12[%get3A_420] {strides = array<i32>} : memref<640xf32, #tpu.memory_space<vmem>>, vector<16xf32>,
    %get3A_422 = vector.shape_cast %get3A_421 : vector<16xf32> to vector<16xf32>
    %gt3A_423 = arith.constant 0.000000e+00 : f32
    %gt3A_424 = vector.broadcast %gt3A_423 : f32 to vector<16xf32>
    %gt3A_425 = arith.cmpf ogt, %get3A_422, %gt3A_424 : vector<16xf32>
    %div3A_426 = arith.constant 1.000000e+00 : f32
    %div3A_427 = vector.broadcast %div3A_426 : f32 to vector<16xf32>
    %div3A_428 = arith.divf %div3A_427, %get3A_422 : vector<16xf32>
    %jit3A_429 = arith.constant 0.000000e+00 : f32
    %broadcast_in_dim3A_430 = vector.broadcast %jit3A_429 : f32 to vector<16xf32>
    %select_n3A_431 = arith.select %gt3A_425, %div3A_428, %broadcast_in_dim3A_430 : vector<16xi1>, vector<16xf32>
    %swap3A_432 = arith.constant 240 : index
    %swap3A_433 = tpu.vector_load %arg13[%swap3A_432] {strides = array<i32>} : memref<656xf32, #tpu.memory_space<vmem>>, vector<16xf32>,
    %swap3A_434 = vector.shape_cast %swap3A_433 : vector<16xf32> to vector<16xf32>
    %swap3A_435 = vector.shape_cast %select_n3A_431 : vector<16xf32> to vector<16xf32>
    tpu.vector_store %arg13[%swap3A_432], %swap3A_435 {strides = array<i32>} : memref<656xf32, #tpu.memory_space<vmem>>, vector<16xf32>,
    %get3A_436 = arith.constant 256 : index
    %get3A_437 = tpu.vector_load %arg12[%get3A_436] {strides = array<i32>} : memref<640xf32, #tpu.memory_space<vmem>>, vector<16xf32>,
    %get3A_438 = vector.shape_cast %get3A_437 : vector<16xf32> to vector<16xf32>
    %gt3A_439 = arith.constant 0.000000e+00 : f32
    %gt3A_440 = vector.broadcast %gt3A_439 : f32 to vector<16xf32>
    %gt3A_441 = arith.cmpf ogt, %get3A_438, %gt3A_440 : vector<16xf32>
    %div3A_442 = arith.constant 1.000000e+00 : f32
    %div3A_443 = vector.broadcast %div3A_442 : f32 to vector<16xf32>
    %div3A_444 = arith.divf %div3A_443, %get3A_438 : vector<16xf32>
    %jit3A_445 = arith.constant 0.000000e+00 : f32
    %broadcast_in_dim3A_446 = vector.broadcast %jit3A_445 : f32 to vector<16xf32>
    %select_n3A_447 = arith.select %gt3A_441, %div3A_444, %broadcast_in_dim3A_446 : vector<16xi1>, vector<16xf32>
    %swap3A_448 = arith.constant 256 : index
    %swap3A_449 = tpu.vector_load %arg13[%swap3A_448] {strides = array<i32>} : memref<656xf32, #tpu.memory_space<vmem>>, vector<16xf32>,
    %swap3A_450 = vector.shape_cast %swap3A_449 : vector<16xf32> to vector<16xf32>
    %swap3A_451 = vector.shape_cast %select_n3A_447 : vector<16xf32> to vector<16xf32>
    tpu.vector_store %arg13[%swap3A_448], %swap3A_451 {strides = array<i32>} : memref<656xf32, #tpu.memory_space<vmem>>, vector<16xf32>,
    %get3A_452 = arith.constant 272 : index
    %get3A_453 = tpu.vector_load %arg12[%get3A_452] {strides = array<i32>} : memref<640xf32, #tpu.memory_space<vmem>>, vector<16xf32>,
    %get3A_454 = vector.shape_cast %get3A_453 : vector<16xf32> to vector<16xf32>
    %gt3A_455 = arith.constant 0.000000e+00 : f32
    %gt3A_456 = vector.broadcast %gt3A_455 : f32 to vector<16xf32>
    %gt3A_457 = arith.cmpf ogt, %get3A_454, %gt3A_456 : vector<16xf32>
    %div3A_458 = arith.constant 1.000000e+00 : f32
    %div3A_459 = vector.broadcast %div3A_458 : f32 to vector<16xf32>
    %div3A_460 = arith.divf %div3A_459, %get3A_454 : vector<16xf32>
    %jit3A_461 = arith.constant 0.000000e+00 : f32
    %broadcast_in_dim3A_462 = vector.broadcast %jit3A_461 : f32 to vector<16xf32>
    %select_n3A_463 = arith.select %gt3A_457, %div3A_460, %broadcast_in_dim3A_462 : vector<16xi1>, vector<16xf32>
    %swap3A_464 = arith.constant 272 : index
    %swap3A_465 = tpu.vector_load %arg13[%swap3A_464] {strides = array<i32>} : memref<656xf32, #tpu.memory_space<vmem>>, vector<16xf32>,
    %swap3A_466 = vector.shape_cast %swap3A_465 : vector<16xf32> to vector<16xf32>
    %swap3A_467 = vector.shape_cast %select_n3A_463 : vector<16xf32> to vector<16xf32>
    tpu.vector_store %arg13[%swap3A_464], %swap3A_467 {strides = array<i32>} : memref<656xf32, #tpu.memory_space<vmem>>, vector<16xf32>,
    %get3A_468 = arith.constant 288 : index
    %get3A_469 = tpu.vector_load %arg12[%get3A_468] {strides = array<i32>} : memref<640xf32, #tpu.memory_space<vmem>>, vector<16xf32>,
    %get3A_470 = vector.shape_cast %get3A_469 : vector<16xf32> to vector<16xf32>
    %gt3A_471 = arith.constant 0.000000e+00 : f32
    %gt3A_472 = vector.broadcast %gt3A_471 : f32 to vector<16xf32>
    %gt3A_473 = arith.cmpf ogt, %get3A_470, %gt3A_472 : vector<16xf32>
    %div3A_474 = arith.constant 1.000000e+00 : f32
    %div3A_475 = vector.broadcast %div3A_474 : f32 to vector<16xf32>
    %div3A_476 = arith.divf %div3A_475, %get3A_470 : vector<16xf32>
    %jit3A_477 = arith.constant 0.000000e+00 : f32
    %broadcast_in_dim3A_478 = vector.broadcast %jit3A_477 : f32 to vector<16xf32>
    %select_n3A_479 = arith.select %gt3A_473, %div3A_476, %broadcast_in_dim3A_478 : vector<16xi1>, vector<16xf32>
    %swap3A_480 = arith.constant 288 : index
    %swap3A_481 = tpu.vector_load %arg13[%swap3A_480] {strides = array<i32>} : memref<656xf32, #tpu.memory_space<vmem>>, vector<16xf32>,
    %swap3A_482 = vector.shape_cast %swap3A_481 : vector<16xf32> to vector<16xf32>
    %swap3A_483 = vector.shape_cast %select_n3A_479 : vector<16xf32> to vector<16xf32>
    tpu.vector_store %arg13[%swap3A_480], %swap3A_483 {strides = array<i32>} : memref<656xf32, #tpu.memory_space<vmem>>, vector<16xf32>,
    %get3A_484 = arith.constant 304 : index
    %get3A_485 = tpu.vector_load %arg12[%get3A_484] {strides = array<i32>} : memref<640xf32, #tpu.memory_space<vmem>>, vector<16xf32>,
    %get3A_486 = vector.shape_cast %get3A_485 : vector<16xf32> to vector<16xf32>
    %gt3A_487 = arith.constant 0.000000e+00 : f32
    %gt3A_488 = vector.broadcast %gt3A_487 : f32 to vector<16xf32>
    %gt3A_489 = arith.cmpf ogt, %get3A_486, %gt3A_488 : vector<16xf32>
    %div3A_490 = arith.constant 1.000000e+00 : f32
    %div3A_491 = vector.broadcast %div3A_490 : f32 to vector<16xf32>
    %div3A_492 = arith.divf %div3A_491, %get3A_486 : vector<16xf32>
    %jit3A_493 = arith.constant 0.000000e+00 : f32
    %broadcast_in_dim3A_494 = vector.broadcast %jit3A_493 : f32 to vector<16xf32>
    %select_n3A_495 = arith.select %gt3A_489, %div3A_492, %broadcast_in_dim3A_494 : vector<16xi1>, vector<16xf32>
    %swap3A_496 = arith.constant 304 : index
    %swap3A_497 = tpu.vector_load %arg13[%swap3A_496] {strides = array<i32>} : memref<656xf32, #tpu.memory_space<vmem>>, vector<16xf32>,
    %swap3A_498 = vector.shape_cast %swap3A_497 : vector<16xf32> to vector<16xf32>
    %swap3A_499 = vector.shape_cast %select_n3A_495 : vector<16xf32> to vector<16xf32>
    tpu.vector_store %arg13[%swap3A_496], %swap3A_499 {strides = array<i32>} : memref<656xf32, #tpu.memory_space<vmem>>, vector<16xf32>,
    %get3A_500 = arith.constant 320 : index
    %get3A_501 = tpu.vector_load %arg12[%get3A_500] {strides = array<i32>} : memref<640xf32, #tpu.memory_space<vmem>>, vector<16xf32>,
    %get3A_502 = vector.shape_cast %get3A_501 : vector<16xf32> to vector<16xf32>
    %gt3A_503 = arith.constant 0.000000e+00 : f32
    %gt3A_504 = vector.broadcast %gt3A_503 : f32 to vector<16xf32>
    %gt3A_505 = arith.cmpf ogt, %get3A_502, %gt3A_504 : vector<16xf32>
    %div3A_506 = arith.constant 1.000000e+00 : f32
    %div3A_507 = vector.broadcast %div3A_506 : f32 to vector<16xf32>
    %div3A_508 = arith.divf %div3A_507, %get3A_502 : vector<16xf32>
    %jit3A_509 = arith.constant 0.000000e+00 : f32
    %broadcast_in_dim3A_510 = vector.broadcast %jit3A_509 : f32 to vector<16xf32>
    %select_n3A_511 = arith.select %gt3A_505, %div3A_508, %broadcast_in_dim3A_510 : vector<16xi1>, vector<16xf32>
    %swap3A_512 = arith.constant 320 : index
    %swap3A_513 = tpu.vector_load %arg13[%swap3A_512] {strides = array<i32>} : memref<656xf32, #tpu.memory_space<vmem>>, vector<16xf32>,
    %swap3A_514 = vector.shape_cast %swap3A_513 : vector<16xf32> to vector<16xf32>
    %swap3A_515 = vector.shape_cast %select_n3A_511 : vector<16xf32> to vector<16xf32>
    tpu.vector_store %arg13[%swap3A_512], %swap3A_515 {strides = array<i32>} : memref<656xf32, #tpu.memory_space<vmem>>, vector<16xf32>,
    %get3A_516 = arith.constant 336 : index
    %get3A_517 = tpu.vector_load %arg12[%get3A_516] {strides = array<i32>} : memref<640xf32, #tpu.memory_space<vmem>>, vector<16xf32>,
    %get3A_518 = vector.shape_cast %get3A_517 : vector<16xf32> to vector<16xf32>
    %gt3A_519 = arith.constant 0.000000e+00 : f32
    %gt3A_520 = vector.broadcast %gt3A_519 : f32 to vector<16xf32>
    %gt3A_521 = arith.cmpf ogt, %get3A_518, %gt3A_520 : vector<16xf32>
    %div3A_522 = arith.constant 1.000000e+00 : f32
    %div3A_523 = vector.broadcast %div3A_522 : f32 to vector<16xf32>
    %div3A_524 = arith.divf %div3A_523, %get3A_518 : vector<16xf32>
    %jit3A_525 = arith.constant 0.000000e+00 : f32
    %broadcast_in_dim3A_526 = vector.broadcast %jit3A_525 : f32 to vector<16xf32>
    %select_n3A_527 = arith.select %gt3A_521, %div3A_524, %broadcast_in_dim3A_526 : vector<16xi1>, vector<16xf32>
    %swap3A_528 = arith.constant 336 : index
    %swap3A_529 = tpu.vector_load %arg13[%swap3A_528] {strides = array<i32>} : memref<656xf32, #tpu.memory_space<vmem>>, vector<16xf32>,
    %swap3A_530 = vector.shape_cast %swap3A_529 : vector<16xf32> to vector<16xf32>
    %swap3A_531 = vector.shape_cast %select_n3A_527 : vector<16xf32> to vector<16xf32>
    tpu.vector_store %arg13[%swap3A_528], %swap3A_531 {strides = array<i32>} : memref<656xf32, #tpu.memory_space<vmem>>, vector<16xf32>,
    %get3A_532 = arith.constant 352 : index
    %get3A_533 = tpu.vector_load %arg12[%get3A_532] {strides = array<i32>} : memref<640xf32, #tpu.memory_space<vmem>>, vector<16xf32>,
    %get3A_534 = vector.shape_cast %get3A_533 : vector<16xf32> to vector<16xf32>
    %gt3A_535 = arith.constant 0.000000e+00 : f32
    %gt3A_536 = vector.broadcast %gt3A_535 : f32 to vector<16xf32>
    %gt3A_537 = arith.cmpf ogt, %get3A_534, %gt3A_536 : vector<16xf32>
    %div3A_538 = arith.constant 1.000000e+00 : f32
    %div3A_539 = vector.broadcast %div3A_538 : f32 to vector<16xf32>
    %div3A_540 = arith.divf %div3A_539, %get3A_534 : vector<16xf32>
    %jit3A_541 = arith.constant 0.000000e+00 : f32
    %broadcast_in_dim3A_542 = vector.broadcast %jit3A_541 : f32 to vector<16xf32>
    %select_n3A_543 = arith.select %gt3A_537, %div3A_540, %broadcast_in_dim3A_542 : vector<16xi1>, vector<16xf32>
    %swap3A_544 = arith.constant 352 : index
    %swap3A_545 = tpu.vector_load %arg13[%swap3A_544] {strides = array<i32>} : memref<656xf32, #tpu.memory_space<vmem>>, vector<16xf32>,
    %swap3A_546 = vector.shape_cast %swap3A_545 : vector<16xf32> to vector<16xf32>
    %swap3A_547 = vector.shape_cast %select_n3A_543 : vector<16xf32> to vector<16xf32>
    tpu.vector_store %arg13[%swap3A_544], %swap3A_547 {strides = array<i32>} : memref<656xf32, #tpu.memory_space<vmem>>, vector<16xf32>,
    %get3A_548 = arith.constant 368 : index
    %get3A_549 = tpu.vector_load %arg12[%get3A_548] {strides = array<i32>} : memref<640xf32, #tpu.memory_space<vmem>>, vector<16xf32>,
    %get3A_550 = vector.shape_cast %get3A_549 : vector<16xf32> to vector<16xf32>
    %gt3A_551 = arith.constant 0.000000e+00 : f32
    %gt3A_552 = vector.broadcast %gt3A_551 : f32 to vector<16xf32>
    %gt3A_553 = arith.cmpf ogt, %get3A_550, %gt3A_552 : vector<16xf32>
    %div3A_554 = arith.constant 1.000000e+00 : f32
    %div3A_555 = vector.broadcast %div3A_554 : f32 to vector<16xf32>
    %div3A_556 = arith.divf %div3A_555, %get3A_550 : vector<16xf32>
    %jit3A_557 = arith.constant 0.000000e+00 : f32
    %broadcast_in_dim3A_558 = vector.broadcast %jit3A_557 : f32 to vector<16xf32>
    %select_n3A_559 = arith.select %gt3A_553, %div3A_556, %broadcast_in_dim3A_558 : vector<16xi1>, vector<16xf32>
    %swap3A_560 = arith.constant 368 : index
    %swap3A_561 = tpu.vector_load %arg13[%swap3A_560] {strides = array<i32>} : memref<656xf32, #tpu.memory_space<vmem>>, vector<16xf32>,
    %swap3A_562 = vector.shape_cast %swap3A_561 : vector<16xf32> to vector<16xf32>
    %swap3A_563 = vector.shape_cast %select_n3A_559 : vector<16xf32> to vector<16xf32>
    tpu.vector_store %arg13[%swap3A_560], %swap3A_563 {strides = array<i32>} : memref<656xf32, #tpu.memory_space<vmem>>, vector<16xf32>,
    %get3A_564 = arith.constant 384 : index
    %get3A_565 = tpu.vector_load %arg12[%get3A_564] {strides = array<i32>} : memref<640xf32, #tpu.memory_space<vmem>>, vector<16xf32>,
    %get3A_566 = vector.shape_cast %get3A_565 : vector<16xf32> to vector<16xf32>
    %gt3A_567 = arith.constant 0.000000e+00 : f32
    %gt3A_568 = vector.broadcast %gt3A_567 : f32 to vector<16xf32>
    %gt3A_569 = arith.cmpf ogt, %get3A_566, %gt3A_568 : vector<16xf32>
    %div3A_570 = arith.constant 1.000000e+00 : f32
    %div3A_571 = vector.broadcast %div3A_570 : f32 to vector<16xf32>
    %div3A_572 = arith.divf %div3A_571, %get3A_566 : vector<16xf32>
    %jit3A_573 = arith.constant 0.000000e+00 : f32
    %broadcast_in_dim3A_574 = vector.broadcast %jit3A_573 : f32 to vector<16xf32>
    %select_n3A_575 = arith.select %gt3A_569, %div3A_572, %broadcast_in_dim3A_574 : vector<16xi1>, vector<16xf32>
    %swap3A_576 = arith.constant 384 : index
    %swap3A_577 = tpu.vector_load %arg13[%swap3A_576] {strides = array<i32>} : memref<656xf32, #tpu.memory_space<vmem>>, vector<16xf32>,
    %swap3A_578 = vector.shape_cast %swap3A_577 : vector<16xf32> to vector<16xf32>
    %swap3A_579 = vector.shape_cast %select_n3A_575 : vector<16xf32> to vector<16xf32>
    tpu.vector_store %arg13[%swap3A_576], %swap3A_579 {strides = array<i32>} : memref<656xf32, #tpu.memory_space<vmem>>, vector<16xf32>,
    %get3A_580 = arith.constant 400 : index
    %get3A_581 = tpu.vector_load %arg12[%get3A_580] {strides = array<i32>} : memref<640xf32, #tpu.memory_space<vmem>>, vector<16xf32>,
    %get3A_582 = vector.shape_cast %get3A_581 : vector<16xf32> to vector<16xf32>
    %gt3A_583 = arith.constant 0.000000e+00 : f32
    %gt3A_584 = vector.broadcast %gt3A_583 : f32 to vector<16xf32>
    %gt3A_585 = arith.cmpf ogt, %get3A_582, %gt3A_584 : vector<16xf32>
    %div3A_586 = arith.constant 1.000000e+00 : f32
    %div3A_587 = vector.broadcast %div3A_586 : f32 to vector<16xf32>
    %div3A_588 = arith.divf %div3A_587, %get3A_582 : vector<16xf32>
    %jit3A_589 = arith.constant 0.000000e+00 : f32
    %broadcast_in_dim3A_590 = vector.broadcast %jit3A_589 : f32 to vector<16xf32>
    %select_n3A_591 = arith.select %gt3A_585, %div3A_588, %broadcast_in_dim3A_590 : vector<16xi1>, vector<16xf32>
    %swap3A_592 = arith.constant 400 : index
    %swap3A_593 = tpu.vector_load %arg13[%swap3A_592] {strides = array<i32>} : memref<656xf32, #tpu.memory_space<vmem>>, vector<16xf32>,
    %swap3A_594 = vector.shape_cast %swap3A_593 : vector<16xf32> to vector<16xf32>
    %swap3A_595 = vector.shape_cast %select_n3A_591 : vector<16xf32> to vector<16xf32>
    tpu.vector_store %arg13[%swap3A_592], %swap3A_595 {strides = array<i32>} : memref<656xf32, #tpu.memory_space<vmem>>, vector<16xf32>,
    %get3A_596 = arith.constant 416 : index
    %get3A_597 = tpu.vector_load %arg12[%get3A_596] {strides = array<i32>} : memref<640xf32, #tpu.memory_space<vmem>>, vector<16xf32>,
    %get3A_598 = vector.shape_cast %get3A_597 : vector<16xf32> to vector<16xf32>
    %gt3A_599 = arith.constant 0.000000e+00 : f32
    %gt3A_600 = vector.broadcast %gt3A_599 : f32 to vector<16xf32>
    %gt3A_601 = arith.cmpf ogt, %get3A_598, %gt3A_600 : vector<16xf32>
    %div3A_602 = arith.constant 1.000000e+00 : f32
    %div3A_603 = vector.broadcast %div3A_602 : f32 to vector<16xf32>
    %div3A_604 = arith.divf %div3A_603, %get3A_598 : vector<16xf32>
    %jit3A_605 = arith.constant 0.000000e+00 : f32
    %broadcast_in_dim3A_606 = vector.broadcast %jit3A_605 : f32 to vector<16xf32>
    %select_n3A_607 = arith.select %gt3A_601, %div3A_604, %broadcast_in_dim3A_606 : vector<16xi1>, vector<16xf32>
    %swap3A_608 = arith.constant 416 : index
    %swap3A_609 = tpu.vector_load %arg13[%swap3A_608] {strides = array<i32>} : memref<656xf32, #tpu.memory_space<vmem>>, vector<16xf32>,
    %swap3A_610 = vector.shape_cast %swap3A_609 : vector<16xf32> to vector<16xf32>
    %swap3A_611 = vector.shape_cast %select_n3A_607 : vector<16xf32> to vector<16xf32>
    tpu.vector_store %arg13[%swap3A_608], %swap3A_611 {strides = array<i32>} : memref<656xf32, #tpu.memory_space<vmem>>, vector<16xf32>,
    %get3A_612 = arith.constant 432 : index
    %get3A_613 = tpu.vector_load %arg12[%get3A_612] {strides = array<i32>} : memref<640xf32, #tpu.memory_space<vmem>>, vector<16xf32>,
    %get3A_614 = vector.shape_cast %get3A_613 : vector<16xf32> to vector<16xf32>
    %gt3A_615 = arith.constant 0.000000e+00 : f32
    %gt3A_616 = vector.broadcast %gt3A_615 : f32 to vector<16xf32>
    %gt3A_617 = arith.cmpf ogt, %get3A_614, %gt3A_616 : vector<16xf32>
    %div3A_618 = arith.constant 1.000000e+00 : f32
    %div3A_619 = vector.broadcast %div3A_618 : f32 to vector<16xf32>
    %div3A_620 = arith.divf %div3A_619, %get3A_614 : vector<16xf32>
    %jit3A_621 = arith.constant 0.000000e+00 : f32
    %broadcast_in_dim3A_622 = vector.broadcast %jit3A_621 : f32 to vector<16xf32>
    %select_n3A_623 = arith.select %gt3A_617, %div3A_620, %broadcast_in_dim3A_622 : vector<16xi1>, vector<16xf32>
    %swap3A_624 = arith.constant 432 : index
    %swap3A_625 = tpu.vector_load %arg13[%swap3A_624] {strides = array<i32>} : memref<656xf32, #tpu.memory_space<vmem>>, vector<16xf32>,
    %swap3A_626 = vector.shape_cast %swap3A_625 : vector<16xf32> to vector<16xf32>
    %swap3A_627 = vector.shape_cast %select_n3A_623 : vector<16xf32> to vector<16xf32>
    tpu.vector_store %arg13[%swap3A_624], %swap3A_627 {strides = array<i32>} : memref<656xf32, #tpu.memory_space<vmem>>, vector<16xf32>,
    %get3A_628 = arith.constant 448 : index
    %get3A_629 = tpu.vector_load %arg12[%get3A_628] {strides = array<i32>} : memref<640xf32, #tpu.memory_space<vmem>>, vector<16xf32>,
    %get3A_630 = vector.shape_cast %get3A_629 : vector<16xf32> to vector<16xf32>
    %gt3A_631 = arith.constant 0.000000e+00 : f32
    %gt3A_632 = vector.broadcast %gt3A_631 : f32 to vector<16xf32>
    %gt3A_633 = arith.cmpf ogt, %get3A_630, %gt3A_632 : vector<16xf32>
    %div3A_634 = arith.constant 1.000000e+00 : f32
    %div3A_635 = vector.broadcast %div3A_634 : f32 to vector<16xf32>
    %div3A_636 = arith.divf %div3A_635, %get3A_630 : vector<16xf32>
    %jit3A_637 = arith.constant 0.000000e+00 : f32
    %broadcast_in_dim3A_638 = vector.broadcast %jit3A_637 : f32 to vector<16xf32>
    %select_n3A_639 = arith.select %gt3A_633, %div3A_636, %broadcast_in_dim3A_638 : vector<16xi1>, vector<16xf32>
    %swap3A_640 = arith.constant 448 : index
    %swap3A_641 = tpu.vector_load %arg13[%swap3A_640] {strides = array<i32>} : memref<656xf32, #tpu.memory_space<vmem>>, vector<16xf32>,
    %swap3A_642 = vector.shape_cast %swap3A_641 : vector<16xf32> to vector<16xf32>
    %swap3A_643 = vector.shape_cast %select_n3A_639 : vector<16xf32> to vector<16xf32>
    tpu.vector_store %arg13[%swap3A_640], %swap3A_643 {strides = array<i32>} : memref<656xf32, #tpu.memory_space<vmem>>, vector<16xf32>,
    %get3A_644 = arith.constant 464 : index
    %get3A_645 = tpu.vector_load %arg12[%get3A_644] {strides = array<i32>} : memref<640xf32, #tpu.memory_space<vmem>>, vector<16xf32>,
    %get3A_646 = vector.shape_cast %get3A_645 : vector<16xf32> to vector<16xf32>
    %gt3A_647 = arith.constant 0.000000e+00 : f32
    %gt3A_648 = vector.broadcast %gt3A_647 : f32 to vector<16xf32>
    %gt3A_649 = arith.cmpf ogt, %get3A_646, %gt3A_648 : vector<16xf32>
    %div3A_650 = arith.constant 1.000000e+00 : f32
    %div3A_651 = vector.broadcast %div3A_650 : f32 to vector<16xf32>
    %div3A_652 = arith.divf %div3A_651, %get3A_646 : vector<16xf32>
    %jit3A_653 = arith.constant 0.000000e+00 : f32
    %broadcast_in_dim3A_654 = vector.broadcast %jit3A_653 : f32 to vector<16xf32>
    %select_n3A_655 = arith.select %gt3A_649, %div3A_652, %broadcast_in_dim3A_654 : vector<16xi1>, vector<16xf32>
    %swap3A_656 = arith.constant 464 : index
    %swap3A_657 = tpu.vector_load %arg13[%swap3A_656] {strides = array<i32>} : memref<656xf32, #tpu.memory_space<vmem>>, vector<16xf32>,
    %swap3A_658 = vector.shape_cast %swap3A_657 : vector<16xf32> to vector<16xf32>
    %swap3A_659 = vector.shape_cast %select_n3A_655 : vector<16xf32> to vector<16xf32>
    tpu.vector_store %arg13[%swap3A_656], %swap3A_659 {strides = array<i32>} : memref<656xf32, #tpu.memory_space<vmem>>, vector<16xf32>,
    %get3A_660 = arith.constant 480 : index
    %get3A_661 = tpu.vector_load %arg12[%get3A_660] {strides = array<i32>} : memref<640xf32, #tpu.memory_space<vmem>>, vector<16xf32>,
    %get3A_662 = vector.shape_cast %get3A_661 : vector<16xf32> to vector<16xf32>
    %gt3A_663 = arith.constant 0.000000e+00 : f32
    %gt3A_664 = vector.broadcast %gt3A_663 : f32 to vector<16xf32>
    %gt3A_665 = arith.cmpf ogt, %get3A_662, %gt3A_664 : vector<16xf32>
    %div3A_666 = arith.constant 1.000000e+00 : f32
    %div3A_667 = vector.broadcast %div3A_666 : f32 to vector<16xf32>
    %div3A_668 = arith.divf %div3A_667, %get3A_662 : vector<16xf32>
    %jit3A_669 = arith.constant 0.000000e+00 : f32
    %broadcast_in_dim3A_670 = vector.broadcast %jit3A_669 : f32 to vector<16xf32>
    %select_n3A_671 = arith.select %gt3A_665, %div3A_668, %broadcast_in_dim3A_670 : vector<16xi1>, vector<16xf32>
    %swap3A_672 = arith.constant 480 : index
    %swap3A_673 = tpu.vector_load %arg13[%swap3A_672] {strides = array<i32>} : memref<656xf32, #tpu.memory_space<vmem>>, vector<16xf32>,
    %swap3A_674 = vector.shape_cast %swap3A_673 : vector<16xf32> to vector<16xf32>
    %swap3A_675 = vector.shape_cast %select_n3A_671 : vector<16xf32> to vector<16xf32>
    tpu.vector_store %arg13[%swap3A_672], %swap3A_675 {strides = array<i32>} : memref<656xf32, #tpu.memory_space<vmem>>, vector<16xf32>,
    %get3A_676 = arith.constant 496 : index
    %get3A_677 = tpu.vector_load %arg12[%get3A_676] {strides = array<i32>} : memref<640xf32, #tpu.memory_space<vmem>>, vector<16xf32>,
    %get3A_678 = vector.shape_cast %get3A_677 : vector<16xf32> to vector<16xf32>
    %gt3A_679 = arith.constant 0.000000e+00 : f32
    %gt3A_680 = vector.broadcast %gt3A_679 : f32 to vector<16xf32>
    %gt3A_681 = arith.cmpf ogt, %get3A_678, %gt3A_680 : vector<16xf32>
    %div3A_682 = arith.constant 1.000000e+00 : f32
    %div3A_683 = vector.broadcast %div3A_682 : f32 to vector<16xf32>
    %div3A_684 = arith.divf %div3A_683, %get3A_678 : vector<16xf32>
    %jit3A_685 = arith.constant 0.000000e+00 : f32
    %broadcast_in_dim3A_686 = vector.broadcast %jit3A_685 : f32 to vector<16xf32>
    %select_n3A_687 = arith.select %gt3A_681, %div3A_684, %broadcast_in_dim3A_686 : vector<16xi1>, vector<16xf32>
    %swap3A_688 = arith.constant 496 : index
    %swap3A_689 = tpu.vector_load %arg13[%swap3A_688] {strides = array<i32>} : memref<656xf32, #tpu.memory_space<vmem>>, vector<16xf32>,
    %swap3A_690 = vector.shape_cast %swap3A_689 : vector<16xf32> to vector<16xf32>
    %swap3A_691 = vector.shape_cast %select_n3A_687 : vector<16xf32> to vector<16xf32>
    tpu.vector_store %arg13[%swap3A_688], %swap3A_691 {strides = array<i32>} : memref<656xf32, #tpu.memory_space<vmem>>, vector<16xf32>,
    %get3A_692 = arith.constant 512 : index
    %get3A_693 = tpu.vector_load %arg12[%get3A_692] {strides = array<i32>} : memref<640xf32, #tpu.memory_space<vmem>>, vector<16xf32>,
    %get3A_694 = vector.shape_cast %get3A_693 : vector<16xf32> to vector<16xf32>
    %gt3A_695 = arith.constant 0.000000e+00 : f32
    %gt3A_696 = vector.broadcast %gt3A_695 : f32 to vector<16xf32>
    %gt3A_697 = arith.cmpf ogt, %get3A_694, %gt3A_696 : vector<16xf32>
    %div3A_698 = arith.constant 1.000000e+00 : f32
    %div3A_699 = vector.broadcast %div3A_698 : f32 to vector<16xf32>
    %div3A_700 = arith.divf %div3A_699, %get3A_694 : vector<16xf32>
    %jit3A_701 = arith.constant 0.000000e+00 : f32
    %broadcast_in_dim3A_702 = vector.broadcast %jit3A_701 : f32 to vector<16xf32>
    %select_n3A_703 = arith.select %gt3A_697, %div3A_700, %broadcast_in_dim3A_702 : vector<16xi1>, vector<16xf32>
    %swap3A_704 = arith.constant 512 : index
    %swap3A_705 = tpu.vector_load %arg13[%swap3A_704] {strides = array<i32>} : memref<656xf32, #tpu.memory_space<vmem>>, vector<16xf32>,
    %swap3A_706 = vector.shape_cast %swap3A_705 : vector<16xf32> to vector<16xf32>
    %swap3A_707 = vector.shape_cast %select_n3A_703 : vector<16xf32> to vector<16xf32>
    tpu.vector_store %arg13[%swap3A_704], %swap3A_707 {strides = array<i32>} : memref<656xf32, #tpu.memory_space<vmem>>, vector<16xf32>,
    %get3A_708 = arith.constant 528 : index
    %get3A_709 = tpu.vector_load %arg12[%get3A_708] {strides = array<i32>} : memref<640xf32, #tpu.memory_space<vmem>>, vector<16xf32>,
    %get3A_710 = vector.shape_cast %get3A_709 : vector<16xf32> to vector<16xf32>
    %gt3A_711 = arith.constant 0.000000e+00 : f32
    %gt3A_712 = vector.broadcast %gt3A_711 : f32 to vector<16xf32>
    %gt3A_713 = arith.cmpf ogt, %get3A_710, %gt3A_712 : vector<16xf32>
    %div3A_714 = arith.constant 1.000000e+00 : f32
    %div3A_715 = vector.broadcast %div3A_714 : f32 to vector<16xf32>
    %div3A_716 = arith.divf %div3A_715, %get3A_710 : vector<16xf32>
    %jit3A_717 = arith.constant 0.000000e+00 : f32
    %broadcast_in_dim3A_718 = vector.broadcast %jit3A_717 : f32 to vector<16xf32>
    %select_n3A_719 = arith.select %gt3A_713, %div3A_716, %broadcast_in_dim3A_718 : vector<16xi1>, vector<16xf32>
    %swap3A_720 = arith.constant 528 : index
    %swap3A_721 = tpu.vector_load %arg13[%swap3A_720] {strides = array<i32>} : memref<656xf32, #tpu.memory_space<vmem>>, vector<16xf32>,
    %swap3A_722 = vector.shape_cast %swap3A_721 : vector<16xf32> to vector<16xf32>
    %swap3A_723 = vector.shape_cast %select_n3A_719 : vector<16xf32> to vector<16xf32>
    tpu.vector_store %arg13[%swap3A_720], %swap3A_723 {strides = array<i32>} : memref<656xf32, #tpu.memory_space<vmem>>, vector<16xf32>,
    %get3A_724 = arith.constant 544 : index
    %get3A_725 = tpu.vector_load %arg12[%get3A_724] {strides = array<i32>} : memref<640xf32, #tpu.memory_space<vmem>>, vector<16xf32>,
    %get3A_726 = vector.shape_cast %get3A_725 : vector<16xf32> to vector<16xf32>
    %gt3A_727 = arith.constant 0.000000e+00 : f32
    %gt3A_728 = vector.broadcast %gt3A_727 : f32 to vector<16xf32>
    %gt3A_729 = arith.cmpf ogt, %get3A_726, %gt3A_728 : vector<16xf32>
    %div3A_730 = arith.constant 1.000000e+00 : f32
    %div3A_731 = vector.broadcast %div3A_730 : f32 to vector<16xf32>
    %div3A_732 = arith.divf %div3A_731, %get3A_726 : vector<16xf32>
    %jit3A_733 = arith.constant 0.000000e+00 : f32
    %broadcast_in_dim3A_734 = vector.broadcast %jit3A_733 : f32 to vector<16xf32>
    %select_n3A_735 = arith.select %gt3A_729, %div3A_732, %broadcast_in_dim3A_734 : vector<16xi1>, vector<16xf32>
    %swap3A_736 = arith.constant 544 : index
    %swap3A_737 = tpu.vector_load %arg13[%swap3A_736] {strides = array<i32>} : memref<656xf32, #tpu.memory_space<vmem>>, vector<16xf32>,
    %swap3A_738 = vector.shape_cast %swap3A_737 : vector<16xf32> to vector<16xf32>
    %swap3A_739 = vector.shape_cast %select_n3A_735 : vector<16xf32> to vector<16xf32>
    tpu.vector_store %arg13[%swap3A_736], %swap3A_739 {strides = array<i32>} : memref<656xf32, #tpu.memory_space<vmem>>, vector<16xf32>,
    %get3A_740 = arith.constant 560 : index
    %get3A_741 = tpu.vector_load %arg12[%get3A_740] {strides = array<i32>} : memref<640xf32, #tpu.memory_space<vmem>>, vector<16xf32>,
    %get3A_742 = vector.shape_cast %get3A_741 : vector<16xf32> to vector<16xf32>
    %gt3A_743 = arith.constant 0.000000e+00 : f32
    %gt3A_744 = vector.broadcast %gt3A_743 : f32 to vector<16xf32>
    %gt3A_745 = arith.cmpf ogt, %get3A_742, %gt3A_744 : vector<16xf32>
    %div3A_746 = arith.constant 1.000000e+00 : f32
    %div3A_747 = vector.broadcast %div3A_746 : f32 to vector<16xf32>
    %div3A_748 = arith.divf %div3A_747, %get3A_742 : vector<16xf32>
    %jit3A_749 = arith.constant 0.000000e+00 : f32
    %broadcast_in_dim3A_750 = vector.broadcast %jit3A_749 : f32 to vector<16xf32>
    %select_n3A_751 = arith.select %gt3A_745, %div3A_748, %broadcast_in_dim3A_750 : vector<16xi1>, vector<16xf32>
    %swap3A_752 = arith.constant 560 : index
    %swap3A_753 = tpu.vector_load %arg13[%swap3A_752] {strides = array<i32>} : memref<656xf32, #tpu.memory_space<vmem>>, vector<16xf32>,
    %swap3A_754 = vector.shape_cast %swap3A_753 : vector<16xf32> to vector<16xf32>
    %swap3A_755 = vector.shape_cast %select_n3A_751 : vector<16xf32> to vector<16xf32>
    tpu.vector_store %arg13[%swap3A_752], %swap3A_755 {strides = array<i32>} : memref<656xf32, #tpu.memory_space<vmem>>, vector<16xf32>,
    %get3A_756 = arith.constant 576 : index
    %get3A_757 = tpu.vector_load %arg12[%get3A_756] {strides = array<i32>} : memref<640xf32, #tpu.memory_space<vmem>>, vector<16xf32>,
    %get3A_758 = vector.shape_cast %get3A_757 : vector<16xf32> to vector<16xf32>
    %gt3A_759 = arith.constant 0.000000e+00 : f32
    %gt3A_760 = vector.broadcast %gt3A_759 : f32 to vector<16xf32>
    %gt3A_761 = arith.cmpf ogt, %get3A_758, %gt3A_760 : vector<16xf32>
    %div3A_762 = arith.constant 1.000000e+00 : f32
    %div3A_763 = vector.broadcast %div3A_762 : f32 to vector<16xf32>
    %div3A_764 = arith.divf %div3A_763, %get3A_758 : vector<16xf32>
    %jit3A_765 = arith.constant 0.000000e+00 : f32
    %broadcast_in_dim3A_766 = vector.broadcast %jit3A_765 : f32 to vector<16xf32>
    %select_n3A_767 = arith.select %gt3A_761, %div3A_764, %broadcast_in_dim3A_766 : vector<16xi1>, vector<16xf32>
    %swap3A_768 = arith.constant 576 : index
    %swap3A_769 = tpu.vector_load %arg13[%swap3A_768] {strides = array<i32>} : memref<656xf32, #tpu.memory_space<vmem>>, vector<16xf32>,
    %swap3A_770 = vector.shape_cast %swap3A_769 : vector<16xf32> to vector<16xf32>
    %swap3A_771 = vector.shape_cast %select_n3A_767 : vector<16xf32> to vector<16xf32>
    tpu.vector_store %arg13[%swap3A_768], %swap3A_771 {strides = array<i32>} : memref<656xf32, #tpu.memory_space<vmem>>, vector<16xf32>,
    %get3A_772 = arith.constant 592 : index
    %get3A_773 = tpu.vector_load %arg12[%get3A_772] {strides = array<i32>} : memref<640xf32, #tpu.memory_space<vmem>>, vector<16xf32>,
    %get3A_774 = vector.shape_cast %get3A_773 : vector<16xf32> to vector<16xf32>
    %gt3A_775 = arith.constant 0.000000e+00 : f32
    %gt3A_776 = vector.broadcast %gt3A_775 : f32 to vector<16xf32>
    %gt3A_777 = arith.cmpf ogt, %get3A_774, %gt3A_776 : vector<16xf32>
    %div3A_778 = arith.constant 1.000000e+00 : f32
    %div3A_779 = vector.broadcast %div3A_778 : f32 to vector<16xf32>
    %div3A_780 = arith.divf %div3A_779, %get3A_774 : vector<16xf32>
    %jit3A_781 = arith.constant 0.000000e+00 : f32
    %broadcast_in_dim3A_782 = vector.broadcast %jit3A_781 : f32 to vector<16xf32>
    %select_n3A_783 = arith.select %gt3A_777, %div3A_780, %broadcast_in_dim3A_782 : vector<16xi1>, vector<16xf32>
    %swap3A_784 = arith.constant 592 : index
    %swap3A_785 = tpu.vector_load %arg13[%swap3A_784] {strides = array<i32>} : memref<656xf32, #tpu.memory_space<vmem>>, vector<16xf32>,
    %swap3A_786 = vector.shape_cast %swap3A_785 : vector<16xf32> to vector<16xf32>
    %swap3A_787 = vector.shape_cast %select_n3A_783 : vector<16xf32> to vector<16xf32>
    tpu.vector_store %arg13[%swap3A_784], %swap3A_787 {strides = array<i32>} : memref<656xf32, #tpu.memory_space<vmem>>, vector<16xf32>,
    %get3A_788 = arith.constant 608 : index
    %get3A_789 = tpu.vector_load %arg12[%get3A_788] {strides = array<i32>} : memref<640xf32, #tpu.memory_space<vmem>>, vector<16xf32>,
    %get3A_790 = vector.shape_cast %get3A_789 : vector<16xf32> to vector<16xf32>
    %gt3A_791 = arith.constant 0.000000e+00 : f32
    %gt3A_792 = vector.broadcast %gt3A_791 : f32 to vector<16xf32>
    %gt3A_793 = arith.cmpf ogt, %get3A_790, %gt3A_792 : vector<16xf32>
    %div3A_794 = arith.constant 1.000000e+00 : f32
    %div3A_795 = vector.broadcast %div3A_794 : f32 to vector<16xf32>
    %div3A_796 = arith.divf %div3A_795, %get3A_790 : vector<16xf32>
    %jit3A_797 = arith.constant 0.000000e+00 : f32
    %broadcast_in_dim3A_798 = vector.broadcast %jit3A_797 : f32 to vector<16xf32>
    %select_n3A_799 = arith.select %gt3A_793, %div3A_796, %broadcast_in_dim3A_798 : vector<16xi1>, vector<16xf32>
    %swap3A_800 = arith.constant 608 : index
    %swap3A_801 = tpu.vector_load %arg13[%swap3A_800] {strides = array<i32>} : memref<656xf32, #tpu.memory_space<vmem>>, vector<16xf32>,
    %swap3A_802 = vector.shape_cast %swap3A_801 : vector<16xf32> to vector<16xf32>
    %swap3A_803 = vector.shape_cast %select_n3A_799 : vector<16xf32> to vector<16xf32>
    tpu.vector_store %arg13[%swap3A_800], %swap3A_803 {strides = array<i32>} : memref<656xf32, #tpu.memory_space<vmem>>, vector<16xf32>,
    %get3A_804 = arith.constant 624 : index
    %get3A_805 = tpu.vector_load %arg12[%get3A_804] {strides = array<i32>} : memref<640xf32, #tpu.memory_space<vmem>>, vector<16xf32>,
    %get3A_806 = vector.shape_cast %get3A_805 : vector<16xf32> to vector<16xf32>
    %gt3A_807 = arith.constant 0.000000e+00 : f32
    %gt3A_808 = vector.broadcast %gt3A_807 : f32 to vector<16xf32>
    %gt3A_809 = arith.cmpf ogt, %get3A_806, %gt3A_808 : vector<16xf32>
    %div3A_810 = arith.constant 1.000000e+00 : f32
    %div3A_811 = vector.broadcast %div3A_810 : f32 to vector<16xf32>
    %div3A_812 = arith.divf %div3A_811, %get3A_806 : vector<16xf32>
    %jit3A_813 = arith.constant 0.000000e+00 : f32
    %broadcast_in_dim3A_814 = vector.broadcast %jit3A_813 : f32 to vector<16xf32>
    %select_n3A_815 = arith.select %gt3A_809, %div3A_812, %broadcast_in_dim3A_814 : vector<16xi1>, vector<16xf32>
    %swap3A_816 = arith.constant 624 : index
    %swap3A_817 = tpu.vector_load %arg13[%swap3A_816] {strides = array<i32>} : memref<656xf32, #tpu.memory_space<vmem>>, vector<16xf32>,
    %swap3A_818 = vector.shape_cast %swap3A_817 : vector<16xf32> to vector<16xf32>
    %swap3A_819 = vector.shape_cast %select_n3A_815 : vector<16xf32> to vector<16xf32>
    tpu.vector_store %arg13[%swap3A_816], %swap3A_819 {strides = array<i32>} : memref<656xf32, #tpu.memory_space<vmem>>, vector<16xf32>,
    %add3A_820 = arith.constant 0 : i32
    %add3A_821 = arith.addi %mul3A_0, %add3A_820 : i32
    "tpu.region"() ({
      %run_scoped3A_1654 = tpu.sem_alloc : memref<!tpu.dma_semaphore, #tpu.memory_space<semaphore_mem>>
      %dma_start3A_1655 = arith.constant 0 : i32
      %dma_start3A_1656 = arith.constant 0 : i32
      %dma_start3A_1657 = tpu.memref_slice %arg8[%dma_start3A_1655, %dma_start3A_1656] : memref<512x64xf32, #tpu.memory_space<vmem>> -> memref<320x64xf32, #tpu.memory_space<vmem>>
      %dma_start3A_1658 = arith.constant 0 : i32
      %dma_start3A_1659 = tpu.memref_slice %arg14[%add3A_821, %dma_start3A_1658] : memref<10240x64xf32, #tpu.memory_space<vmem_shared>> -> memref<320x64xf32, #tpu.memory_space<vmem_shared>>
      %dma_start3A_1660 = arith.constant 0 : i32
      %dma_start3A_1661 = arith.constant 0 : i32
      %dma_start3A_1662 = tpu.memref_slice %arg8[%dma_start3A_1660, %dma_start3A_1661] : memref<512x64xf32, #tpu.memory_space<vmem>> -> memref<320x64xf32, #tpu.memory_space<vmem>>
      %dma_start3A_1663 = arith.constant 0 : i32
      %dma_start3A_1664 = tpu.memref_slice %arg14[%add3A_821, %dma_start3A_1663] : memref<10240x64xf32, #tpu.memory_space<vmem_shared>> -> memref<320x64xf32, #tpu.memory_space<vmem_shared>>
      tpu.enqueue_dma source(%dma_start3A_1664 : memref<320x64xf32, #tpu.memory_space<vmem_shared>>) target(%dma_start3A_1662 : memref<320x64xf32, #tpu.memory_space<vmem>>) target_semaphore(%run_scoped3A_1654 : memref<!tpu.dma_semaphore, #tpu.memory_space<semaphore_mem>>)
      %dma_wait3A_1665 = arith.constant 0 : i32
      %dma_wait3A_1666 = arith.constant 0 : i32
      %dma_wait3A_1667 = tpu.memref_slice %arg8[%dma_wait3A_1665, %dma_wait3A_1666] : memref<512x64xf32, #tpu.memory_space<vmem>> -> memref<320x64xf32, #tpu.memory_space<vmem>>
      %dma_wait3A_1668 = arith.constant 0 : i32
      %dma_wait3A_1669 = tpu.memref_slice %arg14[%add3A_821, %dma_wait3A_1668] : memref<10240x64xf32, #tpu.memory_space<vmem_shared>> -> memref<320x64xf32, #tpu.memory_space<vmem_shared>>
      %dma_wait3A_1670 = arith.constant 0 : i32
      %dma_wait3A_1671 = arith.constant 0 : i32
      %dma_wait3A_1672 = tpu.memref_slice %arg8[%dma_wait3A_1670, %dma_wait3A_1671] : memref<512x64xf32, #tpu.memory_space<vmem>> -> memref<320x64xf32, #tpu.memory_space<vmem>>
      %dma_wait3A_1673 = arith.constant 0 : i32
      %dma_wait3A_1674 = tpu.memref_slice %arg14[%add3A_821, %dma_wait3A_1673] : memref<10240x64xf32, #tpu.memory_space<vmem_shared>> -> memref<320x64xf32, #tpu.memory_space<vmem_shared>>
      tpu.wait_dma2 semaphore(%run_scoped3A_1654 : memref<!tpu.dma_semaphore, #tpu.memory_space<semaphore_mem>>) src(%dma_wait3A_1674 : memref<320x64xf32, #tpu.memory_space<vmem_shared>>) dst(%dma_wait3A_1672 : memref<320x64xf32, #tpu.memory_space<vmem>>)
      tpu.yield
    }) : () -> ()
    %scan3A_822 = arith.constant 0 : i32
    %scan3A_823 = arith.constant 0 : i32
    %scan3A_824 = arith.constant 320 : i32
    %scan3A_825 = arith.addi %scan3A_823, %scan3A_824 : i32
    %scan3A_826 = arith.constant 1 : i32
    scf.for %scan3A_1654 = %scan3A_823 to %scan3A_825 step %scan3A_826  : i32 {
      %broadcast_in_dim3A_1655 = arith.constant 0.000000e+00 : f32
      %broadcast_in_dim3A_1656 = vector.broadcast %broadcast_in_dim3A_1655 : f32 to vector<16xf32>
      %add3A_1657 = arith.constant 0 : i32
      %add3A_1658 = arith.addi %scan3A_1654, %add3A_1657 : i32
      %get3A_1659 = arith.index_cast %add3A_1658 : i32 to index
      %get3A_1660 = tpu.vector_load %arg13[%get3A_1659] {strides = array<i32>} : memref<656xf32, #tpu.memory_space<vmem>>, vector<16xf32>,
      %get3A_1661 = vector.shape_cast %get3A_1660 : vector<16xf32> to vector<16xf32>
      %slice3A = vector.extract_strided_slice %get3A_1661 {offsets = [0], sizes = [1], strides = [1]} : vector<16xf32> to vector<1xf32>
      %squeeze3A = vector.extract %slice3A[0] : f32 from vector<1xf32>
      %add3A_1662 = vector.broadcast %squeeze3A : f32 to vector<16xf32>
      %add3A_1663 = arith.addf %broadcast_in_dim3A_1656, %add3A_1662 : vector<16xf32>
      %get3A_1664 = arith.index_cast %scan3A_1654 : i32 to index
      %get3A_1665 = arith.constant 0 : index
      %get3A_1666 = tpu.vector_load %arg8[%get3A_1664, %get3A_1665] {strides = array<i32>} : memref<512x64xf32, #tpu.memory_space<vmem>>, vector<1x16xf32>,
      %get3A_1667 = vector.shape_cast %get3A_1666 : vector<1x16xf32> to vector<16xf32>
      %mul3A_1668 = arith.mulf %get3A_1667, %add3A_1663 : vector<16xf32>
      %swap3A_1669 = arith.index_cast %scan3A_1654 : i32 to index
      %swap3A_1670 = arith.constant 0 : index
      %swap3A_1671 = tpu.vector_load %arg8[%swap3A_1669, %swap3A_1670] {strides = array<i32>} : memref<512x64xf32, #tpu.memory_space<vmem>>, vector<1x16xf32>,
      %swap3A_1672 = vector.shape_cast %swap3A_1671 : vector<1x16xf32> to vector<16xf32>
      %swap3A_1673 = vector.shape_cast %mul3A_1668 : vector<16xf32> to vector<1x16xf32>
      tpu.vector_store %arg8[%swap3A_1669, %swap3A_1670], %swap3A_1673 {strides = array<i32>} : memref<512x64xf32, #tpu.memory_space<vmem>>, vector<1x16xf32>,
      %get3A_1674 = arith.index_cast %scan3A_1654 : i32 to index
      %get3A_1675 = arith.constant 16 : index
      %get3A_1676 = tpu.vector_load %arg8[%get3A_1674, %get3A_1675] {strides = array<i32>} : memref<512x64xf32, #tpu.memory_space<vmem>>, vector<1x16xf32>,
      %get3A_1677 = vector.shape_cast %get3A_1676 : vector<1x16xf32> to vector<16xf32>
      %mul3A_1678 = arith.mulf %get3A_1677, %add3A_1663 : vector<16xf32>
      %swap3A_1679 = arith.index_cast %scan3A_1654 : i32 to index
      %swap3A_1680 = arith.constant 16 : index
      %swap3A_1681 = tpu.vector_load %arg8[%swap3A_1679, %swap3A_1680] {strides = array<i32>} : memref<512x64xf32, #tpu.memory_space<vmem>>, vector<1x16xf32>,
      %swap3A_1682 = vector.shape_cast %swap3A_1681 : vector<1x16xf32> to vector<16xf32>
      %swap3A_1683 = vector.shape_cast %mul3A_1678 : vector<16xf32> to vector<1x16xf32>
      tpu.vector_store %arg8[%swap3A_1679, %swap3A_1680], %swap3A_1683 {strides = array<i32>} : memref<512x64xf32, #tpu.memory_space<vmem>>, vector<1x16xf32>,
      %get3A_1684 = arith.index_cast %scan3A_1654 : i32 to index
      %get3A_1685 = arith.constant 32 : index
      %get3A_1686 = tpu.vector_load %arg8[%get3A_1684, %get3A_1685] {strides = array<i32>} : memref<512x64xf32, #tpu.memory_space<vmem>>, vector<1x16xf32>,
      %get3A_1687 = vector.shape_cast %get3A_1686 : vector<1x16xf32> to vector<16xf32>
      %mul3A_1688 = arith.mulf %get3A_1687, %add3A_1663 : vector<16xf32>
      %swap3A_1689 = arith.index_cast %scan3A_1654 : i32 to index
      %swap3A_1690 = arith.constant 32 : index
      %swap3A_1691 = tpu.vector_load %arg8[%swap3A_1689, %swap3A_1690] {strides = array<i32>} : memref<512x64xf32, #tpu.memory_space<vmem>>, vector<1x16xf32>,
      %swap3A_1692 = vector.shape_cast %swap3A_1691 : vector<1x16xf32> to vector<16xf32>
      %swap3A_1693 = vector.shape_cast %mul3A_1688 : vector<16xf32> to vector<1x16xf32>
      tpu.vector_store %arg8[%swap3A_1689, %swap3A_1690], %swap3A_1693 {strides = array<i32>} : memref<512x64xf32, #tpu.memory_space<vmem>>, vector<1x16xf32>,
      %get3A_1694 = arith.index_cast %scan3A_1654 : i32 to index
      %get3A_1695 = arith.constant 48 : index
      %get3A_1696 = tpu.vector_load %arg8[%get3A_1694, %get3A_1695] {strides = array<i32>} : memref<512x64xf32, #tpu.memory_space<vmem>>, vector<1x16xf32>,
      %get3A_1697 = vector.shape_cast %get3A_1696 : vector<1x16xf32> to vector<16xf32>
      %mul3A_1698 = arith.mulf %get3A_1697, %add3A_1663 : vector<16xf32>
      %swap3A_1699 = arith.index_cast %scan3A_1654 : i32 to index
      %swap3A_1700 = arith.constant 48 : index
      %swap3A_1701 = tpu.vector_load %arg8[%swap3A_1699, %swap3A_1700] {strides = array<i32>} : memref<512x64xf32, #tpu.memory_space<vmem>>, vector<1x16xf32>,
      %swap3A_1702 = vector.shape_cast %swap3A_1701 : vector<1x16xf32> to vector<16xf32>
      %swap3A_1703 = vector.shape_cast %mul3A_1698 : vector<16xf32> to vector<1x16xf32>
      tpu.vector_store %arg8[%swap3A_1699, %swap3A_1700], %swap3A_1703 {strides = array<i32>} : memref<512x64xf32, #tpu.memory_space<vmem>>, vector<1x16xf32>,
    }
    %scan3A_827 = arith.constant 320 : i32
    %add3A_828 = arith.constant 0 : i32
    %add3A_829 = arith.addi %mul3A_0, %add3A_828 : i32
    "tpu.region"() ({
      %run_scoped3A_1654 = tpu.sem_alloc : memref<!tpu.dma_semaphore, #tpu.memory_space<semaphore_mem>>
      %dma_start3A_1655 = arith.constant 0 : i32
      %dma_start3A_1656 = arith.constant 0 : i32
      %dma_start3A_1657 = tpu.memref_slice %arg8[%dma_start3A_1655, %dma_start3A_1656] : memref<512x64xf32, #tpu.memory_space<vmem>> -> memref<320x64xf32, #tpu.memory_space<vmem>>
      %dma_start3A_1658 = arith.constant 0 : i32
      %dma_start3A_1659 = tpu.memref_slice %arg14[%add3A_829, %dma_start3A_1658] : memref<10240x64xf32, #tpu.memory_space<vmem_shared>> -> memref<320x64xf32, #tpu.memory_space<vmem_shared>>
      %dma_start3A_1660 = arith.constant 0 : i32
      %dma_start3A_1661 = tpu.memref_slice %arg14[%add3A_829, %dma_start3A_1660] : memref<10240x64xf32, #tpu.memory_space<vmem_shared>> -> memref<320x64xf32, #tpu.memory_space<vmem_shared>>
      %dma_start3A_1662 = arith.constant 0 : i32
      %dma_start3A_1663 = arith.constant 0 : i32
      %dma_start3A_1664 = tpu.memref_slice %arg8[%dma_start3A_1662, %dma_start3A_1663] : memref<512x64xf32, #tpu.memory_space<vmem>> -> memref<320x64xf32, #tpu.memory_space<vmem>>
      tpu.enqueue_dma source(%dma_start3A_1664 : memref<320x64xf32, #tpu.memory_space<vmem>>) target(%dma_start3A_1661 : memref<320x64xf32, #tpu.memory_space<vmem_shared>>) target_semaphore(%run_scoped3A_1654 : memref<!tpu.dma_semaphore, #tpu.memory_space<semaphore_mem>>)
      %dma_wait3A_1665 = arith.constant 0 : i32
      %dma_wait3A_1666 = arith.constant 0 : i32
      %dma_wait3A_1667 = tpu.memref_slice %arg8[%dma_wait3A_1665, %dma_wait3A_1666] : memref<512x64xf32, #tpu.memory_space<vmem>> -> memref<320x64xf32, #tpu.memory_space<vmem>>
      %dma_wait3A_1668 = arith.constant 0 : i32
      %dma_wait3A_1669 = tpu.memref_slice %arg14[%add3A_829, %dma_wait3A_1668] : memref<10240x64xf32, #tpu.memory_space<vmem_shared>> -> memref<320x64xf32, #tpu.memory_space<vmem_shared>>
      %dma_wait3A_1670 = arith.constant 0 : i32
      %dma_wait3A_1671 = tpu.memref_slice %arg14[%add3A_829, %dma_wait3A_1670] : memref<10240x64xf32, #tpu.memory_space<vmem_shared>> -> memref<320x64xf32, #tpu.memory_space<vmem_shared>>
      %dma_wait3A_1672 = arith.constant 0 : i32
      %dma_wait3A_1673 = arith.constant 0 : i32
      %dma_wait3A_1674 = tpu.memref_slice %arg8[%dma_wait3A_1672, %dma_wait3A_1673] : memref<512x64xf32, #tpu.memory_space<vmem>> -> memref<320x64xf32, #tpu.memory_space<vmem>>
      tpu.wait_dma2 semaphore(%run_scoped3A_1654 : memref<!tpu.dma_semaphore, #tpu.memory_space<semaphore_mem>>) src(%dma_wait3A_1674 : memref<320x64xf32, #tpu.memory_space<vmem>>) dst(%dma_wait3A_1671 : memref<320x64xf32, #tpu.memory_space<vmem_shared>>)
      tpu.yield
    }) : () -> ()
    %add3A_830 = arith.constant 320 : i32
    %add3A_831 = arith.addi %mul3A_0, %add3A_830 : i32
    "tpu.region"() ({
      %run_scoped3A_1654 = tpu.sem_alloc : memref<!tpu.dma_semaphore, #tpu.memory_space<semaphore_mem>>
      %dma_start3A_1655 = arith.constant 0 : i32
      %dma_start3A_1656 = arith.constant 0 : i32
      %dma_start3A_1657 = tpu.memref_slice %arg8[%dma_start3A_1655, %dma_start3A_1656] : memref<512x64xf32, #tpu.memory_space<vmem>> -> memref<320x64xf32, #tpu.memory_space<vmem>>
      %dma_start3A_1658 = arith.constant 0 : i32
      %dma_start3A_1659 = tpu.memref_slice %arg14[%add3A_831, %dma_start3A_1658] : memref<10240x64xf32, #tpu.memory_space<vmem_shared>> -> memref<320x64xf32, #tpu.memory_space<vmem_shared>>
      %dma_start3A_1660 = arith.constant 0 : i32
      %dma_start3A_1661 = arith.constant 0 : i32
      %dma_start3A_1662 = tpu.memref_slice %arg8[%dma_start3A_1660, %dma_start3A_1661] : memref<512x64xf32, #tpu.memory_space<vmem>> -> memref<320x64xf32, #tpu.memory_space<vmem>>
      %dma_start3A_1663 = arith.constant 0 : i32
      %dma_start3A_1664 = tpu.memref_slice %arg14[%add3A_831, %dma_start3A_1663] : memref<10240x64xf32, #tpu.memory_space<vmem_shared>> -> memref<320x64xf32, #tpu.memory_space<vmem_shared>>
      tpu.enqueue_dma source(%dma_start3A_1664 : memref<320x64xf32, #tpu.memory_space<vmem_shared>>) target(%dma_start3A_1662 : memref<320x64xf32, #tpu.memory_space<vmem>>) target_semaphore(%run_scoped3A_1654 : memref<!tpu.dma_semaphore, #tpu.memory_space<semaphore_mem>>)
      %dma_wait3A_1665 = arith.constant 0 : i32
      %dma_wait3A_1666 = arith.constant 0 : i32
      %dma_wait3A_1667 = tpu.memref_slice %arg8[%dma_wait3A_1665, %dma_wait3A_1666] : memref<512x64xf32, #tpu.memory_space<vmem>> -> memref<320x64xf32, #tpu.memory_space<vmem>>
      %dma_wait3A_1668 = arith.constant 0 : i32
      %dma_wait3A_1669 = tpu.memref_slice %arg14[%add3A_831, %dma_wait3A_1668] : memref<10240x64xf32, #tpu.memory_space<vmem_shared>> -> memref<320x64xf32, #tpu.memory_space<vmem_shared>>
      %dma_wait3A_1670 = arith.constant 0 : i32
      %dma_wait3A_1671 = arith.constant 0 : i32
      %dma_wait3A_1672 = tpu.memref_slice %arg8[%dma_wait3A_1670, %dma_wait3A_1671] : memref<512x64xf32, #tpu.memory_space<vmem>> -> memref<320x64xf32, #tpu.memory_space<vmem>>
      %dma_wait3A_1673 = arith.constant 0 : i32
      %dma_wait3A_1674 = tpu.memref_slice %arg14[%add3A_831, %dma_wait3A_1673] : memref<10240x64xf32, #tpu.memory_space<vmem_shared>> -> memref<320x64xf32, #tpu.memory_space<vmem_shared>>
      tpu.wait_dma2 semaphore(%run_scoped3A_1654 : memref<!tpu.dma_semaphore, #tpu.memory_space<semaphore_mem>>) src(%dma_wait3A_1674 : memref<320x64xf32, #tpu.memory_space<vmem_shared>>) dst(%dma_wait3A_1672 : memref<320x64xf32, #tpu.memory_space<vmem>>)
      tpu.yield
    }) : () -> ()
    %scan3A_832 = arith.constant 0 : i32
    %scan3A_833 = arith.constant 0 : i32
    %scan3A_834 = arith.constant 320 : i32
    %scan3A_835 = arith.addi %scan3A_833, %scan3A_834 : i32
    %scan3A_836 = arith.constant 1 : i32
    scf.for %scan3A_1654 = %scan3A_833 to %scan3A_835 step %scan3A_836  : i32 {
      %broadcast_in_dim3A_1655 = arith.constant 0.000000e+00 : f32
      %broadcast_in_dim3A_1656 = vector.broadcast %broadcast_in_dim3A_1655 : f32 to vector<16xf32>
      %add3A_1657 = arith.constant 320 : i32
      %add3A_1658 = arith.addi %scan3A_1654, %add3A_1657 : i32
      %get3A_1659 = arith.index_cast %add3A_1658 : i32 to index
      %get3A_1660 = tpu.vector_load %arg13[%get3A_1659] {strides = array<i32>} : memref<656xf32, #tpu.memory_space<vmem>>, vector<16xf32>,
      %get3A_1661 = vector.shape_cast %get3A_1660 : vector<16xf32> to vector<16xf32>
      %slice3A = vector.extract_strided_slice %get3A_1661 {offsets = [0], sizes = [1], strides = [1]} : vector<16xf32> to vector<1xf32>
      %squeeze3A = vector.extract %slice3A[0] : f32 from vector<1xf32>
      %add3A_1662 = vector.broadcast %squeeze3A : f32 to vector<16xf32>
      %add3A_1663 = arith.addf %broadcast_in_dim3A_1656, %add3A_1662 : vector<16xf32>
      %get3A_1664 = arith.index_cast %scan3A_1654 : i32 to index
      %get3A_1665 = arith.constant 0 : index
      %get3A_1666 = tpu.vector_load %arg8[%get3A_1664, %get3A_1665] {strides = array<i32>} : memref<512x64xf32, #tpu.memory_space<vmem>>, vector<1x16xf32>,
      %get3A_1667 = vector.shape_cast %get3A_1666 : vector<1x16xf32> to vector<16xf32>
      %mul3A_1668 = arith.mulf %get3A_1667, %add3A_1663 : vector<16xf32>
      %swap3A_1669 = arith.index_cast %scan3A_1654 : i32 to index
      %swap3A_1670 = arith.constant 0 : index
      %swap3A_1671 = tpu.vector_load %arg8[%swap3A_1669, %swap3A_1670] {strides = array<i32>} : memref<512x64xf32, #tpu.memory_space<vmem>>, vector<1x16xf32>,
      %swap3A_1672 = vector.shape_cast %swap3A_1671 : vector<1x16xf32> to vector<16xf32>
      %swap3A_1673 = vector.shape_cast %mul3A_1668 : vector<16xf32> to vector<1x16xf32>
      tpu.vector_store %arg8[%swap3A_1669, %swap3A_1670], %swap3A_1673 {strides = array<i32>} : memref<512x64xf32, #tpu.memory_space<vmem>>, vector<1x16xf32>,
      %get3A_1674 = arith.index_cast %scan3A_1654 : i32 to index
      %get3A_1675 = arith.constant 16 : index
      %get3A_1676 = tpu.vector_load %arg8[%get3A_1674, %get3A_1675] {strides = array<i32>} : memref<512x64xf32, #tpu.memory_space<vmem>>, vector<1x16xf32>,
      %get3A_1677 = vector.shape_cast %get3A_1676 : vector<1x16xf32> to vector<16xf32>
      %mul3A_1678 = arith.mulf %get3A_1677, %add3A_1663 : vector<16xf32>
      %swap3A_1679 = arith.index_cast %scan3A_1654 : i32 to index
      %swap3A_1680 = arith.constant 16 : index
      %swap3A_1681 = tpu.vector_load %arg8[%swap3A_1679, %swap3A_1680] {strides = array<i32>} : memref<512x64xf32, #tpu.memory_space<vmem>>, vector<1x16xf32>,
      %swap3A_1682 = vector.shape_cast %swap3A_1681 : vector<1x16xf32> to vector<16xf32>
      %swap3A_1683 = vector.shape_cast %mul3A_1678 : vector<16xf32> to vector<1x16xf32>
      tpu.vector_store %arg8[%swap3A_1679, %swap3A_1680], %swap3A_1683 {strides = array<i32>} : memref<512x64xf32, #tpu.memory_space<vmem>>, vector<1x16xf32>,
      %get3A_1684 = arith.index_cast %scan3A_1654 : i32 to index
      %get3A_1685 = arith.constant 32 : index
      %get3A_1686 = tpu.vector_load %arg8[%get3A_1684, %get3A_1685] {strides = array<i32>} : memref<512x64xf32, #tpu.memory_space<vmem>>, vector<1x16xf32>,
      %get3A_1687 = vector.shape_cast %get3A_1686 : vector<1x16xf32> to vector<16xf32>
      %mul3A_1688 = arith.mulf %get3A_1687, %add3A_1663 : vector<16xf32>
      %swap3A_1689 = arith.index_cast %scan3A_1654 : i32 to index
      %swap3A_1690 = arith.constant 32 : index
      %swap3A_1691 = tpu.vector_load %arg8[%swap3A_1689, %swap3A_1690] {strides = array<i32>} : memref<512x64xf32, #tpu.memory_space<vmem>>, vector<1x16xf32>,
      %swap3A_1692 = vector.shape_cast %swap3A_1691 : vector<1x16xf32> to vector<16xf32>
      %swap3A_1693 = vector.shape_cast %mul3A_1688 : vector<16xf32> to vector<1x16xf32>
      tpu.vector_store %arg8[%swap3A_1689, %swap3A_1690], %swap3A_1693 {strides = array<i32>} : memref<512x64xf32, #tpu.memory_space<vmem>>, vector<1x16xf32>,
      %get3A_1694 = arith.index_cast %scan3A_1654 : i32 to index
      %get3A_1695 = arith.constant 48 : index
      %get3A_1696 = tpu.vector_load %arg8[%get3A_1694, %get3A_1695] {strides = array<i32>} : memref<512x64xf32, #tpu.memory_space<vmem>>, vector<1x16xf32>,
      %get3A_1697 = vector.shape_cast %get3A_1696 : vector<1x16xf32> to vector<16xf32>
      %mul3A_1698 = arith.mulf %get3A_1697, %add3A_1663 : vector<16xf32>
      %swap3A_1699 = arith.index_cast %scan3A_1654 : i32 to index
      %swap3A_1700 = arith.constant 48 : index
      %swap3A_1701 = tpu.vector_load %arg8[%swap3A_1699, %swap3A_1700] {strides = array<i32>} : memref<512x64xf32, #tpu.memory_space<vmem>>, vector<1x16xf32>,
      %swap3A_1702 = vector.shape_cast %swap3A_1701 : vector<1x16xf32> to vector<16xf32>
      %swap3A_1703 = vector.shape_cast %mul3A_1698 : vector<16xf32> to vector<1x16xf32>
      tpu.vector_store %arg8[%swap3A_1699, %swap3A_1700], %swap3A_1703 {strides = array<i32>} : memref<512x64xf32, #tpu.memory_space<vmem>>, vector<1x16xf32>,
    }
    %scan3A_837 = arith.constant 320 : i32
    %add3A_838 = arith.constant 320 : i32
    %add3A_839 = arith.addi %mul3A_0, %add3A_838 : i32
    "tpu.region"() ({
      %run_scoped3A_1654 = tpu.sem_alloc : memref<!tpu.dma_semaphore, #tpu.memory_space<semaphore_mem>>
      %dma_start3A_1655 = arith.constant 0 : i32
      %dma_start3A_1656 = arith.constant 0 : i32
      %dma_start3A_1657 = tpu.memref_slice %arg8[%dma_start3A_1655, %dma_start3A_1656] : memref<512x64xf32, #tpu.memory_space<vmem>> -> memref<320x64xf32, #tpu.memory_space<vmem>>
      %dma_start3A_1658 = arith.constant 0 : i32
      %dma_start3A_1659 = tpu.memref_slice %arg14[%add3A_839, %dma_start3A_1658] : memref<10240x64xf32, #tpu.memory_space<vmem_shared>> -> memref<320x64xf32, #tpu.memory_space<vmem_shared>>
      %dma_start3A_1660 = arith.constant 0 : i32
      %dma_start3A_1661 = tpu.memref_slice %arg14[%add3A_839, %dma_start3A_1660] : memref<10240x64xf32, #tpu.memory_space<vmem_shared>> -> memref<320x64xf32, #tpu.memory_space<vmem_shared>>
      %dma_start3A_1662 = arith.constant 0 : i32
      %dma_start3A_1663 = arith.constant 0 : i32
      %dma_start3A_1664 = tpu.memref_slice %arg8[%dma_start3A_1662, %dma_start3A_1663] : memref<512x64xf32, #tpu.memory_space<vmem>> -> memref<320x64xf32, #tpu.memory_space<vmem>>
      tpu.enqueue_dma source(%dma_start3A_1664 : memref<320x64xf32, #tpu.memory_space<vmem>>) target(%dma_start3A_1661 : memref<320x64xf32, #tpu.memory_space<vmem_shared>>) target_semaphore(%run_scoped3A_1654 : memref<!tpu.dma_semaphore, #tpu.memory_space<semaphore_mem>>)
      %dma_wait3A_1665 = arith.constant 0 : i32
      %dma_wait3A_1666 = arith.constant 0 : i32
      %dma_wait3A_1667 = tpu.memref_slice %arg8[%dma_wait3A_1665, %dma_wait3A_1666] : memref<512x64xf32, #tpu.memory_space<vmem>> -> memref<320x64xf32, #tpu.memory_space<vmem>>
      %dma_wait3A_1668 = arith.constant 0 : i32
      %dma_wait3A_1669 = tpu.memref_slice %arg14[%add3A_839, %dma_wait3A_1668] : memref<10240x64xf32, #tpu.memory_space<vmem_shared>> -> memref<320x64xf32, #tpu.memory_space<vmem_shared>>
      %dma_wait3A_1670 = arith.constant 0 : i32
      %dma_wait3A_1671 = tpu.memref_slice %arg14[%add3A_839, %dma_wait3A_1670] : memref<10240x64xf32, #tpu.memory_space<vmem_shared>> -> memref<320x64xf32, #tpu.memory_space<vmem_shared>>
      %dma_wait3A_1672 = arith.constant 0 : i32
      %dma_wait3A_1673 = arith.constant 0 : i32
      %dma_wait3A_1674 = tpu.memref_slice %arg8[%dma_wait3A_1672, %dma_wait3A_1673] : memref<512x64xf32, #tpu.memory_space<vmem>> -> memref<320x64xf32, #tpu.memory_space<vmem>>
      tpu.wait_dma2 semaphore(%run_scoped3A_1654 : memref<!tpu.dma_semaphore, #tpu.memory_space<semaphore_mem>>) src(%dma_wait3A_1674 : memref<320x64xf32, #tpu.memory_space<vmem>>) dst(%dma_wait3A_1671 : memref<320x64xf32, #tpu.memory_space<vmem_shared>>)
      tpu.yield
    }) : () -> ()
    "tpu.region"() ({
      %run_scoped3A_1654 = tpu.sem_alloc : memref<!tpu.dma_semaphore, #tpu.memory_space<semaphore_mem>>
      %dma_start3A_1655 = arith.constant 0 : i32
      %dma_start3A_1656 = tpu.memref_slice %arg15[%mul3A_0, %dma_start3A_1655] : memref<10240x64xf32, #tpu.memory_space<vmem_shared>> -> memref<640x64xf32, #tpu.memory_space<vmem_shared>>
      tpu.enqueue_dma source(%arg5 : memref<640x64xf32, #tpu.memory_space<hbm>>) target(%dma_start3A_1656 : memref<640x64xf32, #tpu.memory_space<vmem_shared>>) target_semaphore(%run_scoped3A_1654 : memref<!tpu.dma_semaphore, #tpu.memory_space<semaphore_mem>>)
      %dma_wait3A_1657 = arith.constant 0 : i32
      %dma_wait3A_1658 = tpu.memref_slice %arg15[%mul3A_0, %dma_wait3A_1657] : memref<10240x64xf32, #tpu.memory_space<vmem_shared>> -> memref<640x64xf32, #tpu.memory_space<vmem_shared>>
      tpu.wait_dma2 semaphore(%run_scoped3A_1654 : memref<!tpu.dma_semaphore, #tpu.memory_space<semaphore_mem>>) src(%arg5 : memref<640x64xf32, #tpu.memory_space<hbm>>) dst(%dma_wait3A_1658 : memref<640x64xf32, #tpu.memory_space<vmem_shared>>)
      tpu.yield
    }) : () -> ()
    %barrier3A_840 = arith.constant 0 : index
    tpu.barrier barrier_id(%barrier3A_840)
    %mul3A_841 = arith.constant 160 : i32
    %mul3A_842 = arith.muli %arg1, %mul3A_841 : i32
    %add3A_843 = arith.constant 0 : i32
    %add3A_844 = arith.addi %mul3A_842, %add3A_843 : i32
    %run_scoped3A_845 = arith.constant 0 : i32
    "tpu.region"() ({
      %run_scoped3A_1654 = tpu.sem_alloc : memref<!tpu.dma_semaphore, #tpu.memory_space<semaphore_mem>>
      %dma_start3A_1655 = arith.constant 0 : i32
      %dma_start3A_1656 = arith.constant 0 : i32
      %dma_start3A_1657 = tpu.memref_slice %arg9[%run_scoped3A_845, %dma_start3A_1655, %dma_start3A_1656] : memref<2x16x128xi32, #tpu.memory_space<vmem>> -> memref<1x16x128xi32, #tpu.memory_space<vmem>>
      %dma_start3A_1658 = tpu.memref_squeeze %dma_start3A_1657 : memref<1x16x128xi32, #tpu.memory_space<vmem>> -> memref<16x128xi32, #tpu.memory_space<vmem>>
      %dma_start3A_1659 = arith.constant 0 : i32
      %dma_start3A_1660 = tpu.memref_slice %arg4[%add3A_844, %dma_start3A_1659] : memref<2560x128xi32, #tpu.memory_space<hbm>> -> memref<16x128xi32, #tpu.memory_space<hbm>>
      %dma_start3A_1661 = arith.constant 0 : i32
      %dma_start3A_1662 = arith.constant 0 : i32
      %dma_start3A_1663 = tpu.memref_slice %arg9[%run_scoped3A_845, %dma_start3A_1661, %dma_start3A_1662] : memref<2x16x128xi32, #tpu.memory_space<vmem>> -> memref<1x16x128xi32, #tpu.memory_space<vmem>>
      %dma_start3A_1664 = tpu.memref_squeeze %dma_start3A_1663 : memref<1x16x128xi32, #tpu.memory_space<vmem>> -> memref<16x128xi32, #tpu.memory_space<vmem>>
      %dma_start3A_1665 = arith.constant 0 : i32
      %dma_start3A_1666 = tpu.memref_slice %arg4[%add3A_844, %dma_start3A_1665] : memref<2560x128xi32, #tpu.memory_space<hbm>> -> memref<16x128xi32, #tpu.memory_space<hbm>>
      tpu.enqueue_dma source(%dma_start3A_1666 : memref<16x128xi32, #tpu.memory_space<hbm>>) target(%dma_start3A_1664 : memref<16x128xi32, #tpu.memory_space<vmem>>) target_semaphore(%run_scoped3A_1654 : memref<!tpu.dma_semaphore, #tpu.memory_space<semaphore_mem>>)
      %dma_wait3A_1667 = arith.constant 0 : i32
      %dma_wait3A_1668 = arith.constant 0 : i32
      %dma_wait3A_1669 = tpu.memref_slice %arg9[%run_scoped3A_845, %dma_wait3A_1667, %dma_wait3A_1668] : memref<2x16x128xi32, #tpu.memory_space<vmem>> -> memref<1x16x128xi32, #tpu.memory_space<vmem>>
      %dma_wait3A_1670 = tpu.memref_squeeze %dma_wait3A_1669 : memref<1x16x128xi32, #tpu.memory_space<vmem>> -> memref<16x128xi32, #tpu.memory_space<vmem>>
      %dma_wait3A_1671 = arith.constant 0 : i32
      %dma_wait3A_1672 = tpu.memref_slice %arg4[%add3A_844, %dma_wait3A_1671] : memref<2560x128xi32, #tpu.memory_space<hbm>> -> memref<16x128xi32, #tpu.memory_space<hbm>>
      %dma_wait3A_1673 = arith.constant 0 : i32
      %dma_wait3A_1674 = arith.constant 0 : i32
      %dma_wait3A_1675 = tpu.memref_slice %arg9[%run_scoped3A_845, %dma_wait3A_1673, %dma_wait3A_1674] : memref<2x16x128xi32, #tpu.memory_space<vmem>> -> memref<1x16x128xi32, #tpu.memory_space<vmem>>
      %dma_wait3A_1676 = tpu.memref_squeeze %dma_wait3A_1675 : memref<1x16x128xi32, #tpu.memory_space<vmem>> -> memref<16x128xi32, #tpu.memory_space<vmem>>
      %dma_wait3A_1677 = arith.constant 0 : i32
      %dma_wait3A_1678 = tpu.memref_slice %arg4[%add3A_844, %dma_wait3A_1677] : memref<2560x128xi32, #tpu.memory_space<hbm>> -> memref<16x128xi32, #tpu.memory_space<hbm>>
      tpu.wait_dma2 semaphore(%run_scoped3A_1654 : memref<!tpu.dma_semaphore, #tpu.memory_space<semaphore_mem>>) src(%dma_wait3A_1678 : memref<16x128xi32, #tpu.memory_space<hbm>>) dst(%dma_wait3A_1676 : memref<16x128xi32, #tpu.memory_space<vmem>>)
      tpu.yield
    }) : () -> ()
    %run_scoped3A_846 = arith.constant 0 : i32
    "tpu.region"() ({
      %run_scoped3A_1654 = tpu.sem_alloc : memref<!tpu.dma_semaphore, #tpu.memory_space<semaphore_mem>>
      %dma_start3A_1655 = arith.constant 0 : i32
      %dma_start3A_1656 = arith.constant 0 : i32
      %dma_start3A_1657 = tpu.memref_slice %arg10[%run_scoped3A_846, %dma_start3A_1655, %dma_start3A_1656] : memref<2x16x128xi32, #tpu.memory_space<vmem>> -> memref<1x16x128xi32, #tpu.memory_space<vmem>>
      %dma_start3A_1658 = tpu.memref_squeeze %dma_start3A_1657 : memref<1x16x128xi32, #tpu.memory_space<vmem>> -> memref<16x128xi32, #tpu.memory_space<vmem>>
      %dma_start3A_1659 = arith.constant 0 : i32
      %dma_start3A_1660 = tpu.memref_slice %arg3[%add3A_844, %dma_start3A_1659] : memref<2560x128xi32, #tpu.memory_space<hbm>> -> memref<16x128xi32, #tpu.memory_space<hbm>>
      %dma_start3A_1661 = arith.constant 0 : i32
      %dma_start3A_1662 = arith.constant 0 : i32
      %dma_start3A_1663 = tpu.memref_slice %arg10[%run_scoped3A_846, %dma_start3A_1661, %dma_start3A_1662] : memref<2x16x128xi32, #tpu.memory_space<vmem>> -> memref<1x16x128xi32, #tpu.memory_space<vmem>>
      %dma_start3A_1664 = tpu.memref_squeeze %dma_start3A_1663 : memref<1x16x128xi32, #tpu.memory_space<vmem>> -> memref<16x128xi32, #tpu.memory_space<vmem>>
      %dma_start3A_1665 = arith.constant 0 : i32
      %dma_start3A_1666 = tpu.memref_slice %arg3[%add3A_844, %dma_start3A_1665] : memref<2560x128xi32, #tpu.memory_space<hbm>> -> memref<16x128xi32, #tpu.memory_space<hbm>>
      tpu.enqueue_dma source(%dma_start3A_1666 : memref<16x128xi32, #tpu.memory_space<hbm>>) target(%dma_start3A_1664 : memref<16x128xi32, #tpu.memory_space<vmem>>) target_semaphore(%run_scoped3A_1654 : memref<!tpu.dma_semaphore, #tpu.memory_space<semaphore_mem>>)
      %dma_wait3A_1667 = arith.constant 0 : i32
      %dma_wait3A_1668 = arith.constant 0 : i32
      %dma_wait3A_1669 = tpu.memref_slice %arg10[%run_scoped3A_846, %dma_wait3A_1667, %dma_wait3A_1668] : memref<2x16x128xi32, #tpu.memory_space<vmem>> -> memref<1x16x128xi32, #tpu.memory_space<vmem>>
      %dma_wait3A_1670 = tpu.memref_squeeze %dma_wait3A_1669 : memref<1x16x128xi32, #tpu.memory_space<vmem>> -> memref<16x128xi32, #tpu.memory_space<vmem>>
      %dma_wait3A_1671 = arith.constant 0 : i32
      %dma_wait3A_1672 = tpu.memref_slice %arg3[%add3A_844, %dma_wait3A_1671] : memref<2560x128xi32, #tpu.memory_space<hbm>> -> memref<16x128xi32, #tpu.memory_space<hbm>>
      %dma_wait3A_1673 = arith.constant 0 : i32
      %dma_wait3A_1674 = arith.constant 0 : i32
      %dma_wait3A_1675 = tpu.memref_slice %arg10[%run_scoped3A_846, %dma_wait3A_1673, %dma_wait3A_1674] : memref<2x16x128xi32, #tpu.memory_space<vmem>> -> memref<1x16x128xi32, #tpu.memory_space<vmem>>
      %dma_wait3A_1676 = tpu.memref_squeeze %dma_wait3A_1675 : memref<1x16x128xi32, #tpu.memory_space<vmem>> -> memref<16x128xi32, #tpu.memory_space<vmem>>
      %dma_wait3A_1677 = arith.constant 0 : i32
      %dma_wait3A_1678 = tpu.memref_slice %arg3[%add3A_844, %dma_wait3A_1677] : memref<2560x128xi32, #tpu.memory_space<hbm>> -> memref<16x128xi32, #tpu.memory_space<hbm>>
      tpu.wait_dma2 semaphore(%run_scoped3A_1654 : memref<!tpu.dma_semaphore, #tpu.memory_space<semaphore_mem>>) src(%dma_wait3A_1678 : memref<16x128xi32, #tpu.memory_space<hbm>>) dst(%dma_wait3A_1676 : memref<16x128xi32, #tpu.memory_space<vmem>>)
      tpu.yield
    }) : () -> ()
    %scan3A_847 = arith.constant 0 : i32
    %scan3A_848 = arith.constant 0 : i32
    %scan3A_849 = arith.constant 40 : i32
    %scan3A_850 = arith.addi %scan3A_848, %scan3A_849 : i32
    %scan3A_851 = arith.constant 1 : i32
    scf.for %scan3A_1654 = %scan3A_848 to %scan3A_850 step %scan3A_851  : i32 {
      %rem3A_1655 = arith.constant 4 : i32
      %rem3A_1656 = arith.remsi %scan3A_1654, %rem3A_1655 : i32
      %eq3A_1657 = arith.constant 0 : i32
      %eq3A_1658 = arith.cmpi eq, %rem3A_1656, %eq3A_1657 : i32
      %gt3A_1659 = arith.constant 0 : i32
      %gt3A_1660 = arith.cmpi sgt, %scan3A_1654, %gt3A_1659 : i32
      %and3A = arith.andi %eq3A_1658, %gt3A_1660 : i1
      %convert_element_type3A_1661 = arith.extui %and3A : i1 to i32
      %cond3A_1662 = arith.constant 0 : i32
      %cond3A_1663 = arith.cmpi ne, %convert_element_type3A_1661, %cond3A_1662 : i32
      scf.if %cond3A_1663 {
        %jit3A_1871 = arith.constant 4 : i32
        %div3A_1872 = arith.divsi %scan3A_1654, %jit3A_1871 : i32
        %sign3A_1873 = arith.constant 0 : i32
        %sign3A_1874 = arith.cmpi sgt, %scan3A_1654, %sign3A_1873 : i32
        %sign3A_1875 = arith.extui %sign3A_1874 : i1 to i32
        %sign3A_1876 = arith.constant 0 : i32
        %sign3A_1877 = arith.cmpi slt, %scan3A_1654, %sign3A_1876 : i32
        %sign3A_1878 = arith.extui %sign3A_1877 : i1 to i32
        %sign3A_1879 = arith.subi %sign3A_1875, %sign3A_1878 : i32
        %sign3A_1880 = arith.constant 0 : i32
        %sign3A_1881 = arith.cmpi sgt, %jit3A_1871, %sign3A_1880 : i32
        %sign3A_1882 = arith.extui %sign3A_1881 : i1 to i32
        %sign3A_1883 = arith.constant 0 : i32
        %sign3A_1884 = arith.cmpi slt, %jit3A_1871, %sign3A_1883 : i32
        %sign3A_1885 = arith.extui %sign3A_1884 : i1 to i32
        %sign3A_1886 = arith.subi %sign3A_1882, %sign3A_1885 : i32
        %ne3A_1887 = arith.cmpi ne, %sign3A_1879, %sign3A_1886 : i32
        %rem3A_1888 = arith.remsi %scan3A_1654, %jit3A_1871 : i32
        %ne3A_1889 = arith.constant 0 : i32
        %ne3A_1890 = arith.cmpi ne, %rem3A_1888, %ne3A_1889 : i32
        %and3A_1891 = arith.andi %ne3A_1887, %ne3A_1890 : i1
        %sub3A_1892 = arith.constant 1 : i32
        %sub3A_1893 = arith.subi %div3A_1872, %sub3A_1892 : i32
        %select_n3A_1894 = arith.select %and3A_1891, %sub3A_1893, %div3A_1872 : i32
        %rem3A_1895 = arith.constant 2 : i32
        %rem3A_1896 = arith.remsi %select_n3A_1894, %rem3A_1895 : i32
        %mul3A_1897 = arith.constant 160 : i32
        %mul3A_1898 = arith.muli %arg1, %mul3A_1897 : i32
        %mul3A_1899 = arith.constant 16 : i32
        %mul3A_1900 = arith.muli %select_n3A_1894, %mul3A_1899 : i32
        %add3A_1901 = arith.addi %mul3A_1898, %mul3A_1900 : i32
        "tpu.region"() ({
          %run_scoped3A_1902 = tpu.sem_alloc : memref<!tpu.dma_semaphore, #tpu.memory_space<semaphore_mem>>
          %dma_start3A_1903 = arith.constant 0 : i32
          %dma_start3A_1904 = arith.constant 0 : i32
          %dma_start3A_1905 = tpu.memref_slice %arg9[%rem3A_1896, %dma_start3A_1903, %dma_start3A_1904] : memref<2x16x128xi32, #tpu.memory_space<vmem>> -> memref<1x16x128xi32, #tpu.memory_space<vmem>>
          %dma_start3A_1906 = tpu.memref_squeeze %dma_start3A_1905 : memref<1x16x128xi32, #tpu.memory_space<vmem>> -> memref<16x128xi32, #tpu.memory_space<vmem>>
          %dma_start3A_1907 = arith.constant 0 : i32
          %dma_start3A_1908 = tpu.memref_slice %arg4[%add3A_1901, %dma_start3A_1907] : memref<2560x128xi32, #tpu.memory_space<hbm>> -> memref<16x128xi32, #tpu.memory_space<hbm>>
          %dma_start3A_1909 = arith.constant 0 : i32
          %dma_start3A_1910 = arith.constant 0 : i32
          %dma_start3A_1911 = tpu.memref_slice %arg9[%rem3A_1896, %dma_start3A_1909, %dma_start3A_1910] : memref<2x16x128xi32, #tpu.memory_space<vmem>> -> memref<1x16x128xi32, #tpu.memory_space<vmem>>
          %dma_start3A_1912 = tpu.memref_squeeze %dma_start3A_1911 : memref<1x16x128xi32, #tpu.memory_space<vmem>> -> memref<16x128xi32, #tpu.memory_space<vmem>>
          %dma_start3A_1913 = arith.constant 0 : i32
          %dma_start3A_1914 = tpu.memref_slice %arg4[%add3A_1901, %dma_start3A_1913] : memref<2560x128xi32, #tpu.memory_space<hbm>> -> memref<16x128xi32, #tpu.memory_space<hbm>>
          tpu.enqueue_dma source(%dma_start3A_1914 : memref<16x128xi32, #tpu.memory_space<hbm>>) target(%dma_start3A_1912 : memref<16x128xi32, #tpu.memory_space<vmem>>) target_semaphore(%run_scoped3A_1902 : memref<!tpu.dma_semaphore, #tpu.memory_space<semaphore_mem>>)
          %dma_wait3A_1915 = arith.constant 0 : i32
          %dma_wait3A_1916 = arith.constant 0 : i32
          %dma_wait3A_1917 = tpu.memref_slice %arg9[%rem3A_1896, %dma_wait3A_1915, %dma_wait3A_1916] : memref<2x16x128xi32, #tpu.memory_space<vmem>> -> memref<1x16x128xi32, #tpu.memory_space<vmem>>
          %dma_wait3A_1918 = tpu.memref_squeeze %dma_wait3A_1917 : memref<1x16x128xi32, #tpu.memory_space<vmem>> -> memref<16x128xi32, #tpu.memory_space<vmem>>
          %dma_wait3A_1919 = arith.constant 0 : i32
          %dma_wait3A_1920 = tpu.memref_slice %arg4[%add3A_1901, %dma_wait3A_1919] : memref<2560x128xi32, #tpu.memory_space<hbm>> -> memref<16x128xi32, #tpu.memory_space<hbm>>
          %dma_wait3A_1921 = arith.constant 0 : i32
          %dma_wait3A_1922 = arith.constant 0 : i32
          %dma_wait3A_1923 = tpu.memref_slice %arg9[%rem3A_1896, %dma_wait3A_1921, %dma_wait3A_1922] : memref<2x16x128xi32, #tpu.memory_space<vmem>> -> memref<1x16x128xi32, #tpu.memory_space<vmem>>
          %dma_wait3A_1924 = tpu.memref_squeeze %dma_wait3A_1923 : memref<1x16x128xi32, #tpu.memory_space<vmem>> -> memref<16x128xi32, #tpu.memory_space<vmem>>
          %dma_wait3A_1925 = arith.constant 0 : i32
          %dma_wait3A_1926 = tpu.memref_slice %arg4[%add3A_1901, %dma_wait3A_1925] : memref<2560x128xi32, #tpu.memory_space<hbm>> -> memref<16x128xi32, #tpu.memory_space<hbm>>
          tpu.wait_dma2 semaphore(%run_scoped3A_1902 : memref<!tpu.dma_semaphore, #tpu.memory_space<semaphore_mem>>) src(%dma_wait3A_1926 : memref<16x128xi32, #tpu.memory_space<hbm>>) dst(%dma_wait3A_1924 : memref<16x128xi32, #tpu.memory_space<vmem>>)
          tpu.yield
        }) : () -> ()
        "tpu.region"() ({
          %run_scoped3A_1902 = tpu.sem_alloc : memref<!tpu.dma_semaphore, #tpu.memory_space<semaphore_mem>>
          %dma_start3A_1903 = arith.constant 0 : i32
          %dma_start3A_1904 = arith.constant 0 : i32
          %dma_start3A_1905 = tpu.memref_slice %arg10[%rem3A_1896, %dma_start3A_1903, %dma_start3A_1904] : memref<2x16x128xi32, #tpu.memory_space<vmem>> -> memref<1x16x128xi32, #tpu.memory_space<vmem>>
          %dma_start3A_1906 = tpu.memref_squeeze %dma_start3A_1905 : memref<1x16x128xi32, #tpu.memory_space<vmem>> -> memref<16x128xi32, #tpu.memory_space<vmem>>
          %dma_start3A_1907 = arith.constant 0 : i32
          %dma_start3A_1908 = tpu.memref_slice %arg3[%add3A_1901, %dma_start3A_1907] : memref<2560x128xi32, #tpu.memory_space<hbm>> -> memref<16x128xi32, #tpu.memory_space<hbm>>
          %dma_start3A_1909 = arith.constant 0 : i32
          %dma_start3A_1910 = arith.constant 0 : i32
          %dma_start3A_1911 = tpu.memref_slice %arg10[%rem3A_1896, %dma_start3A_1909, %dma_start3A_1910] : memref<2x16x128xi32, #tpu.memory_space<vmem>> -> memref<1x16x128xi32, #tpu.memory_space<vmem>>
          %dma_start3A_1912 = tpu.memref_squeeze %dma_start3A_1911 : memref<1x16x128xi32, #tpu.memory_space<vmem>> -> memref<16x128xi32, #tpu.memory_space<vmem>>
          %dma_start3A_1913 = arith.constant 0 : i32
          %dma_start3A_1914 = tpu.memref_slice %arg3[%add3A_1901, %dma_start3A_1913] : memref<2560x128xi32, #tpu.memory_space<hbm>> -> memref<16x128xi32, #tpu.memory_space<hbm>>
          tpu.enqueue_dma source(%dma_start3A_1914 : memref<16x128xi32, #tpu.memory_space<hbm>>) target(%dma_start3A_1912 : memref<16x128xi32, #tpu.memory_space<vmem>>) target_semaphore(%run_scoped3A_1902 : memref<!tpu.dma_semaphore, #tpu.memory_space<semaphore_mem>>)
          %dma_wait3A_1915 = arith.constant 0 : i32
          %dma_wait3A_1916 = arith.constant 0 : i32
          %dma_wait3A_1917 = tpu.memref_slice %arg10[%rem3A_1896, %dma_wait3A_1915, %dma_wait3A_1916] : memref<2x16x128xi32, #tpu.memory_space<vmem>> -> memref<1x16x128xi32, #tpu.memory_space<vmem>>
          %dma_wait3A_1918 = tpu.memref_squeeze %dma_wait3A_1917 : memref<1x16x128xi32, #tpu.memory_space<vmem>> -> memref<16x128xi32, #tpu.memory_space<vmem>>
          %dma_wait3A_1919 = arith.constant 0 : i32
          %dma_wait3A_1920 = tpu.memref_slice %arg3[%add3A_1901, %dma_wait3A_1919] : memref<2560x128xi32, #tpu.memory_space<hbm>> -> memref<16x128xi32, #tpu.memory_space<hbm>>
          %dma_wait3A_1921 = arith.constant 0 : i32
          %dma_wait3A_1922 = arith.constant 0 : i32
          %dma_wait3A_1923 = tpu.memref_slice %arg10[%rem3A_1896, %dma_wait3A_1921, %dma_wait3A_1922] : memref<2x16x128xi32, #tpu.memory_space<vmem>> -> memref<1x16x128xi32, #tpu.memory_space<vmem>>
          %dma_wait3A_1924 = tpu.memref_squeeze %dma_wait3A_1923 : memref<1x16x128xi32, #tpu.memory_space<vmem>> -> memref<16x128xi32, #tpu.memory_space<vmem>>
          %dma_wait3A_1925 = arith.constant 0 : i32
          %dma_wait3A_1926 = tpu.memref_slice %arg3[%add3A_1901, %dma_wait3A_1925] : memref<2560x128xi32, #tpu.memory_space<hbm>> -> memref<16x128xi32, #tpu.memory_space<hbm>>
          tpu.wait_dma2 semaphore(%run_scoped3A_1902 : memref<!tpu.dma_semaphore, #tpu.memory_space<semaphore_mem>>) src(%dma_wait3A_1926 : memref<16x128xi32, #tpu.memory_space<hbm>>) dst(%dma_wait3A_1924 : memref<16x128xi32, #tpu.memory_space<vmem>>)
          tpu.yield
        }) : () -> ()
      } else {
      }
      %mul3A_1664 = arith.constant 4 : i32
      %mul3A_1665 = arith.muli %mul3A_1664, %scan3A_1654 : i32
      %add3A_1666 = arith.constant 0 : i32
      %add3A_1667 = arith.addi %mul3A_1665, %add3A_1666 : i32
      %ge3A = arith.constant 1 : i32
      %ge3A_1668 = arith.cmpi sge, %scan3A_1654, %ge3A : i32
      %convert_element_type3A_1669 = arith.extui %ge3A_1668 : i1 to i32
      %cond3A_1670 = arith.constant 0 : i32
      %cond3A_1671 = arith.cmpi ne, %convert_element_type3A_1669, %cond3A_1670 : i32
      scf.if %cond3A_1671 {
        %dma_wait3A_1871 = arith.constant 0 : i32
        %dma_wait3A_1872 = arith.constant 0 : i32
        %dma_wait3A_1873 = tpu.memref_slice %arg8[%dma_wait3A_1871, %dma_wait3A_1872] : memref<512x64xf32, #tpu.memory_space<vmem>> -> memref<128x64xf32, #tpu.memory_space<vmem>>
        %dma_wait3A_1874 = arith.constant 0 : i32
        %dma_wait3A_1875 = arith.constant 0 : i32
        %dma_wait3A_1876 = tpu.memref_slice %arg5[%dma_wait3A_1874, %dma_wait3A_1875] : memref<640x64xf32, #tpu.memory_space<hbm>> -> memref<128x64xf32, #tpu.memory_space<hbm>>
        %dma_wait3A_1877 = arith.constant 0 : i32
        %dma_wait3A_1878 = arith.constant 0 : i32
        %dma_wait3A_1879 = tpu.memref_slice %arg8[%dma_wait3A_1877, %dma_wait3A_1878] : memref<512x64xf32, #tpu.memory_space<vmem>> -> memref<128x64xf32, #tpu.memory_space<vmem>>
        %dma_wait3A_1880 = arith.constant 0 : i32
        %dma_wait3A_1881 = arith.constant 0 : i32
        %dma_wait3A_1882 = tpu.memref_slice %arg5[%dma_wait3A_1880, %dma_wait3A_1881] : memref<640x64xf32, #tpu.memory_space<hbm>> -> memref<128x64xf32, #tpu.memory_space<hbm>>
        tpu.wait_dma2 semaphore(%arg22 : memref<!tpu.dma_semaphore, #tpu.memory_space<semaphore_mem>>) src(%dma_wait3A_1882 : memref<128x64xf32, #tpu.memory_space<hbm>>) dst(%dma_wait3A_1879 : memref<128x64xf32, #tpu.memory_space<vmem>>)
        %dma_wait3A_1883 = arith.constant 0 : i32
        %dma_wait3A_1884 = tpu.memref_slice %arg6[%dma_wait3A_1883] : memref<640xf32, #tpu.memory_space<hbm>> -> memref<128xf32, #tpu.memory_space<hbm>>
        %dma_wait3A_1885 = arith.constant 0 : i32
        %dma_wait3A_1886 = tpu.memref_slice %arg6[%dma_wait3A_1885] : memref<640xf32, #tpu.memory_space<hbm>> -> memref<128xf32, #tpu.memory_space<hbm>>
        tpu.wait_dma2 semaphore(%arg22 : memref<!tpu.dma_semaphore, #tpu.memory_space<semaphore_mem>>) src(%dma_wait3A_1886 : memref<128xf32, #tpu.memory_space<hbm>>) dst(%arg11 : memref<128xf32, #tpu.memory_space<vmem>>)
      } else {
      }
      %jit3A_1672 = arith.constant 16 : i32
      %div3A_1673 = arith.divsi %add3A_1667, %jit3A_1672 : i32
      %sign3A = arith.constant 0 : i32
      %sign3A_1674 = arith.cmpi sgt, %add3A_1667, %sign3A : i32
      %sign3A_1675 = arith.extui %sign3A_1674 : i1 to i32
      %sign3A_1676 = arith.constant 0 : i32
      %sign3A_1677 = arith.cmpi slt, %add3A_1667, %sign3A_1676 : i32
      %sign3A_1678 = arith.extui %sign3A_1677 : i1 to i32
      %sign3A_1679 = arith.subi %sign3A_1675, %sign3A_1678 : i32
      %sign3A_1680 = arith.constant 0 : i32
      %sign3A_1681 = arith.cmpi sgt, %jit3A_1672, %sign3A_1680 : i32
      %sign3A_1682 = arith.extui %sign3A_1681 : i1 to i32
      %sign3A_1683 = arith.constant 0 : i32
      %sign3A_1684 = arith.cmpi slt, %jit3A_1672, %sign3A_1683 : i32
      %sign3A_1685 = arith.extui %sign3A_1684 : i1 to i32
      %sign3A_1686 = arith.subi %sign3A_1682, %sign3A_1685 : i32
      %ne3A = arith.cmpi ne, %sign3A_1679, %sign3A_1686 : i32
      %rem3A_1687 = arith.remsi %add3A_1667, %jit3A_1672 : i32
      %ne3A_1688 = arith.constant 0 : i32
      %ne3A_1689 = arith.cmpi ne, %rem3A_1687, %ne3A_1688 : i32
      %and3A_1690 = arith.andi %ne3A, %ne3A_1689 : i1
      %sub3A = arith.constant 1 : i32
      %sub3A_1691 = arith.subi %div3A_1673, %sub3A : i32
      %select_n3A_1692 = arith.select %and3A_1690, %sub3A_1691, %div3A_1673 : i32
      %rem3A_1693 = arith.constant 2 : i32
      %rem3A_1694 = arith.remsi %select_n3A_1692, %rem3A_1693 : i32
      %rem3A_1695 = arith.constant 16 : i32
      %rem3A_1696 = arith.remsi %add3A_1667, %rem3A_1695 : i32
      %dma_start3A_1697 = arith.constant 0 : i32
      %dma_start3A_1698 = arith.constant 0 : i32
      %dma_start3A_1699 = tpu.memref_slice %arg8[%dma_start3A_1697, %dma_start3A_1698] : memref<512x64xf32, #tpu.memory_space<vmem>> -> memref<128x64xf32, #tpu.memory_space<vmem>>
      %dma_start3A_1700 = arith.constant 0 : i32
      %dma_start3A_1701 = tpu.memref_slice %arg9[%rem3A_1694, %rem3A_1696, %dma_start3A_1700] : memref<2x16x128xi32, #tpu.memory_space<vmem>> -> memref<1x1x128xi32, #tpu.memory_space<vmem>>
      %dma_start3A_1702 = tpu.memref_squeeze %dma_start3A_1701 : memref<1x1x128xi32, #tpu.memory_space<vmem>> -> memref<128xi32, #tpu.memory_space<vmem>>
      %dma_start3A_1703 = arith.constant 0 : i32
      %dma_start3A_1704 = arith.constant 0 : i32
      %dma_start3A_1705 = tpu.memref_slice %arg14[%dma_start3A_1703, %dma_start3A_1704] : memref<10240x64xf32, #tpu.memory_space<vmem_shared>> -> memref<10240x64xf32, #tpu.memory_space<vmem_shared>>
      tpu.enqueue_indirect_dma source(%dma_start3A_1705 : memref<10240x64xf32, #tpu.memory_space<vmem_shared>>) target(%dma_start3A_1699 : memref<128x64xf32, #tpu.memory_space<vmem>>) offsets(%dma_start3A_1702 : memref<128xi32, #tpu.memory_space<vmem>>) semaphore(%arg18 : memref<!tpu.dma_semaphore, #tpu.memory_space<semaphore_mem>>)
      %ge3A_1706 = arith.constant 1 : i32
      %ge3A_1707 = arith.cmpi sge, %scan3A_1654, %ge3A_1706 : i32
      %or3A = arith.constant false
      %or3A_1708 = arith.ori %ge3A_1707, %or3A : i1
      %convert_element_type3A_1709 = arith.extui %or3A_1708 : i1 to i32
      %cond3A_1710 = arith.constant 0 : i32
      %cond3A_1711 = arith.cmpi ne, %convert_element_type3A_1709, %cond3A_1710 : i32
      scf.if %cond3A_1711 {
        %dma_wait3A_1871 = arith.constant 0 : i32
        %dma_wait3A_1872 = arith.constant 0 : i32
        %dma_wait3A_1873 = tpu.memref_slice %arg8[%dma_wait3A_1871, %dma_wait3A_1872] : memref<512x64xf32, #tpu.memory_space<vmem>> -> memref<128x64xf32, #tpu.memory_space<vmem>>
        %dma_wait3A_1874 = arith.constant 0 : i32
        %dma_wait3A_1875 = arith.constant 0 : i32
        %dma_wait3A_1876 = tpu.memref_slice %arg5[%dma_wait3A_1874, %dma_wait3A_1875] : memref<640x64xf32, #tpu.memory_space<hbm>> -> memref<128x64xf32, #tpu.memory_space<hbm>>
        %dma_wait3A_1877 = arith.constant 0 : i32
        %dma_wait3A_1878 = arith.constant 0 : i32
        %dma_wait3A_1879 = tpu.memref_slice %arg8[%dma_wait3A_1877, %dma_wait3A_1878] : memref<512x64xf32, #tpu.memory_space<vmem>> -> memref<128x64xf32, #tpu.memory_space<vmem>>
        %dma_wait3A_1880 = arith.constant 0 : i32
        %dma_wait3A_1881 = arith.constant 0 : i32
        %dma_wait3A_1882 = tpu.memref_slice %arg5[%dma_wait3A_1880, %dma_wait3A_1881] : memref<640x64xf32, #tpu.memory_space<hbm>> -> memref<128x64xf32, #tpu.memory_space<hbm>>
        tpu.wait_dma2 semaphore(%arg20 : memref<!tpu.dma_semaphore, #tpu.memory_space<semaphore_mem>>) src(%dma_wait3A_1882 : memref<128x64xf32, #tpu.memory_space<hbm>>) dst(%dma_wait3A_1879 : memref<128x64xf32, #tpu.memory_space<vmem>>)
        %sub3A_1883 = arith.constant 2 : i32
        %sub3A_1884 = arith.subi %add3A_1667, %sub3A_1883 : i32
        %jit3A_1885 = arith.constant 16 : i32
        %div3A_1886 = arith.divsi %sub3A_1884, %jit3A_1885 : i32
        %sign3A_1887 = arith.constant 0 : i32
        %sign3A_1888 = arith.cmpi sgt, %sub3A_1884, %sign3A_1887 : i32
        %sign3A_1889 = arith.extui %sign3A_1888 : i1 to i32
        %sign3A_1890 = arith.constant 0 : i32
        %sign3A_1891 = arith.cmpi slt, %sub3A_1884, %sign3A_1890 : i32
        %sign3A_1892 = arith.extui %sign3A_1891 : i1 to i32
        %sign3A_1893 = arith.subi %sign3A_1889, %sign3A_1892 : i32
        %sign3A_1894 = arith.constant 0 : i32
        %sign3A_1895 = arith.cmpi sgt, %jit3A_1885, %sign3A_1894 : i32
        %sign3A_1896 = arith.extui %sign3A_1895 : i1 to i32
        %sign3A_1897 = arith.constant 0 : i32
        %sign3A_1898 = arith.cmpi slt, %jit3A_1885, %sign3A_1897 : i32
        %sign3A_1899 = arith.extui %sign3A_1898 : i1 to i32
        %sign3A_1900 = arith.subi %sign3A_1896, %sign3A_1899 : i32
        %ne3A_1901 = arith.cmpi ne, %sign3A_1893, %sign3A_1900 : i32
        %rem3A_1902 = arith.remsi %sub3A_1884, %jit3A_1885 : i32
        %ne3A_1903 = arith.constant 0 : i32
        %ne3A_1904 = arith.cmpi ne, %rem3A_1902, %ne3A_1903 : i32
        %and3A_1905 = arith.andi %ne3A_1901, %ne3A_1904 : i1
        %sub3A_1906 = arith.constant 1 : i32
        %sub3A_1907 = arith.subi %div3A_1886, %sub3A_1906 : i32
        %select_n3A_1908 = arith.select %and3A_1905, %sub3A_1907, %div3A_1886 : i32
        %rem3A_1909 = arith.constant 2 : i32
        %rem3A_1910 = arith.remsi %select_n3A_1908, %rem3A_1909 : i32
        %rem3A_1911 = arith.constant 16 : i32
        %rem3A_1912 = arith.remsi %sub3A_1884, %rem3A_1911 : i32
        %dma_start3A_1913 = arith.constant 256 : i32
        %dma_start3A_1914 = arith.constant 0 : i32
        %dma_start3A_1915 = tpu.memref_slice %arg8[%dma_start3A_1913, %dma_start3A_1914] : memref<512x64xf32, #tpu.memory_space<vmem>> -> memref<128x64xf32, #tpu.memory_space<vmem>>
        %dma_start3A_1916 = arith.constant 0 : i32
        %dma_start3A_1917 = tpu.memref_slice %arg10[%rem3A_1910, %rem3A_1912, %dma_start3A_1916] : memref<2x16x128xi32, #tpu.memory_space<vmem>> -> memref<1x1x128xi32, #tpu.memory_space<vmem>>
        %dma_start3A_1918 = tpu.memref_squeeze %dma_start3A_1917 : memref<1x1x128xi32, #tpu.memory_space<vmem>> -> memref<128xi32, #tpu.memory_space<vmem>>
        %dma_start3A_1919 = arith.constant 0 : i32
        %dma_start3A_1920 = arith.constant 0 : i32
        %dma_start3A_1921 = tpu.memref_slice %arg15[%dma_start3A_1919, %dma_start3A_1920] : memref<10240x64xf32, #tpu.memory_space<vmem_shared>> -> memref<10240x64xf32, #tpu.memory_space<vmem_shared>>
        tpu.enqueue_indirect_dma source(%dma_start3A_1915 : memref<128x64xf32, #tpu.memory_space<vmem>>) target(%dma_start3A_1921 : memref<10240x64xf32, #tpu.memory_space<vmem_shared>>) offsets(%dma_start3A_1918 : memref<128xi32, #tpu.memory_space<vmem>>) semaphore(%arg24 : memref<!tpu.dma_semaphore, #tpu.memory_space<semaphore_mem>>) {add = true}
        %dma_start3A_1922 = arith.constant 0 : i32
        %dma_start3A_1923 = tpu.memref_slice %arg10[%rem3A_1910, %rem3A_1912, %dma_start3A_1922] : memref<2x16x128xi32, #tpu.memory_space<vmem>> -> memref<1x1x128xi32, #tpu.memory_space<vmem>>
        %dma_start3A_1924 = tpu.memref_squeeze %dma_start3A_1923 : memref<1x1x128xi32, #tpu.memory_space<vmem>> -> memref<128xi32, #tpu.memory_space<vmem>>
        %dma_start3A_1925 = arith.constant 0 : i32
        %dma_start3A_1926 = tpu.memref_slice %arg17[%dma_start3A_1925] : memref<10240xf32, #tpu.memory_space<vmem_shared>> -> memref<10240xf32, #tpu.memory_space<vmem_shared>>
        tpu.enqueue_indirect_dma source(%arg11 : memref<128xf32, #tpu.memory_space<vmem>>) target(%dma_start3A_1926 : memref<10240xf32, #tpu.memory_space<vmem_shared>>) offsets(%dma_start3A_1924 : memref<128xi32, #tpu.memory_space<vmem>>) semaphore(%arg24 : memref<!tpu.dma_semaphore, #tpu.memory_space<semaphore_mem>>) {add = true}
      } else {
      }
      %mul3A_1712 = arith.constant 4 : i32
      %mul3A_1713 = arith.muli %mul3A_1712, %scan3A_1654 : i32
      %add3A_1714 = arith.constant 1 : i32
      %add3A_1715 = arith.addi %mul3A_1713, %add3A_1714 : i32
      %ge3A_1716 = arith.constant 1 : i32
      %ge3A_1717 = arith.cmpi sge, %scan3A_1654, %ge3A_1716 : i32
      %convert_element_type3A_1718 = arith.extui %ge3A_1717 : i1 to i32
      %cond3A_1719 = arith.constant 0 : i32
      %cond3A_1720 = arith.cmpi ne, %convert_element_type3A_1718, %cond3A_1719 : i32
      scf.if %cond3A_1720 {
        %dma_wait3A_1871 = arith.constant 0 : i32
        %dma_wait3A_1872 = arith.constant 0 : i32
        %dma_wait3A_1873 = tpu.memref_slice %arg8[%dma_wait3A_1871, %dma_wait3A_1872] : memref<512x64xf32, #tpu.memory_space<vmem>> -> memref<128x64xf32, #tpu.memory_space<vmem>>
        %dma_wait3A_1874 = arith.constant 0 : i32
        %dma_wait3A_1875 = arith.constant 0 : i32
        %dma_wait3A_1876 = tpu.memref_slice %arg5[%dma_wait3A_1874, %dma_wait3A_1875] : memref<640x64xf32, #tpu.memory_space<hbm>> -> memref<128x64xf32, #tpu.memory_space<hbm>>
        %dma_wait3A_1877 = arith.constant 0 : i32
        %dma_wait3A_1878 = arith.constant 0 : i32
        %dma_wait3A_1879 = tpu.memref_slice %arg8[%dma_wait3A_1877, %dma_wait3A_1878] : memref<512x64xf32, #tpu.memory_space<vmem>> -> memref<128x64xf32, #tpu.memory_space<vmem>>
        %dma_wait3A_1880 = arith.constant 0 : i32
        %dma_wait3A_1881 = arith.constant 0 : i32
        %dma_wait3A_1882 = tpu.memref_slice %arg5[%dma_wait3A_1880, %dma_wait3A_1881] : memref<640x64xf32, #tpu.memory_space<hbm>> -> memref<128x64xf32, #tpu.memory_space<hbm>>
        tpu.wait_dma2 semaphore(%arg23 : memref<!tpu.dma_semaphore, #tpu.memory_space<semaphore_mem>>) src(%dma_wait3A_1882 : memref<128x64xf32, #tpu.memory_space<hbm>>) dst(%dma_wait3A_1879 : memref<128x64xf32, #tpu.memory_space<vmem>>)
        %dma_wait3A_1883 = arith.constant 0 : i32
        %dma_wait3A_1884 = tpu.memref_slice %arg6[%dma_wait3A_1883] : memref<640xf32, #tpu.memory_space<hbm>> -> memref<128xf32, #tpu.memory_space<hbm>>
        %dma_wait3A_1885 = arith.constant 0 : i32
        %dma_wait3A_1886 = tpu.memref_slice %arg6[%dma_wait3A_1885] : memref<640xf32, #tpu.memory_space<hbm>> -> memref<128xf32, #tpu.memory_space<hbm>>
        tpu.wait_dma2 semaphore(%arg23 : memref<!tpu.dma_semaphore, #tpu.memory_space<semaphore_mem>>) src(%dma_wait3A_1886 : memref<128xf32, #tpu.memory_space<hbm>>) dst(%arg11 : memref<128xf32, #tpu.memory_space<vmem>>)
      } else {
      }
      %jit3A_1721 = arith.constant 16 : i32
      %div3A_1722 = arith.divsi %add3A_1715, %jit3A_1721 : i32
      %sign3A_1723 = arith.constant 0 : i32
      %sign3A_1724 = arith.cmpi sgt, %add3A_1715, %sign3A_1723 : i32
      %sign3A_1725 = arith.extui %sign3A_1724 : i1 to i32
      %sign3A_1726 = arith.constant 0 : i32
      %sign3A_1727 = arith.cmpi slt, %add3A_1715, %sign3A_1726 : i32
      %sign3A_1728 = arith.extui %sign3A_1727 : i1 to i32
      %sign3A_1729 = arith.subi %sign3A_1725, %sign3A_1728 : i32
      %sign3A_1730 = arith.constant 0 : i32
      %sign3A_1731 = arith.cmpi sgt, %jit3A_1721, %sign3A_1730 : i32
      %sign3A_1732 = arith.extui %sign3A_1731 : i1 to i32
      %sign3A_1733 = arith.constant 0 : i32
      %sign3A_1734 = arith.cmpi slt, %jit3A_1721, %sign3A_1733 : i32
      %sign3A_1735 = arith.extui %sign3A_1734 : i1 to i32
      %sign3A_1736 = arith.subi %sign3A_1732, %sign3A_1735 : i32
      %ne3A_1737 = arith.cmpi ne, %sign3A_1729, %sign3A_1736 : i32
      %rem3A_1738 = arith.remsi %add3A_1715, %jit3A_1721 : i32
      %ne3A_1739 = arith.constant 0 : i32
      %ne3A_1740 = arith.cmpi ne, %rem3A_1738, %ne3A_1739 : i32
      %and3A_1741 = arith.andi %ne3A_1737, %ne3A_1740 : i1
      %sub3A_1742 = arith.constant 1 : i32
      %sub3A_1743 = arith.subi %div3A_1722, %sub3A_1742 : i32
      %select_n3A_1744 = arith.select %and3A_1741, %sub3A_1743, %div3A_1722 : i32
      %rem3A_1745 = arith.constant 2 : i32
      %rem3A_1746 = arith.remsi %select_n3A_1744, %rem3A_1745 : i32
      %rem3A_1747 = arith.constant 16 : i32
      %rem3A_1748 = arith.remsi %add3A_1715, %rem3A_1747 : i32
      %dma_start3A_1749 = arith.constant 128 : i32
      %dma_start3A_1750 = arith.constant 0 : i32
      %dma_start3A_1751 = tpu.memref_slice %arg8[%dma_start3A_1749, %dma_start3A_1750] : memref<512x64xf32, #tpu.memory_space<vmem>> -> memref<128x64xf32, #tpu.memory_space<vmem>>
      %dma_start3A_1752 = arith.constant 0 : i32
      %dma_start3A_1753 = tpu.memref_slice %arg9[%rem3A_1746, %rem3A_1748, %dma_start3A_1752] : memref<2x16x128xi32, #tpu.memory_space<vmem>> -> memref<1x1x128xi32, #tpu.memory_space<vmem>>
      %dma_start3A_1754 = tpu.memref_squeeze %dma_start3A_1753 : memref<1x1x128xi32, #tpu.memory_space<vmem>> -> memref<128xi32, #tpu.memory_space<vmem>>
      %dma_start3A_1755 = arith.constant 0 : i32
      %dma_start3A_1756 = arith.constant 0 : i32
      %dma_start3A_1757 = tpu.memref_slice %arg14[%dma_start3A_1755, %dma_start3A_1756] : memref<10240x64xf32, #tpu.memory_space<vmem_shared>> -> memref<10240x64xf32, #tpu.memory_space<vmem_shared>>
      tpu.enqueue_indirect_dma source(%dma_start3A_1757 : memref<10240x64xf32, #tpu.memory_space<vmem_shared>>) target(%dma_start3A_1751 : memref<128x64xf32, #tpu.memory_space<vmem>>) offsets(%dma_start3A_1754 : memref<128xi32, #tpu.memory_space<vmem>>) semaphore(%arg19 : memref<!tpu.dma_semaphore, #tpu.memory_space<semaphore_mem>>)
      %ge3A_1758 = arith.constant 1 : i32
      %ge3A_1759 = arith.cmpi sge, %scan3A_1654, %ge3A_1758 : i32
      %or3A_1760 = arith.constant false
      %or3A_1761 = arith.ori %ge3A_1759, %or3A_1760 : i1
      %convert_element_type3A_1762 = arith.extui %or3A_1761 : i1 to i32
      %cond3A_1763 = arith.constant 0 : i32
      %cond3A_1764 = arith.cmpi ne, %convert_element_type3A_1762, %cond3A_1763 : i32
      scf.if %cond3A_1764 {
        %dma_wait3A_1871 = arith.constant 0 : i32
        %dma_wait3A_1872 = arith.constant 0 : i32
        %dma_wait3A_1873 = tpu.memref_slice %arg8[%dma_wait3A_1871, %dma_wait3A_1872] : memref<512x64xf32, #tpu.memory_space<vmem>> -> memref<128x64xf32, #tpu.memory_space<vmem>>
        %dma_wait3A_1874 = arith.constant 0 : i32
        %dma_wait3A_1875 = arith.constant 0 : i32
        %dma_wait3A_1876 = tpu.memref_slice %arg5[%dma_wait3A_1874, %dma_wait3A_1875] : memref<640x64xf32, #tpu.memory_space<hbm>> -> memref<128x64xf32, #tpu.memory_space<hbm>>
        %dma_wait3A_1877 = arith.constant 0 : i32
        %dma_wait3A_1878 = arith.constant 0 : i32
        %dma_wait3A_1879 = tpu.memref_slice %arg8[%dma_wait3A_1877, %dma_wait3A_1878] : memref<512x64xf32, #tpu.memory_space<vmem>> -> memref<128x64xf32, #tpu.memory_space<vmem>>
        %dma_wait3A_1880 = arith.constant 0 : i32
        %dma_wait3A_1881 = arith.constant 0 : i32
        %dma_wait3A_1882 = tpu.memref_slice %arg5[%dma_wait3A_1880, %dma_wait3A_1881] : memref<640x64xf32, #tpu.memory_space<hbm>> -> memref<128x64xf32, #tpu.memory_space<hbm>>
        tpu.wait_dma2 semaphore(%arg21 : memref<!tpu.dma_semaphore, #tpu.memory_space<semaphore_mem>>) src(%dma_wait3A_1882 : memref<128x64xf32, #tpu.memory_space<hbm>>) dst(%dma_wait3A_1879 : memref<128x64xf32, #tpu.memory_space<vmem>>)
        %sub3A_1883 = arith.constant 2 : i32
        %sub3A_1884 = arith.subi %add3A_1715, %sub3A_1883 : i32
        %jit3A_1885 = arith.constant 16 : i32
        %div3A_1886 = arith.divsi %sub3A_1884, %jit3A_1885 : i32
        %sign3A_1887 = arith.constant 0 : i32
        %sign3A_1888 = arith.cmpi sgt, %sub3A_1884, %sign3A_1887 : i32
        %sign3A_1889 = arith.extui %sign3A_1888 : i1 to i32
        %sign3A_1890 = arith.constant 0 : i32
        %sign3A_1891 = arith.cmpi slt, %sub3A_1884, %sign3A_1890 : i32
        %sign3A_1892 = arith.extui %sign3A_1891 : i1 to i32
        %sign3A_1893 = arith.subi %sign3A_1889, %sign3A_1892 : i32
        %sign3A_1894 = arith.constant 0 : i32
        %sign3A_1895 = arith.cmpi sgt, %jit3A_1885, %sign3A_1894 : i32
        %sign3A_1896 = arith.extui %sign3A_1895 : i1 to i32
        %sign3A_1897 = arith.constant 0 : i32
        %sign3A_1898 = arith.cmpi slt, %jit3A_1885, %sign3A_1897 : i32
        %sign3A_1899 = arith.extui %sign3A_1898 : i1 to i32
        %sign3A_1900 = arith.subi %sign3A_1896, %sign3A_1899 : i32
        %ne3A_1901 = arith.cmpi ne, %sign3A_1893, %sign3A_1900 : i32
        %rem3A_1902 = arith.remsi %sub3A_1884, %jit3A_1885 : i32
        %ne3A_1903 = arith.constant 0 : i32
        %ne3A_1904 = arith.cmpi ne, %rem3A_1902, %ne3A_1903 : i32
        %and3A_1905 = arith.andi %ne3A_1901, %ne3A_1904 : i1
        %sub3A_1906 = arith.constant 1 : i32
        %sub3A_1907 = arith.subi %div3A_1886, %sub3A_1906 : i32
        %select_n3A_1908 = arith.select %and3A_1905, %sub3A_1907, %div3A_1886 : i32
        %rem3A_1909 = arith.constant 2 : i32
        %rem3A_1910 = arith.remsi %select_n3A_1908, %rem3A_1909 : i32
        %rem3A_1911 = arith.constant 16 : i32
        %rem3A_1912 = arith.remsi %sub3A_1884, %rem3A_1911 : i32
        %dma_start3A_1913 = arith.constant 384 : i32
        %dma_start3A_1914 = arith.constant 0 : i32
        %dma_start3A_1915 = tpu.memref_slice %arg8[%dma_start3A_1913, %dma_start3A_1914] : memref<512x64xf32, #tpu.memory_space<vmem>> -> memref<128x64xf32, #tpu.memory_space<vmem>>
        %dma_start3A_1916 = arith.constant 0 : i32
        %dma_start3A_1917 = tpu.memref_slice %arg10[%rem3A_1910, %rem3A_1912, %dma_start3A_1916] : memref<2x16x128xi32, #tpu.memory_space<vmem>> -> memref<1x1x128xi32, #tpu.memory_space<vmem>>
        %dma_start3A_1918 = tpu.memref_squeeze %dma_start3A_1917 : memref<1x1x128xi32, #tpu.memory_space<vmem>> -> memref<128xi32, #tpu.memory_space<vmem>>
        %dma_start3A_1919 = arith.constant 0 : i32
        %dma_start3A_1920 = arith.constant 0 : i32
        %dma_start3A_1921 = tpu.memref_slice %arg15[%dma_start3A_1919, %dma_start3A_1920] : memref<10240x64xf32, #tpu.memory_space<vmem_shared>> -> memref<10240x64xf32, #tpu.memory_space<vmem_shared>>
        tpu.enqueue_indirect_dma source(%dma_start3A_1915 : memref<128x64xf32, #tpu.memory_space<vmem>>) target(%dma_start3A_1921 : memref<10240x64xf32, #tpu.memory_space<vmem_shared>>) offsets(%dma_start3A_1918 : memref<128xi32, #tpu.memory_space<vmem>>) semaphore(%arg25 : memref<!tpu.dma_semaphore, #tpu.memory_space<semaphore_mem>>) {add = true}
        %dma_start3A_1922 = arith.constant 0 : i32
        %dma_start3A_1923 = tpu.memref_slice %arg10[%rem3A_1910, %rem3A_1912, %dma_start3A_1922] : memref<2x16x128xi32, #tpu.memory_space<vmem>> -> memref<1x1x128xi32, #tpu.memory_space<vmem>>
        %dma_start3A_1924 = tpu.memref_squeeze %dma_start3A_1923 : memref<1x1x128xi32, #tpu.memory_space<vmem>> -> memref<128xi32, #tpu.memory_space<vmem>>
        %dma_start3A_1925 = arith.constant 0 : i32
        %dma_start3A_1926 = tpu.memref_slice %arg17[%dma_start3A_1925] : memref<10240xf32, #tpu.memory_space<vmem_shared>> -> memref<10240xf32, #tpu.memory_space<vmem_shared>>
        tpu.enqueue_indirect_dma source(%arg11 : memref<128xf32, #tpu.memory_space<vmem>>) target(%dma_start3A_1926 : memref<10240xf32, #tpu.memory_space<vmem_shared>>) offsets(%dma_start3A_1924 : memref<128xi32, #tpu.memory_space<vmem>>) semaphore(%arg25 : memref<!tpu.dma_semaphore, #tpu.memory_space<semaphore_mem>>) {add = true}
      } else {
      }
      %mul3A_1765 = arith.constant 4 : i32
      %mul3A_1766 = arith.muli %mul3A_1765, %scan3A_1654 : i32
      %add3A_1767 = arith.constant 2 : i32
      %add3A_1768 = arith.addi %mul3A_1766, %add3A_1767 : i32
      %ge3A_1769 = arith.constant 1 : i32
      %ge3A_1770 = arith.cmpi sge, %scan3A_1654, %ge3A_1769 : i32
      %convert_element_type3A_1771 = arith.extui %ge3A_1770 : i1 to i32
      %cond3A_1772 = arith.constant 0 : i32
      %cond3A_1773 = arith.cmpi ne, %convert_element_type3A_1771, %cond3A_1772 : i32
      scf.if %cond3A_1773 {
        %dma_wait3A_1871 = arith.constant 0 : i32
        %dma_wait3A_1872 = arith.constant 0 : i32
        %dma_wait3A_1873 = tpu.memref_slice %arg8[%dma_wait3A_1871, %dma_wait3A_1872] : memref<512x64xf32, #tpu.memory_space<vmem>> -> memref<128x64xf32, #tpu.memory_space<vmem>>
        %dma_wait3A_1874 = arith.constant 0 : i32
        %dma_wait3A_1875 = arith.constant 0 : i32
        %dma_wait3A_1876 = tpu.memref_slice %arg5[%dma_wait3A_1874, %dma_wait3A_1875] : memref<640x64xf32, #tpu.memory_space<hbm>> -> memref<128x64xf32, #tpu.memory_space<hbm>>
        %dma_wait3A_1877 = arith.constant 0 : i32
        %dma_wait3A_1878 = arith.constant 0 : i32
        %dma_wait3A_1879 = tpu.memref_slice %arg8[%dma_wait3A_1877, %dma_wait3A_1878] : memref<512x64xf32, #tpu.memory_space<vmem>> -> memref<128x64xf32, #tpu.memory_space<vmem>>
        %dma_wait3A_1880 = arith.constant 0 : i32
        %dma_wait3A_1881 = arith.constant 0 : i32
        %dma_wait3A_1882 = tpu.memref_slice %arg5[%dma_wait3A_1880, %dma_wait3A_1881] : memref<640x64xf32, #tpu.memory_space<hbm>> -> memref<128x64xf32, #tpu.memory_space<hbm>>
        tpu.wait_dma2 semaphore(%arg24 : memref<!tpu.dma_semaphore, #tpu.memory_space<semaphore_mem>>) src(%dma_wait3A_1882 : memref<128x64xf32, #tpu.memory_space<hbm>>) dst(%dma_wait3A_1879 : memref<128x64xf32, #tpu.memory_space<vmem>>)
        %dma_wait3A_1883 = arith.constant 0 : i32
        %dma_wait3A_1884 = tpu.memref_slice %arg6[%dma_wait3A_1883] : memref<640xf32, #tpu.memory_space<hbm>> -> memref<128xf32, #tpu.memory_space<hbm>>
        %dma_wait3A_1885 = arith.constant 0 : i32
        %dma_wait3A_1886 = tpu.memref_slice %arg6[%dma_wait3A_1885] : memref<640xf32, #tpu.memory_space<hbm>> -> memref<128xf32, #tpu.memory_space<hbm>>
        tpu.wait_dma2 semaphore(%arg24 : memref<!tpu.dma_semaphore, #tpu.memory_space<semaphore_mem>>) src(%dma_wait3A_1886 : memref<128xf32, #tpu.memory_space<hbm>>) dst(%arg11 : memref<128xf32, #tpu.memory_space<vmem>>)
      } else {
      }
      %jit3A_1774 = arith.constant 16 : i32
      %div3A_1775 = arith.divsi %add3A_1768, %jit3A_1774 : i32
      %sign3A_1776 = arith.constant 0 : i32
      %sign3A_1777 = arith.cmpi sgt, %add3A_1768, %sign3A_1776 : i32
      %sign3A_1778 = arith.extui %sign3A_1777 : i1 to i32
      %sign3A_1779 = arith.constant 0 : i32
      %sign3A_1780 = arith.cmpi slt, %add3A_1768, %sign3A_1779 : i32
      %sign3A_1781 = arith.extui %sign3A_1780 : i1 to i32
      %sign3A_1782 = arith.subi %sign3A_1778, %sign3A_1781 : i32
      %sign3A_1783 = arith.constant 0 : i32
      %sign3A_1784 = arith.cmpi sgt, %jit3A_1774, %sign3A_1783 : i32
      %sign3A_1785 = arith.extui %sign3A_1784 : i1 to i32
      %sign3A_1786 = arith.constant 0 : i32
      %sign3A_1787 = arith.cmpi slt, %jit3A_1774, %sign3A_1786 : i32
      %sign3A_1788 = arith.extui %sign3A_1787 : i1 to i32
      %sign3A_1789 = arith.subi %sign3A_1785, %sign3A_1788 : i32
      %ne3A_1790 = arith.cmpi ne, %sign3A_1782, %sign3A_1789 : i32
      %rem3A_1791 = arith.remsi %add3A_1768, %jit3A_1774 : i32
      %ne3A_1792 = arith.constant 0 : i32
      %ne3A_1793 = arith.cmpi ne, %rem3A_1791, %ne3A_1792 : i32
      %and3A_1794 = arith.andi %ne3A_1790, %ne3A_1793 : i1
      %sub3A_1795 = arith.constant 1 : i32
      %sub3A_1796 = arith.subi %div3A_1775, %sub3A_1795 : i32
      %select_n3A_1797 = arith.select %and3A_1794, %sub3A_1796, %div3A_1775 : i32
      %rem3A_1798 = arith.constant 2 : i32
      %rem3A_1799 = arith.remsi %select_n3A_1797, %rem3A_1798 : i32
      %rem3A_1800 = arith.constant 16 : i32
      %rem3A_1801 = arith.remsi %add3A_1768, %rem3A_1800 : i32
      %dma_start3A_1802 = arith.constant 256 : i32
      %dma_start3A_1803 = arith.constant 0 : i32
      %dma_start3A_1804 = tpu.memref_slice %arg8[%dma_start3A_1802, %dma_start3A_1803] : memref<512x64xf32, #tpu.memory_space<vmem>> -> memref<128x64xf32, #tpu.memory_space<vmem>>
      %dma_start3A_1805 = arith.constant 0 : i32
      %dma_start3A_1806 = tpu.memref_slice %arg9[%rem3A_1799, %rem3A_1801, %dma_start3A_1805] : memref<2x16x128xi32, #tpu.memory_space<vmem>> -> memref<1x1x128xi32, #tpu.memory_space<vmem>>
      %dma_start3A_1807 = tpu.memref_squeeze %dma_start3A_1806 : memref<1x1x128xi32, #tpu.memory_space<vmem>> -> memref<128xi32, #tpu.memory_space<vmem>>
      %dma_start3A_1808 = arith.constant 0 : i32
      %dma_start3A_1809 = arith.constant 0 : i32
      %dma_start3A_1810 = tpu.memref_slice %arg14[%dma_start3A_1808, %dma_start3A_1809] : memref<10240x64xf32, #tpu.memory_space<vmem_shared>> -> memref<10240x64xf32, #tpu.memory_space<vmem_shared>>
      tpu.enqueue_indirect_dma source(%dma_start3A_1810 : memref<10240x64xf32, #tpu.memory_space<vmem_shared>>) target(%dma_start3A_1804 : memref<128x64xf32, #tpu.memory_space<vmem>>) offsets(%dma_start3A_1807 : memref<128xi32, #tpu.memory_space<vmem>>) semaphore(%arg20 : memref<!tpu.dma_semaphore, #tpu.memory_space<semaphore_mem>>)
      %ge3A_1811 = arith.constant 1 : i32
      %ge3A_1812 = arith.cmpi sge, %scan3A_1654, %ge3A_1811 : i32
      %or3A_1813 = arith.constant true
      %or3A_1814 = arith.ori %ge3A_1812, %or3A_1813 : i1
      %convert_element_type3A_1815 = arith.extui %or3A_1814 : i1 to i32
      %cond3A_1816 = arith.constant 0 : i32
      %cond3A_1817 = arith.cmpi ne, %convert_element_type3A_1815, %cond3A_1816 : i32
      scf.if %cond3A_1817 {
        %dma_wait3A_1871 = arith.constant 0 : i32
        %dma_wait3A_1872 = arith.constant 0 : i32
        %dma_wait3A_1873 = tpu.memref_slice %arg8[%dma_wait3A_1871, %dma_wait3A_1872] : memref<512x64xf32, #tpu.memory_space<vmem>> -> memref<128x64xf32, #tpu.memory_space<vmem>>
        %dma_wait3A_1874 = arith.constant 0 : i32
        %dma_wait3A_1875 = arith.constant 0 : i32
        %dma_wait3A_1876 = tpu.memref_slice %arg5[%dma_wait3A_1874, %dma_wait3A_1875] : memref<640x64xf32, #tpu.memory_space<hbm>> -> memref<128x64xf32, #tpu.memory_space<hbm>>
        %dma_wait3A_1877 = arith.constant 0 : i32
        %dma_wait3A_1878 = arith.constant 0 : i32
        %dma_wait3A_1879 = tpu.memref_slice %arg8[%dma_wait3A_1877, %dma_wait3A_1878] : memref<512x64xf32, #tpu.memory_space<vmem>> -> memref<128x64xf32, #tpu.memory_space<vmem>>
        %dma_wait3A_1880 = arith.constant 0 : i32
        %dma_wait3A_1881 = arith.constant 0 : i32
        %dma_wait3A_1882 = tpu.memref_slice %arg5[%dma_wait3A_1880, %dma_wait3A_1881] : memref<640x64xf32, #tpu.memory_space<hbm>> -> memref<128x64xf32, #tpu.memory_space<hbm>>
        tpu.wait_dma2 semaphore(%arg18 : memref<!tpu.dma_semaphore, #tpu.memory_space<semaphore_mem>>) src(%dma_wait3A_1882 : memref<128x64xf32, #tpu.memory_space<hbm>>) dst(%dma_wait3A_1879 : memref<128x64xf32, #tpu.memory_space<vmem>>)
        %sub3A_1883 = arith.constant 2 : i32
        %sub3A_1884 = arith.subi %add3A_1768, %sub3A_1883 : i32
        %jit3A_1885 = arith.constant 16 : i32
        %div3A_1886 = arith.divsi %sub3A_1884, %jit3A_1885 : i32
        %sign3A_1887 = arith.constant 0 : i32
        %sign3A_1888 = arith.cmpi sgt, %sub3A_1884, %sign3A_1887 : i32
        %sign3A_1889 = arith.extui %sign3A_1888 : i1 to i32
        %sign3A_1890 = arith.constant 0 : i32
        %sign3A_1891 = arith.cmpi slt, %sub3A_1884, %sign3A_1890 : i32
        %sign3A_1892 = arith.extui %sign3A_1891 : i1 to i32
        %sign3A_1893 = arith.subi %sign3A_1889, %sign3A_1892 : i32
        %sign3A_1894 = arith.constant 0 : i32
        %sign3A_1895 = arith.cmpi sgt, %jit3A_1885, %sign3A_1894 : i32
        %sign3A_1896 = arith.extui %sign3A_1895 : i1 to i32
        %sign3A_1897 = arith.constant 0 : i32
        %sign3A_1898 = arith.cmpi slt, %jit3A_1885, %sign3A_1897 : i32
        %sign3A_1899 = arith.extui %sign3A_1898 : i1 to i32
        %sign3A_1900 = arith.subi %sign3A_1896, %sign3A_1899 : i32
        %ne3A_1901 = arith.cmpi ne, %sign3A_1893, %sign3A_1900 : i32
        %rem3A_1902 = arith.remsi %sub3A_1884, %jit3A_1885 : i32
        %ne3A_1903 = arith.constant 0 : i32
        %ne3A_1904 = arith.cmpi ne, %rem3A_1902, %ne3A_1903 : i32
        %and3A_1905 = arith.andi %ne3A_1901, %ne3A_1904 : i1
        %sub3A_1906 = arith.constant 1 : i32
        %sub3A_1907 = arith.subi %div3A_1886, %sub3A_1906 : i32
        %select_n3A_1908 = arith.select %and3A_1905, %sub3A_1907, %div3A_1886 : i32
        %rem3A_1909 = arith.constant 2 : i32
        %rem3A_1910 = arith.remsi %select_n3A_1908, %rem3A_1909 : i32
        %rem3A_1911 = arith.constant 16 : i32
        %rem3A_1912 = arith.remsi %sub3A_1884, %rem3A_1911 : i32
        %dma_start3A_1913 = arith.constant 0 : i32
        %dma_start3A_1914 = arith.constant 0 : i32
        %dma_start3A_1915 = tpu.memref_slice %arg8[%dma_start3A_1913, %dma_start3A_1914] : memref<512x64xf32, #tpu.memory_space<vmem>> -> memref<128x64xf32, #tpu.memory_space<vmem>>
        %dma_start3A_1916 = arith.constant 0 : i32
        %dma_start3A_1917 = tpu.memref_slice %arg10[%rem3A_1910, %rem3A_1912, %dma_start3A_1916] : memref<2x16x128xi32, #tpu.memory_space<vmem>> -> memref<1x1x128xi32, #tpu.memory_space<vmem>>
        %dma_start3A_1918 = tpu.memref_squeeze %dma_start3A_1917 : memref<1x1x128xi32, #tpu.memory_space<vmem>> -> memref<128xi32, #tpu.memory_space<vmem>>
        %dma_start3A_1919 = arith.constant 0 : i32
        %dma_start3A_1920 = arith.constant 0 : i32
        %dma_start3A_1921 = tpu.memref_slice %arg15[%dma_start3A_1919, %dma_start3A_1920] : memref<10240x64xf32, #tpu.memory_space<vmem_shared>> -> memref<10240x64xf32, #tpu.memory_space<vmem_shared>>
        tpu.enqueue_indirect_dma source(%dma_start3A_1915 : memref<128x64xf32, #tpu.memory_space<vmem>>) target(%dma_start3A_1921 : memref<10240x64xf32, #tpu.memory_space<vmem_shared>>) offsets(%dma_start3A_1918 : memref<128xi32, #tpu.memory_space<vmem>>) semaphore(%arg22 : memref<!tpu.dma_semaphore, #tpu.memory_space<semaphore_mem>>) {add = true}
        %dma_start3A_1922 = arith.constant 0 : i32
        %dma_start3A_1923 = tpu.memref_slice %arg10[%rem3A_1910, %rem3A_1912, %dma_start3A_1922] : memref<2x16x128xi32, #tpu.memory_space<vmem>> -> memref<1x1x128xi32, #tpu.memory_space<vmem>>
        %dma_start3A_1924 = tpu.memref_squeeze %dma_start3A_1923 : memref<1x1x128xi32, #tpu.memory_space<vmem>> -> memref<128xi32, #tpu.memory_space<vmem>>
        %dma_start3A_1925 = arith.constant 0 : i32
        %dma_start3A_1926 = tpu.memref_slice %arg17[%dma_start3A_1925] : memref<10240xf32, #tpu.memory_space<vmem_shared>> -> memref<10240xf32, #tpu.memory_space<vmem_shared>>
        tpu.enqueue_indirect_dma source(%arg11 : memref<128xf32, #tpu.memory_space<vmem>>) target(%dma_start3A_1926 : memref<10240xf32, #tpu.memory_space<vmem_shared>>) offsets(%dma_start3A_1924 : memref<128xi32, #tpu.memory_space<vmem>>) semaphore(%arg22 : memref<!tpu.dma_semaphore, #tpu.memory_space<semaphore_mem>>) {add = true}
      } else {
      }
      %mul3A_1818 = arith.constant 4 : i32
      %mul3A_1819 = arith.muli %mul3A_1818, %scan3A_1654 : i32
      %add3A_1820 = arith.constant 3 : i32
      %add3A_1821 = arith.addi %mul3A_1819, %add3A_1820 : i32
      %ge3A_1822 = arith.constant 1 : i32
      %ge3A_1823 = arith.cmpi sge, %scan3A_1654, %ge3A_1822 : i32
      %convert_element_type3A_1824 = arith.extui %ge3A_1823 : i1 to i32
      %cond3A_1825 = arith.constant 0 : i32
      %cond3A_1826 = arith.cmpi ne, %convert_element_type3A_1824, %cond3A_1825 : i32
      scf.if %cond3A_1826 {
        %dma_wait3A_1871 = arith.constant 0 : i32
        %dma_wait3A_1872 = arith.constant 0 : i32
        %dma_wait3A_1873 = tpu.memref_slice %arg8[%dma_wait3A_1871, %dma_wait3A_1872] : memref<512x64xf32, #tpu.memory_space<vmem>> -> memref<128x64xf32, #tpu.memory_space<vmem>>
        %dma_wait3A_1874 = arith.constant 0 : i32
        %dma_wait3A_1875 = arith.constant 0 : i32
        %dma_wait3A_1876 = tpu.memref_slice %arg5[%dma_wait3A_1874, %dma_wait3A_1875] : memref<640x64xf32, #tpu.memory_space<hbm>> -> memref<128x64xf32, #tpu.memory_space<hbm>>
        %dma_wait3A_1877 = arith.constant 0 : i32
        %dma_wait3A_1878 = arith.constant 0 : i32
        %dma_wait3A_1879 = tpu.memref_slice %arg8[%dma_wait3A_1877, %dma_wait3A_1878] : memref<512x64xf32, #tpu.memory_space<vmem>> -> memref<128x64xf32, #tpu.memory_space<vmem>>
        %dma_wait3A_1880 = arith.constant 0 : i32
        %dma_wait3A_1881 = arith.constant 0 : i32
        %dma_wait3A_1882 = tpu.memref_slice %arg5[%dma_wait3A_1880, %dma_wait3A_1881] : memref<640x64xf32, #tpu.memory_space<hbm>> -> memref<128x64xf32, #tpu.memory_space<hbm>>
        tpu.wait_dma2 semaphore(%arg25 : memref<!tpu.dma_semaphore, #tpu.memory_space<semaphore_mem>>) src(%dma_wait3A_1882 : memref<128x64xf32, #tpu.memory_space<hbm>>) dst(%dma_wait3A_1879 : memref<128x64xf32, #tpu.memory_space<vmem>>)
        %dma_wait3A_1883 = arith.constant 0 : i32
        %dma_wait3A_1884 = tpu.memref_slice %arg6[%dma_wait3A_1883] : memref<640xf32, #tpu.memory_space<hbm>> -> memref<128xf32, #tpu.memory_space<hbm>>
        %dma_wait3A_1885 = arith.constant 0 : i32
        %dma_wait3A_1886 = tpu.memref_slice %arg6[%dma_wait3A_1885] : memref<640xf32, #tpu.memory_space<hbm>> -> memref<128xf32, #tpu.memory_space<hbm>>
        tpu.wait_dma2 semaphore(%arg25 : memref<!tpu.dma_semaphore, #tpu.memory_space<semaphore_mem>>) src(%dma_wait3A_1886 : memref<128xf32, #tpu.memory_space<hbm>>) dst(%arg11 : memref<128xf32, #tpu.memory_space<vmem>>)
      } else {
      }
      %jit3A_1827 = arith.constant 16 : i32
      %div3A_1828 = arith.divsi %add3A_1821, %jit3A_1827 : i32
      %sign3A_1829 = arith.constant 0 : i32
      %sign3A_1830 = arith.cmpi sgt, %add3A_1821, %sign3A_1829 : i32
      %sign3A_1831 = arith.extui %sign3A_1830 : i1 to i32
      %sign3A_1832 = arith.constant 0 : i32
      %sign3A_1833 = arith.cmpi slt, %add3A_1821, %sign3A_1832 : i32
      %sign3A_1834 = arith.extui %sign3A_1833 : i1 to i32
      %sign3A_1835 = arith.subi %sign3A_1831, %sign3A_1834 : i32
      %sign3A_1836 = arith.constant 0 : i32
      %sign3A_1837 = arith.cmpi sgt, %jit3A_1827, %sign3A_1836 : i32
      %sign3A_1838 = arith.extui %sign3A_1837 : i1 to i32
      %sign3A_1839 = arith.constant 0 : i32
      %sign3A_1840 = arith.cmpi slt, %jit3A_1827, %sign3A_1839 : i32
      %sign3A_1841 = arith.extui %sign3A_1840 : i1 to i32
      %sign3A_1842 = arith.subi %sign3A_1838, %sign3A_1841 : i32
      %ne3A_1843 = arith.cmpi ne, %sign3A_1835, %sign3A_1842 : i32
      %rem3A_1844 = arith.remsi %add3A_1821, %jit3A_1827 : i32
      %ne3A_1845 = arith.constant 0 : i32
      %ne3A_1846 = arith.cmpi ne, %rem3A_1844, %ne3A_1845 : i32
      %and3A_1847 = arith.andi %ne3A_1843, %ne3A_1846 : i1
      %sub3A_1848 = arith.constant 1 : i32
      %sub3A_1849 = arith.subi %div3A_1828, %sub3A_1848 : i32
      %select_n3A_1850 = arith.select %and3A_1847, %sub3A_1849, %div3A_1828 : i32
      %rem3A_1851 = arith.constant 2 : i32
      %rem3A_1852 = arith.remsi %select_n3A_1850, %rem3A_1851 : i32
      %rem3A_1853 = arith.constant 16 : i32
      %rem3A_1854 = arith.remsi %add3A_1821, %rem3A_1853 : i32
      %dma_start3A_1855 = arith.constant 384 : i32
      %dma_start3A_1856 = arith.constant 0 : i32
      %dma_start3A_1857 = tpu.memref_slice %arg8[%dma_start3A_1855, %dma_start3A_1856] : memref<512x64xf32, #tpu.memory_space<vmem>> -> memref<128x64xf32, #tpu.memory_space<vmem>>
      %dma_start3A_1858 = arith.constant 0 : i32
      %dma_start3A_1859 = tpu.memref_slice %arg9[%rem3A_1852, %rem3A_1854, %dma_start3A_1858] : memref<2x16x128xi32, #tpu.memory_space<vmem>> -> memref<1x1x128xi32, #tpu.memory_space<vmem>>
      %dma_start3A_1860 = tpu.memref_squeeze %dma_start3A_1859 : memref<1x1x128xi32, #tpu.memory_space<vmem>> -> memref<128xi32, #tpu.memory_space<vmem>>
      %dma_start3A_1861 = arith.constant 0 : i32
      %dma_start3A_1862 = arith.constant 0 : i32
      %dma_start3A_1863 = tpu.memref_slice %arg14[%dma_start3A_1861, %dma_start3A_1862] : memref<10240x64xf32, #tpu.memory_space<vmem_shared>> -> memref<10240x64xf32, #tpu.memory_space<vmem_shared>>
      tpu.enqueue_indirect_dma source(%dma_start3A_1863 : memref<10240x64xf32, #tpu.memory_space<vmem_shared>>) target(%dma_start3A_1857 : memref<128x64xf32, #tpu.memory_space<vmem>>) offsets(%dma_start3A_1860 : memref<128xi32, #tpu.memory_space<vmem>>) semaphore(%arg21 : memref<!tpu.dma_semaphore, #tpu.memory_space<semaphore_mem>>)
      %ge3A_1864 = arith.constant 1 : i32
      %ge3A_1865 = arith.cmpi sge, %scan3A_1654, %ge3A_1864 : i32
      %or3A_1866 = arith.constant true
      %or3A_1867 = arith.ori %ge3A_1865, %or3A_1866 : i1
      %convert_element_type3A_1868 = arith.extui %or3A_1867 : i1 to i32
      %cond3A_1869 = arith.constant 0 : i32
      %cond3A_1870 = arith.cmpi ne, %convert_element_type3A_1868, %cond3A_1869 : i32
      scf.if %cond3A_1870 {
        %dma_wait3A_1871 = arith.constant 0 : i32
        %dma_wait3A_1872 = arith.constant 0 : i32
        %dma_wait3A_1873 = tpu.memref_slice %arg8[%dma_wait3A_1871, %dma_wait3A_1872] : memref<512x64xf32, #tpu.memory_space<vmem>> -> memref<128x64xf32, #tpu.memory_space<vmem>>
        %dma_wait3A_1874 = arith.constant 0 : i32
        %dma_wait3A_1875 = arith.constant 0 : i32
        %dma_wait3A_1876 = tpu.memref_slice %arg5[%dma_wait3A_1874, %dma_wait3A_1875] : memref<640x64xf32, #tpu.memory_space<hbm>> -> memref<128x64xf32, #tpu.memory_space<hbm>>
        %dma_wait3A_1877 = arith.constant 0 : i32
        %dma_wait3A_1878 = arith.constant 0 : i32
        %dma_wait3A_1879 = tpu.memref_slice %arg8[%dma_wait3A_1877, %dma_wait3A_1878] : memref<512x64xf32, #tpu.memory_space<vmem>> -> memref<128x64xf32, #tpu.memory_space<vmem>>
        %dma_wait3A_1880 = arith.constant 0 : i32
        %dma_wait3A_1881 = arith.constant 0 : i32
        %dma_wait3A_1882 = tpu.memref_slice %arg5[%dma_wait3A_1880, %dma_wait3A_1881] : memref<640x64xf32, #tpu.memory_space<hbm>> -> memref<128x64xf32, #tpu.memory_space<hbm>>
        tpu.wait_dma2 semaphore(%arg19 : memref<!tpu.dma_semaphore, #tpu.memory_space<semaphore_mem>>) src(%dma_wait3A_1882 : memref<128x64xf32, #tpu.memory_space<hbm>>) dst(%dma_wait3A_1879 : memref<128x64xf32, #tpu.memory_space<vmem>>)
        %sub3A_1883 = arith.constant 2 : i32
        %sub3A_1884 = arith.subi %add3A_1821, %sub3A_1883 : i32
        %jit3A_1885 = arith.constant 16 : i32
        %div3A_1886 = arith.divsi %sub3A_1884, %jit3A_1885 : i32
        %sign3A_1887 = arith.constant 0 : i32
        %sign3A_1888 = arith.cmpi sgt, %sub3A_1884, %sign3A_1887 : i32
        %sign3A_1889 = arith.extui %sign3A_1888 : i1 to i32
        %sign3A_1890 = arith.constant 0 : i32
        %sign3A_1891 = arith.cmpi slt, %sub3A_1884, %sign3A_1890 : i32
        %sign3A_1892 = arith.extui %sign3A_1891 : i1 to i32
        %sign3A_1893 = arith.subi %sign3A_1889, %sign3A_1892 : i32
        %sign3A_1894 = arith.constant 0 : i32
        %sign3A_1895 = arith.cmpi sgt, %jit3A_1885, %sign3A_1894 : i32
        %sign3A_1896 = arith.extui %sign3A_1895 : i1 to i32
        %sign3A_1897 = arith.constant 0 : i32
        %sign3A_1898 = arith.cmpi slt, %jit3A_1885, %sign3A_1897 : i32
        %sign3A_1899 = arith.extui %sign3A_1898 : i1 to i32
        %sign3A_1900 = arith.subi %sign3A_1896, %sign3A_1899 : i32
        %ne3A_1901 = arith.cmpi ne, %sign3A_1893, %sign3A_1900 : i32
        %rem3A_1902 = arith.remsi %sub3A_1884, %jit3A_1885 : i32
        %ne3A_1903 = arith.constant 0 : i32
        %ne3A_1904 = arith.cmpi ne, %rem3A_1902, %ne3A_1903 : i32
        %and3A_1905 = arith.andi %ne3A_1901, %ne3A_1904 : i1
        %sub3A_1906 = arith.constant 1 : i32
        %sub3A_1907 = arith.subi %div3A_1886, %sub3A_1906 : i32
        %select_n3A_1908 = arith.select %and3A_1905, %sub3A_1907, %div3A_1886 : i32
        %rem3A_1909 = arith.constant 2 : i32
        %rem3A_1910 = arith.remsi %select_n3A_1908, %rem3A_1909 : i32
        %rem3A_1911 = arith.constant 16 : i32
        %rem3A_1912 = arith.remsi %sub3A_1884, %rem3A_1911 : i32
        %dma_start3A_1913 = arith.constant 128 : i32
        %dma_start3A_1914 = arith.constant 0 : i32
        %dma_start3A_1915 = tpu.memref_slice %arg8[%dma_start3A_1913, %dma_start3A_1914] : memref<512x64xf32, #tpu.memory_space<vmem>> -> memref<128x64xf32, #tpu.memory_space<vmem>>
        %dma_start3A_1916 = arith.constant 0 : i32
        %dma_start3A_1917 = tpu.memref_slice %arg10[%rem3A_1910, %rem3A_1912, %dma_start3A_1916] : memref<2x16x128xi32, #tpu.memory_space<vmem>> -> memref<1x1x128xi32, #tpu.memory_space<vmem>>
        %dma_start3A_1918 = tpu.memref_squeeze %dma_start3A_1917 : memref<1x1x128xi32, #tpu.memory_space<vmem>> -> memref<128xi32, #tpu.memory_space<vmem>>
        %dma_start3A_1919 = arith.constant 0 : i32
        %dma_start3A_1920 = arith.constant 0 : i32
        %dma_start3A_1921 = tpu.memref_slice %arg15[%dma_start3A_1919, %dma_start3A_1920] : memref<10240x64xf32, #tpu.memory_space<vmem_shared>> -> memref<10240x64xf32, #tpu.memory_space<vmem_shared>>
        tpu.enqueue_indirect_dma source(%dma_start3A_1915 : memref<128x64xf32, #tpu.memory_space<vmem>>) target(%dma_start3A_1921 : memref<10240x64xf32, #tpu.memory_space<vmem_shared>>) offsets(%dma_start3A_1918 : memref<128xi32, #tpu.memory_space<vmem>>) semaphore(%arg23 : memref<!tpu.dma_semaphore, #tpu.memory_space<semaphore_mem>>) {add = true}
        %dma_start3A_1922 = arith.constant 0 : i32
        %dma_start3A_1923 = tpu.memref_slice %arg10[%rem3A_1910, %rem3A_1912, %dma_start3A_1922] : memref<2x16x128xi32, #tpu.memory_space<vmem>> -> memref<1x1x128xi32, #tpu.memory_space<vmem>>
        %dma_start3A_1924 = tpu.memref_squeeze %dma_start3A_1923 : memref<1x1x128xi32, #tpu.memory_space<vmem>> -> memref<128xi32, #tpu.memory_space<vmem>>
        %dma_start3A_1925 = arith.constant 0 : i32
        %dma_start3A_1926 = tpu.memref_slice %arg17[%dma_start3A_1925] : memref<10240xf32, #tpu.memory_space<vmem_shared>> -> memref<10240xf32, #tpu.memory_space<vmem_shared>>
        tpu.enqueue_indirect_dma source(%arg11 : memref<128xf32, #tpu.memory_space<vmem>>) target(%dma_start3A_1926 : memref<10240xf32, #tpu.memory_space<vmem_shared>>) offsets(%dma_start3A_1924 : memref<128xi32, #tpu.memory_space<vmem>>) semaphore(%arg23 : memref<!tpu.dma_semaphore, #tpu.memory_space<semaphore_mem>>) {add = true}
      } else {
      }
    }
    %scan3A_852 = arith.constant 40 : i32
    %dma_wait3A_853 = arith.constant 0 : i32
    %dma_wait3A_854 = arith.constant 0 : i32
    %dma_wait3A_855 = tpu.memref_slice %arg8[%dma_wait3A_853, %dma_wait3A_854] : memref<512x64xf32, #tpu.memory_space<vmem>> -> memref<128x64xf32, #tpu.memory_space<vmem>>
    %dma_wait3A_856 = arith.constant 0 : i32
    %dma_wait3A_857 = arith.constant 0 : i32
    %dma_wait3A_858 = tpu.memref_slice %arg5[%dma_wait3A_856, %dma_wait3A_857] : memref<640x64xf32, #tpu.memory_space<hbm>> -> memref<128x64xf32, #tpu.memory_space<hbm>>
    %dma_wait3A_859 = arith.constant 0 : i32
    %dma_wait3A_860 = arith.constant 0 : i32
    %dma_wait3A_861 = tpu.memref_slice %arg8[%dma_wait3A_859, %dma_wait3A_860] : memref<512x64xf32, #tpu.memory_space<vmem>> -> memref<128x64xf32, #tpu.memory_space<vmem>>
    %dma_wait3A_862 = arith.constant 0 : i32
    %dma_wait3A_863 = arith.constant 0 : i32
    %dma_wait3A_864 = tpu.memref_slice %arg5[%dma_wait3A_862, %dma_wait3A_863] : memref<640x64xf32, #tpu.memory_space<hbm>> -> memref<128x64xf32, #tpu.memory_space<hbm>>
    tpu.wait_dma2 semaphore(%arg20 : memref<!tpu.dma_semaphore, #tpu.memory_space<semaphore_mem>>) src(%dma_wait3A_864 : memref<128x64xf32, #tpu.memory_space<hbm>>) dst(%dma_wait3A_861 : memref<128x64xf32, #tpu.memory_space<vmem>>)
    %rem3A_865 = arith.constant 9 : i32
    %rem3A_866 = arith.constant 2 : i32
    %rem3A_867 = arith.remsi %rem3A_865, %rem3A_866 : i32
    %rem3A_868 = arith.constant 158 : i32
    %rem3A_869 = arith.constant 16 : i32
    %rem3A_870 = arith.remsi %rem3A_868, %rem3A_869 : i32
    %dma_start3A_871 = arith.constant 256 : i32
    %dma_start3A_872 = arith.constant 0 : i32
    %dma_start3A_873 = tpu.memref_slice %arg8[%dma_start3A_871, %dma_start3A_872] : memref<512x64xf32, #tpu.memory_space<vmem>> -> memref<128x64xf32, #tpu.memory_space<vmem>>
    %dma_start3A_874 = arith.constant 0 : i32
    %dma_start3A_875 = tpu.memref_slice %arg10[%rem3A_867, %rem3A_870, %dma_start3A_874] : memref<2x16x128xi32, #tpu.memory_space<vmem>> -> memref<1x1x128xi32, #tpu.memory_space<vmem>>
    %dma_start3A_876 = tpu.memref_squeeze %dma_start3A_875 : memref<1x1x128xi32, #tpu.memory_space<vmem>> -> memref<128xi32, #tpu.memory_space<vmem>>
    %dma_start3A_877 = arith.constant 0 : i32
    %dma_start3A_878 = arith.constant 0 : i32
    %dma_start3A_879 = tpu.memref_slice %arg15[%dma_start3A_877, %dma_start3A_878] : memref<10240x64xf32, #tpu.memory_space<vmem_shared>> -> memref<10240x64xf32, #tpu.memory_space<vmem_shared>>
    tpu.enqueue_indirect_dma source(%dma_start3A_873 : memref<128x64xf32, #tpu.memory_space<vmem>>) target(%dma_start3A_879 : memref<10240x64xf32, #tpu.memory_space<vmem_shared>>) offsets(%dma_start3A_876 : memref<128xi32, #tpu.memory_space<vmem>>) semaphore(%arg24 : memref<!tpu.dma_semaphore, #tpu.memory_space<semaphore_mem>>) {add = true}
    %dma_start3A_880 = arith.constant 0 : i32
    %dma_start3A_881 = tpu.memref_slice %arg10[%rem3A_867, %rem3A_870, %dma_start3A_880] : memref<2x16x128xi32, #tpu.memory_space<vmem>> -> memref<1x1x128xi32, #tpu.memory_space<vmem>>
    %dma_start3A_882 = tpu.memref_squeeze %dma_start3A_881 : memref<1x1x128xi32, #tpu.memory_space<vmem>> -> memref<128xi32, #tpu.memory_space<vmem>>
    %dma_start3A_883 = arith.constant 0 : i32
    %dma_start3A_884 = tpu.memref_slice %arg17[%dma_start3A_883] : memref<10240xf32, #tpu.memory_space<vmem_shared>> -> memref<10240xf32, #tpu.memory_space<vmem_shared>>
    tpu.enqueue_indirect_dma source(%arg11 : memref<128xf32, #tpu.memory_space<vmem>>) target(%dma_start3A_884 : memref<10240xf32, #tpu.memory_space<vmem_shared>>) offsets(%dma_start3A_882 : memref<128xi32, #tpu.memory_space<vmem>>) semaphore(%arg24 : memref<!tpu.dma_semaphore, #tpu.memory_space<semaphore_mem>>) {add = true}
    %dma_wait3A_885 = arith.constant 0 : i32
    %dma_wait3A_886 = arith.constant 0 : i32
    %dma_wait3A_887 = tpu.memref_slice %arg8[%dma_wait3A_885, %dma_wait3A_886] : memref<512x64xf32, #tpu.memory_space<vmem>> -> memref<128x64xf32, #tpu.memory_space<vmem>>
    %dma_wait3A_888 = arith.constant 0 : i32
    %dma_wait3A_889 = arith.constant 0 : i32
    %dma_wait3A_890 = tpu.memref_slice %arg5[%dma_wait3A_888, %dma_wait3A_889] : memref<640x64xf32, #tpu.memory_space<hbm>> -> memref<128x64xf32, #tpu.memory_space<hbm>>
    %dma_wait3A_891 = arith.constant 0 : i32
    %dma_wait3A_892 = arith.constant 0 : i32
    %dma_wait3A_893 = tpu.memref_slice %arg8[%dma_wait3A_891, %dma_wait3A_892] : memref<512x64xf32, #tpu.memory_space<vmem>> -> memref<128x64xf32, #tpu.memory_space<vmem>>
    %dma_wait3A_894 = arith.constant 0 : i32
    %dma_wait3A_895 = arith.constant 0 : i32
    %dma_wait3A_896 = tpu.memref_slice %arg5[%dma_wait3A_894, %dma_wait3A_895] : memref<640x64xf32, #tpu.memory_space<hbm>> -> memref<128x64xf32, #tpu.memory_space<hbm>>
    tpu.wait_dma2 semaphore(%arg21 : memref<!tpu.dma_semaphore, #tpu.memory_space<semaphore_mem>>) src(%dma_wait3A_896 : memref<128x64xf32, #tpu.memory_space<hbm>>) dst(%dma_wait3A_893 : memref<128x64xf32, #tpu.memory_space<vmem>>)
    %rem3A_897 = arith.constant 9 : i32
    %rem3A_898 = arith.constant 2 : i32
    %rem3A_899 = arith.remsi %rem3A_897, %rem3A_898 : i32
    %rem3A_900 = arith.constant 159 : i32
    %rem3A_901 = arith.constant 16 : i32
    %rem3A_902 = arith.remsi %rem3A_900, %rem3A_901 : i32
    %dma_start3A_903 = arith.constant 384 : i32
    %dma_start3A_904 = arith.constant 0 : i32
    %dma_start3A_905 = tpu.memref_slice %arg8[%dma_start3A_903, %dma_start3A_904] : memref<512x64xf32, #tpu.memory_space<vmem>> -> memref<128x64xf32, #tpu.memory_space<vmem>>
    %dma_start3A_906 = arith.constant 0 : i32
    %dma_start3A_907 = tpu.memref_slice %arg10[%rem3A_899, %rem3A_902, %dma_start3A_906] : memref<2x16x128xi32, #tpu.memory_space<vmem>> -> memref<1x1x128xi32, #tpu.memory_space<vmem>>
    %dma_start3A_908 = tpu.memref_squeeze %dma_start3A_907 : memref<1x1x128xi32, #tpu.memory_space<vmem>> -> memref<128xi32, #tpu.memory_space<vmem>>
    %dma_start3A_909 = arith.constant 0 : i32
    %dma_start3A_910 = arith.constant 0 : i32
    %dma_start3A_911 = tpu.memref_slice %arg15[%dma_start3A_909, %dma_start3A_910] : memref<10240x64xf32, #tpu.memory_space<vmem_shared>> -> memref<10240x64xf32, #tpu.memory_space<vmem_shared>>
    tpu.enqueue_indirect_dma source(%dma_start3A_905 : memref<128x64xf32, #tpu.memory_space<vmem>>) target(%dma_start3A_911 : memref<10240x64xf32, #tpu.memory_space<vmem_shared>>) offsets(%dma_start3A_908 : memref<128xi32, #tpu.memory_space<vmem>>) semaphore(%arg25 : memref<!tpu.dma_semaphore, #tpu.memory_space<semaphore_mem>>) {add = true}
    %dma_start3A_912 = arith.constant 0 : i32
    %dma_start3A_913 = tpu.memref_slice %arg10[%rem3A_899, %rem3A_902, %dma_start3A_912] : memref<2x16x128xi32, #tpu.memory_space<vmem>> -> memref<1x1x128xi32, #tpu.memory_space<vmem>>
    %dma_start3A_914 = tpu.memref_squeeze %dma_start3A_913 : memref<1x1x128xi32, #tpu.memory_space<vmem>> -> memref<128xi32, #tpu.memory_space<vmem>>
    %dma_start3A_915 = arith.constant 0 : i32
    %dma_start3A_916 = tpu.memref_slice %arg17[%dma_start3A_915] : memref<10240xf32, #tpu.memory_space<vmem_shared>> -> memref<10240xf32, #tpu.memory_space<vmem_shared>>
    tpu.enqueue_indirect_dma source(%arg11 : memref<128xf32, #tpu.memory_space<vmem>>) target(%dma_start3A_916 : memref<10240xf32, #tpu.memory_space<vmem_shared>>) offsets(%dma_start3A_914 : memref<128xi32, #tpu.memory_space<vmem>>) semaphore(%arg25 : memref<!tpu.dma_semaphore, #tpu.memory_space<semaphore_mem>>) {add = true}
    %dma_wait3A_917 = arith.constant 0 : i32
    %dma_wait3A_918 = arith.constant 0 : i32
    %dma_wait3A_919 = tpu.memref_slice %arg8[%dma_wait3A_917, %dma_wait3A_918] : memref<512x64xf32, #tpu.memory_space<vmem>> -> memref<128x64xf32, #tpu.memory_space<vmem>>
    %dma_wait3A_920 = arith.constant 0 : i32
    %dma_wait3A_921 = arith.constant 0 : i32
    %dma_wait3A_922 = tpu.memref_slice %arg5[%dma_wait3A_920, %dma_wait3A_921] : memref<640x64xf32, #tpu.memory_space<hbm>> -> memref<128x64xf32, #tpu.memory_space<hbm>>
    %dma_wait3A_923 = arith.constant 0 : i32
    %dma_wait3A_924 = arith.constant 0 : i32
    %dma_wait3A_925 = tpu.memref_slice %arg8[%dma_wait3A_923, %dma_wait3A_924] : memref<512x64xf32, #tpu.memory_space<vmem>> -> memref<128x64xf32, #tpu.memory_space<vmem>>
    %dma_wait3A_926 = arith.constant 0 : i32
    %dma_wait3A_927 = arith.constant 0 : i32
    %dma_wait3A_928 = tpu.memref_slice %arg5[%dma_wait3A_926, %dma_wait3A_927] : memref<640x64xf32, #tpu.memory_space<hbm>> -> memref<128x64xf32, #tpu.memory_space<hbm>>
    tpu.wait_dma2 semaphore(%arg22 : memref<!tpu.dma_semaphore, #tpu.memory_space<semaphore_mem>>) src(%dma_wait3A_928 : memref<128x64xf32, #tpu.memory_space<hbm>>) dst(%dma_wait3A_925 : memref<128x64xf32, #tpu.memory_space<vmem>>)
    %dma_wait3A_929 = arith.constant 0 : i32
    %dma_wait3A_930 = tpu.memref_slice %arg6[%dma_wait3A_929] : memref<640xf32, #tpu.memory_space<hbm>> -> memref<128xf32, #tpu.memory_space<hbm>>
    %dma_wait3A_931 = arith.constant 0 : i32
    %dma_wait3A_932 = tpu.memref_slice %arg6[%dma_wait3A_931] : memref<640xf32, #tpu.memory_space<hbm>> -> memref<128xf32, #tpu.memory_space<hbm>>
    tpu.wait_dma2 semaphore(%arg22 : memref<!tpu.dma_semaphore, #tpu.memory_space<semaphore_mem>>) src(%dma_wait3A_932 : memref<128xf32, #tpu.memory_space<hbm>>) dst(%arg11 : memref<128xf32, #tpu.memory_space<vmem>>)
    %dma_wait3A_933 = arith.constant 0 : i32
    %dma_wait3A_934 = arith.constant 0 : i32
    %dma_wait3A_935 = tpu.memref_slice %arg8[%dma_wait3A_933, %dma_wait3A_934] : memref<512x64xf32, #tpu.memory_space<vmem>> -> memref<128x64xf32, #tpu.memory_space<vmem>>
    %dma_wait3A_936 = arith.constant 0 : i32
    %dma_wait3A_937 = arith.constant 0 : i32
    %dma_wait3A_938 = tpu.memref_slice %arg5[%dma_wait3A_936, %dma_wait3A_937] : memref<640x64xf32, #tpu.memory_space<hbm>> -> memref<128x64xf32, #tpu.memory_space<hbm>>
    %dma_wait3A_939 = arith.constant 0 : i32
    %dma_wait3A_940 = arith.constant 0 : i32
    %dma_wait3A_941 = tpu.memref_slice %arg8[%dma_wait3A_939, %dma_wait3A_940] : memref<512x64xf32, #tpu.memory_space<vmem>> -> memref<128x64xf32, #tpu.memory_space<vmem>>
    %dma_wait3A_942 = arith.constant 0 : i32
    %dma_wait3A_943 = arith.constant 0 : i32
    %dma_wait3A_944 = tpu.memref_slice %arg5[%dma_wait3A_942, %dma_wait3A_943] : memref<640x64xf32, #tpu.memory_space<hbm>> -> memref<128x64xf32, #tpu.memory_space<hbm>>
    tpu.wait_dma2 semaphore(%arg23 : memref<!tpu.dma_semaphore, #tpu.memory_space<semaphore_mem>>) src(%dma_wait3A_944 : memref<128x64xf32, #tpu.memory_space<hbm>>) dst(%dma_wait3A_941 : memref<128x64xf32, #tpu.memory_space<vmem>>)
    %dma_wait3A_945 = arith.constant 0 : i32
    %dma_wait3A_946 = tpu.memref_slice %arg6[%dma_wait3A_945] : memref<640xf32, #tpu.memory_space<hbm>> -> memref<128xf32, #tpu.memory_space<hbm>>
    %dma_wait3A_947 = arith.constant 0 : i32
    %dma_wait3A_948 = tpu.memref_slice %arg6[%dma_wait3A_947] : memref<640xf32, #tpu.memory_space<hbm>> -> memref<128xf32, #tpu.memory_space<hbm>>
    tpu.wait_dma2 semaphore(%arg23 : memref<!tpu.dma_semaphore, #tpu.memory_space<semaphore_mem>>) src(%dma_wait3A_948 : memref<128xf32, #tpu.memory_space<hbm>>) dst(%arg11 : memref<128xf32, #tpu.memory_space<vmem>>)
    %dma_wait3A_949 = arith.constant 0 : i32
    %dma_wait3A_950 = arith.constant 0 : i32
    %dma_wait3A_951 = tpu.memref_slice %arg8[%dma_wait3A_949, %dma_wait3A_950] : memref<512x64xf32, #tpu.memory_space<vmem>> -> memref<128x64xf32, #tpu.memory_space<vmem>>
    %dma_wait3A_952 = arith.constant 0 : i32
    %dma_wait3A_953 = arith.constant 0 : i32
    %dma_wait3A_954 = tpu.memref_slice %arg5[%dma_wait3A_952, %dma_wait3A_953] : memref<640x64xf32, #tpu.memory_space<hbm>> -> memref<128x64xf32, #tpu.memory_space<hbm>>
    %dma_wait3A_955 = arith.constant 0 : i32
    %dma_wait3A_956 = arith.constant 0 : i32
    %dma_wait3A_957 = tpu.memref_slice %arg8[%dma_wait3A_955, %dma_wait3A_956] : memref<512x64xf32, #tpu.memory_space<vmem>> -> memref<128x64xf32, #tpu.memory_space<vmem>>
    %dma_wait3A_958 = arith.constant 0 : i32
    %dma_wait3A_959 = arith.constant 0 : i32
    %dma_wait3A_960 = tpu.memref_slice %arg5[%dma_wait3A_958, %dma_wait3A_959] : memref<640x64xf32, #tpu.memory_space<hbm>> -> memref<128x64xf32, #tpu.memory_space<hbm>>
    tpu.wait_dma2 semaphore(%arg24 : memref<!tpu.dma_semaphore, #tpu.memory_space<semaphore_mem>>) src(%dma_wait3A_960 : memref<128x64xf32, #tpu.memory_space<hbm>>) dst(%dma_wait3A_957 : memref<128x64xf32, #tpu.memory_space<vmem>>)
    %dma_wait3A_961 = arith.constant 0 : i32
    %dma_wait3A_962 = tpu.memref_slice %arg6[%dma_wait3A_961] : memref<640xf32, #tpu.memory_space<hbm>> -> memref<128xf32, #tpu.memory_space<hbm>>
    %dma_wait3A_963 = arith.constant 0 : i32
    %dma_wait3A_964 = tpu.memref_slice %arg6[%dma_wait3A_963] : memref<640xf32, #tpu.memory_space<hbm>> -> memref<128xf32, #tpu.memory_space<hbm>>
    tpu.wait_dma2 semaphore(%arg24 : memref<!tpu.dma_semaphore, #tpu.memory_space<semaphore_mem>>) src(%dma_wait3A_964 : memref<128xf32, #tpu.memory_space<hbm>>) dst(%arg11 : memref<128xf32, #tpu.memory_space<vmem>>)
    %dma_wait3A_965 = arith.constant 0 : i32
    %dma_wait3A_966 = arith.constant 0 : i32
    %dma_wait3A_967 = tpu.memref_slice %arg8[%dma_wait3A_965, %dma_wait3A_966] : memref<512x64xf32, #tpu.memory_space<vmem>> -> memref<128x64xf32, #tpu.memory_space<vmem>>
    %dma_wait3A_968 = arith.constant 0 : i32
    %dma_wait3A_969 = arith.constant 0 : i32
    %dma_wait3A_970 = tpu.memref_slice %arg5[%dma_wait3A_968, %dma_wait3A_969] : memref<640x64xf32, #tpu.memory_space<hbm>> -> memref<128x64xf32, #tpu.memory_space<hbm>>
    %dma_wait3A_971 = arith.constant 0 : i32
    %dma_wait3A_972 = arith.constant 0 : i32
    %dma_wait3A_973 = tpu.memref_slice %arg8[%dma_wait3A_971, %dma_wait3A_972] : memref<512x64xf32, #tpu.memory_space<vmem>> -> memref<128x64xf32, #tpu.memory_space<vmem>>
    %dma_wait3A_974 = arith.constant 0 : i32
    %dma_wait3A_975 = arith.constant 0 : i32
    %dma_wait3A_976 = tpu.memref_slice %arg5[%dma_wait3A_974, %dma_wait3A_975] : memref<640x64xf32, #tpu.memory_space<hbm>> -> memref<128x64xf32, #tpu.memory_space<hbm>>
    tpu.wait_dma2 semaphore(%arg25 : memref<!tpu.dma_semaphore, #tpu.memory_space<semaphore_mem>>) src(%dma_wait3A_976 : memref<128x64xf32, #tpu.memory_space<hbm>>) dst(%dma_wait3A_973 : memref<128x64xf32, #tpu.memory_space<vmem>>)
    %dma_wait3A_977 = arith.constant 0 : i32
    %dma_wait3A_978 = tpu.memref_slice %arg6[%dma_wait3A_977] : memref<640xf32, #tpu.memory_space<hbm>> -> memref<128xf32, #tpu.memory_space<hbm>>
    %dma_wait3A_979 = arith.constant 0 : i32
    %dma_wait3A_980 = tpu.memref_slice %arg6[%dma_wait3A_979] : memref<640xf32, #tpu.memory_space<hbm>> -> memref<128xf32, #tpu.memory_space<hbm>>
    tpu.wait_dma2 semaphore(%arg25 : memref<!tpu.dma_semaphore, #tpu.memory_space<semaphore_mem>>) src(%dma_wait3A_980 : memref<128xf32, #tpu.memory_space<hbm>>) dst(%arg11 : memref<128xf32, #tpu.memory_space<vmem>>)
    %barrier3A_981 = arith.constant 0 : index
    tpu.barrier barrier_id(%barrier3A_981)
    "tpu.region"() ({
      %run_scoped3A_1654 = tpu.sem_alloc : memref<!tpu.dma_semaphore, #tpu.memory_space<semaphore_mem>>
      %dma_start3A_1655 = tpu.memref_slice %arg17[%mul3A_0] : memref<10240xf32, #tpu.memory_space<vmem_shared>> -> memref<640xf32, #tpu.memory_space<vmem_shared>>
      %dma_start3A_1656 = tpu.memref_slice %arg17[%mul3A_0] : memref<10240xf32, #tpu.memory_space<vmem_shared>> -> memref<640xf32, #tpu.memory_space<vmem_shared>>
      tpu.enqueue_dma source(%dma_start3A_1656 : memref<640xf32, #tpu.memory_space<vmem_shared>>) target(%arg12 : memref<640xf32, #tpu.memory_space<vmem>>) target_semaphore(%run_scoped3A_1654 : memref<!tpu.dma_semaphore, #tpu.memory_space<semaphore_mem>>)
      %dma_wait3A_1657 = tpu.memref_slice %arg17[%mul3A_0] : memref<10240xf32, #tpu.memory_space<vmem_shared>> -> memref<640xf32, #tpu.memory_space<vmem_shared>>
      %dma_wait3A_1658 = tpu.memref_slice %arg17[%mul3A_0] : memref<10240xf32, #tpu.memory_space<vmem_shared>> -> memref<640xf32, #tpu.memory_space<vmem_shared>>
      tpu.wait_dma2 semaphore(%run_scoped3A_1654 : memref<!tpu.dma_semaphore, #tpu.memory_space<semaphore_mem>>) src(%dma_wait3A_1658 : memref<640xf32, #tpu.memory_space<vmem_shared>>) dst(%arg12 : memref<640xf32, #tpu.memory_space<vmem>>)
      tpu.yield
    }) : () -> ()
    %get3A_982 = arith.constant 0 : index
    %get3A_983 = tpu.vector_load %arg12[%get3A_982] {strides = array<i32>} : memref<640xf32, #tpu.memory_space<vmem>>, vector<16xf32>,
    %get3A_984 = vector.shape_cast %get3A_983 : vector<16xf32> to vector<16xf32>
    %gt3A_985 = arith.constant 0.000000e+00 : f32
    %gt3A_986 = vector.broadcast %gt3A_985 : f32 to vector<16xf32>
    %gt3A_987 = arith.cmpf ogt, %get3A_984, %gt3A_986 : vector<16xf32>
    %div3A_988 = arith.constant 1.000000e+00 : f32
    %div3A_989 = vector.broadcast %div3A_988 : f32 to vector<16xf32>
    %div3A_990 = arith.divf %div3A_989, %get3A_984 : vector<16xf32>
    %jit3A_991 = arith.constant 0.000000e+00 : f32
    %broadcast_in_dim3A_992 = vector.broadcast %jit3A_991 : f32 to vector<16xf32>
    %select_n3A_993 = arith.select %gt3A_987, %div3A_990, %broadcast_in_dim3A_992 : vector<16xi1>, vector<16xf32>
    %swap3A_994 = arith.constant 0 : index
    %swap3A_995 = tpu.vector_load %arg13[%swap3A_994] {strides = array<i32>} : memref<656xf32, #tpu.memory_space<vmem>>, vector<16xf32>,
    %swap3A_996 = vector.shape_cast %swap3A_995 : vector<16xf32> to vector<16xf32>
    %swap3A_997 = vector.shape_cast %select_n3A_993 : vector<16xf32> to vector<16xf32>
    tpu.vector_store %arg13[%swap3A_994], %swap3A_997 {strides = array<i32>} : memref<656xf32, #tpu.memory_space<vmem>>, vector<16xf32>,
    %get3A_998 = arith.constant 16 : index
    %get3A_999 = tpu.vector_load %arg12[%get3A_998] {strides = array<i32>} : memref<640xf32, #tpu.memory_space<vmem>>, vector<16xf32>,
    %get3A_1000 = vector.shape_cast %get3A_999 : vector<16xf32> to vector<16xf32>
    %gt3A_1001 = arith.constant 0.000000e+00 : f32
    %gt3A_1002 = vector.broadcast %gt3A_1001 : f32 to vector<16xf32>
    %gt3A_1003 = arith.cmpf ogt, %get3A_1000, %gt3A_1002 : vector<16xf32>
    %div3A_1004 = arith.constant 1.000000e+00 : f32
    %div3A_1005 = vector.broadcast %div3A_1004 : f32 to vector<16xf32>
    %div3A_1006 = arith.divf %div3A_1005, %get3A_1000 : vector<16xf32>
    %jit3A_1007 = arith.constant 0.000000e+00 : f32
    %broadcast_in_dim3A_1008 = vector.broadcast %jit3A_1007 : f32 to vector<16xf32>
    %select_n3A_1009 = arith.select %gt3A_1003, %div3A_1006, %broadcast_in_dim3A_1008 : vector<16xi1>, vector<16xf32>
    %swap3A_1010 = arith.constant 16 : index
    %swap3A_1011 = tpu.vector_load %arg13[%swap3A_1010] {strides = array<i32>} : memref<656xf32, #tpu.memory_space<vmem>>, vector<16xf32>,
    %swap3A_1012 = vector.shape_cast %swap3A_1011 : vector<16xf32> to vector<16xf32>
    %swap3A_1013 = vector.shape_cast %select_n3A_1009 : vector<16xf32> to vector<16xf32>
    tpu.vector_store %arg13[%swap3A_1010], %swap3A_1013 {strides = array<i32>} : memref<656xf32, #tpu.memory_space<vmem>>, vector<16xf32>,
    %get3A_1014 = arith.constant 32 : index
    %get3A_1015 = tpu.vector_load %arg12[%get3A_1014] {strides = array<i32>} : memref<640xf32, #tpu.memory_space<vmem>>, vector<16xf32>,
    %get3A_1016 = vector.shape_cast %get3A_1015 : vector<16xf32> to vector<16xf32>
    %gt3A_1017 = arith.constant 0.000000e+00 : f32
    %gt3A_1018 = vector.broadcast %gt3A_1017 : f32 to vector<16xf32>
    %gt3A_1019 = arith.cmpf ogt, %get3A_1016, %gt3A_1018 : vector<16xf32>
    %div3A_1020 = arith.constant 1.000000e+00 : f32
    %div3A_1021 = vector.broadcast %div3A_1020 : f32 to vector<16xf32>
    %div3A_1022 = arith.divf %div3A_1021, %get3A_1016 : vector<16xf32>
    %jit3A_1023 = arith.constant 0.000000e+00 : f32
    %broadcast_in_dim3A_1024 = vector.broadcast %jit3A_1023 : f32 to vector<16xf32>
    %select_n3A_1025 = arith.select %gt3A_1019, %div3A_1022, %broadcast_in_dim3A_1024 : vector<16xi1>, vector<16xf32>
    %swap3A_1026 = arith.constant 32 : index
    %swap3A_1027 = tpu.vector_load %arg13[%swap3A_1026] {strides = array<i32>} : memref<656xf32, #tpu.memory_space<vmem>>, vector<16xf32>,
    %swap3A_1028 = vector.shape_cast %swap3A_1027 : vector<16xf32> to vector<16xf32>
    %swap3A_1029 = vector.shape_cast %select_n3A_1025 : vector<16xf32> to vector<16xf32>
    tpu.vector_store %arg13[%swap3A_1026], %swap3A_1029 {strides = array<i32>} : memref<656xf32, #tpu.memory_space<vmem>>, vector<16xf32>,
    %get3A_1030 = arith.constant 48 : index
    %get3A_1031 = tpu.vector_load %arg12[%get3A_1030] {strides = array<i32>} : memref<640xf32, #tpu.memory_space<vmem>>, vector<16xf32>,
    %get3A_1032 = vector.shape_cast %get3A_1031 : vector<16xf32> to vector<16xf32>
    %gt3A_1033 = arith.constant 0.000000e+00 : f32
    %gt3A_1034 = vector.broadcast %gt3A_1033 : f32 to vector<16xf32>
    %gt3A_1035 = arith.cmpf ogt, %get3A_1032, %gt3A_1034 : vector<16xf32>
    %div3A_1036 = arith.constant 1.000000e+00 : f32
    %div3A_1037 = vector.broadcast %div3A_1036 : f32 to vector<16xf32>
    %div3A_1038 = arith.divf %div3A_1037, %get3A_1032 : vector<16xf32>
    %jit3A_1039 = arith.constant 0.000000e+00 : f32
    %broadcast_in_dim3A_1040 = vector.broadcast %jit3A_1039 : f32 to vector<16xf32>
    %select_n3A_1041 = arith.select %gt3A_1035, %div3A_1038, %broadcast_in_dim3A_1040 : vector<16xi1>, vector<16xf32>
    %swap3A_1042 = arith.constant 48 : index
    %swap3A_1043 = tpu.vector_load %arg13[%swap3A_1042] {strides = array<i32>} : memref<656xf32, #tpu.memory_space<vmem>>, vector<16xf32>,
    %swap3A_1044 = vector.shape_cast %swap3A_1043 : vector<16xf32> to vector<16xf32>
    %swap3A_1045 = vector.shape_cast %select_n3A_1041 : vector<16xf32> to vector<16xf32>
    tpu.vector_store %arg13[%swap3A_1042], %swap3A_1045 {strides = array<i32>} : memref<656xf32, #tpu.memory_space<vmem>>, vector<16xf32>,
    %get3A_1046 = arith.constant 64 : index
    %get3A_1047 = tpu.vector_load %arg12[%get3A_1046] {strides = array<i32>} : memref<640xf32, #tpu.memory_space<vmem>>, vector<16xf32>,
    %get3A_1048 = vector.shape_cast %get3A_1047 : vector<16xf32> to vector<16xf32>
    %gt3A_1049 = arith.constant 0.000000e+00 : f32
    %gt3A_1050 = vector.broadcast %gt3A_1049 : f32 to vector<16xf32>
    %gt3A_1051 = arith.cmpf ogt, %get3A_1048, %gt3A_1050 : vector<16xf32>
    %div3A_1052 = arith.constant 1.000000e+00 : f32
    %div3A_1053 = vector.broadcast %div3A_1052 : f32 to vector<16xf32>
    %div3A_1054 = arith.divf %div3A_1053, %get3A_1048 : vector<16xf32>
    %jit3A_1055 = arith.constant 0.000000e+00 : f32
    %broadcast_in_dim3A_1056 = vector.broadcast %jit3A_1055 : f32 to vector<16xf32>
    %select_n3A_1057 = arith.select %gt3A_1051, %div3A_1054, %broadcast_in_dim3A_1056 : vector<16xi1>, vector<16xf32>
    %swap3A_1058 = arith.constant 64 : index
    %swap3A_1059 = tpu.vector_load %arg13[%swap3A_1058] {strides = array<i32>} : memref<656xf32, #tpu.memory_space<vmem>>, vector<16xf32>,
    %swap3A_1060 = vector.shape_cast %swap3A_1059 : vector<16xf32> to vector<16xf32>
    %swap3A_1061 = vector.shape_cast %select_n3A_1057 : vector<16xf32> to vector<16xf32>
    tpu.vector_store %arg13[%swap3A_1058], %swap3A_1061 {strides = array<i32>} : memref<656xf32, #tpu.memory_space<vmem>>, vector<16xf32>,
    %get3A_1062 = arith.constant 80 : index
    %get3A_1063 = tpu.vector_load %arg12[%get3A_1062] {strides = array<i32>} : memref<640xf32, #tpu.memory_space<vmem>>, vector<16xf32>,
    %get3A_1064 = vector.shape_cast %get3A_1063 : vector<16xf32> to vector<16xf32>
    %gt3A_1065 = arith.constant 0.000000e+00 : f32
    %gt3A_1066 = vector.broadcast %gt3A_1065 : f32 to vector<16xf32>
    %gt3A_1067 = arith.cmpf ogt, %get3A_1064, %gt3A_1066 : vector<16xf32>
    %div3A_1068 = arith.constant 1.000000e+00 : f32
    %div3A_1069 = vector.broadcast %div3A_1068 : f32 to vector<16xf32>
    %div3A_1070 = arith.divf %div3A_1069, %get3A_1064 : vector<16xf32>
    %jit3A_1071 = arith.constant 0.000000e+00 : f32
    %broadcast_in_dim3A_1072 = vector.broadcast %jit3A_1071 : f32 to vector<16xf32>
    %select_n3A_1073 = arith.select %gt3A_1067, %div3A_1070, %broadcast_in_dim3A_1072 : vector<16xi1>, vector<16xf32>
    %swap3A_1074 = arith.constant 80 : index
    %swap3A_1075 = tpu.vector_load %arg13[%swap3A_1074] {strides = array<i32>} : memref<656xf32, #tpu.memory_space<vmem>>, vector<16xf32>,
    %swap3A_1076 = vector.shape_cast %swap3A_1075 : vector<16xf32> to vector<16xf32>
    %swap3A_1077 = vector.shape_cast %select_n3A_1073 : vector<16xf32> to vector<16xf32>
    tpu.vector_store %arg13[%swap3A_1074], %swap3A_1077 {strides = array<i32>} : memref<656xf32, #tpu.memory_space<vmem>>, vector<16xf32>,
    %get3A_1078 = arith.constant 96 : index
    %get3A_1079 = tpu.vector_load %arg12[%get3A_1078] {strides = array<i32>} : memref<640xf32, #tpu.memory_space<vmem>>, vector<16xf32>,
    %get3A_1080 = vector.shape_cast %get3A_1079 : vector<16xf32> to vector<16xf32>
    %gt3A_1081 = arith.constant 0.000000e+00 : f32
    %gt3A_1082 = vector.broadcast %gt3A_1081 : f32 to vector<16xf32>
    %gt3A_1083 = arith.cmpf ogt, %get3A_1080, %gt3A_1082 : vector<16xf32>
    %div3A_1084 = arith.constant 1.000000e+00 : f32
    %div3A_1085 = vector.broadcast %div3A_1084 : f32 to vector<16xf32>
    %div3A_1086 = arith.divf %div3A_1085, %get3A_1080 : vector<16xf32>
    %jit3A_1087 = arith.constant 0.000000e+00 : f32
    %broadcast_in_dim3A_1088 = vector.broadcast %jit3A_1087 : f32 to vector<16xf32>
    %select_n3A_1089 = arith.select %gt3A_1083, %div3A_1086, %broadcast_in_dim3A_1088 : vector<16xi1>, vector<16xf32>
    %swap3A_1090 = arith.constant 96 : index
    %swap3A_1091 = tpu.vector_load %arg13[%swap3A_1090] {strides = array<i32>} : memref<656xf32, #tpu.memory_space<vmem>>, vector<16xf32>,
    %swap3A_1092 = vector.shape_cast %swap3A_1091 : vector<16xf32> to vector<16xf32>
    %swap3A_1093 = vector.shape_cast %select_n3A_1089 : vector<16xf32> to vector<16xf32>
    tpu.vector_store %arg13[%swap3A_1090], %swap3A_1093 {strides = array<i32>} : memref<656xf32, #tpu.memory_space<vmem>>, vector<16xf32>,
    %get3A_1094 = arith.constant 112 : index
    %get3A_1095 = tpu.vector_load %arg12[%get3A_1094] {strides = array<i32>} : memref<640xf32, #tpu.memory_space<vmem>>, vector<16xf32>,
    %get3A_1096 = vector.shape_cast %get3A_1095 : vector<16xf32> to vector<16xf32>
    %gt3A_1097 = arith.constant 0.000000e+00 : f32
    %gt3A_1098 = vector.broadcast %gt3A_1097 : f32 to vector<16xf32>
    %gt3A_1099 = arith.cmpf ogt, %get3A_1096, %gt3A_1098 : vector<16xf32>
    %div3A_1100 = arith.constant 1.000000e+00 : f32
    %div3A_1101 = vector.broadcast %div3A_1100 : f32 to vector<16xf32>
    %div3A_1102 = arith.divf %div3A_1101, %get3A_1096 : vector<16xf32>
    %jit3A_1103 = arith.constant 0.000000e+00 : f32
    %broadcast_in_dim3A_1104 = vector.broadcast %jit3A_1103 : f32 to vector<16xf32>
    %select_n3A_1105 = arith.select %gt3A_1099, %div3A_1102, %broadcast_in_dim3A_1104 : vector<16xi1>, vector<16xf32>
    %swap3A_1106 = arith.constant 112 : index
    %swap3A_1107 = tpu.vector_load %arg13[%swap3A_1106] {strides = array<i32>} : memref<656xf32, #tpu.memory_space<vmem>>, vector<16xf32>,
    %swap3A_1108 = vector.shape_cast %swap3A_1107 : vector<16xf32> to vector<16xf32>
    %swap3A_1109 = vector.shape_cast %select_n3A_1105 : vector<16xf32> to vector<16xf32>
    tpu.vector_store %arg13[%swap3A_1106], %swap3A_1109 {strides = array<i32>} : memref<656xf32, #tpu.memory_space<vmem>>, vector<16xf32>,
    %get3A_1110 = arith.constant 128 : index
    %get3A_1111 = tpu.vector_load %arg12[%get3A_1110] {strides = array<i32>} : memref<640xf32, #tpu.memory_space<vmem>>, vector<16xf32>,
    %get3A_1112 = vector.shape_cast %get3A_1111 : vector<16xf32> to vector<16xf32>
    %gt3A_1113 = arith.constant 0.000000e+00 : f32
    %gt3A_1114 = vector.broadcast %gt3A_1113 : f32 to vector<16xf32>
    %gt3A_1115 = arith.cmpf ogt, %get3A_1112, %gt3A_1114 : vector<16xf32>
    %div3A_1116 = arith.constant 1.000000e+00 : f32
    %div3A_1117 = vector.broadcast %div3A_1116 : f32 to vector<16xf32>
    %div3A_1118 = arith.divf %div3A_1117, %get3A_1112 : vector<16xf32>
    %jit3A_1119 = arith.constant 0.000000e+00 : f32
    %broadcast_in_dim3A_1120 = vector.broadcast %jit3A_1119 : f32 to vector<16xf32>
    %select_n3A_1121 = arith.select %gt3A_1115, %div3A_1118, %broadcast_in_dim3A_1120 : vector<16xi1>, vector<16xf32>
    %swap3A_1122 = arith.constant 128 : index
    %swap3A_1123 = tpu.vector_load %arg13[%swap3A_1122] {strides = array<i32>} : memref<656xf32, #tpu.memory_space<vmem>>, vector<16xf32>,
    %swap3A_1124 = vector.shape_cast %swap3A_1123 : vector<16xf32> to vector<16xf32>
    %swap3A_1125 = vector.shape_cast %select_n3A_1121 : vector<16xf32> to vector<16xf32>
    tpu.vector_store %arg13[%swap3A_1122], %swap3A_1125 {strides = array<i32>} : memref<656xf32, #tpu.memory_space<vmem>>, vector<16xf32>,
    %get3A_1126 = arith.constant 144 : index
    %get3A_1127 = tpu.vector_load %arg12[%get3A_1126] {strides = array<i32>} : memref<640xf32, #tpu.memory_space<vmem>>, vector<16xf32>,
    %get3A_1128 = vector.shape_cast %get3A_1127 : vector<16xf32> to vector<16xf32>
    %gt3A_1129 = arith.constant 0.000000e+00 : f32
    %gt3A_1130 = vector.broadcast %gt3A_1129 : f32 to vector<16xf32>
    %gt3A_1131 = arith.cmpf ogt, %get3A_1128, %gt3A_1130 : vector<16xf32>
    %div3A_1132 = arith.constant 1.000000e+00 : f32
    %div3A_1133 = vector.broadcast %div3A_1132 : f32 to vector<16xf32>
    %div3A_1134 = arith.divf %div3A_1133, %get3A_1128 : vector<16xf32>
    %jit3A_1135 = arith.constant 0.000000e+00 : f32
    %broadcast_in_dim3A_1136 = vector.broadcast %jit3A_1135 : f32 to vector<16xf32>
    %select_n3A_1137 = arith.select %gt3A_1131, %div3A_1134, %broadcast_in_dim3A_1136 : vector<16xi1>, vector<16xf32>
    %swap3A_1138 = arith.constant 144 : index
    %swap3A_1139 = tpu.vector_load %arg13[%swap3A_1138] {strides = array<i32>} : memref<656xf32, #tpu.memory_space<vmem>>, vector<16xf32>,
    %swap3A_1140 = vector.shape_cast %swap3A_1139 : vector<16xf32> to vector<16xf32>
    %swap3A_1141 = vector.shape_cast %select_n3A_1137 : vector<16xf32> to vector<16xf32>
    tpu.vector_store %arg13[%swap3A_1138], %swap3A_1141 {strides = array<i32>} : memref<656xf32, #tpu.memory_space<vmem>>, vector<16xf32>,
    %get3A_1142 = arith.constant 160 : index
    %get3A_1143 = tpu.vector_load %arg12[%get3A_1142] {strides = array<i32>} : memref<640xf32, #tpu.memory_space<vmem>>, vector<16xf32>,
    %get3A_1144 = vector.shape_cast %get3A_1143 : vector<16xf32> to vector<16xf32>
    %gt3A_1145 = arith.constant 0.000000e+00 : f32
    %gt3A_1146 = vector.broadcast %gt3A_1145 : f32 to vector<16xf32>
    %gt3A_1147 = arith.cmpf ogt, %get3A_1144, %gt3A_1146 : vector<16xf32>
    %div3A_1148 = arith.constant 1.000000e+00 : f32
    %div3A_1149 = vector.broadcast %div3A_1148 : f32 to vector<16xf32>
    %div3A_1150 = arith.divf %div3A_1149, %get3A_1144 : vector<16xf32>
    %jit3A_1151 = arith.constant 0.000000e+00 : f32
    %broadcast_in_dim3A_1152 = vector.broadcast %jit3A_1151 : f32 to vector<16xf32>
    %select_n3A_1153 = arith.select %gt3A_1147, %div3A_1150, %broadcast_in_dim3A_1152 : vector<16xi1>, vector<16xf32>
    %swap3A_1154 = arith.constant 160 : index
    %swap3A_1155 = tpu.vector_load %arg13[%swap3A_1154] {strides = array<i32>} : memref<656xf32, #tpu.memory_space<vmem>>, vector<16xf32>,
    %swap3A_1156 = vector.shape_cast %swap3A_1155 : vector<16xf32> to vector<16xf32>
    %swap3A_1157 = vector.shape_cast %select_n3A_1153 : vector<16xf32> to vector<16xf32>
    tpu.vector_store %arg13[%swap3A_1154], %swap3A_1157 {strides = array<i32>} : memref<656xf32, #tpu.memory_space<vmem>>, vector<16xf32>,
    %get3A_1158 = arith.constant 176 : index
    %get3A_1159 = tpu.vector_load %arg12[%get3A_1158] {strides = array<i32>} : memref<640xf32, #tpu.memory_space<vmem>>, vector<16xf32>,
    %get3A_1160 = vector.shape_cast %get3A_1159 : vector<16xf32> to vector<16xf32>
    %gt3A_1161 = arith.constant 0.000000e+00 : f32
    %gt3A_1162 = vector.broadcast %gt3A_1161 : f32 to vector<16xf32>
    %gt3A_1163 = arith.cmpf ogt, %get3A_1160, %gt3A_1162 : vector<16xf32>
    %div3A_1164 = arith.constant 1.000000e+00 : f32
    %div3A_1165 = vector.broadcast %div3A_1164 : f32 to vector<16xf32>
    %div3A_1166 = arith.divf %div3A_1165, %get3A_1160 : vector<16xf32>
    %jit3A_1167 = arith.constant 0.000000e+00 : f32
    %broadcast_in_dim3A_1168 = vector.broadcast %jit3A_1167 : f32 to vector<16xf32>
    %select_n3A_1169 = arith.select %gt3A_1163, %div3A_1166, %broadcast_in_dim3A_1168 : vector<16xi1>, vector<16xf32>
    %swap3A_1170 = arith.constant 176 : index
    %swap3A_1171 = tpu.vector_load %arg13[%swap3A_1170] {strides = array<i32>} : memref<656xf32, #tpu.memory_space<vmem>>, vector<16xf32>,
    %swap3A_1172 = vector.shape_cast %swap3A_1171 : vector<16xf32> to vector<16xf32>
    %swap3A_1173 = vector.shape_cast %select_n3A_1169 : vector<16xf32> to vector<16xf32>
    tpu.vector_store %arg13[%swap3A_1170], %swap3A_1173 {strides = array<i32>} : memref<656xf32, #tpu.memory_space<vmem>>, vector<16xf32>,
    %get3A_1174 = arith.constant 192 : index
    %get3A_1175 = tpu.vector_load %arg12[%get3A_1174] {strides = array<i32>} : memref<640xf32, #tpu.memory_space<vmem>>, vector<16xf32>,
    %get3A_1176 = vector.shape_cast %get3A_1175 : vector<16xf32> to vector<16xf32>
    %gt3A_1177 = arith.constant 0.000000e+00 : f32
    %gt3A_1178 = vector.broadcast %gt3A_1177 : f32 to vector<16xf32>
    %gt3A_1179 = arith.cmpf ogt, %get3A_1176, %gt3A_1178 : vector<16xf32>
    %div3A_1180 = arith.constant 1.000000e+00 : f32
    %div3A_1181 = vector.broadcast %div3A_1180 : f32 to vector<16xf32>
    %div3A_1182 = arith.divf %div3A_1181, %get3A_1176 : vector<16xf32>
    %jit3A_1183 = arith.constant 0.000000e+00 : f32
    %broadcast_in_dim3A_1184 = vector.broadcast %jit3A_1183 : f32 to vector<16xf32>
    %select_n3A_1185 = arith.select %gt3A_1179, %div3A_1182, %broadcast_in_dim3A_1184 : vector<16xi1>, vector<16xf32>
    %swap3A_1186 = arith.constant 192 : index
    %swap3A_1187 = tpu.vector_load %arg13[%swap3A_1186] {strides = array<i32>} : memref<656xf32, #tpu.memory_space<vmem>>, vector<16xf32>,
    %swap3A_1188 = vector.shape_cast %swap3A_1187 : vector<16xf32> to vector<16xf32>
    %swap3A_1189 = vector.shape_cast %select_n3A_1185 : vector<16xf32> to vector<16xf32>
    tpu.vector_store %arg13[%swap3A_1186], %swap3A_1189 {strides = array<i32>} : memref<656xf32, #tpu.memory_space<vmem>>, vector<16xf32>,
    %get3A_1190 = arith.constant 208 : index
    %get3A_1191 = tpu.vector_load %arg12[%get3A_1190] {strides = array<i32>} : memref<640xf32, #tpu.memory_space<vmem>>, vector<16xf32>,
    %get3A_1192 = vector.shape_cast %get3A_1191 : vector<16xf32> to vector<16xf32>
    %gt3A_1193 = arith.constant 0.000000e+00 : f32
    %gt3A_1194 = vector.broadcast %gt3A_1193 : f32 to vector<16xf32>
    %gt3A_1195 = arith.cmpf ogt, %get3A_1192, %gt3A_1194 : vector<16xf32>
    %div3A_1196 = arith.constant 1.000000e+00 : f32
    %div3A_1197 = vector.broadcast %div3A_1196 : f32 to vector<16xf32>
    %div3A_1198 = arith.divf %div3A_1197, %get3A_1192 : vector<16xf32>
    %jit3A_1199 = arith.constant 0.000000e+00 : f32
    %broadcast_in_dim3A_1200 = vector.broadcast %jit3A_1199 : f32 to vector<16xf32>
    %select_n3A_1201 = arith.select %gt3A_1195, %div3A_1198, %broadcast_in_dim3A_1200 : vector<16xi1>, vector<16xf32>
    %swap3A_1202 = arith.constant 208 : index
    %swap3A_1203 = tpu.vector_load %arg13[%swap3A_1202] {strides = array<i32>} : memref<656xf32, #tpu.memory_space<vmem>>, vector<16xf32>,
    %swap3A_1204 = vector.shape_cast %swap3A_1203 : vector<16xf32> to vector<16xf32>
    %swap3A_1205 = vector.shape_cast %select_n3A_1201 : vector<16xf32> to vector<16xf32>
    tpu.vector_store %arg13[%swap3A_1202], %swap3A_1205 {strides = array<i32>} : memref<656xf32, #tpu.memory_space<vmem>>, vector<16xf32>,
    %get3A_1206 = arith.constant 224 : index
    %get3A_1207 = tpu.vector_load %arg12[%get3A_1206] {strides = array<i32>} : memref<640xf32, #tpu.memory_space<vmem>>, vector<16xf32>,
    %get3A_1208 = vector.shape_cast %get3A_1207 : vector<16xf32> to vector<16xf32>
    %gt3A_1209 = arith.constant 0.000000e+00 : f32
    %gt3A_1210 = vector.broadcast %gt3A_1209 : f32 to vector<16xf32>
    %gt3A_1211 = arith.cmpf ogt, %get3A_1208, %gt3A_1210 : vector<16xf32>
    %div3A_1212 = arith.constant 1.000000e+00 : f32
    %div3A_1213 = vector.broadcast %div3A_1212 : f32 to vector<16xf32>
    %div3A_1214 = arith.divf %div3A_1213, %get3A_1208 : vector<16xf32>
    %jit3A_1215 = arith.constant 0.000000e+00 : f32
    %broadcast_in_dim3A_1216 = vector.broadcast %jit3A_1215 : f32 to vector<16xf32>
    %select_n3A_1217 = arith.select %gt3A_1211, %div3A_1214, %broadcast_in_dim3A_1216 : vector<16xi1>, vector<16xf32>
    %swap3A_1218 = arith.constant 224 : index
    %swap3A_1219 = tpu.vector_load %arg13[%swap3A_1218] {strides = array<i32>} : memref<656xf32, #tpu.memory_space<vmem>>, vector<16xf32>,
    %swap3A_1220 = vector.shape_cast %swap3A_1219 : vector<16xf32> to vector<16xf32>
    %swap3A_1221 = vector.shape_cast %select_n3A_1217 : vector<16xf32> to vector<16xf32>
    tpu.vector_store %arg13[%swap3A_1218], %swap3A_1221 {strides = array<i32>} : memref<656xf32, #tpu.memory_space<vmem>>, vector<16xf32>,
    %get3A_1222 = arith.constant 240 : index
    %get3A_1223 = tpu.vector_load %arg12[%get3A_1222] {strides = array<i32>} : memref<640xf32, #tpu.memory_space<vmem>>, vector<16xf32>,
    %get3A_1224 = vector.shape_cast %get3A_1223 : vector<16xf32> to vector<16xf32>
    %gt3A_1225 = arith.constant 0.000000e+00 : f32
    %gt3A_1226 = vector.broadcast %gt3A_1225 : f32 to vector<16xf32>
    %gt3A_1227 = arith.cmpf ogt, %get3A_1224, %gt3A_1226 : vector<16xf32>
    %div3A_1228 = arith.constant 1.000000e+00 : f32
    %div3A_1229 = vector.broadcast %div3A_1228 : f32 to vector<16xf32>
    %div3A_1230 = arith.divf %div3A_1229, %get3A_1224 : vector<16xf32>
    %jit3A_1231 = arith.constant 0.000000e+00 : f32
    %broadcast_in_dim3A_1232 = vector.broadcast %jit3A_1231 : f32 to vector<16xf32>
    %select_n3A_1233 = arith.select %gt3A_1227, %div3A_1230, %broadcast_in_dim3A_1232 : vector<16xi1>, vector<16xf32>
    %swap3A_1234 = arith.constant 240 : index
    %swap3A_1235 = tpu.vector_load %arg13[%swap3A_1234] {strides = array<i32>} : memref<656xf32, #tpu.memory_space<vmem>>, vector<16xf32>,
    %swap3A_1236 = vector.shape_cast %swap3A_1235 : vector<16xf32> to vector<16xf32>
    %swap3A_1237 = vector.shape_cast %select_n3A_1233 : vector<16xf32> to vector<16xf32>
    tpu.vector_store %arg13[%swap3A_1234], %swap3A_1237 {strides = array<i32>} : memref<656xf32, #tpu.memory_space<vmem>>, vector<16xf32>,
    %get3A_1238 = arith.constant 256 : index
    %get3A_1239 = tpu.vector_load %arg12[%get3A_1238] {strides = array<i32>} : memref<640xf32, #tpu.memory_space<vmem>>, vector<16xf32>,
    %get3A_1240 = vector.shape_cast %get3A_1239 : vector<16xf32> to vector<16xf32>
    %gt3A_1241 = arith.constant 0.000000e+00 : f32
    %gt3A_1242 = vector.broadcast %gt3A_1241 : f32 to vector<16xf32>
    %gt3A_1243 = arith.cmpf ogt, %get3A_1240, %gt3A_1242 : vector<16xf32>
    %div3A_1244 = arith.constant 1.000000e+00 : f32
    %div3A_1245 = vector.broadcast %div3A_1244 : f32 to vector<16xf32>
    %div3A_1246 = arith.divf %div3A_1245, %get3A_1240 : vector<16xf32>
    %jit3A_1247 = arith.constant 0.000000e+00 : f32
    %broadcast_in_dim3A_1248 = vector.broadcast %jit3A_1247 : f32 to vector<16xf32>
    %select_n3A_1249 = arith.select %gt3A_1243, %div3A_1246, %broadcast_in_dim3A_1248 : vector<16xi1>, vector<16xf32>
    %swap3A_1250 = arith.constant 256 : index
    %swap3A_1251 = tpu.vector_load %arg13[%swap3A_1250] {strides = array<i32>} : memref<656xf32, #tpu.memory_space<vmem>>, vector<16xf32>,
    %swap3A_1252 = vector.shape_cast %swap3A_1251 : vector<16xf32> to vector<16xf32>
    %swap3A_1253 = vector.shape_cast %select_n3A_1249 : vector<16xf32> to vector<16xf32>
    tpu.vector_store %arg13[%swap3A_1250], %swap3A_1253 {strides = array<i32>} : memref<656xf32, #tpu.memory_space<vmem>>, vector<16xf32>,
    %get3A_1254 = arith.constant 272 : index
    %get3A_1255 = tpu.vector_load %arg12[%get3A_1254] {strides = array<i32>} : memref<640xf32, #tpu.memory_space<vmem>>, vector<16xf32>,
    %get3A_1256 = vector.shape_cast %get3A_1255 : vector<16xf32> to vector<16xf32>
    %gt3A_1257 = arith.constant 0.000000e+00 : f32
    %gt3A_1258 = vector.broadcast %gt3A_1257 : f32 to vector<16xf32>
    %gt3A_1259 = arith.cmpf ogt, %get3A_1256, %gt3A_1258 : vector<16xf32>
    %div3A_1260 = arith.constant 1.000000e+00 : f32
    %div3A_1261 = vector.broadcast %div3A_1260 : f32 to vector<16xf32>
    %div3A_1262 = arith.divf %div3A_1261, %get3A_1256 : vector<16xf32>
    %jit3A_1263 = arith.constant 0.000000e+00 : f32
    %broadcast_in_dim3A_1264 = vector.broadcast %jit3A_1263 : f32 to vector<16xf32>
    %select_n3A_1265 = arith.select %gt3A_1259, %div3A_1262, %broadcast_in_dim3A_1264 : vector<16xi1>, vector<16xf32>
    %swap3A_1266 = arith.constant 272 : index
    %swap3A_1267 = tpu.vector_load %arg13[%swap3A_1266] {strides = array<i32>} : memref<656xf32, #tpu.memory_space<vmem>>, vector<16xf32>,
    %swap3A_1268 = vector.shape_cast %swap3A_1267 : vector<16xf32> to vector<16xf32>
    %swap3A_1269 = vector.shape_cast %select_n3A_1265 : vector<16xf32> to vector<16xf32>
    tpu.vector_store %arg13[%swap3A_1266], %swap3A_1269 {strides = array<i32>} : memref<656xf32, #tpu.memory_space<vmem>>, vector<16xf32>,
    %get3A_1270 = arith.constant 288 : index
    %get3A_1271 = tpu.vector_load %arg12[%get3A_1270] {strides = array<i32>} : memref<640xf32, #tpu.memory_space<vmem>>, vector<16xf32>,
    %get3A_1272 = vector.shape_cast %get3A_1271 : vector<16xf32> to vector<16xf32>
    %gt3A_1273 = arith.constant 0.000000e+00 : f32
    %gt3A_1274 = vector.broadcast %gt3A_1273 : f32 to vector<16xf32>
    %gt3A_1275 = arith.cmpf ogt, %get3A_1272, %gt3A_1274 : vector<16xf32>
    %div3A_1276 = arith.constant 1.000000e+00 : f32
    %div3A_1277 = vector.broadcast %div3A_1276 : f32 to vector<16xf32>
    %div3A_1278 = arith.divf %div3A_1277, %get3A_1272 : vector<16xf32>
    %jit3A_1279 = arith.constant 0.000000e+00 : f32
    %broadcast_in_dim3A_1280 = vector.broadcast %jit3A_1279 : f32 to vector<16xf32>
    %select_n3A_1281 = arith.select %gt3A_1275, %div3A_1278, %broadcast_in_dim3A_1280 : vector<16xi1>, vector<16xf32>
    %swap3A_1282 = arith.constant 288 : index
    %swap3A_1283 = tpu.vector_load %arg13[%swap3A_1282] {strides = array<i32>} : memref<656xf32, #tpu.memory_space<vmem>>, vector<16xf32>,
    %swap3A_1284 = vector.shape_cast %swap3A_1283 : vector<16xf32> to vector<16xf32>
    %swap3A_1285 = vector.shape_cast %select_n3A_1281 : vector<16xf32> to vector<16xf32>
    tpu.vector_store %arg13[%swap3A_1282], %swap3A_1285 {strides = array<i32>} : memref<656xf32, #tpu.memory_space<vmem>>, vector<16xf32>,
    %get3A_1286 = arith.constant 304 : index
    %get3A_1287 = tpu.vector_load %arg12[%get3A_1286] {strides = array<i32>} : memref<640xf32, #tpu.memory_space<vmem>>, vector<16xf32>,
    %get3A_1288 = vector.shape_cast %get3A_1287 : vector<16xf32> to vector<16xf32>
    %gt3A_1289 = arith.constant 0.000000e+00 : f32
    %gt3A_1290 = vector.broadcast %gt3A_1289 : f32 to vector<16xf32>
    %gt3A_1291 = arith.cmpf ogt, %get3A_1288, %gt3A_1290 : vector<16xf32>
    %div3A_1292 = arith.constant 1.000000e+00 : f32
    %div3A_1293 = vector.broadcast %div3A_1292 : f32 to vector<16xf32>
    %div3A_1294 = arith.divf %div3A_1293, %get3A_1288 : vector<16xf32>
    %jit3A_1295 = arith.constant 0.000000e+00 : f32
    %broadcast_in_dim3A_1296 = vector.broadcast %jit3A_1295 : f32 to vector<16xf32>
    %select_n3A_1297 = arith.select %gt3A_1291, %div3A_1294, %broadcast_in_dim3A_1296 : vector<16xi1>, vector<16xf32>
    %swap3A_1298 = arith.constant 304 : index
    %swap3A_1299 = tpu.vector_load %arg13[%swap3A_1298] {strides = array<i32>} : memref<656xf32, #tpu.memory_space<vmem>>, vector<16xf32>,
    %swap3A_1300 = vector.shape_cast %swap3A_1299 : vector<16xf32> to vector<16xf32>
    %swap3A_1301 = vector.shape_cast %select_n3A_1297 : vector<16xf32> to vector<16xf32>
    tpu.vector_store %arg13[%swap3A_1298], %swap3A_1301 {strides = array<i32>} : memref<656xf32, #tpu.memory_space<vmem>>, vector<16xf32>,
    %get3A_1302 = arith.constant 320 : index
    %get3A_1303 = tpu.vector_load %arg12[%get3A_1302] {strides = array<i32>} : memref<640xf32, #tpu.memory_space<vmem>>, vector<16xf32>,
    %get3A_1304 = vector.shape_cast %get3A_1303 : vector<16xf32> to vector<16xf32>
    %gt3A_1305 = arith.constant 0.000000e+00 : f32
    %gt3A_1306 = vector.broadcast %gt3A_1305 : f32 to vector<16xf32>
    %gt3A_1307 = arith.cmpf ogt, %get3A_1304, %gt3A_1306 : vector<16xf32>
    %div3A_1308 = arith.constant 1.000000e+00 : f32
    %div3A_1309 = vector.broadcast %div3A_1308 : f32 to vector<16xf32>
    %div3A_1310 = arith.divf %div3A_1309, %get3A_1304 : vector<16xf32>
    %jit3A_1311 = arith.constant 0.000000e+00 : f32
    %broadcast_in_dim3A_1312 = vector.broadcast %jit3A_1311 : f32 to vector<16xf32>
    %select_n3A_1313 = arith.select %gt3A_1307, %div3A_1310, %broadcast_in_dim3A_1312 : vector<16xi1>, vector<16xf32>
    %swap3A_1314 = arith.constant 320 : index
    %swap3A_1315 = tpu.vector_load %arg13[%swap3A_1314] {strides = array<i32>} : memref<656xf32, #tpu.memory_space<vmem>>, vector<16xf32>,
    %swap3A_1316 = vector.shape_cast %swap3A_1315 : vector<16xf32> to vector<16xf32>
    %swap3A_1317 = vector.shape_cast %select_n3A_1313 : vector<16xf32> to vector<16xf32>
    tpu.vector_store %arg13[%swap3A_1314], %swap3A_1317 {strides = array<i32>} : memref<656xf32, #tpu.memory_space<vmem>>, vector<16xf32>,
    %get3A_1318 = arith.constant 336 : index
    %get3A_1319 = tpu.vector_load %arg12[%get3A_1318] {strides = array<i32>} : memref<640xf32, #tpu.memory_space<vmem>>, vector<16xf32>,
    %get3A_1320 = vector.shape_cast %get3A_1319 : vector<16xf32> to vector<16xf32>
    %gt3A_1321 = arith.constant 0.000000e+00 : f32
    %gt3A_1322 = vector.broadcast %gt3A_1321 : f32 to vector<16xf32>
    %gt3A_1323 = arith.cmpf ogt, %get3A_1320, %gt3A_1322 : vector<16xf32>
    %div3A_1324 = arith.constant 1.000000e+00 : f32
    %div3A_1325 = vector.broadcast %div3A_1324 : f32 to vector<16xf32>
    %div3A_1326 = arith.divf %div3A_1325, %get3A_1320 : vector<16xf32>
    %jit3A_1327 = arith.constant 0.000000e+00 : f32
    %broadcast_in_dim3A_1328 = vector.broadcast %jit3A_1327 : f32 to vector<16xf32>
    %select_n3A_1329 = arith.select %gt3A_1323, %div3A_1326, %broadcast_in_dim3A_1328 : vector<16xi1>, vector<16xf32>
    %swap3A_1330 = arith.constant 336 : index
    %swap3A_1331 = tpu.vector_load %arg13[%swap3A_1330] {strides = array<i32>} : memref<656xf32, #tpu.memory_space<vmem>>, vector<16xf32>,
    %swap3A_1332 = vector.shape_cast %swap3A_1331 : vector<16xf32> to vector<16xf32>
    %swap3A_1333 = vector.shape_cast %select_n3A_1329 : vector<16xf32> to vector<16xf32>
    tpu.vector_store %arg13[%swap3A_1330], %swap3A_1333 {strides = array<i32>} : memref<656xf32, #tpu.memory_space<vmem>>, vector<16xf32>,
    %get3A_1334 = arith.constant 352 : index
    %get3A_1335 = tpu.vector_load %arg12[%get3A_1334] {strides = array<i32>} : memref<640xf32, #tpu.memory_space<vmem>>, vector<16xf32>,
    %get3A_1336 = vector.shape_cast %get3A_1335 : vector<16xf32> to vector<16xf32>
    %gt3A_1337 = arith.constant 0.000000e+00 : f32
    %gt3A_1338 = vector.broadcast %gt3A_1337 : f32 to vector<16xf32>
    %gt3A_1339 = arith.cmpf ogt, %get3A_1336, %gt3A_1338 : vector<16xf32>
    %div3A_1340 = arith.constant 1.000000e+00 : f32
    %div3A_1341 = vector.broadcast %div3A_1340 : f32 to vector<16xf32>
    %div3A_1342 = arith.divf %div3A_1341, %get3A_1336 : vector<16xf32>
    %jit3A_1343 = arith.constant 0.000000e+00 : f32
    %broadcast_in_dim3A_1344 = vector.broadcast %jit3A_1343 : f32 to vector<16xf32>
    %select_n3A_1345 = arith.select %gt3A_1339, %div3A_1342, %broadcast_in_dim3A_1344 : vector<16xi1>, vector<16xf32>
    %swap3A_1346 = arith.constant 352 : index
    %swap3A_1347 = tpu.vector_load %arg13[%swap3A_1346] {strides = array<i32>} : memref<656xf32, #tpu.memory_space<vmem>>, vector<16xf32>,
    %swap3A_1348 = vector.shape_cast %swap3A_1347 : vector<16xf32> to vector<16xf32>
    %swap3A_1349 = vector.shape_cast %select_n3A_1345 : vector<16xf32> to vector<16xf32>
    tpu.vector_store %arg13[%swap3A_1346], %swap3A_1349 {strides = array<i32>} : memref<656xf32, #tpu.memory_space<vmem>>, vector<16xf32>,
    %get3A_1350 = arith.constant 368 : index
    %get3A_1351 = tpu.vector_load %arg12[%get3A_1350] {strides = array<i32>} : memref<640xf32, #tpu.memory_space<vmem>>, vector<16xf32>,
    %get3A_1352 = vector.shape_cast %get3A_1351 : vector<16xf32> to vector<16xf32>
    %gt3A_1353 = arith.constant 0.000000e+00 : f32
    %gt3A_1354 = vector.broadcast %gt3A_1353 : f32 to vector<16xf32>
    %gt3A_1355 = arith.cmpf ogt, %get3A_1352, %gt3A_1354 : vector<16xf32>
    %div3A_1356 = arith.constant 1.000000e+00 : f32
    %div3A_1357 = vector.broadcast %div3A_1356 : f32 to vector<16xf32>
    %div3A_1358 = arith.divf %div3A_1357, %get3A_1352 : vector<16xf32>
    %jit3A_1359 = arith.constant 0.000000e+00 : f32
    %broadcast_in_dim3A_1360 = vector.broadcast %jit3A_1359 : f32 to vector<16xf32>
    %select_n3A_1361 = arith.select %gt3A_1355, %div3A_1358, %broadcast_in_dim3A_1360 : vector<16xi1>, vector<16xf32>
    %swap3A_1362 = arith.constant 368 : index
    %swap3A_1363 = tpu.vector_load %arg13[%swap3A_1362] {strides = array<i32>} : memref<656xf32, #tpu.memory_space<vmem>>, vector<16xf32>,
    %swap3A_1364 = vector.shape_cast %swap3A_1363 : vector<16xf32> to vector<16xf32>
    %swap3A_1365 = vector.shape_cast %select_n3A_1361 : vector<16xf32> to vector<16xf32>
    tpu.vector_store %arg13[%swap3A_1362], %swap3A_1365 {strides = array<i32>} : memref<656xf32, #tpu.memory_space<vmem>>, vector<16xf32>,
    %get3A_1366 = arith.constant 384 : index
    %get3A_1367 = tpu.vector_load %arg12[%get3A_1366] {strides = array<i32>} : memref<640xf32, #tpu.memory_space<vmem>>, vector<16xf32>,
    %get3A_1368 = vector.shape_cast %get3A_1367 : vector<16xf32> to vector<16xf32>
    %gt3A_1369 = arith.constant 0.000000e+00 : f32
    %gt3A_1370 = vector.broadcast %gt3A_1369 : f32 to vector<16xf32>
    %gt3A_1371 = arith.cmpf ogt, %get3A_1368, %gt3A_1370 : vector<16xf32>
    %div3A_1372 = arith.constant 1.000000e+00 : f32
    %div3A_1373 = vector.broadcast %div3A_1372 : f32 to vector<16xf32>
    %div3A_1374 = arith.divf %div3A_1373, %get3A_1368 : vector<16xf32>
    %jit3A_1375 = arith.constant 0.000000e+00 : f32
    %broadcast_in_dim3A_1376 = vector.broadcast %jit3A_1375 : f32 to vector<16xf32>
    %select_n3A_1377 = arith.select %gt3A_1371, %div3A_1374, %broadcast_in_dim3A_1376 : vector<16xi1>, vector<16xf32>
    %swap3A_1378 = arith.constant 384 : index
    %swap3A_1379 = tpu.vector_load %arg13[%swap3A_1378] {strides = array<i32>} : memref<656xf32, #tpu.memory_space<vmem>>, vector<16xf32>,
    %swap3A_1380 = vector.shape_cast %swap3A_1379 : vector<16xf32> to vector<16xf32>
    %swap3A_1381 = vector.shape_cast %select_n3A_1377 : vector<16xf32> to vector<16xf32>
    tpu.vector_store %arg13[%swap3A_1378], %swap3A_1381 {strides = array<i32>} : memref<656xf32, #tpu.memory_space<vmem>>, vector<16xf32>,
    %get3A_1382 = arith.constant 400 : index
    %get3A_1383 = tpu.vector_load %arg12[%get3A_1382] {strides = array<i32>} : memref<640xf32, #tpu.memory_space<vmem>>, vector<16xf32>,
    %get3A_1384 = vector.shape_cast %get3A_1383 : vector<16xf32> to vector<16xf32>
    %gt3A_1385 = arith.constant 0.000000e+00 : f32
    %gt3A_1386 = vector.broadcast %gt3A_1385 : f32 to vector<16xf32>
    %gt3A_1387 = arith.cmpf ogt, %get3A_1384, %gt3A_1386 : vector<16xf32>
    %div3A_1388 = arith.constant 1.000000e+00 : f32
    %div3A_1389 = vector.broadcast %div3A_1388 : f32 to vector<16xf32>
    %div3A_1390 = arith.divf %div3A_1389, %get3A_1384 : vector<16xf32>
    %jit3A_1391 = arith.constant 0.000000e+00 : f32
    %broadcast_in_dim3A_1392 = vector.broadcast %jit3A_1391 : f32 to vector<16xf32>
    %select_n3A_1393 = arith.select %gt3A_1387, %div3A_1390, %broadcast_in_dim3A_1392 : vector<16xi1>, vector<16xf32>
    %swap3A_1394 = arith.constant 400 : index
    %swap3A_1395 = tpu.vector_load %arg13[%swap3A_1394] {strides = array<i32>} : memref<656xf32, #tpu.memory_space<vmem>>, vector<16xf32>,
    %swap3A_1396 = vector.shape_cast %swap3A_1395 : vector<16xf32> to vector<16xf32>
    %swap3A_1397 = vector.shape_cast %select_n3A_1393 : vector<16xf32> to vector<16xf32>
    tpu.vector_store %arg13[%swap3A_1394], %swap3A_1397 {strides = array<i32>} : memref<656xf32, #tpu.memory_space<vmem>>, vector<16xf32>,
    %get3A_1398 = arith.constant 416 : index
    %get3A_1399 = tpu.vector_load %arg12[%get3A_1398] {strides = array<i32>} : memref<640xf32, #tpu.memory_space<vmem>>, vector<16xf32>,
    %get3A_1400 = vector.shape_cast %get3A_1399 : vector<16xf32> to vector<16xf32>
    %gt3A_1401 = arith.constant 0.000000e+00 : f32
    %gt3A_1402 = vector.broadcast %gt3A_1401 : f32 to vector<16xf32>
    %gt3A_1403 = arith.cmpf ogt, %get3A_1400, %gt3A_1402 : vector<16xf32>
    %div3A_1404 = arith.constant 1.000000e+00 : f32
    %div3A_1405 = vector.broadcast %div3A_1404 : f32 to vector<16xf32>
    %div3A_1406 = arith.divf %div3A_1405, %get3A_1400 : vector<16xf32>
    %jit3A_1407 = arith.constant 0.000000e+00 : f32
    %broadcast_in_dim3A_1408 = vector.broadcast %jit3A_1407 : f32 to vector<16xf32>
    %select_n3A_1409 = arith.select %gt3A_1403, %div3A_1406, %broadcast_in_dim3A_1408 : vector<16xi1>, vector<16xf32>
    %swap3A_1410 = arith.constant 416 : index
    %swap3A_1411 = tpu.vector_load %arg13[%swap3A_1410] {strides = array<i32>} : memref<656xf32, #tpu.memory_space<vmem>>, vector<16xf32>,
    %swap3A_1412 = vector.shape_cast %swap3A_1411 : vector<16xf32> to vector<16xf32>
    %swap3A_1413 = vector.shape_cast %select_n3A_1409 : vector<16xf32> to vector<16xf32>
    tpu.vector_store %arg13[%swap3A_1410], %swap3A_1413 {strides = array<i32>} : memref<656xf32, #tpu.memory_space<vmem>>, vector<16xf32>,
    %get3A_1414 = arith.constant 432 : index
    %get3A_1415 = tpu.vector_load %arg12[%get3A_1414] {strides = array<i32>} : memref<640xf32, #tpu.memory_space<vmem>>, vector<16xf32>,
    %get3A_1416 = vector.shape_cast %get3A_1415 : vector<16xf32> to vector<16xf32>
    %gt3A_1417 = arith.constant 0.000000e+00 : f32
    %gt3A_1418 = vector.broadcast %gt3A_1417 : f32 to vector<16xf32>
    %gt3A_1419 = arith.cmpf ogt, %get3A_1416, %gt3A_1418 : vector<16xf32>
    %div3A_1420 = arith.constant 1.000000e+00 : f32
    %div3A_1421 = vector.broadcast %div3A_1420 : f32 to vector<16xf32>
    %div3A_1422 = arith.divf %div3A_1421, %get3A_1416 : vector<16xf32>
    %jit3A_1423 = arith.constant 0.000000e+00 : f32
    %broadcast_in_dim3A_1424 = vector.broadcast %jit3A_1423 : f32 to vector<16xf32>
    %select_n3A_1425 = arith.select %gt3A_1419, %div3A_1422, %broadcast_in_dim3A_1424 : vector<16xi1>, vector<16xf32>
    %swap3A_1426 = arith.constant 432 : index
    %swap3A_1427 = tpu.vector_load %arg13[%swap3A_1426] {strides = array<i32>} : memref<656xf32, #tpu.memory_space<vmem>>, vector<16xf32>,
    %swap3A_1428 = vector.shape_cast %swap3A_1427 : vector<16xf32> to vector<16xf32>
    %swap3A_1429 = vector.shape_cast %select_n3A_1425 : vector<16xf32> to vector<16xf32>
    tpu.vector_store %arg13[%swap3A_1426], %swap3A_1429 {strides = array<i32>} : memref<656xf32, #tpu.memory_space<vmem>>, vector<16xf32>,
    %get3A_1430 = arith.constant 448 : index
    %get3A_1431 = tpu.vector_load %arg12[%get3A_1430] {strides = array<i32>} : memref<640xf32, #tpu.memory_space<vmem>>, vector<16xf32>,
    %get3A_1432 = vector.shape_cast %get3A_1431 : vector<16xf32> to vector<16xf32>
    %gt3A_1433 = arith.constant 0.000000e+00 : f32
    %gt3A_1434 = vector.broadcast %gt3A_1433 : f32 to vector<16xf32>
    %gt3A_1435 = arith.cmpf ogt, %get3A_1432, %gt3A_1434 : vector<16xf32>
    %div3A_1436 = arith.constant 1.000000e+00 : f32
    %div3A_1437 = vector.broadcast %div3A_1436 : f32 to vector<16xf32>
    %div3A_1438 = arith.divf %div3A_1437, %get3A_1432 : vector<16xf32>
    %jit3A_1439 = arith.constant 0.000000e+00 : f32
    %broadcast_in_dim3A_1440 = vector.broadcast %jit3A_1439 : f32 to vector<16xf32>
    %select_n3A_1441 = arith.select %gt3A_1435, %div3A_1438, %broadcast_in_dim3A_1440 : vector<16xi1>, vector<16xf32>
    %swap3A_1442 = arith.constant 448 : index
    %swap3A_1443 = tpu.vector_load %arg13[%swap3A_1442] {strides = array<i32>} : memref<656xf32, #tpu.memory_space<vmem>>, vector<16xf32>,
    %swap3A_1444 = vector.shape_cast %swap3A_1443 : vector<16xf32> to vector<16xf32>
    %swap3A_1445 = vector.shape_cast %select_n3A_1441 : vector<16xf32> to vector<16xf32>
    tpu.vector_store %arg13[%swap3A_1442], %swap3A_1445 {strides = array<i32>} : memref<656xf32, #tpu.memory_space<vmem>>, vector<16xf32>,
    %get3A_1446 = arith.constant 464 : index
    %get3A_1447 = tpu.vector_load %arg12[%get3A_1446] {strides = array<i32>} : memref<640xf32, #tpu.memory_space<vmem>>, vector<16xf32>,
    %get3A_1448 = vector.shape_cast %get3A_1447 : vector<16xf32> to vector<16xf32>
    %gt3A_1449 = arith.constant 0.000000e+00 : f32
    %gt3A_1450 = vector.broadcast %gt3A_1449 : f32 to vector<16xf32>
    %gt3A_1451 = arith.cmpf ogt, %get3A_1448, %gt3A_1450 : vector<16xf32>
    %div3A_1452 = arith.constant 1.000000e+00 : f32
    %div3A_1453 = vector.broadcast %div3A_1452 : f32 to vector<16xf32>
    %div3A_1454 = arith.divf %div3A_1453, %get3A_1448 : vector<16xf32>
    %jit3A_1455 = arith.constant 0.000000e+00 : f32
    %broadcast_in_dim3A_1456 = vector.broadcast %jit3A_1455 : f32 to vector<16xf32>
    %select_n3A_1457 = arith.select %gt3A_1451, %div3A_1454, %broadcast_in_dim3A_1456 : vector<16xi1>, vector<16xf32>
    %swap3A_1458 = arith.constant 464 : index
    %swap3A_1459 = tpu.vector_load %arg13[%swap3A_1458] {strides = array<i32>} : memref<656xf32, #tpu.memory_space<vmem>>, vector<16xf32>,
    %swap3A_1460 = vector.shape_cast %swap3A_1459 : vector<16xf32> to vector<16xf32>
    %swap3A_1461 = vector.shape_cast %select_n3A_1457 : vector<16xf32> to vector<16xf32>
    tpu.vector_store %arg13[%swap3A_1458], %swap3A_1461 {strides = array<i32>} : memref<656xf32, #tpu.memory_space<vmem>>, vector<16xf32>,
    %get3A_1462 = arith.constant 480 : index
    %get3A_1463 = tpu.vector_load %arg12[%get3A_1462] {strides = array<i32>} : memref<640xf32, #tpu.memory_space<vmem>>, vector<16xf32>,
    %get3A_1464 = vector.shape_cast %get3A_1463 : vector<16xf32> to vector<16xf32>
    %gt3A_1465 = arith.constant 0.000000e+00 : f32
    %gt3A_1466 = vector.broadcast %gt3A_1465 : f32 to vector<16xf32>
    %gt3A_1467 = arith.cmpf ogt, %get3A_1464, %gt3A_1466 : vector<16xf32>
    %div3A_1468 = arith.constant 1.000000e+00 : f32
    %div3A_1469 = vector.broadcast %div3A_1468 : f32 to vector<16xf32>
    %div3A_1470 = arith.divf %div3A_1469, %get3A_1464 : vector<16xf32>
    %jit3A_1471 = arith.constant 0.000000e+00 : f32
    %broadcast_in_dim3A_1472 = vector.broadcast %jit3A_1471 : f32 to vector<16xf32>
    %select_n3A_1473 = arith.select %gt3A_1467, %div3A_1470, %broadcast_in_dim3A_1472 : vector<16xi1>, vector<16xf32>
    %swap3A_1474 = arith.constant 480 : index
    %swap3A_1475 = tpu.vector_load %arg13[%swap3A_1474] {strides = array<i32>} : memref<656xf32, #tpu.memory_space<vmem>>, vector<16xf32>,
    %swap3A_1476 = vector.shape_cast %swap3A_1475 : vector<16xf32> to vector<16xf32>
    %swap3A_1477 = vector.shape_cast %select_n3A_1473 : vector<16xf32> to vector<16xf32>
    tpu.vector_store %arg13[%swap3A_1474], %swap3A_1477 {strides = array<i32>} : memref<656xf32, #tpu.memory_space<vmem>>, vector<16xf32>,
    %get3A_1478 = arith.constant 496 : index
    %get3A_1479 = tpu.vector_load %arg12[%get3A_1478] {strides = array<i32>} : memref<640xf32, #tpu.memory_space<vmem>>, vector<16xf32>,
    %get3A_1480 = vector.shape_cast %get3A_1479 : vector<16xf32> to vector<16xf32>
    %gt3A_1481 = arith.constant 0.000000e+00 : f32
    %gt3A_1482 = vector.broadcast %gt3A_1481 : f32 to vector<16xf32>
    %gt3A_1483 = arith.cmpf ogt, %get3A_1480, %gt3A_1482 : vector<16xf32>
    %div3A_1484 = arith.constant 1.000000e+00 : f32
    %div3A_1485 = vector.broadcast %div3A_1484 : f32 to vector<16xf32>
    %div3A_1486 = arith.divf %div3A_1485, %get3A_1480 : vector<16xf32>
    %jit3A_1487 = arith.constant 0.000000e+00 : f32
    %broadcast_in_dim3A_1488 = vector.broadcast %jit3A_1487 : f32 to vector<16xf32>
    %select_n3A_1489 = arith.select %gt3A_1483, %div3A_1486, %broadcast_in_dim3A_1488 : vector<16xi1>, vector<16xf32>
    %swap3A_1490 = arith.constant 496 : index
    %swap3A_1491 = tpu.vector_load %arg13[%swap3A_1490] {strides = array<i32>} : memref<656xf32, #tpu.memory_space<vmem>>, vector<16xf32>,
    %swap3A_1492 = vector.shape_cast %swap3A_1491 : vector<16xf32> to vector<16xf32>
    %swap3A_1493 = vector.shape_cast %select_n3A_1489 : vector<16xf32> to vector<16xf32>
    tpu.vector_store %arg13[%swap3A_1490], %swap3A_1493 {strides = array<i32>} : memref<656xf32, #tpu.memory_space<vmem>>, vector<16xf32>,
    %get3A_1494 = arith.constant 512 : index
    %get3A_1495 = tpu.vector_load %arg12[%get3A_1494] {strides = array<i32>} : memref<640xf32, #tpu.memory_space<vmem>>, vector<16xf32>,
    %get3A_1496 = vector.shape_cast %get3A_1495 : vector<16xf32> to vector<16xf32>
    %gt3A_1497 = arith.constant 0.000000e+00 : f32
    %gt3A_1498 = vector.broadcast %gt3A_1497 : f32 to vector<16xf32>
    %gt3A_1499 = arith.cmpf ogt, %get3A_1496, %gt3A_1498 : vector<16xf32>
    %div3A_1500 = arith.constant 1.000000e+00 : f32
    %div3A_1501 = vector.broadcast %div3A_1500 : f32 to vector<16xf32>
    %div3A_1502 = arith.divf %div3A_1501, %get3A_1496 : vector<16xf32>
    %jit3A_1503 = arith.constant 0.000000e+00 : f32
    %broadcast_in_dim3A_1504 = vector.broadcast %jit3A_1503 : f32 to vector<16xf32>
    %select_n3A_1505 = arith.select %gt3A_1499, %div3A_1502, %broadcast_in_dim3A_1504 : vector<16xi1>, vector<16xf32>
    %swap3A_1506 = arith.constant 512 : index
    %swap3A_1507 = tpu.vector_load %arg13[%swap3A_1506] {strides = array<i32>} : memref<656xf32, #tpu.memory_space<vmem>>, vector<16xf32>,
    %swap3A_1508 = vector.shape_cast %swap3A_1507 : vector<16xf32> to vector<16xf32>
    %swap3A_1509 = vector.shape_cast %select_n3A_1505 : vector<16xf32> to vector<16xf32>
    tpu.vector_store %arg13[%swap3A_1506], %swap3A_1509 {strides = array<i32>} : memref<656xf32, #tpu.memory_space<vmem>>, vector<16xf32>,
    %get3A_1510 = arith.constant 528 : index
    %get3A_1511 = tpu.vector_load %arg12[%get3A_1510] {strides = array<i32>} : memref<640xf32, #tpu.memory_space<vmem>>, vector<16xf32>,
    %get3A_1512 = vector.shape_cast %get3A_1511 : vector<16xf32> to vector<16xf32>
    %gt3A_1513 = arith.constant 0.000000e+00 : f32
    %gt3A_1514 = vector.broadcast %gt3A_1513 : f32 to vector<16xf32>
    %gt3A_1515 = arith.cmpf ogt, %get3A_1512, %gt3A_1514 : vector<16xf32>
    %div3A_1516 = arith.constant 1.000000e+00 : f32
    %div3A_1517 = vector.broadcast %div3A_1516 : f32 to vector<16xf32>
    %div3A_1518 = arith.divf %div3A_1517, %get3A_1512 : vector<16xf32>
    %jit3A_1519 = arith.constant 0.000000e+00 : f32
    %broadcast_in_dim3A_1520 = vector.broadcast %jit3A_1519 : f32 to vector<16xf32>
    %select_n3A_1521 = arith.select %gt3A_1515, %div3A_1518, %broadcast_in_dim3A_1520 : vector<16xi1>, vector<16xf32>
    %swap3A_1522 = arith.constant 528 : index
    %swap3A_1523 = tpu.vector_load %arg13[%swap3A_1522] {strides = array<i32>} : memref<656xf32, #tpu.memory_space<vmem>>, vector<16xf32>,
    %swap3A_1524 = vector.shape_cast %swap3A_1523 : vector<16xf32> to vector<16xf32>
    %swap3A_1525 = vector.shape_cast %select_n3A_1521 : vector<16xf32> to vector<16xf32>
    tpu.vector_store %arg13[%swap3A_1522], %swap3A_1525 {strides = array<i32>} : memref<656xf32, #tpu.memory_space<vmem>>, vector<16xf32>,
    %get3A_1526 = arith.constant 544 : index
    %get3A_1527 = tpu.vector_load %arg12[%get3A_1526] {strides = array<i32>} : memref<640xf32, #tpu.memory_space<vmem>>, vector<16xf32>,
    %get3A_1528 = vector.shape_cast %get3A_1527 : vector<16xf32> to vector<16xf32>
    %gt3A_1529 = arith.constant 0.000000e+00 : f32
    %gt3A_1530 = vector.broadcast %gt3A_1529 : f32 to vector<16xf32>
    %gt3A_1531 = arith.cmpf ogt, %get3A_1528, %gt3A_1530 : vector<16xf32>
    %div3A_1532 = arith.constant 1.000000e+00 : f32
    %div3A_1533 = vector.broadcast %div3A_1532 : f32 to vector<16xf32>
    %div3A_1534 = arith.divf %div3A_1533, %get3A_1528 : vector<16xf32>
    %jit3A_1535 = arith.constant 0.000000e+00 : f32
    %broadcast_in_dim3A_1536 = vector.broadcast %jit3A_1535 : f32 to vector<16xf32>
    %select_n3A_1537 = arith.select %gt3A_1531, %div3A_1534, %broadcast_in_dim3A_1536 : vector<16xi1>, vector<16xf32>
    %swap3A_1538 = arith.constant 544 : index
    %swap3A_1539 = tpu.vector_load %arg13[%swap3A_1538] {strides = array<i32>} : memref<656xf32, #tpu.memory_space<vmem>>, vector<16xf32>,
    %swap3A_1540 = vector.shape_cast %swap3A_1539 : vector<16xf32> to vector<16xf32>
    %swap3A_1541 = vector.shape_cast %select_n3A_1537 : vector<16xf32> to vector<16xf32>
    tpu.vector_store %arg13[%swap3A_1538], %swap3A_1541 {strides = array<i32>} : memref<656xf32, #tpu.memory_space<vmem>>, vector<16xf32>,
    %get3A_1542 = arith.constant 560 : index
    %get3A_1543 = tpu.vector_load %arg12[%get3A_1542] {strides = array<i32>} : memref<640xf32, #tpu.memory_space<vmem>>, vector<16xf32>,
    %get3A_1544 = vector.shape_cast %get3A_1543 : vector<16xf32> to vector<16xf32>
    %gt3A_1545 = arith.constant 0.000000e+00 : f32
    %gt3A_1546 = vector.broadcast %gt3A_1545 : f32 to vector<16xf32>
    %gt3A_1547 = arith.cmpf ogt, %get3A_1544, %gt3A_1546 : vector<16xf32>
    %div3A_1548 = arith.constant 1.000000e+00 : f32
    %div3A_1549 = vector.broadcast %div3A_1548 : f32 to vector<16xf32>
    %div3A_1550 = arith.divf %div3A_1549, %get3A_1544 : vector<16xf32>
    %jit3A_1551 = arith.constant 0.000000e+00 : f32
    %broadcast_in_dim3A_1552 = vector.broadcast %jit3A_1551 : f32 to vector<16xf32>
    %select_n3A_1553 = arith.select %gt3A_1547, %div3A_1550, %broadcast_in_dim3A_1552 : vector<16xi1>, vector<16xf32>
    %swap3A_1554 = arith.constant 560 : index
    %swap3A_1555 = tpu.vector_load %arg13[%swap3A_1554] {strides = array<i32>} : memref<656xf32, #tpu.memory_space<vmem>>, vector<16xf32>,
    %swap3A_1556 = vector.shape_cast %swap3A_1555 : vector<16xf32> to vector<16xf32>
    %swap3A_1557 = vector.shape_cast %select_n3A_1553 : vector<16xf32> to vector<16xf32>
    tpu.vector_store %arg13[%swap3A_1554], %swap3A_1557 {strides = array<i32>} : memref<656xf32, #tpu.memory_space<vmem>>, vector<16xf32>,
    %get3A_1558 = arith.constant 576 : index
    %get3A_1559 = tpu.vector_load %arg12[%get3A_1558] {strides = array<i32>} : memref<640xf32, #tpu.memory_space<vmem>>, vector<16xf32>,
    %get3A_1560 = vector.shape_cast %get3A_1559 : vector<16xf32> to vector<16xf32>
    %gt3A_1561 = arith.constant 0.000000e+00 : f32
    %gt3A_1562 = vector.broadcast %gt3A_1561 : f32 to vector<16xf32>
    %gt3A_1563 = arith.cmpf ogt, %get3A_1560, %gt3A_1562 : vector<16xf32>
    %div3A_1564 = arith.constant 1.000000e+00 : f32
    %div3A_1565 = vector.broadcast %div3A_1564 : f32 to vector<16xf32>
    %div3A_1566 = arith.divf %div3A_1565, %get3A_1560 : vector<16xf32>
    %jit3A_1567 = arith.constant 0.000000e+00 : f32
    %broadcast_in_dim3A_1568 = vector.broadcast %jit3A_1567 : f32 to vector<16xf32>
    %select_n3A_1569 = arith.select %gt3A_1563, %div3A_1566, %broadcast_in_dim3A_1568 : vector<16xi1>, vector<16xf32>
    %swap3A_1570 = arith.constant 576 : index
    %swap3A_1571 = tpu.vector_load %arg13[%swap3A_1570] {strides = array<i32>} : memref<656xf32, #tpu.memory_space<vmem>>, vector<16xf32>,
    %swap3A_1572 = vector.shape_cast %swap3A_1571 : vector<16xf32> to vector<16xf32>
    %swap3A_1573 = vector.shape_cast %select_n3A_1569 : vector<16xf32> to vector<16xf32>
    tpu.vector_store %arg13[%swap3A_1570], %swap3A_1573 {strides = array<i32>} : memref<656xf32, #tpu.memory_space<vmem>>, vector<16xf32>,
    %get3A_1574 = arith.constant 592 : index
    %get3A_1575 = tpu.vector_load %arg12[%get3A_1574] {strides = array<i32>} : memref<640xf32, #tpu.memory_space<vmem>>, vector<16xf32>,
    %get3A_1576 = vector.shape_cast %get3A_1575 : vector<16xf32> to vector<16xf32>
    %gt3A_1577 = arith.constant 0.000000e+00 : f32
    %gt3A_1578 = vector.broadcast %gt3A_1577 : f32 to vector<16xf32>
    %gt3A_1579 = arith.cmpf ogt, %get3A_1576, %gt3A_1578 : vector<16xf32>
    %div3A_1580 = arith.constant 1.000000e+00 : f32
    %div3A_1581 = vector.broadcast %div3A_1580 : f32 to vector<16xf32>
    %div3A_1582 = arith.divf %div3A_1581, %get3A_1576 : vector<16xf32>
    %jit3A_1583 = arith.constant 0.000000e+00 : f32
    %broadcast_in_dim3A_1584 = vector.broadcast %jit3A_1583 : f32 to vector<16xf32>
    %select_n3A_1585 = arith.select %gt3A_1579, %div3A_1582, %broadcast_in_dim3A_1584 : vector<16xi1>, vector<16xf32>
    %swap3A_1586 = arith.constant 592 : index
    %swap3A_1587 = tpu.vector_load %arg13[%swap3A_1586] {strides = array<i32>} : memref<656xf32, #tpu.memory_space<vmem>>, vector<16xf32>,
    %swap3A_1588 = vector.shape_cast %swap3A_1587 : vector<16xf32> to vector<16xf32>
    %swap3A_1589 = vector.shape_cast %select_n3A_1585 : vector<16xf32> to vector<16xf32>
    tpu.vector_store %arg13[%swap3A_1586], %swap3A_1589 {strides = array<i32>} : memref<656xf32, #tpu.memory_space<vmem>>, vector<16xf32>,
    %get3A_1590 = arith.constant 608 : index
    %get3A_1591 = tpu.vector_load %arg12[%get3A_1590] {strides = array<i32>} : memref<640xf32, #tpu.memory_space<vmem>>, vector<16xf32>,
    %get3A_1592 = vector.shape_cast %get3A_1591 : vector<16xf32> to vector<16xf32>
    %gt3A_1593 = arith.constant 0.000000e+00 : f32
    %gt3A_1594 = vector.broadcast %gt3A_1593 : f32 to vector<16xf32>
    %gt3A_1595 = arith.cmpf ogt, %get3A_1592, %gt3A_1594 : vector<16xf32>
    %div3A_1596 = arith.constant 1.000000e+00 : f32
    %div3A_1597 = vector.broadcast %div3A_1596 : f32 to vector<16xf32>
    %div3A_1598 = arith.divf %div3A_1597, %get3A_1592 : vector<16xf32>
    %jit3A_1599 = arith.constant 0.000000e+00 : f32
    %broadcast_in_dim3A_1600 = vector.broadcast %jit3A_1599 : f32 to vector<16xf32>
    %select_n3A_1601 = arith.select %gt3A_1595, %div3A_1598, %broadcast_in_dim3A_1600 : vector<16xi1>, vector<16xf32>
    %swap3A_1602 = arith.constant 608 : index
    %swap3A_1603 = tpu.vector_load %arg13[%swap3A_1602] {strides = array<i32>} : memref<656xf32, #tpu.memory_space<vmem>>, vector<16xf32>,
    %swap3A_1604 = vector.shape_cast %swap3A_1603 : vector<16xf32> to vector<16xf32>
    %swap3A_1605 = vector.shape_cast %select_n3A_1601 : vector<16xf32> to vector<16xf32>
    tpu.vector_store %arg13[%swap3A_1602], %swap3A_1605 {strides = array<i32>} : memref<656xf32, #tpu.memory_space<vmem>>, vector<16xf32>,
    %get3A_1606 = arith.constant 624 : index
    %get3A_1607 = tpu.vector_load %arg12[%get3A_1606] {strides = array<i32>} : memref<640xf32, #tpu.memory_space<vmem>>, vector<16xf32>,
    %get3A_1608 = vector.shape_cast %get3A_1607 : vector<16xf32> to vector<16xf32>
    %gt3A_1609 = arith.constant 0.000000e+00 : f32
    %gt3A_1610 = vector.broadcast %gt3A_1609 : f32 to vector<16xf32>
    %gt3A_1611 = arith.cmpf ogt, %get3A_1608, %gt3A_1610 : vector<16xf32>
    %div3A_1612 = arith.constant 1.000000e+00 : f32
    %div3A_1613 = vector.broadcast %div3A_1612 : f32 to vector<16xf32>
    %div3A_1614 = arith.divf %div3A_1613, %get3A_1608 : vector<16xf32>
    %jit3A_1615 = arith.constant 0.000000e+00 : f32
    %broadcast_in_dim3A_1616 = vector.broadcast %jit3A_1615 : f32 to vector<16xf32>
    %select_n3A_1617 = arith.select %gt3A_1611, %div3A_1614, %broadcast_in_dim3A_1616 : vector<16xi1>, vector<16xf32>
    %swap3A_1618 = arith.constant 624 : index
    %swap3A_1619 = tpu.vector_load %arg13[%swap3A_1618] {strides = array<i32>} : memref<656xf32, #tpu.memory_space<vmem>>, vector<16xf32>,
    %swap3A_1620 = vector.shape_cast %swap3A_1619 : vector<16xf32> to vector<16xf32>
    %swap3A_1621 = vector.shape_cast %select_n3A_1617 : vector<16xf32> to vector<16xf32>
    tpu.vector_store %arg13[%swap3A_1618], %swap3A_1621 {strides = array<i32>} : memref<656xf32, #tpu.memory_space<vmem>>, vector<16xf32>,
    %add3A_1622 = arith.constant 0 : i32
    %add3A_1623 = arith.addi %mul3A_0, %add3A_1622 : i32
    "tpu.region"() ({
      %run_scoped3A_1654 = tpu.sem_alloc : memref<!tpu.dma_semaphore, #tpu.memory_space<semaphore_mem>>
      %dma_start3A_1655 = arith.constant 0 : i32
      %dma_start3A_1656 = arith.constant 0 : i32
      %dma_start3A_1657 = tpu.memref_slice %arg8[%dma_start3A_1655, %dma_start3A_1656] : memref<512x64xf32, #tpu.memory_space<vmem>> -> memref<320x64xf32, #tpu.memory_space<vmem>>
      %dma_start3A_1658 = arith.constant 0 : i32
      %dma_start3A_1659 = tpu.memref_slice %arg15[%add3A_1623, %dma_start3A_1658] : memref<10240x64xf32, #tpu.memory_space<vmem_shared>> -> memref<320x64xf32, #tpu.memory_space<vmem_shared>>
      %dma_start3A_1660 = arith.constant 0 : i32
      %dma_start3A_1661 = arith.constant 0 : i32
      %dma_start3A_1662 = tpu.memref_slice %arg8[%dma_start3A_1660, %dma_start3A_1661] : memref<512x64xf32, #tpu.memory_space<vmem>> -> memref<320x64xf32, #tpu.memory_space<vmem>>
      %dma_start3A_1663 = arith.constant 0 : i32
      %dma_start3A_1664 = tpu.memref_slice %arg15[%add3A_1623, %dma_start3A_1663] : memref<10240x64xf32, #tpu.memory_space<vmem_shared>> -> memref<320x64xf32, #tpu.memory_space<vmem_shared>>
      tpu.enqueue_dma source(%dma_start3A_1664 : memref<320x64xf32, #tpu.memory_space<vmem_shared>>) target(%dma_start3A_1662 : memref<320x64xf32, #tpu.memory_space<vmem>>) target_semaphore(%run_scoped3A_1654 : memref<!tpu.dma_semaphore, #tpu.memory_space<semaphore_mem>>)
      %dma_wait3A_1665 = arith.constant 0 : i32
      %dma_wait3A_1666 = arith.constant 0 : i32
      %dma_wait3A_1667 = tpu.memref_slice %arg8[%dma_wait3A_1665, %dma_wait3A_1666] : memref<512x64xf32, #tpu.memory_space<vmem>> -> memref<320x64xf32, #tpu.memory_space<vmem>>
      %dma_wait3A_1668 = arith.constant 0 : i32
      %dma_wait3A_1669 = tpu.memref_slice %arg15[%add3A_1623, %dma_wait3A_1668] : memref<10240x64xf32, #tpu.memory_space<vmem_shared>> -> memref<320x64xf32, #tpu.memory_space<vmem_shared>>
      %dma_wait3A_1670 = arith.constant 0 : i32
      %dma_wait3A_1671 = arith.constant 0 : i32
      %dma_wait3A_1672 = tpu.memref_slice %arg8[%dma_wait3A_1670, %dma_wait3A_1671] : memref<512x64xf32, #tpu.memory_space<vmem>> -> memref<320x64xf32, #tpu.memory_space<vmem>>
      %dma_wait3A_1673 = arith.constant 0 : i32
      %dma_wait3A_1674 = tpu.memref_slice %arg15[%add3A_1623, %dma_wait3A_1673] : memref<10240x64xf32, #tpu.memory_space<vmem_shared>> -> memref<320x64xf32, #tpu.memory_space<vmem_shared>>
      tpu.wait_dma2 semaphore(%run_scoped3A_1654 : memref<!tpu.dma_semaphore, #tpu.memory_space<semaphore_mem>>) src(%dma_wait3A_1674 : memref<320x64xf32, #tpu.memory_space<vmem_shared>>) dst(%dma_wait3A_1672 : memref<320x64xf32, #tpu.memory_space<vmem>>)
      tpu.yield
    }) : () -> ()
    %scan3A_1624 = arith.constant 0 : i32
    %scan3A_1625 = arith.constant 0 : i32
    %scan3A_1626 = arith.constant 320 : i32
    %scan3A_1627 = arith.addi %scan3A_1625, %scan3A_1626 : i32
    %scan3A_1628 = arith.constant 1 : i32
    scf.for %scan3A_1654 = %scan3A_1625 to %scan3A_1627 step %scan3A_1628  : i32 {
      %broadcast_in_dim3A_1655 = arith.constant 0.000000e+00 : f32
      %broadcast_in_dim3A_1656 = vector.broadcast %broadcast_in_dim3A_1655 : f32 to vector<16xf32>
      %add3A_1657 = arith.constant 0 : i32
      %add3A_1658 = arith.addi %scan3A_1654, %add3A_1657 : i32
      %get3A_1659 = arith.index_cast %add3A_1658 : i32 to index
      %get3A_1660 = tpu.vector_load %arg13[%get3A_1659] {strides = array<i32>} : memref<656xf32, #tpu.memory_space<vmem>>, vector<16xf32>,
      %get3A_1661 = vector.shape_cast %get3A_1660 : vector<16xf32> to vector<16xf32>
      %slice3A = vector.extract_strided_slice %get3A_1661 {offsets = [0], sizes = [1], strides = [1]} : vector<16xf32> to vector<1xf32>
      %squeeze3A = vector.extract %slice3A[0] : f32 from vector<1xf32>
      %add3A_1662 = vector.broadcast %squeeze3A : f32 to vector<16xf32>
      %add3A_1663 = arith.addf %broadcast_in_dim3A_1656, %add3A_1662 : vector<16xf32>
      %get3A_1664 = arith.index_cast %scan3A_1654 : i32 to index
      %get3A_1665 = arith.constant 0 : index
      %get3A_1666 = tpu.vector_load %arg8[%get3A_1664, %get3A_1665] {strides = array<i32>} : memref<512x64xf32, #tpu.memory_space<vmem>>, vector<1x16xf32>,
      %get3A_1667 = vector.shape_cast %get3A_1666 : vector<1x16xf32> to vector<16xf32>
      %mul3A_1668 = arith.mulf %get3A_1667, %add3A_1663 : vector<16xf32>
      %swap3A_1669 = arith.index_cast %scan3A_1654 : i32 to index
      %swap3A_1670 = arith.constant 0 : index
      %swap3A_1671 = tpu.vector_load %arg8[%swap3A_1669, %swap3A_1670] {strides = array<i32>} : memref<512x64xf32, #tpu.memory_space<vmem>>, vector<1x16xf32>,
      %swap3A_1672 = vector.shape_cast %swap3A_1671 : vector<1x16xf32> to vector<16xf32>
      %swap3A_1673 = vector.shape_cast %mul3A_1668 : vector<16xf32> to vector<1x16xf32>
      tpu.vector_store %arg8[%swap3A_1669, %swap3A_1670], %swap3A_1673 {strides = array<i32>} : memref<512x64xf32, #tpu.memory_space<vmem>>, vector<1x16xf32>,
      %get3A_1674 = arith.index_cast %scan3A_1654 : i32 to index
      %get3A_1675 = arith.constant 16 : index
      %get3A_1676 = tpu.vector_load %arg8[%get3A_1674, %get3A_1675] {strides = array<i32>} : memref<512x64xf32, #tpu.memory_space<vmem>>, vector<1x16xf32>,
      %get3A_1677 = vector.shape_cast %get3A_1676 : vector<1x16xf32> to vector<16xf32>
      %mul3A_1678 = arith.mulf %get3A_1677, %add3A_1663 : vector<16xf32>
      %swap3A_1679 = arith.index_cast %scan3A_1654 : i32 to index
      %swap3A_1680 = arith.constant 16 : index
      %swap3A_1681 = tpu.vector_load %arg8[%swap3A_1679, %swap3A_1680] {strides = array<i32>} : memref<512x64xf32, #tpu.memory_space<vmem>>, vector<1x16xf32>,
      %swap3A_1682 = vector.shape_cast %swap3A_1681 : vector<1x16xf32> to vector<16xf32>
      %swap3A_1683 = vector.shape_cast %mul3A_1678 : vector<16xf32> to vector<1x16xf32>
      tpu.vector_store %arg8[%swap3A_1679, %swap3A_1680], %swap3A_1683 {strides = array<i32>} : memref<512x64xf32, #tpu.memory_space<vmem>>, vector<1x16xf32>,
      %get3A_1684 = arith.index_cast %scan3A_1654 : i32 to index
      %get3A_1685 = arith.constant 32 : index
      %get3A_1686 = tpu.vector_load %arg8[%get3A_1684, %get3A_1685] {strides = array<i32>} : memref<512x64xf32, #tpu.memory_space<vmem>>, vector<1x16xf32>,
      %get3A_1687 = vector.shape_cast %get3A_1686 : vector<1x16xf32> to vector<16xf32>
      %mul3A_1688 = arith.mulf %get3A_1687, %add3A_1663 : vector<16xf32>
      %swap3A_1689 = arith.index_cast %scan3A_1654 : i32 to index
      %swap3A_1690 = arith.constant 32 : index
      %swap3A_1691 = tpu.vector_load %arg8[%swap3A_1689, %swap3A_1690] {strides = array<i32>} : memref<512x64xf32, #tpu.memory_space<vmem>>, vector<1x16xf32>,
      %swap3A_1692 = vector.shape_cast %swap3A_1691 : vector<1x16xf32> to vector<16xf32>
      %swap3A_1693 = vector.shape_cast %mul3A_1688 : vector<16xf32> to vector<1x16xf32>
      tpu.vector_store %arg8[%swap3A_1689, %swap3A_1690], %swap3A_1693 {strides = array<i32>} : memref<512x64xf32, #tpu.memory_space<vmem>>, vector<1x16xf32>,
      %get3A_1694 = arith.index_cast %scan3A_1654 : i32 to index
      %get3A_1695 = arith.constant 48 : index
      %get3A_1696 = tpu.vector_load %arg8[%get3A_1694, %get3A_1695] {strides = array<i32>} : memref<512x64xf32, #tpu.memory_space<vmem>>, vector<1x16xf32>,
      %get3A_1697 = vector.shape_cast %get3A_1696 : vector<1x16xf32> to vector<16xf32>
      %mul3A_1698 = arith.mulf %get3A_1697, %add3A_1663 : vector<16xf32>
      %swap3A_1699 = arith.index_cast %scan3A_1654 : i32 to index
      %swap3A_1700 = arith.constant 48 : index
      %swap3A_1701 = tpu.vector_load %arg8[%swap3A_1699, %swap3A_1700] {strides = array<i32>} : memref<512x64xf32, #tpu.memory_space<vmem>>, vector<1x16xf32>,
      %swap3A_1702 = vector.shape_cast %swap3A_1701 : vector<1x16xf32> to vector<16xf32>
      %swap3A_1703 = vector.shape_cast %mul3A_1698 : vector<16xf32> to vector<1x16xf32>
      tpu.vector_store %arg8[%swap3A_1699, %swap3A_1700], %swap3A_1703 {strides = array<i32>} : memref<512x64xf32, #tpu.memory_space<vmem>>, vector<1x16xf32>,
    }
    %scan3A_1629 = arith.constant 320 : i32
    %lt3A = arith.constant 15 : i32
    %lt3A_1630 = arith.cmpi slt, %arg1, %lt3A : i32
    %convert_element_type3A = arith.extui %lt3A_1630 : i1 to i32
    %cond3A = arith.constant 0 : i32
    %cond3A_1631 = arith.cmpi ne, %convert_element_type3A, %cond3A : i32
    scf.if %cond3A_1631 {
      %add3A_1654 = arith.constant 0 : i32
      %add3A_1655 = arith.addi %mul3A_0, %add3A_1654 : i32
      "tpu.region"() ({
        %run_scoped3A_1656 = tpu.sem_alloc : memref<!tpu.dma_semaphore, #tpu.memory_space<semaphore_mem>>
        %dma_start3A_1657 = arith.constant 0 : i32
        %dma_start3A_1658 = arith.constant 0 : i32
        %dma_start3A_1659 = tpu.memref_slice %arg8[%dma_start3A_1657, %dma_start3A_1658] : memref<512x64xf32, #tpu.memory_space<vmem>> -> memref<320x64xf32, #tpu.memory_space<vmem>>
        %dma_start3A_1660 = arith.constant 0 : i32
        %dma_start3A_1661 = tpu.memref_slice %arg7[%arg0, %add3A_1655, %dma_start3A_1660] : memref<2x10000x64xf32, #tpu.memory_space<hbm>> -> memref<1x320x64xf32, #tpu.memory_space<hbm>>
        %dma_start3A_1662 = tpu.memref_squeeze %dma_start3A_1661 : memref<1x320x64xf32, #tpu.memory_space<hbm>> -> memref<320x64xf32, #tpu.memory_space<hbm>>
        %dma_start3A_1663 = arith.constant 0 : i32
        %dma_start3A_1664 = tpu.memref_slice %arg7[%arg0, %add3A_1655, %dma_start3A_1663] : memref<2x10000x64xf32, #tpu.memory_space<hbm>> -> memref<1x320x64xf32, #tpu.memory_space<hbm>>
        %dma_start3A_1665 = tpu.memref_squeeze %dma_start3A_1664 : memref<1x320x64xf32, #tpu.memory_space<hbm>> -> memref<320x64xf32, #tpu.memory_space<hbm>>
        %dma_start3A_1666 = arith.constant 0 : i32
        %dma_start3A_1667 = arith.constant 0 : i32
        %dma_start3A_1668 = tpu.memref_slice %arg8[%dma_start3A_1666, %dma_start3A_1667] : memref<512x64xf32, #tpu.memory_space<vmem>> -> memref<320x64xf32, #tpu.memory_space<vmem>>
        tpu.enqueue_dma source(%dma_start3A_1668 : memref<320x64xf32, #tpu.memory_space<vmem>>) target(%dma_start3A_1665 : memref<320x64xf32, #tpu.memory_space<hbm>>) target_semaphore(%run_scoped3A_1656 : memref<!tpu.dma_semaphore, #tpu.memory_space<semaphore_mem>>)
        %dma_wait3A_1669 = arith.constant 0 : i32
        %dma_wait3A_1670 = arith.constant 0 : i32
        %dma_wait3A_1671 = tpu.memref_slice %arg8[%dma_wait3A_1669, %dma_wait3A_1670] : memref<512x64xf32, #tpu.memory_space<vmem>> -> memref<320x64xf32, #tpu.memory_space<vmem>>
        %dma_wait3A_1672 = arith.constant 0 : i32
        %dma_wait3A_1673 = tpu.memref_slice %arg7[%arg0, %add3A_1655, %dma_wait3A_1672] : memref<2x10000x64xf32, #tpu.memory_space<hbm>> -> memref<1x320x64xf32, #tpu.memory_space<hbm>>
        %dma_wait3A_1674 = tpu.memref_squeeze %dma_wait3A_1673 : memref<1x320x64xf32, #tpu.memory_space<hbm>> -> memref<320x64xf32, #tpu.memory_space<hbm>>
        %dma_wait3A_1675 = arith.constant 0 : i32
        %dma_wait3A_1676 = tpu.memref_slice %arg7[%arg0, %add3A_1655, %dma_wait3A_1675] : memref<2x10000x64xf32, #tpu.memory_space<hbm>> -> memref<1x320x64xf32, #tpu.memory_space<hbm>>
        %dma_wait3A_1677 = tpu.memref_squeeze %dma_wait3A_1676 : memref<1x320x64xf32, #tpu.memory_space<hbm>> -> memref<320x64xf32, #tpu.memory_space<hbm>>
        %dma_wait3A_1678 = arith.constant 0 : i32
        %dma_wait3A_1679 = arith.constant 0 : i32
        %dma_wait3A_1680 = tpu.memref_slice %arg8[%dma_wait3A_1678, %dma_wait3A_1679] : memref<512x64xf32, #tpu.memory_space<vmem>> -> memref<320x64xf32, #tpu.memory_space<vmem>>
        tpu.wait_dma2 semaphore(%run_scoped3A_1656 : memref<!tpu.dma_semaphore, #tpu.memory_space<semaphore_mem>>) src(%dma_wait3A_1680 : memref<320x64xf32, #tpu.memory_space<vmem>>) dst(%dma_wait3A_1677 : memref<320x64xf32, #tpu.memory_space<hbm>>)
        tpu.yield
      }) : () -> ()
    } else {
    }
    %eq3A = arith.constant 15 : i32
    %eq3A_1632 = arith.cmpi eq, %arg1, %eq3A : i32
    %convert_element_type3A_1633 = arith.extui %eq3A_1632 : i1 to i32
    %cond3A_1634 = arith.constant 0 : i32
    %cond3A_1635 = arith.cmpi ne, %convert_element_type3A_1633, %cond3A_1634 : i32
    scf.if %cond3A_1635 {
      "tpu.region"() ({
        %run_scoped3A_1654 = tpu.sem_alloc : memref<!tpu.dma_semaphore, #tpu.memory_space<semaphore_mem>>
        %dma_start3A_1655 = arith.constant 0 : i32
        %dma_start3A_1656 = arith.constant 0 : i32
        %dma_start3A_1657 = tpu.memref_slice %arg8[%dma_start3A_1655, %dma_start3A_1656] : memref<512x64xf32, #tpu.memory_space<vmem>> -> memref<320x64xf32, #tpu.memory_space<vmem>>
        %dma_start3A_1658 = arith.constant 9600 : i32
        %dma_start3A_1659 = arith.constant 0 : i32
        %dma_start3A_1660 = tpu.memref_slice %arg7[%arg0, %dma_start3A_1658, %dma_start3A_1659] : memref<2x10000x64xf32, #tpu.memory_space<hbm>> -> memref<1x320x64xf32, #tpu.memory_space<hbm>>
        %dma_start3A_1661 = tpu.memref_squeeze %dma_start3A_1660 : memref<1x320x64xf32, #tpu.memory_space<hbm>> -> memref<320x64xf32, #tpu.memory_space<hbm>>
        %dma_start3A_1662 = arith.constant 9600 : i32
        %dma_start3A_1663 = arith.constant 0 : i32
        %dma_start3A_1664 = tpu.memref_slice %arg7[%arg0, %dma_start3A_1662, %dma_start3A_1663] : memref<2x10000x64xf32, #tpu.memory_space<hbm>> -> memref<1x320x64xf32, #tpu.memory_space<hbm>>
        %dma_start3A_1665 = tpu.memref_squeeze %dma_start3A_1664 : memref<1x320x64xf32, #tpu.memory_space<hbm>> -> memref<320x64xf32, #tpu.memory_space<hbm>>
        %dma_start3A_1666 = arith.constant 0 : i32
        %dma_start3A_1667 = arith.constant 0 : i32
        %dma_start3A_1668 = tpu.memref_slice %arg8[%dma_start3A_1666, %dma_start3A_1667] : memref<512x64xf32, #tpu.memory_space<vmem>> -> memref<320x64xf32, #tpu.memory_space<vmem>>
        tpu.enqueue_dma source(%dma_start3A_1668 : memref<320x64xf32, #tpu.memory_space<vmem>>) target(%dma_start3A_1665 : memref<320x64xf32, #tpu.memory_space<hbm>>) target_semaphore(%run_scoped3A_1654 : memref<!tpu.dma_semaphore, #tpu.memory_space<semaphore_mem>>)
        %dma_wait3A_1669 = arith.constant 0 : i32
        %dma_wait3A_1670 = arith.constant 0 : i32
        %dma_wait3A_1671 = tpu.memref_slice %arg8[%dma_wait3A_1669, %dma_wait3A_1670] : memref<512x64xf32, #tpu.memory_space<vmem>> -> memref<320x64xf32, #tpu.memory_space<vmem>>
        %dma_wait3A_1672 = arith.constant 9600 : i32
        %dma_wait3A_1673 = arith.constant 0 : i32
        %dma_wait3A_1674 = tpu.memref_slice %arg7[%arg0, %dma_wait3A_1672, %dma_wait3A_1673] : memref<2x10000x64xf32, #tpu.memory_space<hbm>> -> memref<1x320x64xf32, #tpu.memory_space<hbm>>
        %dma_wait3A_1675 = tpu.memref_squeeze %dma_wait3A_1674 : memref<1x320x64xf32, #tpu.memory_space<hbm>> -> memref<320x64xf32, #tpu.memory_space<hbm>>
        %dma_wait3A_1676 = arith.constant 9600 : i32
        %dma_wait3A_1677 = arith.constant 0 : i32
        %dma_wait3A_1678 = tpu.memref_slice %arg7[%arg0, %dma_wait3A_1676, %dma_wait3A_1677] : memref<2x10000x64xf32, #tpu.memory_space<hbm>> -> memref<1x320x64xf32, #tpu.memory_space<hbm>>
        %dma_wait3A_1679 = tpu.memref_squeeze %dma_wait3A_1678 : memref<1x320x64xf32, #tpu.memory_space<hbm>> -> memref<320x64xf32, #tpu.memory_space<hbm>>
        %dma_wait3A_1680 = arith.constant 0 : i32
        %dma_wait3A_1681 = arith.constant 0 : i32
        %dma_wait3A_1682 = tpu.memref_slice %arg8[%dma_wait3A_1680, %dma_wait3A_1681] : memref<512x64xf32, #tpu.memory_space<vmem>> -> memref<320x64xf32, #tpu.memory_space<vmem>>
        tpu.wait_dma2 semaphore(%run_scoped3A_1654 : memref<!tpu.dma_semaphore, #tpu.memory_space<semaphore_mem>>) src(%dma_wait3A_1682 : memref<320x64xf32, #tpu.memory_space<vmem>>) dst(%dma_wait3A_1679 : memref<320x64xf32, #tpu.memory_space<hbm>>)
        tpu.yield
      }) : () -> ()
    } else {
    }
    %add3A_1636 = arith.constant 320 : i32
    %add3A_1637 = arith.addi %mul3A_0, %add3A_1636 : i32
    "tpu.region"() ({
      %run_scoped3A_1654 = tpu.sem_alloc : memref<!tpu.dma_semaphore, #tpu.memory_space<semaphore_mem>>
      %dma_start3A_1655 = arith.constant 0 : i32
      %dma_start3A_1656 = arith.constant 0 : i32
      %dma_start3A_1657 = tpu.memref_slice %arg8[%dma_start3A_1655, %dma_start3A_1656] : memref<512x64xf32, #tpu.memory_space<vmem>> -> memref<320x64xf32, #tpu.memory_space<vmem>>
      %dma_start3A_1658 = arith.constant 0 : i32
      %dma_start3A_1659 = tpu.memref_slice %arg15[%add3A_1637, %dma_start3A_1658] : memref<10240x64xf32, #tpu.memory_space<vmem_shared>> -> memref<320x64xf32, #tpu.memory_space<vmem_shared>>
      %dma_start3A_1660 = arith.constant 0 : i32
      %dma_start3A_1661 = arith.constant 0 : i32
      %dma_start3A_1662 = tpu.memref_slice %arg8[%dma_start3A_1660, %dma_start3A_1661] : memref<512x64xf32, #tpu.memory_space<vmem>> -> memref<320x64xf32, #tpu.memory_space<vmem>>
      %dma_start3A_1663 = arith.constant 0 : i32
      %dma_start3A_1664 = tpu.memref_slice %arg15[%add3A_1637, %dma_start3A_1663] : memref<10240x64xf32, #tpu.memory_space<vmem_shared>> -> memref<320x64xf32, #tpu.memory_space<vmem_shared>>
      tpu.enqueue_dma source(%dma_start3A_1664 : memref<320x64xf32, #tpu.memory_space<vmem_shared>>) target(%dma_start3A_1662 : memref<320x64xf32, #tpu.memory_space<vmem>>) target_semaphore(%run_scoped3A_1654 : memref<!tpu.dma_semaphore, #tpu.memory_space<semaphore_mem>>)
      %dma_wait3A_1665 = arith.constant 0 : i32
      %dma_wait3A_1666 = arith.constant 0 : i32
      %dma_wait3A_1667 = tpu.memref_slice %arg8[%dma_wait3A_1665, %dma_wait3A_1666] : memref<512x64xf32, #tpu.memory_space<vmem>> -> memref<320x64xf32, #tpu.memory_space<vmem>>
      %dma_wait3A_1668 = arith.constant 0 : i32
      %dma_wait3A_1669 = tpu.memref_slice %arg15[%add3A_1637, %dma_wait3A_1668] : memref<10240x64xf32, #tpu.memory_space<vmem_shared>> -> memref<320x64xf32, #tpu.memory_space<vmem_shared>>
      %dma_wait3A_1670 = arith.constant 0 : i32
      %dma_wait3A_1671 = arith.constant 0 : i32
      %dma_wait3A_1672 = tpu.memref_slice %arg8[%dma_wait3A_1670, %dma_wait3A_1671] : memref<512x64xf32, #tpu.memory_space<vmem>> -> memref<320x64xf32, #tpu.memory_space<vmem>>
      %dma_wait3A_1673 = arith.constant 0 : i32
      %dma_wait3A_1674 = tpu.memref_slice %arg15[%add3A_1637, %dma_wait3A_1673] : memref<10240x64xf32, #tpu.memory_space<vmem_shared>> -> memref<320x64xf32, #tpu.memory_space<vmem_shared>>
      tpu.wait_dma2 semaphore(%run_scoped3A_1654 : memref<!tpu.dma_semaphore, #tpu.memory_space<semaphore_mem>>) src(%dma_wait3A_1674 : memref<320x64xf32, #tpu.memory_space<vmem_shared>>) dst(%dma_wait3A_1672 : memref<320x64xf32, #tpu.memory_space<vmem>>)
      tpu.yield
    }) : () -> ()
    %scan3A_1638 = arith.constant 0 : i32
    %scan3A_1639 = arith.constant 0 : i32
    %scan3A_1640 = arith.constant 320 : i32
    %scan3A_1641 = arith.addi %scan3A_1639, %scan3A_1640 : i32
    %scan3A_1642 = arith.constant 1 : i32
    scf.for %scan3A_1654 = %scan3A_1639 to %scan3A_1641 step %scan3A_1642  : i32 {
      %broadcast_in_dim3A_1655 = arith.constant 0.000000e+00 : f32
      %broadcast_in_dim3A_1656 = vector.broadcast %broadcast_in_dim3A_1655 : f32 to vector<16xf32>
      %add3A_1657 = arith.constant 320 : i32
      %add3A_1658 = arith.addi %scan3A_1654, %add3A_1657 : i32
      %get3A_1659 = arith.index_cast %add3A_1658 : i32 to index
      %get3A_1660 = tpu.vector_load %arg13[%get3A_1659] {strides = array<i32>} : memref<656xf32, #tpu.memory_space<vmem>>, vector<16xf32>,
      %get3A_1661 = vector.shape_cast %get3A_1660 : vector<16xf32> to vector<16xf32>
      %slice3A = vector.extract_strided_slice %get3A_1661 {offsets = [0], sizes = [1], strides = [1]} : vector<16xf32> to vector<1xf32>
      %squeeze3A = vector.extract %slice3A[0] : f32 from vector<1xf32>
      %add3A_1662 = vector.broadcast %squeeze3A : f32 to vector<16xf32>
      %add3A_1663 = arith.addf %broadcast_in_dim3A_1656, %add3A_1662 : vector<16xf32>
      %get3A_1664 = arith.index_cast %scan3A_1654 : i32 to index
      %get3A_1665 = arith.constant 0 : index
      %get3A_1666 = tpu.vector_load %arg8[%get3A_1664, %get3A_1665] {strides = array<i32>} : memref<512x64xf32, #tpu.memory_space<vmem>>, vector<1x16xf32>,
      %get3A_1667 = vector.shape_cast %get3A_1666 : vector<1x16xf32> to vector<16xf32>
      %mul3A_1668 = arith.mulf %get3A_1667, %add3A_1663 : vector<16xf32>
      %swap3A_1669 = arith.index_cast %scan3A_1654 : i32 to index
      %swap3A_1670 = arith.constant 0 : index
      %swap3A_1671 = tpu.vector_load %arg8[%swap3A_1669, %swap3A_1670] {strides = array<i32>} : memref<512x64xf32, #tpu.memory_space<vmem>>, vector<1x16xf32>,
      %swap3A_1672 = vector.shape_cast %swap3A_1671 : vector<1x16xf32> to vector<16xf32>
      %swap3A_1673 = vector.shape_cast %mul3A_1668 : vector<16xf32> to vector<1x16xf32>
      tpu.vector_store %arg8[%swap3A_1669, %swap3A_1670], %swap3A_1673 {strides = array<i32>} : memref<512x64xf32, #tpu.memory_space<vmem>>, vector<1x16xf32>,
      %get3A_1674 = arith.index_cast %scan3A_1654 : i32 to index
      %get3A_1675 = arith.constant 16 : index
      %get3A_1676 = tpu.vector_load %arg8[%get3A_1674, %get3A_1675] {strides = array<i32>} : memref<512x64xf32, #tpu.memory_space<vmem>>, vector<1x16xf32>,
      %get3A_1677 = vector.shape_cast %get3A_1676 : vector<1x16xf32> to vector<16xf32>
      %mul3A_1678 = arith.mulf %get3A_1677, %add3A_1663 : vector<16xf32>
      %swap3A_1679 = arith.index_cast %scan3A_1654 : i32 to index
      %swap3A_1680 = arith.constant 16 : index
      %swap3A_1681 = tpu.vector_load %arg8[%swap3A_1679, %swap3A_1680] {strides = array<i32>} : memref<512x64xf32, #tpu.memory_space<vmem>>, vector<1x16xf32>,
      %swap3A_1682 = vector.shape_cast %swap3A_1681 : vector<1x16xf32> to vector<16xf32>
      %swap3A_1683 = vector.shape_cast %mul3A_1678 : vector<16xf32> to vector<1x16xf32>
      tpu.vector_store %arg8[%swap3A_1679, %swap3A_1680], %swap3A_1683 {strides = array<i32>} : memref<512x64xf32, #tpu.memory_space<vmem>>, vector<1x16xf32>,
      %get3A_1684 = arith.index_cast %scan3A_1654 : i32 to index
      %get3A_1685 = arith.constant 32 : index
      %get3A_1686 = tpu.vector_load %arg8[%get3A_1684, %get3A_1685] {strides = array<i32>} : memref<512x64xf32, #tpu.memory_space<vmem>>, vector<1x16xf32>,
      %get3A_1687 = vector.shape_cast %get3A_1686 : vector<1x16xf32> to vector<16xf32>
      %mul3A_1688 = arith.mulf %get3A_1687, %add3A_1663 : vector<16xf32>
      %swap3A_1689 = arith.index_cast %scan3A_1654 : i32 to index
      %swap3A_1690 = arith.constant 32 : index
      %swap3A_1691 = tpu.vector_load %arg8[%swap3A_1689, %swap3A_1690] {strides = array<i32>} : memref<512x64xf32, #tpu.memory_space<vmem>>, vector<1x16xf32>,
      %swap3A_1692 = vector.shape_cast %swap3A_1691 : vector<1x16xf32> to vector<16xf32>
      %swap3A_1693 = vector.shape_cast %mul3A_1688 : vector<16xf32> to vector<1x16xf32>
      tpu.vector_store %arg8[%swap3A_1689, %swap3A_1690], %swap3A_1693 {strides = array<i32>} : memref<512x64xf32, #tpu.memory_space<vmem>>, vector<1x16xf32>,
      %get3A_1694 = arith.index_cast %scan3A_1654 : i32 to index
      %get3A_1695 = arith.constant 48 : index
      %get3A_1696 = tpu.vector_load %arg8[%get3A_1694, %get3A_1695] {strides = array<i32>} : memref<512x64xf32, #tpu.memory_space<vmem>>, vector<1x16xf32>,
      %get3A_1697 = vector.shape_cast %get3A_1696 : vector<1x16xf32> to vector<16xf32>
      %mul3A_1698 = arith.mulf %get3A_1697, %add3A_1663 : vector<16xf32>
      %swap3A_1699 = arith.index_cast %scan3A_1654 : i32 to index
      %swap3A_1700 = arith.constant 48 : index
      %swap3A_1701 = tpu.vector_load %arg8[%swap3A_1699, %swap3A_1700] {strides = array<i32>} : memref<512x64xf32, #tpu.memory_space<vmem>>, vector<1x16xf32>,
      %swap3A_1702 = vector.shape_cast %swap3A_1701 : vector<1x16xf32> to vector<16xf32>
      %swap3A_1703 = vector.shape_cast %mul3A_1698 : vector<16xf32> to vector<1x16xf32>
      tpu.vector_store %arg8[%swap3A_1699, %swap3A_1700], %swap3A_1703 {strides = array<i32>} : memref<512x64xf32, #tpu.memory_space<vmem>>, vector<1x16xf32>,
    }
    %scan3A_1643 = arith.constant 320 : i32
    %lt3A_1644 = arith.constant 15 : i32
    %lt3A_1645 = arith.cmpi slt, %arg1, %lt3A_1644 : i32
    %convert_element_type3A_1646 = arith.extui %lt3A_1645 : i1 to i32
    %cond3A_1647 = arith.constant 0 : i32
    %cond3A_1648 = arith.cmpi ne, %convert_element_type3A_1646, %cond3A_1647 : i32
    scf.if %cond3A_1648 {
      %add3A_1654 = arith.constant 320 : i32
      %add3A_1655 = arith.addi %mul3A_0, %add3A_1654 : i32
      "tpu.region"() ({
        %run_scoped3A_1656 = tpu.sem_alloc : memref<!tpu.dma_semaphore, #tpu.memory_space<semaphore_mem>>
        %dma_start3A_1657 = arith.constant 0 : i32
        %dma_start3A_1658 = arith.constant 0 : i32
        %dma_start3A_1659 = tpu.memref_slice %arg8[%dma_start3A_1657, %dma_start3A_1658] : memref<512x64xf32, #tpu.memory_space<vmem>> -> memref<320x64xf32, #tpu.memory_space<vmem>>
        %dma_start3A_1660 = arith.constant 0 : i32
        %dma_start3A_1661 = tpu.memref_slice %arg7[%arg0, %add3A_1655, %dma_start3A_1660] : memref<2x10000x64xf32, #tpu.memory_space<hbm>> -> memref<1x320x64xf32, #tpu.memory_space<hbm>>
        %dma_start3A_1662 = tpu.memref_squeeze %dma_start3A_1661 : memref<1x320x64xf32, #tpu.memory_space<hbm>> -> memref<320x64xf32, #tpu.memory_space<hbm>>
        %dma_start3A_1663 = arith.constant 0 : i32
        %dma_start3A_1664 = tpu.memref_slice %arg7[%arg0, %add3A_1655, %dma_start3A_1663] : memref<2x10000x64xf32, #tpu.memory_space<hbm>> -> memref<1x320x64xf32, #tpu.memory_space<hbm>>
        %dma_start3A_1665 = tpu.memref_squeeze %dma_start3A_1664 : memref<1x320x64xf32, #tpu.memory_space<hbm>> -> memref<320x64xf32, #tpu.memory_space<hbm>>
        %dma_start3A_1666 = arith.constant 0 : i32
        %dma_start3A_1667 = arith.constant 0 : i32
        %dma_start3A_1668 = tpu.memref_slice %arg8[%dma_start3A_1666, %dma_start3A_1667] : memref<512x64xf32, #tpu.memory_space<vmem>> -> memref<320x64xf32, #tpu.memory_space<vmem>>
        tpu.enqueue_dma source(%dma_start3A_1668 : memref<320x64xf32, #tpu.memory_space<vmem>>) target(%dma_start3A_1665 : memref<320x64xf32, #tpu.memory_space<hbm>>) target_semaphore(%run_scoped3A_1656 : memref<!tpu.dma_semaphore, #tpu.memory_space<semaphore_mem>>)
        %dma_wait3A_1669 = arith.constant 0 : i32
        %dma_wait3A_1670 = arith.constant 0 : i32
        %dma_wait3A_1671 = tpu.memref_slice %arg8[%dma_wait3A_1669, %dma_wait3A_1670] : memref<512x64xf32, #tpu.memory_space<vmem>> -> memref<320x64xf32, #tpu.memory_space<vmem>>
        %dma_wait3A_1672 = arith.constant 0 : i32
        %dma_wait3A_1673 = tpu.memref_slice %arg7[%arg0, %add3A_1655, %dma_wait3A_1672] : memref<2x10000x64xf32, #tpu.memory_space<hbm>> -> memref<1x320x64xf32, #tpu.memory_space<hbm>>
        %dma_wait3A_1674 = tpu.memref_squeeze %dma_wait3A_1673 : memref<1x320x64xf32, #tpu.memory_space<hbm>> -> memref<320x64xf32, #tpu.memory_space<hbm>>
        %dma_wait3A_1675 = arith.constant 0 : i32
        %dma_wait3A_1676 = tpu.memref_slice %arg7[%arg0, %add3A_1655, %dma_wait3A_1675] : memref<2x10000x64xf32, #tpu.memory_space<hbm>> -> memref<1x320x64xf32, #tpu.memory_space<hbm>>
        %dma_wait3A_1677 = tpu.memref_squeeze %dma_wait3A_1676 : memref<1x320x64xf32, #tpu.memory_space<hbm>> -> memref<320x64xf32, #tpu.memory_space<hbm>>
        %dma_wait3A_1678 = arith.constant 0 : i32
        %dma_wait3A_1679 = arith.constant 0 : i32
        %dma_wait3A_1680 = tpu.memref_slice %arg8[%dma_wait3A_1678, %dma_wait3A_1679] : memref<512x64xf32, #tpu.memory_space<vmem>> -> memref<320x64xf32, #tpu.memory_space<vmem>>
        tpu.wait_dma2 semaphore(%run_scoped3A_1656 : memref<!tpu.dma_semaphore, #tpu.memory_space<semaphore_mem>>) src(%dma_wait3A_1680 : memref<320x64xf32, #tpu.memory_space<vmem>>) dst(%dma_wait3A_1677 : memref<320x64xf32, #tpu.memory_space<hbm>>)
        tpu.yield
      }) : () -> ()
    } else {
    }
    %eq3A_1649 = arith.constant 15 : i32
    %eq3A_1650 = arith.cmpi eq, %arg1, %eq3A_1649 : i32
    %convert_element_type3A_1651 = arith.extui %eq3A_1650 : i1 to i32
    %cond3A_1652 = arith.constant 0 : i32
    %cond3A_1653 = arith.cmpi ne, %convert_element_type3A_1651, %cond3A_1652 : i32
    scf.if %cond3A_1653 {
      "tpu.region"() ({
        %run_scoped3A_1654 = tpu.sem_alloc : memref<!tpu.dma_semaphore, #tpu.memory_space<semaphore_mem>>
        %dma_start3A_1655 = arith.constant 0 : i32
        %dma_start3A_1656 = arith.constant 0 : i32
        %dma_start3A_1657 = tpu.memref_slice %arg8[%dma_start3A_1655, %dma_start3A_1656] : memref<512x64xf32, #tpu.memory_space<vmem>> -> memref<80x64xf32, #tpu.memory_space<vmem>>
        %dma_start3A_1658 = arith.constant 9920 : i32
        %dma_start3A_1659 = arith.constant 0 : i32
        %dma_start3A_1660 = tpu.memref_slice %arg7[%arg0, %dma_start3A_1658, %dma_start3A_1659] : memref<2x10000x64xf32, #tpu.memory_space<hbm>> -> memref<1x80x64xf32, #tpu.memory_space<hbm>>
        %dma_start3A_1661 = tpu.memref_squeeze %dma_start3A_1660 : memref<1x80x64xf32, #tpu.memory_space<hbm>> -> memref<80x64xf32, #tpu.memory_space<hbm>>
        %dma_start3A_1662 = arith.constant 9920 : i32
        %dma_start3A_1663 = arith.constant 0 : i32
        %dma_start3A_1664 = tpu.memref_slice %arg7[%arg0, %dma_start3A_1662, %dma_start3A_1663] : memref<2x10000x64xf32, #tpu.memory_space<hbm>> -> memref<1x80x64xf32, #tpu.memory_space<hbm>>
        %dma_start3A_1665 = tpu.memref_squeeze %dma_start3A_1664 : memref<1x80x64xf32, #tpu.memory_space<hbm>> -> memref<80x64xf32, #tpu.memory_space<hbm>>
        %dma_start3A_1666 = arith.constant 0 : i32
        %dma_start3A_1667 = arith.constant 0 : i32
        %dma_start3A_1668 = tpu.memref_slice %arg8[%dma_start3A_1666, %dma_start3A_1667] : memref<512x64xf32, #tpu.memory_space<vmem>> -> memref<80x64xf32, #tpu.memory_space<vmem>>
        tpu.enqueue_dma source(%dma_start3A_1668 : memref<80x64xf32, #tpu.memory_space<vmem>>) target(%dma_start3A_1665 : memref<80x64xf32, #tpu.memory_space<hbm>>) target_semaphore(%run_scoped3A_1654 : memref<!tpu.dma_semaphore, #tpu.memory_space<semaphore_mem>>)
        %dma_wait3A_1669 = arith.constant 0 : i32
        %dma_wait3A_1670 = arith.constant 0 : i32
        %dma_wait3A_1671 = tpu.memref_slice %arg8[%dma_wait3A_1669, %dma_wait3A_1670] : memref<512x64xf32, #tpu.memory_space<vmem>> -> memref<80x64xf32, #tpu.memory_space<vmem>>
        %dma_wait3A_1672 = arith.constant 9920 : i32
        %dma_wait3A_1673 = arith.constant 0 : i32
        %dma_wait3A_1674 = tpu.memref_slice %arg7[%arg0, %dma_wait3A_1672, %dma_wait3A_1673] : memref<2x10000x64xf32, #tpu.memory_space<hbm>> -> memref<1x80x64xf32, #tpu.memory_space<hbm>>
        %dma_wait3A_1675 = tpu.memref_squeeze %dma_wait3A_1674 : memref<1x80x64xf32, #tpu.memory_space<hbm>> -> memref<80x64xf32, #tpu.memory_space<hbm>>
        %dma_wait3A_1676 = arith.constant 9920 : i32
        %dma_wait3A_1677 = arith.constant 0 : i32
        %dma_wait3A_1678 = tpu.memref_slice %arg7[%arg0, %dma_wait3A_1676, %dma_wait3A_1677] : memref<2x10000x64xf32, #tpu.memory_space<hbm>> -> memref<1x80x64xf32, #tpu.memory_space<hbm>>
        %dma_wait3A_1679 = tpu.memref_squeeze %dma_wait3A_1678 : memref<1x80x64xf32, #tpu.memory_space<hbm>> -> memref<80x64xf32, #tpu.memory_space<hbm>>
        %dma_wait3A_1680 = arith.constant 0 : i32
        %dma_wait3A_1681 = arith.constant 0 : i32
        %dma_wait3A_1682 = tpu.memref_slice %arg8[%dma_wait3A_1680, %dma_wait3A_1681] : memref<512x64xf32, #tpu.memory_space<vmem>> -> memref<80x64xf32, #tpu.memory_space<vmem>>
        tpu.wait_dma2 semaphore(%run_scoped3A_1654 : memref<!tpu.dma_semaphore, #tpu.memory_space<semaphore_mem>>) src(%dma_wait3A_1682 : memref<80x64xf32, #tpu.memory_space<vmem>>) dst(%dma_wait3A_1679 : memref<80x64xf32, #tpu.memory_space<hbm>>)
        tpu.yield
      }) : () -> ()
    } else {
    }
    return
  }
}

module attributes {stable_mosaic.version = 14 : i64} {
  func.func @_stage1_body(%arg0: i32, %arg1: memref<1x2000x64xf32, #tpu.memory_space<vmem>>, %arg2: memref<1x2000x64xf32, #tpu.memory_space<vmem>>, %arg3: memref<128x128xf32, #tpu.memory_space<vmem>>, %arg4: memref<1x128xf32, #tpu.memory_space<vmem>>, %arg5: memref<128x128xf32, #tpu.memory_space<vmem>>, %arg6: memref<1x128xf32, #tpu.memory_space<vmem>>, %arg7: memref<128x128xf32, #tpu.memory_space<vmem>>, %arg8: memref<1x128xf32, #tpu.memory_space<vmem>>, %arg9: memref<1x128xf32, #tpu.memory_space<vmem>>, %arg10: memref<1x1xf32, #tpu.memory_space<vmem>>, %arg11: memref<1x1xf32, #tpu.memory_space<vmem>>) attributes {dimension_semantics = [#tpu.dimension_semantics<arbitrary>], iteration_bounds = array<i64: 5>, scalar_prefetch = 0 : i64, scratch_operands = 0 : i64, tpu.core_type = #tpu.core_type<tc>, window_params = [{transform_indices = @transform_0, window_bounds = array<i64: 1, 2000, 64>}, {transform_indices = @transform_1, window_bounds = array<i64: 1, 2000, 64>}, {pipeline_mode = #tpu.pipeline_mode<synchronous>, transform_indices = @transform_2, window_bounds = array<i64: 128, 128>}, {pipeline_mode = #tpu.pipeline_mode<synchronous>, transform_indices = @transform_3, window_bounds = array<i64: 1, 128>}, {pipeline_mode = #tpu.pipeline_mode<synchronous>, transform_indices = @transform_4, window_bounds = array<i64: 128, 128>}, {pipeline_mode = #tpu.pipeline_mode<synchronous>, transform_indices = @transform_5, window_bounds = array<i64: 1, 128>}, {pipeline_mode = #tpu.pipeline_mode<synchronous>, transform_indices = @transform_6, window_bounds = array<i64: 128, 128>}, {pipeline_mode = #tpu.pipeline_mode<synchronous>, transform_indices = @transform_7, window_bounds = array<i64: 1, 128>}, {pipeline_mode = #tpu.pipeline_mode<synchronous>, transform_indices = @transform_8, window_bounds = array<i64: 1, 128>}, {pipeline_mode = #tpu.pipeline_mode<synchronous>, transform_indices = @transform_9, window_bounds = array<i64: 1, 1>}, {pipeline_mode = #tpu.pipeline_mode<synchronous>, transform_indices = @transform_10, window_bounds = array<i64: 1, 1>}]} {
    %get3A = arith.constant 0 : index
    %get3A_0 = arith.constant 0 : index
    %get3A_1 = arith.constant 0 : index
    %get3A_2 = vector.load %arg1[%get3A, %get3A_0, %get3A_1] : memref<1x2000x64xf32, #tpu.memory_space<vmem>>, vector<1x2000x64xf32>
    %get3A_3 = vector.shape_cast %get3A_2 : vector<1x2000x64xf32> to vector<2000x64xf32>
    %get3A_4 = arith.constant 0 : index
    %get3A_5 = arith.constant 0 : index
    %get3A_6 = arith.constant 0 : index
    %get3A_7 = vector.load %arg2[%get3A_4, %get3A_5, %get3A_6] : memref<1x2000x64xf32, #tpu.memory_space<vmem>>, vector<1x2000x64xf32>
    %get3A_8 = vector.shape_cast %get3A_7 : vector<1x2000x64xf32> to vector<2000x64xf32>
    %get3A_9 = arith.constant 0 : index
    %get3A_10 = arith.constant 0 : index
    %get3A_11 = vector.load %arg3[%get3A_9, %get3A_10] : memref<128x128xf32, #tpu.memory_space<vmem>>, vector<128x128xf32>
    %get3A_12 = arith.constant 0 : index
    %get3A_13 = arith.constant 0 : index
    %get3A_14 = vector.load %arg5[%get3A_12, %get3A_13] : memref<128x128xf32, #tpu.memory_space<vmem>>, vector<128x128xf32>
    %slice3A = vector.extract_strided_slice %get3A_11 {offsets = [0, 0], sizes = [64, 128], strides = [1, 1]} : vector<128x128xf32> to vector<64x128xf32>
    %dot_general3A = arith.constant dense<0.000000e+00> : vector<2000x128xf32>
    %dot_general3A_15 = tpu.matmul %get3A_3, %slice3A, %dot_general3A {dimension_numbers = #tpu.dot_dimension_numbers<[1], [0], [0], [1], [0, 0, 1, 1], [], []>, transpose_lhs_hint = false} : vector<2000x64xf32>, vector<64x128xf32>, vector<2000x128xf32> -> vector<2000x128xf32>
    %slice3A_16 = vector.extract_strided_slice %get3A_11 {offsets = [64, 0], sizes = [64, 128], strides = [1, 1]} : vector<128x128xf32> to vector<64x128xf32>
    %dot_general3A_17 = arith.constant dense<0.000000e+00> : vector<2000x128xf32>
    %dot_general3A_18 = tpu.matmul %get3A_8, %slice3A_16, %dot_general3A_17 {dimension_numbers = #tpu.dot_dimension_numbers<[1], [0], [0], [1], [0, 0, 1, 1], [], []>, transpose_lhs_hint = false} : vector<2000x64xf32>, vector<64x128xf32>, vector<2000x128xf32> -> vector<2000x128xf32>
    %add3A = arith.addf %dot_general3A_15, %dot_general3A_18 : vector<2000x128xf32>
    %get3A_19 = arith.constant 0 : index
    %get3A_20 = arith.constant 0 : index
    %get3A_21 = vector.load %arg4[%get3A_19, %get3A_20] : memref<1x128xf32, #tpu.memory_space<vmem>>, vector<1x128xf32>
    %add3A_22 = vector.broadcast %get3A_21 : vector<1x128xf32> to vector<2000x128xf32>
    %add3A_23 = arith.addf %add3A, %add3A_22 : vector<2000x128xf32>
    %slice3A_24 = vector.extract_strided_slice %get3A_14 {offsets = [0, 0], sizes = [64, 128], strides = [1, 1]} : vector<128x128xf32> to vector<64x128xf32>
    %dot_general3A_25 = arith.constant dense<0.000000e+00> : vector<2000x128xf32>
    %dot_general3A_26 = tpu.matmul %get3A_3, %slice3A_24, %dot_general3A_25 {dimension_numbers = #tpu.dot_dimension_numbers<[1], [0], [0], [1], [0, 0, 1, 1], [], []>, transpose_lhs_hint = false} : vector<2000x64xf32>, vector<64x128xf32>, vector<2000x128xf32> -> vector<2000x128xf32>
    %slice3A_27 = vector.extract_strided_slice %get3A_14 {offsets = [64, 0], sizes = [64, 128], strides = [1, 1]} : vector<128x128xf32> to vector<64x128xf32>
    %dot_general3A_28 = arith.constant dense<0.000000e+00> : vector<2000x128xf32>
    %dot_general3A_29 = tpu.matmul %get3A_8, %slice3A_27, %dot_general3A_28 {dimension_numbers = #tpu.dot_dimension_numbers<[1], [0], [0], [1], [0, 0, 1, 1], [], []>, transpose_lhs_hint = false} : vector<2000x64xf32>, vector<64x128xf32>, vector<2000x128xf32> -> vector<2000x128xf32>
    %add3A_30 = arith.addf %dot_general3A_26, %dot_general3A_29 : vector<2000x128xf32>
    %get3A_31 = arith.constant 0 : index
    %get3A_32 = arith.constant 0 : index
    %get3A_33 = vector.load %arg6[%get3A_31, %get3A_32] : memref<1x128xf32, #tpu.memory_space<vmem>>, vector<1x128xf32>
    %add3A_34 = vector.broadcast %get3A_33 : vector<1x128xf32> to vector<2000x128xf32>
    %add3A_35 = arith.addf %add3A_30, %add3A_34 : vector<2000x128xf32>
    %add3A_36 = arith.addf %add3A_23, %add3A_35 : vector<2000x128xf32>
    %mul3A = arith.constant 5.000000e-01 : f32
    %mul3A_37 = vector.broadcast %mul3A : f32 to vector<2000x128xf32>
    %mul3A_38 = arith.mulf %add3A_36, %mul3A_37 : vector<2000x128xf32>
    %get3A_39 = arith.constant 0 : index
    %get3A_40 = arith.constant 0 : index
    %get3A_41 = vector.load %arg7[%get3A_39, %get3A_40] : memref<128x128xf32, #tpu.memory_space<vmem>>, vector<128x128xf32>
    %dot_general3A_42 = arith.constant dense<0.000000e+00> : vector<2000x128xf32>
    %dot_general3A_43 = tpu.matmul %mul3A_38, %get3A_41, %dot_general3A_42 {dimension_numbers = #tpu.dot_dimension_numbers<[1], [0], [0], [1], [0, 0, 1, 1], [], []>, transpose_lhs_hint = false} : vector<2000x128xf32>, vector<128x128xf32>, vector<2000x128xf32> -> vector<2000x128xf32>
    %get3A_44 = arith.constant 0 : index
    %get3A_45 = arith.constant 0 : index
    %get3A_46 = vector.load %arg8[%get3A_44, %get3A_45] : memref<1x128xf32, #tpu.memory_space<vmem>>, vector<1x128xf32>
    %add3A_47 = vector.broadcast %get3A_46 : vector<1x128xf32> to vector<2000x128xf32>
    %add3A_48 = arith.addf %dot_general3A_43, %add3A_47 : vector<2000x128xf32>
    %max3A = arith.constant 0.000000e+00 : f32
    %max3A_49 = vector.broadcast %max3A : f32 to vector<2000x128xf32>
    %max3A_50 = arith.maximumf %add3A_48, %max3A_49 : vector<2000x128xf32>
    %get3A_51 = arith.constant 0 : index
    %get3A_52 = arith.constant 0 : index
    %get3A_53 = vector.load %arg9[%get3A_51, %get3A_52] : memref<1x128xf32, #tpu.memory_space<vmem>>, vector<1x128xf32>
    %mul3A_54 = vector.broadcast %get3A_53 : vector<1x128xf32> to vector<2000x128xf32>
    %mul3A_55 = arith.mulf %max3A_50, %mul3A_54 : vector<2000x128xf32>
    %reduce_sum3A = arith.constant dense<0.000000e+00> : vector<2000xf32>
    %reduce_sum3A_56 = vector.multi_reduction <add>, %mul3A_55, %reduce_sum3A [1] : vector<2000x128xf32> to vector<2000xf32>
    %broadcast_in_dim3A = vector.shape_cast %reduce_sum3A_56 : vector<2000xf32> to vector<2000x1xf32>
    %get3A_57 = arith.constant 0 : index
    %get3A_58 = arith.constant 0 : index
    %get3A_59 = vector.load %arg10[%get3A_57, %get3A_58] : memref<1x1xf32, #tpu.memory_space<vmem>>, vector<1x1xf32>
    %get3A_60 = vector.extract %get3A_59[0, 0] : f32 from vector<1x1xf32>
    %add3A_61 = vector.broadcast %get3A_60 : f32 to vector<2000x1xf32>
    %add3A_62 = arith.addf %broadcast_in_dim3A, %add3A_61 : vector<2000x1xf32>
    %exp3A = math.exp %add3A_62 : vector<2000x1xf32>
    %add3A_63 = arith.constant 1.000000e+00 : f32
    %add3A_64 = vector.broadcast %add3A_63 : f32 to vector<2000x1xf32>
    %add3A_65 = arith.addf %add3A_64, %exp3A : vector<2000x1xf32>
    %div3A = arith.constant 1.000000e+00 : f32
    %div3A_66 = vector.broadcast %div3A : f32 to vector<2000x1xf32>
    %div3A_67 = arith.divf %div3A_66, %add3A_65 : vector<2000x1xf32>
    %reduce_sum3A_68 = arith.constant dense<0.000000e+00> : vector<1xf32>
    %reduce_sum3A_69 = vector.multi_reduction <add>, %div3A_67, %reduce_sum3A_68 [0] : vector<2000x1xf32> to vector<1xf32>
    %broadcast_in_dim3A_70 = vector.shape_cast %reduce_sum3A_69 : vector<1xf32> to vector<1x1xf32>
    %eq3A = arith.constant 0 : i32
    %eq3A_71 = arith.cmpi eq, %arg0, %eq3A : i32
    %convert_element_type3A = arith.extui %eq3A_71 : i1 to i32
    %cond3A = arith.constant 0 : i32
    %cond3A_72 = arith.cmpi ne, %convert_element_type3A, %cond3A : i32
    scf.if %cond3A_72 {
      %broadcast_in_dim3A_79 = arith.constant 0.000000e+00 : f32
      %broadcast_in_dim3A_80 = vector.broadcast %broadcast_in_dim3A_79 : f32 to vector<1x1xf32>
      %swap3A_81 = arith.constant 0 : index
      %swap3A_82 = arith.constant 0 : index
      %swap3A_83 = vector.load %arg11[%swap3A_81, %swap3A_82] : memref<1x1xf32, #tpu.memory_space<vmem>>, vector<1x1xf32>
      tpu.vector_store %arg11[%swap3A_81, %swap3A_82], %broadcast_in_dim3A_80 {strides = array<i32>} : memref<1x1xf32, #tpu.memory_space<vmem>>, vector<1x1xf32>,
    } else {
    }
    %get3A_73 = arith.constant 0 : index
    %get3A_74 = arith.constant 0 : index
    %get3A_75 = vector.load %arg11[%get3A_73, %get3A_74] : memref<1x1xf32, #tpu.memory_space<vmem>>, vector<1x1xf32>
    %add3A_76 = arith.addf %get3A_75, %broadcast_in_dim3A_70 : vector<1x1xf32>
    %swap3A = arith.constant 0 : index
    %swap3A_77 = arith.constant 0 : index
    %swap3A_78 = vector.load %arg11[%swap3A, %swap3A_77] : memref<1x1xf32, #tpu.memory_space<vmem>>, vector<1x1xf32>
    tpu.vector_store %arg11[%swap3A, %swap3A_77], %add3A_76 {strides = array<i32>} : memref<1x1xf32, #tpu.memory_space<vmem>>, vector<1x1xf32>,
    return
  }
  func.func @transform_0(%arg0: i32) -> (i32, i32, i32) {
    %c0_i32 = arith.constant 0 : i32
    %c0_i32_0 = arith.constant 0 : i32
    %c0_i32_1 = arith.constant 0 : i32
    return %c0_i32, %arg0, %c0_i32_0 : i32, i32, i32
  }
  func.func @transform_1(%arg0: i32) -> (i32, i32, i32) {
    %c0_i32 = arith.constant 0 : i32
    %c0_i32_0 = arith.constant 0 : i32
    %c0_i32_1 = arith.constant 0 : i32
    return %c0_i32, %arg0, %c0_i32_0 : i32, i32, i32
  }
  func.func @transform_2(%arg0: i32) -> (i32, i32) {
    %c0_i32 = arith.constant 0 : i32
    %c0_i32_0 = arith.constant 0 : i32
    %c0_i32_1 = arith.constant 0 : i32
    return %c0_i32, %c0_i32_0 : i32, i32
  }
  func.func @transform_3(%arg0: i32) -> (i32, i32) {
    %c0_i32 = arith.constant 0 : i32
    %c0_i32_0 = arith.constant 0 : i32
    %c0_i32_1 = arith.constant 0 : i32
    return %c0_i32, %c0_i32_0 : i32, i32
  }
  func.func @transform_4(%arg0: i32) -> (i32, i32) {
    %c0_i32 = arith.constant 0 : i32
    %c0_i32_0 = arith.constant 0 : i32
    %c0_i32_1 = arith.constant 0 : i32
    return %c0_i32, %c0_i32_0 : i32, i32
  }
  func.func @transform_5(%arg0: i32) -> (i32, i32) {
    %c0_i32 = arith.constant 0 : i32
    %c0_i32_0 = arith.constant 0 : i32
    %c0_i32_1 = arith.constant 0 : i32
    return %c0_i32, %c0_i32_0 : i32, i32
  }
  func.func @transform_6(%arg0: i32) -> (i32, i32) {
    %c0_i32 = arith.constant 0 : i32
    %c0_i32_0 = arith.constant 0 : i32
    %c0_i32_1 = arith.constant 0 : i32
    return %c0_i32, %c0_i32_0 : i32, i32
  }
  func.func @transform_7(%arg0: i32) -> (i32, i32) {
    %c0_i32 = arith.constant 0 : i32
    %c0_i32_0 = arith.constant 0 : i32
    %c0_i32_1 = arith.constant 0 : i32
    return %c0_i32, %c0_i32_0 : i32, i32
  }
  func.func @transform_8(%arg0: i32) -> (i32, i32) {
    %c0_i32 = arith.constant 0 : i32
    %c0_i32_0 = arith.constant 0 : i32
    %c0_i32_1 = arith.constant 0 : i32
    return %c0_i32, %c0_i32_0 : i32, i32
  }
  func.func @transform_9(%arg0: i32) -> (i32, i32) {
    %c0_i32 = arith.constant 0 : i32
    %c0_i32_0 = arith.constant 0 : i32
    %c0_i32_1 = arith.constant 0 : i32
    return %c0_i32, %c0_i32_0 : i32, i32
  }
  func.func @transform_10(%arg0: i32) -> (i32, i32) {
    %c0_i32 = arith.constant 0 : i32
    %c0_i32_0 = arith.constant 0 : i32
    %c0_i32_1 = arith.constant 0 : i32
    return %c0_i32, %c0_i32_0 : i32, i32
  }
}

module attributes {stable_mosaic.version = 14 : i64} {
  func.func @_stage2_body(%arg0: i32, %arg1: memref<1x2000x64xf32, #tpu.memory_space<vmem>>, %arg2: memref<1x2000x64xf32, #tpu.memory_space<vmem>>, %arg3: memref<128x128xf32, #tpu.memory_space<vmem>>, %arg4: memref<1x128xf32, #tpu.memory_space<vmem>>, %arg5: memref<128x128xf32, #tpu.memory_space<vmem>>, %arg6: memref<1x128xf32, #tpu.memory_space<vmem>>, %arg7: memref<128x128xf32, #tpu.memory_space<vmem>>, %arg8: memref<1x128xf32, #tpu.memory_space<vmem>>, %arg9: memref<1x128xf32, #tpu.memory_space<vmem>>, %arg10: memref<1x128xf32, #tpu.memory_space<vmem>>, %arg11: memref<128x128xf32, #tpu.memory_space<vmem>>, %arg12: memref<1x128xf32, #tpu.memory_space<vmem>>, %arg13: memref<1x128xf32, #tpu.memory_space<vmem>>, %arg14: memref<1x128xf32, #tpu.memory_space<vmem>>, %arg15: memref<1x2xf32, #tpu.memory_space<vmem>>, %arg16: memref<2000x128xf32, #tpu.memory_space<vmem>>) attributes {dimension_semantics = [#tpu.dimension_semantics<arbitrary>], iteration_bounds = array<i64: 5>, scalar_prefetch = 0 : i64, scratch_operands = 0 : i64, tpu.core_type = #tpu.core_type<tc>, window_params = [{transform_indices = @transform_0, window_bounds = array<i64: 1, 2000, 64>}, {transform_indices = @transform_1, window_bounds = array<i64: 1, 2000, 64>}, {pipeline_mode = #tpu.pipeline_mode<synchronous>, transform_indices = @transform_2, window_bounds = array<i64: 128, 128>}, {pipeline_mode = #tpu.pipeline_mode<synchronous>, transform_indices = @transform_3, window_bounds = array<i64: 1, 128>}, {pipeline_mode = #tpu.pipeline_mode<synchronous>, transform_indices = @transform_4, window_bounds = array<i64: 128, 128>}, {pipeline_mode = #tpu.pipeline_mode<synchronous>, transform_indices = @transform_5, window_bounds = array<i64: 1, 128>}, {pipeline_mode = #tpu.pipeline_mode<synchronous>, transform_indices = @transform_6, window_bounds = array<i64: 128, 128>}, {pipeline_mode = #tpu.pipeline_mode<synchronous>, transform_indices = @transform_7, window_bounds = array<i64: 1, 128>}, {pipeline_mode = #tpu.pipeline_mode<synchronous>, transform_indices = @transform_8, window_bounds = array<i64: 1, 128>}, {pipeline_mode = #tpu.pipeline_mode<synchronous>, transform_indices = @transform_9, window_bounds = array<i64: 1, 128>}, {pipeline_mode = #tpu.pipeline_mode<synchronous>, transform_indices = @transform_10, window_bounds = array<i64: 128, 128>}, {pipeline_mode = #tpu.pipeline_mode<synchronous>, transform_indices = @transform_11, window_bounds = array<i64: 1, 128>}, {pipeline_mode = #tpu.pipeline_mode<synchronous>, transform_indices = @transform_12, window_bounds = array<i64: 1, 128>}, {pipeline_mode = #tpu.pipeline_mode<synchronous>, transform_indices = @transform_13, window_bounds = array<i64: 1, 128>}, {pipeline_mode = #tpu.pipeline_mode<synchronous>, transform_indices = @transform_14, window_bounds = array<i64: 1, 2>}, {transform_indices = @transform_15, window_bounds = array<i64: 2000, 128>}]} {
    %get3A = arith.constant 0 : index
    %get3A_0 = arith.constant 0 : index
    %get3A_1 = arith.constant 0 : index
    %get3A_2 = vector.load %arg1[%get3A, %get3A_0, %get3A_1] : memref<1x2000x64xf32, #tpu.memory_space<vmem>>, vector<1x2000x64xf32>
    %get3A_3 = vector.shape_cast %get3A_2 : vector<1x2000x64xf32> to vector<2000x64xf32>
    %get3A_4 = arith.constant 0 : index
    %get3A_5 = arith.constant 0 : index
    %get3A_6 = arith.constant 0 : index
    %get3A_7 = vector.load %arg2[%get3A_4, %get3A_5, %get3A_6] : memref<1x2000x64xf32, #tpu.memory_space<vmem>>, vector<1x2000x64xf32>
    %get3A_8 = vector.shape_cast %get3A_7 : vector<1x2000x64xf32> to vector<2000x64xf32>
    %get3A_9 = arith.constant 0 : index
    %get3A_10 = arith.constant 0 : index
    %get3A_11 = vector.load %arg3[%get3A_9, %get3A_10] : memref<128x128xf32, #tpu.memory_space<vmem>>, vector<128x128xf32>
    %get3A_12 = arith.constant 0 : index
    %get3A_13 = arith.constant 0 : index
    %get3A_14 = vector.load %arg5[%get3A_12, %get3A_13] : memref<128x128xf32, #tpu.memory_space<vmem>>, vector<128x128xf32>
    %slice3A = vector.extract_strided_slice %get3A_11 {offsets = [0, 0], sizes = [64, 128], strides = [1, 1]} : vector<128x128xf32> to vector<64x128xf32>
    %dot_general3A = arith.constant dense<0.000000e+00> : vector<2000x128xf32>
    %dot_general3A_15 = tpu.matmul %get3A_3, %slice3A, %dot_general3A {dimension_numbers = #tpu.dot_dimension_numbers<[1], [0], [0], [1], [0, 0, 1, 1], [], []>, transpose_lhs_hint = false} : vector<2000x64xf32>, vector<64x128xf32>, vector<2000x128xf32> -> vector<2000x128xf32>
    %slice3A_16 = vector.extract_strided_slice %get3A_11 {offsets = [64, 0], sizes = [64, 128], strides = [1, 1]} : vector<128x128xf32> to vector<64x128xf32>
    %dot_general3A_17 = arith.constant dense<0.000000e+00> : vector<2000x128xf32>
    %dot_general3A_18 = tpu.matmul %get3A_8, %slice3A_16, %dot_general3A_17 {dimension_numbers = #tpu.dot_dimension_numbers<[1], [0], [0], [1], [0, 0, 1, 1], [], []>, transpose_lhs_hint = false} : vector<2000x64xf32>, vector<64x128xf32>, vector<2000x128xf32> -> vector<2000x128xf32>
    %add3A = arith.addf %dot_general3A_15, %dot_general3A_18 : vector<2000x128xf32>
    %get3A_19 = arith.constant 0 : index
    %get3A_20 = arith.constant 0 : index
    %get3A_21 = vector.load %arg4[%get3A_19, %get3A_20] : memref<1x128xf32, #tpu.memory_space<vmem>>, vector<1x128xf32>
    %add3A_22 = vector.broadcast %get3A_21 : vector<1x128xf32> to vector<2000x128xf32>
    %add3A_23 = arith.addf %add3A, %add3A_22 : vector<2000x128xf32>
    %slice3A_24 = vector.extract_strided_slice %get3A_14 {offsets = [0, 0], sizes = [64, 128], strides = [1, 1]} : vector<128x128xf32> to vector<64x128xf32>
    %dot_general3A_25 = arith.constant dense<0.000000e+00> : vector<2000x128xf32>
    %dot_general3A_26 = tpu.matmul %get3A_3, %slice3A_24, %dot_general3A_25 {dimension_numbers = #tpu.dot_dimension_numbers<[1], [0], [0], [1], [0, 0, 1, 1], [], []>, transpose_lhs_hint = false} : vector<2000x64xf32>, vector<64x128xf32>, vector<2000x128xf32> -> vector<2000x128xf32>
    %slice3A_27 = vector.extract_strided_slice %get3A_14 {offsets = [64, 0], sizes = [64, 128], strides = [1, 1]} : vector<128x128xf32> to vector<64x128xf32>
    %dot_general3A_28 = arith.constant dense<0.000000e+00> : vector<2000x128xf32>
    %dot_general3A_29 = tpu.matmul %get3A_8, %slice3A_27, %dot_general3A_28 {dimension_numbers = #tpu.dot_dimension_numbers<[1], [0], [0], [1], [0, 0, 1, 1], [], []>, transpose_lhs_hint = false} : vector<2000x64xf32>, vector<64x128xf32>, vector<2000x128xf32> -> vector<2000x128xf32>
    %add3A_30 = arith.addf %dot_general3A_26, %dot_general3A_29 : vector<2000x128xf32>
    %get3A_31 = arith.constant 0 : index
    %get3A_32 = arith.constant 0 : index
    %get3A_33 = vector.load %arg6[%get3A_31, %get3A_32] : memref<1x128xf32, #tpu.memory_space<vmem>>, vector<1x128xf32>
    %add3A_34 = vector.broadcast %get3A_33 : vector<1x128xf32> to vector<2000x128xf32>
    %add3A_35 = arith.addf %add3A_30, %add3A_34 : vector<2000x128xf32>
    %get3A_36 = arith.constant 0 : index
    %get3A_37 = arith.constant 0 : index
    %get3A_38 = vector.load %arg7[%get3A_36, %get3A_37] : memref<128x128xf32, #tpu.memory_space<vmem>>, vector<128x128xf32>
    %dot_general3A_39 = arith.constant dense<0.000000e+00> : vector<2000x128xf32>
    %dot_general3A_40 = tpu.matmul %add3A_23, %get3A_38, %dot_general3A_39 {dimension_numbers = #tpu.dot_dimension_numbers<[1], [0], [0], [1], [0, 0, 1, 1], [], []>, transpose_lhs_hint = false} : vector<2000x128xf32>, vector<128x128xf32>, vector<2000x128xf32> -> vector<2000x128xf32>
    %get3A_41 = arith.constant 0 : index
    %get3A_42 = arith.constant 0 : index
    %get3A_43 = vector.load %arg8[%get3A_41, %get3A_42] : memref<1x128xf32, #tpu.memory_space<vmem>>, vector<1x128xf32>
    %add3A_44 = vector.broadcast %get3A_43 : vector<1x128xf32> to vector<2000x128xf32>
    %add3A_45 = arith.addf %dot_general3A_40, %add3A_44 : vector<2000x128xf32>
    %get3A_46 = arith.constant 0 : index
    %get3A_47 = arith.constant 0 : index
    %get3A_48 = vector.load %arg11[%get3A_46, %get3A_47] : memref<128x128xf32, #tpu.memory_space<vmem>>, vector<128x128xf32>
    %dot_general3A_49 = arith.constant dense<0.000000e+00> : vector<2000x128xf32>
    %dot_general3A_50 = tpu.matmul %add3A_35, %get3A_48, %dot_general3A_49 {dimension_numbers = #tpu.dot_dimension_numbers<[1], [0], [0], [1], [0, 0, 1, 1], [], []>, transpose_lhs_hint = false} : vector<2000x128xf32>, vector<128x128xf32>, vector<2000x128xf32> -> vector<2000x128xf32>
    %get3A_51 = arith.constant 0 : index
    %get3A_52 = arith.constant 0 : index
    %get3A_53 = vector.load %arg12[%get3A_51, %get3A_52] : memref<1x128xf32, #tpu.memory_space<vmem>>, vector<1x128xf32>
    %add3A_54 = vector.broadcast %get3A_53 : vector<1x128xf32> to vector<2000x128xf32>
    %add3A_55 = arith.addf %dot_general3A_50, %add3A_54 : vector<2000x128xf32>
    %reduce_sum3A = arith.constant dense<0.000000e+00> : vector<2000xf32>
    %reduce_sum3A_56 = vector.multi_reduction <add>, %add3A_45, %reduce_sum3A [1] : vector<2000x128xf32> to vector<2000xf32>
    %broadcast_in_dim3A = vector.shape_cast %reduce_sum3A_56 : vector<2000xf32> to vector<2000x1xf32>
    %div3A = arith.constant 1.280000e+02 : f32
    %div3A_57 = vector.broadcast %div3A : f32 to vector<2000x1xf32>
    %div3A_58 = arith.divf %broadcast_in_dim3A, %div3A_57 : vector<2000x1xf32>
    %sub3A = vector.broadcast %div3A_58 : vector<2000x1xf32> to vector<2000x128xf32>
    %sub3A_59 = arith.subf %add3A_45, %sub3A : vector<2000x128xf32>
    %integer_pow3A = arith.mulf %sub3A_59, %sub3A_59 : vector<2000x128xf32>
    %reduce_sum3A_60 = arith.constant dense<0.000000e+00> : vector<2000xf32>
    %reduce_sum3A_61 = vector.multi_reduction <add>, %integer_pow3A, %reduce_sum3A_60 [1] : vector<2000x128xf32> to vector<2000xf32>
    %broadcast_in_dim3A_62 = vector.shape_cast %reduce_sum3A_61 : vector<2000xf32> to vector<2000x1xf32>
    %div3A_63 = arith.constant 1.280000e+02 : f32
    %div3A_64 = vector.broadcast %div3A_63 : f32 to vector<2000x1xf32>
    %div3A_65 = arith.divf %broadcast_in_dim3A_62, %div3A_64 : vector<2000x1xf32>
    %sub3A_66 = vector.broadcast %div3A_58 : vector<2000x1xf32> to vector<2000x128xf32>
    %sub3A_67 = arith.subf %add3A_45, %sub3A_66 : vector<2000x128xf32>
    %add3A_68 = arith.constant 9.99999974E-6 : f32
    %add3A_69 = vector.broadcast %add3A_68 : f32 to vector<2000x1xf32>
    %add3A_70 = arith.addf %div3A_65, %add3A_69 : vector<2000x1xf32>
    %rsqrt3A = math.rsqrt %add3A_70 : vector<2000x1xf32>
    %mul3A = vector.broadcast %rsqrt3A : vector<2000x1xf32> to vector<2000x128xf32>
    %mul3A_71 = arith.mulf %sub3A_67, %mul3A : vector<2000x128xf32>
    %get3A_72 = arith.constant 0 : index
    %get3A_73 = arith.constant 0 : index
    %get3A_74 = vector.load %arg9[%get3A_72, %get3A_73] : memref<1x128xf32, #tpu.memory_space<vmem>>, vector<1x128xf32>
    %mul3A_75 = vector.broadcast %get3A_74 : vector<1x128xf32> to vector<2000x128xf32>
    %mul3A_76 = arith.mulf %mul3A_71, %mul3A_75 : vector<2000x128xf32>
    %get3A_77 = arith.constant 0 : index
    %get3A_78 = arith.constant 0 : index
    %get3A_79 = vector.load %arg10[%get3A_77, %get3A_78] : memref<1x128xf32, #tpu.memory_space<vmem>>, vector<1x128xf32>
    %add3A_80 = vector.broadcast %get3A_79 : vector<1x128xf32> to vector<2000x128xf32>
    %add3A_81 = arith.addf %mul3A_76, %add3A_80 : vector<2000x128xf32>
    %max3A = arith.constant 0.000000e+00 : f32
    %max3A_82 = vector.broadcast %max3A : f32 to vector<2000x128xf32>
    %max3A_83 = arith.maximumf %add3A_81, %max3A_82 : vector<2000x128xf32>
    %reduce_sum3A_84 = arith.constant dense<0.000000e+00> : vector<2000xf32>
    %reduce_sum3A_85 = vector.multi_reduction <add>, %add3A_55, %reduce_sum3A_84 [1] : vector<2000x128xf32> to vector<2000xf32>
    %broadcast_in_dim3A_86 = vector.shape_cast %reduce_sum3A_85 : vector<2000xf32> to vector<2000x1xf32>
    %div3A_87 = arith.constant 1.280000e+02 : f32
    %div3A_88 = vector.broadcast %div3A_87 : f32 to vector<2000x1xf32>
    %div3A_89 = arith.divf %broadcast_in_dim3A_86, %div3A_88 : vector<2000x1xf32>
    %sub3A_90 = vector.broadcast %div3A_89 : vector<2000x1xf32> to vector<2000x128xf32>
    %sub3A_91 = arith.subf %add3A_55, %sub3A_90 : vector<2000x128xf32>
    %integer_pow3A_92 = arith.mulf %sub3A_91, %sub3A_91 : vector<2000x128xf32>
    %reduce_sum3A_93 = arith.constant dense<0.000000e+00> : vector<2000xf32>
    %reduce_sum3A_94 = vector.multi_reduction <add>, %integer_pow3A_92, %reduce_sum3A_93 [1] : vector<2000x128xf32> to vector<2000xf32>
    %broadcast_in_dim3A_95 = vector.shape_cast %reduce_sum3A_94 : vector<2000xf32> to vector<2000x1xf32>
    %div3A_96 = arith.constant 1.280000e+02 : f32
    %div3A_97 = vector.broadcast %div3A_96 : f32 to vector<2000x1xf32>
    %div3A_98 = arith.divf %broadcast_in_dim3A_95, %div3A_97 : vector<2000x1xf32>
    %sub3A_99 = vector.broadcast %div3A_89 : vector<2000x1xf32> to vector<2000x128xf32>
    %sub3A_100 = arith.subf %add3A_55, %sub3A_99 : vector<2000x128xf32>
    %add3A_101 = arith.constant 9.99999974E-6 : f32
    %add3A_102 = vector.broadcast %add3A_101 : f32 to vector<2000x1xf32>
    %add3A_103 = arith.addf %div3A_98, %add3A_102 : vector<2000x1xf32>
    %rsqrt3A_104 = math.rsqrt %add3A_103 : vector<2000x1xf32>
    %mul3A_105 = vector.broadcast %rsqrt3A_104 : vector<2000x1xf32> to vector<2000x128xf32>
    %mul3A_106 = arith.mulf %sub3A_100, %mul3A_105 : vector<2000x128xf32>
    %get3A_107 = arith.constant 0 : index
    %get3A_108 = arith.constant 0 : index
    %get3A_109 = vector.load %arg13[%get3A_107, %get3A_108] : memref<1x128xf32, #tpu.memory_space<vmem>>, vector<1x128xf32>
    %mul3A_110 = vector.broadcast %get3A_109 : vector<1x128xf32> to vector<2000x128xf32>
    %mul3A_111 = arith.mulf %mul3A_106, %mul3A_110 : vector<2000x128xf32>
    %get3A_112 = arith.constant 0 : index
    %get3A_113 = arith.constant 0 : index
    %get3A_114 = vector.load %arg14[%get3A_112, %get3A_113] : memref<1x128xf32, #tpu.memory_space<vmem>>, vector<1x128xf32>
    %add3A_115 = vector.broadcast %get3A_114 : vector<1x128xf32> to vector<2000x128xf32>
    %add3A_116 = arith.addf %mul3A_111, %add3A_115 : vector<2000x128xf32>
    %max3A_117 = arith.constant 0.000000e+00 : f32
    %max3A_118 = vector.broadcast %max3A_117 : f32 to vector<2000x128xf32>
    %max3A_119 = arith.maximumf %add3A_116, %max3A_118 : vector<2000x128xf32>
    %get3A_120 = arith.constant 0 : index
    %get3A_121 = arith.constant 0 : index
    %get3A_122 = vector.load %arg15[%get3A_120, %get3A_121] : memref<1x2xf32, #tpu.memory_space<vmem>>, vector<1x1xf32>
    %get3A_123 = vector.extract %get3A_122[0, 0] : f32 from vector<1x1xf32>
    %mul3A_124 = vector.broadcast %get3A_123 : f32 to vector<2000x128xf32>
    %mul3A_125 = arith.mulf %mul3A_124, %max3A_83 : vector<2000x128xf32>
    %get3A_126 = arith.constant 0 : index
    %get3A_127 = arith.constant 1 : index
    %get3A_128 = vector.load %arg15[%get3A_126, %get3A_127] : memref<1x2xf32, #tpu.memory_space<vmem>>, vector<1x1xf32>
    %get3A_129 = vector.extract %get3A_128[0, 0] : f32 from vector<1x1xf32>
    %mul3A_130 = vector.broadcast %get3A_129 : f32 to vector<2000x128xf32>
    %mul3A_131 = arith.mulf %mul3A_130, %max3A_119 : vector<2000x128xf32>
    %add3A_132 = arith.addf %mul3A_125, %mul3A_131 : vector<2000x128xf32>
    %swap3A = arith.constant 0 : index
    %swap3A_133 = arith.constant 0 : index
    %swap3A_134 = vector.load %arg16[%swap3A, %swap3A_133] : memref<2000x128xf32, #tpu.memory_space<vmem>>, vector<2000x128xf32>
    tpu.vector_store %arg16[%swap3A, %swap3A_133], %add3A_132 {strides = array<i32>} : memref<2000x128xf32, #tpu.memory_space<vmem>>, vector<2000x128xf32>,
    return
  }
  func.func @transform_0(%arg0: i32) -> (i32, i32, i32) {
    %c0_i32 = arith.constant 0 : i32
    %c0_i32_0 = arith.constant 0 : i32
    %c0_i32_1 = arith.constant 0 : i32
    return %c0_i32, %arg0, %c0_i32_0 : i32, i32, i32
  }
  func.func @transform_1(%arg0: i32) -> (i32, i32, i32) {
    %c0_i32 = arith.constant 0 : i32
    %c0_i32_0 = arith.constant 0 : i32
    %c0_i32_1 = arith.constant 0 : i32
    return %c0_i32, %arg0, %c0_i32_0 : i32, i32, i32
  }
  func.func @transform_2(%arg0: i32) -> (i32, i32) {
    %c0_i32 = arith.constant 0 : i32
    %c0_i32_0 = arith.constant 0 : i32
    %c0_i32_1 = arith.constant 0 : i32
    return %c0_i32, %c0_i32_0 : i32, i32
  }
  func.func @transform_3(%arg0: i32) -> (i32, i32) {
    %c0_i32 = arith.constant 0 : i32
    %c0_i32_0 = arith.constant 0 : i32
    %c0_i32_1 = arith.constant 0 : i32
    return %c0_i32, %c0_i32_0 : i32, i32
  }
  func.func @transform_4(%arg0: i32) -> (i32, i32) {
    %c0_i32 = arith.constant 0 : i32
    %c0_i32_0 = arith.constant 0 : i32
    %c0_i32_1 = arith.constant 0 : i32
    return %c0_i32, %c0_i32_0 : i32, i32
  }
  func.func @transform_5(%arg0: i32) -> (i32, i32) {
    %c0_i32 = arith.constant 0 : i32
    %c0_i32_0 = arith.constant 0 : i32
    %c0_i32_1 = arith.constant 0 : i32
    return %c0_i32, %c0_i32_0 : i32, i32
  }
  func.func @transform_6(%arg0: i32) -> (i32, i32) {
    %c0_i32 = arith.constant 0 : i32
    %c0_i32_0 = arith.constant 0 : i32
    %c0_i32_1 = arith.constant 0 : i32
    return %c0_i32, %c0_i32_0 : i32, i32
  }
  func.func @transform_7(%arg0: i32) -> (i32, i32) {
    %c0_i32 = arith.constant 0 : i32
    %c0_i32_0 = arith.constant 0 : i32
    %c0_i32_1 = arith.constant 0 : i32
    return %c0_i32, %c0_i32_0 : i32, i32
  }
  func.func @transform_8(%arg0: i32) -> (i32, i32) {
    %c0_i32 = arith.constant 0 : i32
    %c0_i32_0 = arith.constant 0 : i32
    %c0_i32_1 = arith.constant 0 : i32
    return %c0_i32, %c0_i32_0 : i32, i32
  }
  func.func @transform_9(%arg0: i32) -> (i32, i32) {
    %c0_i32 = arith.constant 0 : i32
    %c0_i32_0 = arith.constant 0 : i32
    %c0_i32_1 = arith.constant 0 : i32
    return %c0_i32, %c0_i32_0 : i32, i32
  }
  func.func @transform_10(%arg0: i32) -> (i32, i32) {
    %c0_i32 = arith.constant 0 : i32
    %c0_i32_0 = arith.constant 0 : i32
    %c0_i32_1 = arith.constant 0 : i32
    return %c0_i32, %c0_i32_0 : i32, i32
  }
  func.func @transform_11(%arg0: i32) -> (i32, i32) {
    %c0_i32 = arith.constant 0 : i32
    %c0_i32_0 = arith.constant 0 : i32
    %c0_i32_1 = arith.constant 0 : i32
    return %c0_i32, %c0_i32_0 : i32, i32
  }
  func.func @transform_12(%arg0: i32) -> (i32, i32) {
    %c0_i32 = arith.constant 0 : i32
    %c0_i32_0 = arith.constant 0 : i32
    %c0_i32_1 = arith.constant 0 : i32
    return %c0_i32, %c0_i32_0 : i32, i32
  }
  func.func @transform_13(%arg0: i32) -> (i32, i32) {
    %c0_i32 = arith.constant 0 : i32
    %c0_i32_0 = arith.constant 0 : i32
    %c0_i32_1 = arith.constant 0 : i32
    return %c0_i32, %c0_i32_0 : i32, i32
  }
  func.func @transform_14(%arg0: i32) -> (i32, i32) {
    %c0_i32 = arith.constant 0 : i32
    %c0_i32_0 = arith.constant 0 : i32
    %c0_i32_1 = arith.constant 0 : i32
    return %c0_i32, %c0_i32_0 : i32, i32
  }
  func.func @transform_15(%arg0: i32) -> (i32, i32) {
    %c0_i32 = arith.constant 0 : i32
    %c0_i32_0 = arith.constant 0 : i32
    return %arg0, %c0_i32 : i32, i32
  }
}

</mosaic_0001>

<sc_bundles>
// kernel: kernel.5.cloned.1.call-start
scs
__scs_entry_jumppad:
0x0: {  	(pc) =	sbr.rel $0x88, $3  }
0x1: {  	(tag) =	ssettag $0x0;
	lr =	simm.s32 $0x1  }
0x2: {  	[smem:$0x3F8E] =	sst lr;
	_ =	strace $0xD0000000  }
0x3: {  	_ = 	snop  }
0x4: {  	_ = 	snop  }
0x5: {  	_ = 	snop  }
0x6: {  	_ = 	snop  }
0x7: {  	_ = 	snop  }
__scs_overlays_trampoline_lowered:
0x8: {  	[smem:$0x3F9D] =	sst s0  }
0x9: {  	[smem:$0x3F9E] =	sst s1  }
0xa: {  	[smem:$0x3F9F] =	sst s2  }
0xb: {  	[smem:$0x3FA0] =	sst s3  }
0xc: {  	[smem:$0x3FA1] =	sst s4  }
0xd: {  	[smem:$0x3FA2] =	sst s5  }
0xe: {  	[smem:$0x3FA3] =	sst s6  }
0xf: {  	[smem:$0x3FA4] =	sst s7  }
0x10: {  	[smem:$0x3FA5] =	sst s8  }
0x11: {  	[smem:$0x3FA6] =	sst s9;
	s0 =	simm.s32 @!p0 $0x0  }
0x12: {  	s1 =	sld [smem:$0x3F8C];
	s0 =	simm.s32 @p0 $0x1  }
0x13: {  	[smem:$0x3FA7] =	sst s0;
	s0 =	simm.s32 @!p1 $0x0  }
0x14: {  	s2 =	sld [smem:$0x3F8B];
	s0 =	simm.s32 @p1 $0x1  }
0x15: {  	[smem:$0x3FA8] =	sst s0;
	s0 =	simm.s32 @!p2 $0x0  }
0x16: {  	s3 =	sld [smem:$0x3FDB];
	s0 =	simm.s32 @p2 $0x1  }
0x17: {  	s4 =	simm.s32 $0x1BF5;
	[smem:$0x3FAA] =	sst s0  }
0x18: {  	s0 =	sld [smem:$0x3F8D];
	_ =	swait.ge [sflag:s4], $0x0  }
0x19: {  	s7 =	sld [smem:$0x3F8E]  }
0x1a: {  	s8 =	sadd.s32 $0xFFFFE003, lr  }
0x1b: {  	s9 =	sadd.s32 $0xFFFFFEF7, lr;
	s5 =	simm.s32 $0xFFFFFFFF;
	p2 =	slt.u32 s8, $0xFFFFF086  }
0x1c: {  	p1 =	slt.u32 s9, $0xF7A;
	s5 =	simm.s32 @!p2 $0x0  }
0x1d: {  	s5 =	simm.s32 @p1 $0x1;
	p0 =	seq.s32 s7, s2  }
0x1e: {  	s7 =	smul.u32 @!p0 $0xF7A, s2;
	p2 =	seq.s32 @!p0 s5, $0x0  }
0x1f: {  	s9 =	smul.u32 $0xF7A, s1;
	s8 =	simm.s32 @!p0 $0x1BF5;
	p2 =	por !p2, p0  }
0x20: {  	[sflag:s8] =	ssyncset.s32 @!p0 $0xFFFFF086;
	s6 =	sadd.s32 @!p0 s3, s7;
	s7 =	simm.s32 @!p0 $0x108  }
0x21: {  	s3 =	sadd.s32 s3, s9;
	s6 =	sadd.s32 @!p0 $0x88, s6;
	s7 =	simm.s32 @p2 $0x1082  }
0x22: {  	[simem:s7], [sflag:s8] =	dma.local @!p0 [hbm:s6], $0xF7A  }
0x23: {  	s9 =	sor.u32 $0xD0000000, s2;
	s6 =	simm.s32 $0x108;
	_ =	swait.ge @!p0 [sflag:s8], $0x0  }
0x24: {  	s3 =	sadd.s32 $0x88, s3;
	s6 =	simm.s32 @!p1 $0x1082;
	[sflag:s4] =	ssyncset.s32 $0xFFFFF086  }
0x25: {  	[simem:s6], [sflag:s4] =	dma.local [hbm:s3], $0xF7A  }
0x26: {  	[smem:$0x3F8E] =	sst s1;
	(tag) =	ssettag s2;
	_ =	strace s9  }
0x27: {  	s1 =	sld [smem:$0x3F9E]  }
0x28: {  	s2 =	sld [smem:$0x3F9F]  }
0x29: {  	s4 =	sld [smem:$0x3FA1]  }
0x2a: {  	p0 =	seq.s32 s5, $0x0;
	s5 =	sld [smem:$0x3FA2]  }
0x2b: {  	s6 =	sld [smem:$0x3FA3]  }
0x2c: {  	s7 =	sld [smem:$0x3FA4]  }
0x2d: {  	s3 =	simm.s32 $0x108;
	s8 =	sld [smem:$0x3FA5]  }
0x2e: {  	s3 =	simm.s32 @!p0 $0x1082;
	s9 =	sld [smem:$0x3FA6]  }
0x2f: {  	lr =	sadd.s32 s0, s3;
	s0 =	sld [smem:$0x3F9D]  }
0x30: {  	s3 =	sld [smem:$0x3FA0]  }
0x31: {  	[smem:$0x3FA9] =	sst s10  }
0x32: {  	s10 =	sld [smem:$0x3FA7];
	_ =	sdelay $0x3  }
0x33: {  	p0 =	seq.s32 s10, $0x1;
	s10 =	sld [smem:$0x3FA9];
	_ =	sdelay $0x3  }
0x34: {  	[smem:$0x3FA9] =	sst s10  }
0x35: {  	s10 =	sld [smem:$0x3FA8];
	_ =	sdelay $0x3  }
0x36: {  	p1 =	seq.s32 s10, $0x1;
	s10 =	sld [smem:$0x3FA9];
	_ =	sdelay $0x3  }
0x37: {  	[smem:$0x3FA9] =	sst s10  }
0x38: {  	s10 =	sld [smem:$0x3FAA]  }
0x39: {  	_ = 	snop;
	(pc) =	sbr.ind lr, $3  }
0x3a: {  	_ = 	snop  }
0x3b: {  	_ = 	snop  }
0x3c: {  	p2 =	seq.s32 s10, $0x1;
	s10 =	sld [smem:$0x3FA9]  }
0x3d: {  	_ =	shalt  }
0x3e: {  	_ =	shalt  }
0x3f: {  	_ =	shalt  }
0x40: {  	_ =	shalt  }
0x41: {  	_ =	shalt  }
0x42: {  	_ =	shalt  }
0x43: {  	_ =	shalt  }
0x44: {  	_ =	shalt  }
0x45: {  	_ =	shalt  }
0x46: {  	_ =	shalt  }
0x47: {  	_ =	shalt  }
0x48: {  	_ =	shalt  }
0x49: {  	_ =	shalt  }
0x4a: {  	_ =	shalt  }
0x4b: {  	_ =	shalt  }
0x4c: {  	_ =	shalt  }
0x4d: {  	_ =	shalt  }
0x4e: {  	_ =	shalt  }
0x4f: {  	_ =	shalt  }
0x50: {  	_ =	shalt  }
0x51: {  	_ =	shalt  }
0x52: {  	_ =	shalt  }
0x53: {  	_ =	shalt  }
0x54: {  	_ =	shalt  }
0x55: {  	_ =	shalt  }
0x56: {  	_ =	shalt  }
0x57: {  	_ =	shalt  }
0x58: {  	_ =	shalt  }
0x59: {  	_ =	shalt  }
0x5a: {  	_ =	shalt  }
0x5b: {  	_ =	shalt  }
0x5c: {  	_ =	shalt  }
0x5d: {  	_ =	shalt  }
0x5e: {  	_ =	shalt  }
0x5f: {  	_ =	shalt  }
0x60: {  	_ =	shalt  }
0x61: {  	_ =	shalt  }
0x62: {  	_ =	shalt  }
0x63: {  	_ =	shalt  }
0x64: {  	_ =	shalt  }
0x65: {  	_ =	shalt  }
0x66: {  	_ =	shalt  }
0x67: {  	_ =	shalt  }
0x68: {  	_ =	shalt  }
0x69: {  	_ =	shalt  }
0x6a: {  	_ =	shalt  }
0x6b: {  	_ =	shalt  }
0x6c: {  	_ =	shalt  }
0x6d: {  	_ =	shalt  }
0x6e: {  	_ =	shalt  }
0x6f: {  	_ =	shalt  }
0x70: {  	_ =	shalt  }
0x71: {  	_ =	shalt  }
0x72: {  	_ =	shalt  }
0x73: {  	_ =	shalt  }
0x74: {  	_ =	shalt  }
0x75: {  	_ =	shalt  }
0x76: {  	_ =	shalt  }
0x77: {  	_ =	shalt  }
0x78: {  	_ =	shalt  }
0x79: {  	_ =	shalt  }
0x7a: {  	_ =	shalt  }
0x7b: {  	_ =	shalt  }
0x7c: {  	_ =	shalt  }
0x7d: {  	_ =	shalt  }
0x7e: {  	_ =	shalt  }
0x7f: {  	_ =	shalt  }
0x80: {  	_ =	shalt  }
0x81: {  	_ =	shalt  }
0x82: {  	_ =	shalt  }
0x83: {  	_ =	shalt  }
0x84: {  	_ =	shalt  }
0x85: {  	_ =	shalt  }
0x86: {  	_ =	shalt  }
0x87: {  	_ =	shalt  }
.Lfunc_end0:
.L_simem_size_0:
called_computation_lowered:
.L_overlay_start_0:
0x88: {  	s2 =	sld [smem:$0x3FD9]  }
0x89: {  	s3 =	sld [smem:$0x3FFE];
	_ =	sdelay $0x1  }
0x8a: {  	s1 =	srdreg.scid  }
0x8b: {  	s0 =	sand.u32 $0x1, s1  }
0x8c: {  	s17 =	sshll.u32 s0, $0xA;
	s2 =	sadd.s32 s3, s2  }
0x8d: {  	s2 =	sadd.s32 s2, s17  }
0x8e: {  	[smem:$0x3FB5] =	sst s2  }
0x8f: {  	_ = 	snop  }
0x90: {  	s2 =	sld [smem:$0x3FD0];
	(tm) =	ssettm $0x1  }
0x91: {  	s18 =	sld [smem:$0x3FFB];
	_ =	sdelay $0x3  }
0x92: {  	_ =	strace s18  }
0x93: {  	s3 =	sld [smem:$0x3FFC];
	_ =	sdelay $0x3  }
0x94: {  	_ =	strace s3  }
0x95: {  	s3 =	sld [smem:$0x3FFD];
	_ =	sdelay $0x3  }
0x96: {  	_ =	strace s3  }
0x97: {  	_ =	strace $0x8FFFFFFF  }
0x98: {  	s19 =	sld [smem:$0x3FDB];
	_ =	sdelay $0x1  }
0x99: {  	s4 =	simm.s32 $_scs_section_size  }
0x9a: {  	s5 =	simm.s32 $_size__tile_overlayer_lowered;
	s6 =	simm.s32 $_tile_overlayer_lowered  }
0x9b: {  	s22 =	simm.s32 $0x1BFF;
	s21 =	sshll.u32 s6, $0x1;
	s3 =	sadd.s32 s4, s19  }
0x9c: {  	s7 =	simm.s32 $0x0;
	s20 =	sshll.u32 s5, $0x1;
	s5 =	sadd.s32 s21, s3  }
0x9d: {  	[timem:s7], [sflag:s22] =	dma.local [hbm:s5], s20  }
0x9e: {  	_ =	swait.ge [sflag:s22], s20  }
0x9f: {  	s4 =	ssub.s32 $0x0, s20;
	[sflag:s22] =	ssyncset.done $0x0  }
0xa0: {  	[sflag:s22] =	ssyncadd.s32 s4;
	_ =	sdelay $0x1  }
0xa1: {  	s23 =	simm.s32 $0x1B8B  }
0xa2: {  	_ =	swait.ge [sflag:s23], $0x1  }
0xa3: {  	[sflag:s23] =	ssyncset.done $0x0  }
0xa4: {  	s25 =	simm.s32 $0x1B8E;
	s24 =	sld [smem:$0x3FFE];
	[sflag:s23] =	ssyncadd.s32 $0xFFFFFFFF  }
0xa5: {  	s26 =	simm.s32 $execute0_lowered;
	[smem:$0x3FD2] =	sst s25  }
0xa6: {  	s5 =	sshll.u32 s26, $0x1;
	_ =	strace $0x80000046;
	[dreg:$0x1] =	wrdreg $0xFFFFFFFF  }
0xa7: {  	s28 =	simm.s32 $_size_execute0_lowered;
	s3 =	sadd.s32 s3, s5;
	[dreg:$0x0] =	wrdreg $0x0  }
0xa8: {  	s5 =	sshll.u32 s28, $0x1;
	[dreg:$0x2] =	wrdreg s3  }
0xa9: {  	[dreg:$0x3] =	wrdreg s5  }
0xaa: {  	[dreg:$0x4] =	wrdreg $0xC0  }
0xab: {  	_ =	task [dreg:s7], $0x5FFFF  }
0xac: {  	[dreg:$0x1] =	wrdreg $0xFFFFFFFF  }
0xad: {  	[dreg:$0x0] =	wrdreg $0x60  }
0xae: {  	[dreg:$0x2] =	wrdreg s24  }
0xaf: {  	[dreg:$0x3] =	wrdreg s2  }
0xb0: {  	[dreg:$0x4] =	wrdreg $0xA5900  }
0xb1: {  	[dreg:$0x5] =	wrdreg $0x145900  }
0xb2: {  	[dreg:$0x6] =	wrdreg $0x1E5900  }
0xb3: {  	[dreg:$0x7] =	wrdreg $0x1E8100  }
0xb4: {  	[dreg:$0x8] =	wrdreg $0x9  }
0xb5: {  	_ =	task.clear_ibuf [dreg:s7], $0x9FFFF;
	_ =	strace $0x90000046  }
0xb6: {  	s29 =	simm.s32 $0x9;
	_ =	strace $0x80000048  }
0xb7: {  	_ =	swait.ge [sflag:s29], $0x1  }
0xb8: {  	[sflag:s29] =	ssyncadd.s32 $0xFFFFFFFF  }
0xb9: {  	_ =	strace $0x90000048  }
0xba: {  	_ =	sfence  }
0xbb: {  	s30 =	sld [smem:$0x0];
	_ =	sdelay $0x2  }
0xbc: {  	s31 =	sshll.u32 s1, $0xD;
	s1 =	sshrl.u32 s1, $0x2  }
0xbd: {  	s3 =	sand.u32 $0x4000, s31;
	s1 =	sadd.s32 s1, s30  }
0xbe: {  	s0 =	sor.u32 s3, s0;
	s1 =	sshll.u32 s1, $0x11  }
0xbf: {  	s0 =	sor.u32 s1, s0  }
0xc0: {  	s0 =	sadd.s32 $0x8F2B, s0  }
0xc1: {  	[sflag:s0] =	ssyncadd.remote.s32 $0x1  }
0xc2: {  	_ =	sfence.sel $0xFFFF  }
0xc3: {  	[dreg:$0x0] =	wrdreg $0xFFFFFFFF;
	(pc) =	sbr.abs _section_cstart, $3  }
0xc4: {  	[dreg:$0x1] =	wrdreg $0xFFFFFFFF  }
0xc5: {  	_ =	task.clear_ibuf [dreg:s7], $0x2FFFF;
	_ =	strace $0x9FFFFFFF  }
0xc6: {  	(tm) =	ssettm $0x7FFFFFFF  }
0xc7: {  	_ =	shalt  }
tec
execute0_lowered:
.L_overlay_start_1:
0x0: {  	(tag) =	ssettag $0x1  }
0x1: {  	s1 =	rddreg [dreg:$0x0]  }
0x2: {  	s3 =	rddreg [dreg:$0x1]  }
0x3: {  	s0 =	rddreg [dreg:$0x2]  }
0x4: {  	s2 =	rddreg [dreg:$0x3];
	s5 =	srdreg.scid  }
0x5: {  	s4 =	rddreg [dreg:$0x4];
	s14 =	stileid.u32;
	s6 =	simm.s32 $0x0  }
0x6: {  	s28 =	simm.s32 $0x80;
	s29 =	simm.s32 $0x3;
	s30 =	simm.s32 $0x4000  }
0x7: {  	s7 =	sand.u32 $0x1, s5;
	s5 =	rddreg [dreg:$0x5];
	s9 =	smul.u32 $0x280, s14  }
0x8: {  	s31 =	simm.s32 $0xA000;
	s10 =	smul.u32 $0xA00, s14;
	[smem:$0x7FF] =	sst s6  }
0x9: {  	s11 =	sadd.s32 $0x3DA00, s1;
	s12 =	smul.u32 $0xA000, s14;
	s13 =	sshll.u32 s14, $0x6  }
0xa: {  	p0 =	seq.s32 s14, $0xF;
	s8 =	smul.u32 $0x2800, s7;
	_ =	strace $0x80000047  }
0xb: {  	[dreg:$0x7] =	wrdreg s11;
	s26 =	ssub.s32 $0x2, s7;
	s17 =	sor.u32 $0x1C09, s13  }
0xc: {  	s7 =	smul.u32 $0x9C400, s7;
	s11 =	simm.s32 $0x0;
	s10 =	sadd.s32 s10, s1  }
0xd: {  	s15 =	sshrl.u32 s26, $0x1;
	s16 =	sadd.s32 s12, s0;
	[dreg:$0xa] =	wrdreg s17  }
0xe: {  	s18 =	sadd.s32 s9, s4;
	s19 =	sadd.s32 $0x5000, s12;
	[dreg:$0x9] =	wrdreg s16  }
0xf: {  	s8 =	sadd.s32 s9, s8;
	[dreg:$0xd] =	wrdreg s18;
	s20 =	sadd.s32 $0x29A00, s10  }
0x10: {  	s16 =	sadd.s32 s9, s5;
	s21 =	sadd.s32 $0x33A00, s10;
	[dreg:$0xf] =	wrdreg s20  }
0x11: {  	s22 =	sadd.s32 s19, s0;
	s23 =	sadd.s32 s19, s2;
	[dreg:$0x10] =	wrdreg s21  }
0x12: {  	s24 =	sshrl.u32 s7, $0x3;
	s18 =	simm.s32 $0x7;
	[dreg:$0x11] =	wrdreg s22  }
0x13: {  	s8 =	sshll.u32 s8, $0x3;
	[dreg:$0x12] =	wrdreg s23;
	s9 =	sadd.s32 s3, s24  }
0x14: {  	s23 =	simm.s32 $0x9;
	s24 =	simm.s32 $0x8000;
	s20 =	simm.s32 $0x2  }
0x15: {  	[dreg:$0xe] =	wrdreg s16;
	s8 =	sadd.s32 s8, s1;
	s1 =	sadd.s32 $0x3EE00, s1  }
0x16: {  	s25 =	sadd.s32 $0x13600, s9;
	[dreg:$0x8] =	wrdreg s1;
	s1 =	ssub.s32 s26, s15  }
0x17: {  	s15 =	sadd.s32 s12, s2;
	s8 =	sadd.s32 $0x1A00, s8;
	[dreg:$0x14] =	wrdreg s25  }
0x18: {  	s25 =	simm.s32 $0x6000;
	[dreg:$0xc] =	wrdreg s8;
	s8 =	sadd.s32 s7, s19  }
0x19: {  	s7 =	sadd.s32 s12, s7;
	s1 =	smax.u32 s1, $0x1;
	s12 =	simm.s32 $0x4  }
0x1a: {  	s19 =	simm.s32 $0x1;
	[dreg:$0xb] =	wrdreg s15;
	s8 =	sshrl.u32 s8, $0x3  }
0x1b: {  	s7 =	sshrl.u32 s7, $0x3;
	[dreg:$0x15] =	wrdreg s1;
	s8 =	sadd.s32 s3, s8  }
0x1c: {  	s1 =	simm.s32 $0x2000;
	s26 =	sadd.s32 s3, s7;
	[dreg:$0x13] =	wrdreg s8  }
0x1d: {  	v0 =	vimm.f32 $1.000000000e+00;
	s3 =	simm.s32 $0x6;
	[dreg:$0x16] =	wrdreg s26;
	s26 =	simm.s32 $0x5  }
.LBB2_1:
0x1e: {  	[tilespmem:$0xA000] =	vst v0  }
0x1f: {  	[tilespmem:$0xA010] =	vst v0  }
0x20: {  	[tilespmem:$0xA020] =	vst v0  }
0x21: {  	[tilespmem:$0xA030] =	vst v0  }
0x22: {  	[tilespmem:$0xA040] =	vst v0  }
0x23: {  	[tilespmem:$0xA050] =	vst v0;
	s7 =	rddreg [dreg:$0x9]  }
0x24: {  	[tilespmem:$0xA060] =	vst v0;
	s22 =	rddreg [dreg:$0x7]  }
0x25: {  	[tilespmem:$0xA070] =	vst v0;
	s8 =	rddreg [dreg:$0xa];
	s9 =	sshrl.u32 s7, $0x3  }
0x26: {  	[spmem:s9], [sflag:s8] =	dma.local [hbm:s22], $0x1400  }
0x27: {  	s10 =	sshrl.u32 s15, $0x3;
	_ =	swait.ge [sflag:s23], $0x1400  }
0x28: {  	[dreg:$0x17] =	wrdreg s10;
	[sflag:s23] =	ssyncset.done $0x0  }
0x29: {  	s13 =	rddreg [dreg:$0xc];
	[sflag:s23] =	ssyncadd.s32 $0xFFFFEC00  }
0x2a: {  	[spmem:s10], [sflag:s8] =	dma.local [hbm:s13], $0x1400  }
0x2b: {  	_ =	swait.ge [sflag:s23], $0x1400  }
0x2c: {  	[sflag:s23] =	ssyncset.done $0x0;
	s14 =	rddreg [dreg:$0xd]  }
0x2d: {  	s17 =	rddreg [dreg:$0x8];
	[sflag:s23] =	ssyncadd.s32 $0xFFFFEC00;
	s15 =	sshrl.u32 s14, $0x3  }
0x2e: {  	[spmem:s15], [sflag:s8] =	dma.local [hbm:s17], $0x50  }
0x2f: {  	_ =	swait.ge [sflag:s23], $0x50  }
0x30: {  	[sflag:s23] =	ssyncset.done $0x0  }
0x31: {  	s21 =	sshrl.u32 s16, $0x3;
	[sflag:s23] =	ssyncadd.s32 $0xFFFFFFB0  }
0x32: {  	[spmem:s21], [sflag:s8] =	dma.local [hbm:s17], $0x50  }
0x33: {  	_ =	swait.ge [sflag:s23], $0x50  }
0x34: {  	[sflag:s23] =	ssyncset.done $0x0  }
0x35: {  	[sflag:s23] =	ssyncadd.s32 $0xFFFFFFB0  }
0x36: {  	[bflag:$0x0] =	sbarrier.arrive $0xFFFF  }
0x37: {  	s15 =	rddreg [dreg:$0xf]  }
0x38: {  	[tilespmem:s24], [sflag:$0x9] =	stream.linear.gather [hbm4b:s15+s6], $0x800, $0x38;
	[tilespmem:$0x1EA90] =	vst v63  }
0x39: {  	_ =	swait.ge [sflag:s23], $0x800  }
0x3a: {  	s22 =	simm.s32 $0x9000;
	[sflag:s23] =	ssyncset.done $0x0  }
.Ltmp0:
0x3b: {  	s16 =	rddreg [dreg:$0x10];
	[sflag:s23] =	ssyncadd.s32 $0xFFFFF800;
	(pc) =	sbr.rel .LBB2_2-.Ltmp0, $4  }
0x3c: {  	[tilespmem:s22], [sflag:$0x9] =	stream.linear.gather [hbm4b:s16+s6], $0x800, $0x38;
	[tilespmem:$0x1EA90] =	vst v63  }
0x3d: {  	_ =	swait.ge [sflag:s23], $0x800  }
0x3e: {  	s9 =	simm.s32 $0x0;
	s14 =	simm.s32 $0xFFFFFFFE;
	[sflag:s23] =	ssyncset.done $0x0  }
0x3f: {  	s17 =	simm.s32 $0x0;
	s21 =	simm.s32 $0x0;
	[sflag:s23] =	ssyncadd.s32 $0xFFFFF800  }
.LBB2_6:
0x40: {  	s10 =	simm.s32 $0x80;
	s22 =	simm.s32 $0x0  }
0x41: {  	[tilespmem:s22], [sflag:$0x1] =	stream.indirect.gather [spmem:s2], $0x40, s24, s10, $0xb8;
	[tilespmem:$0x1EA90] =	vst v63  }
0x42: {  	s7 =	simm.s32 $0x8080;
	p1 =	por $0x1, $0x1  }
0x43: {  	[tilespmem:s1], [sflag:$0x2] =	stream.indirect.gather [spmem:s2], $0x40, s7, s10, $0xb8;
	[tilespmem:$0x1EA90] =	vst v63  }
.LBB2_7:
0x44: {  	s7 =	sshrl.u32 s17, $0x2  }
0x45: {  	s7 =	sand.u32 $0xE00, s7  }
0x46: {  	s8 =	sor.u32 $0x8100, s7  }
0x47: {  	[tilespmem:s30], [sflag:$0x3] =	stream.indirect.gather [spmem:s2], $0x40, s8, s28, $0xb8;
	[tilespmem:$0x1EA90] =	vst v63  }
0x48: {  	_ =	swait.ge [sflag:s19], $0x2000  }
0x49: {  	[sflag:s19] =	ssyncset.done $0x0  }
0x4a: {  	s13 =	sor.u32 $0x9000, s22;
	[sflag:s19] =	ssyncadd.s32 $0xFFFFE000  }
0x4b: {  	[spmem:s0] =	stream.indirect.scatter.add.f32 [tilespmem:s6], [sflag:$0x5], $0x40, s13, s28, $0xb8;
	[tilespmem:$0x1EA90] =	vst v63  }
0x4c: {  	s8 =	simm.s32 @!p1 $0x8  }
0x4d: {  	[spmem:s4] =	stream.indirect.scatter.add.f32 [tilespmem:s31], [sflag:$0x5], $0x1, s13, s28, $0xb8;
	[tilespmem:$0x1EA90] =	vst v63  }
0x4e: {  	_ =	swait.ge @!p1 [sflag:s8], $0x2000  }
0x4f: {  	[sflag:s8] =	ssyncset.done @!p1 $0x0  }
0x50: {  	[sflag:s8] =	ssyncadd.s32 @!p1 $0xFFFFE000  }
0x51: {  	_ =	swait.ge @!p1 [sflag:s8], $0x80  }
0x52: {  	s7 =	sor.u32 $0x8000, s7;
	[sflag:s8] =	ssyncset.done @!p1 $0x0  }
0x53: {  	s14 =	sadd.s32 $0x4, s14;
	s7 =	sadd.s32 $0x180, s7;
	[sflag:s8] =	ssyncadd.s32 @!p1 $0xFFFFFF80  }
0x54: {  	[tilespmem:s25], [sflag:$0x4] =	stream.indirect.gather [spmem:s2], $0x40, s7, s28, $0xb8;
	[tilespmem:$0x1EA90] =	vst v63  }
0x55: {  	p1 =	sne.s32 s14, $0x9E;
	_ =	swait.ge [sflag:s20], $0x2000  }
.Ltmp1:
0x56: {  	s22 =	sor.u32 $0x9000, s10;
	[sflag:s20] =	ssyncset.done $0x0;
	(pc) =	sbr.rel @!p1 .LBB2_8-.Ltmp1, $4  }
0x57: {  	s21 =	sadd.s32 $0x1, s21;
	s9 =	sadd.s32 $0x200, s9;
	[sflag:s20] =	ssyncadd.s32 $0xFFFFE000  }
0x58: {  	[spmem:s0] =	stream.indirect.scatter.add.f32 [tilespmem:s1], [sflag:$0x6], $0x40, s22, s28, $0xb8;
	[tilespmem:$0x1EA90] =	vst v63  }
0x59: {  	s16 =	sadd.s32 $0x40, s16;
	s15 =	sadd.s32 $0x40, s15;
	s17 =	sadd.s32 $0x800, s17  }
0x5a: {  	[spmem:s4] =	stream.indirect.scatter.add.f32 [tilespmem:s31], [sflag:$0x6], $0x1, s22, s28, $0xb8;
	[tilespmem:$0x1EA90] =	vst v63  }
.LBB2_2:
0x5b: {  	s10 =	sand.u32 $0x3, s21;
	p1 =	seq.s32 s14, $0xFFFFFFFE  }
0x5c: {  	p2 =	sne.s32 @!p1 s10, $0x0  }
0x5d: {  	p1 =	por p1, p2  }
.Ltmp2:
0x5e: {  	_ = 	snop;
	(pc) =	sbr.rel @p1 .LBB2_5-.Ltmp2, $1  }
0x5f: {  	_ =	sdelay $0x3  }
0x60: {  	s10 =	sand.u32 $0x800, s9  }
0x61: {  	s22 =	sor.u32 $0x8000, s10  }
0x62: {  	[tilespmem:s22], [sflag:$0x9] =	stream.linear.gather [hbm4b:s15+s6], $0x800, $0x38;
	[tilespmem:$0x1EA90] =	vst v63  }
0x63: {  	_ =	swait.ge [sflag:s23], $0x800  }
0x64: {  	[sflag:s23] =	ssyncset.done $0x0  }
0x65: {  	s10 =	sor.u32 $0x9000, s10;
	[sflag:s23] =	ssyncadd.s32 $0xFFFFF800  }
0x66: {  	[tilespmem:s10], [sflag:$0x9] =	stream.linear.gather [hbm4b:s16+s6], $0x800, $0x38;
	[tilespmem:$0x1EA90] =	vst v63  }
0x67: {  	_ =	swait.ge [sflag:s23], $0x800  }
0x68: {  	[sflag:s23] =	ssyncset.done $0x0  }
0x69: {  	[sflag:s23] =	ssyncadd.s32 $0xFFFFF800  }
.LBB2_4:
0x6a: {  	_ =	swait.ge [sflag:s26], $0x2000  }
0x6b: {  	[sflag:s26] =	ssyncset.done $0x0  }
0x6c: {  	[sflag:s26] =	ssyncadd.s32 $0xFFFFE000  }
0x6d: {  	_ =	swait.ge [sflag:s26], $0x80  }
0x6e: {  	s22 =	sand.u32 $0xE00, s9;
	[sflag:s26] =	ssyncset.done $0x0  }
0x6f: {  	s8 =	sshll.u32 s14, $0x10;
	s10 =	sor.u32 $0x8000, s22;
	[sflag:s26] =	ssyncadd.s32 $0xFFFFFF80  }
0x70: {  	[tilespmem:s6], [sflag:$0x1] =	stream.indirect.gather [spmem:s2], $0x40, s10, s28, $0xb8;
	[tilespmem:$0x1EA90] =	vst v63  }
0x71: {  	s10 =	sshra.s32 s8, $0x1F  }
0x72: {  	s10 =	sand.u32 $0xF, s10  }
0x73: {  	s10 =	sadd.s32 s10, s14  }
0x74: {  	s8 =	sshll.u32 s10, $0x10  }
0x75: {  	s13 =	sshra.s32 s14, $0x1F;
	s8 =	sshra.s32 s8, $0x14  }
0x76: {  	s8 =	sadd.s32 s8, s13  }
0x77: {  	s13 =	sand.u32 $0x80, s8  }
0x78: {  	s13 =	sshrl.u32 s13, $0x7  }
0x79: {  	s13 =	sadd.s32 s13, s8  }
0x7a: {  	s10 =	sand.u32 $0xFFF0, s10;
	s13 =	sand.u32 $0xFE, s13  }
0x7b: {  	s10 =	ssub.s32 s14, s10;
	s8 =	ssub.s32 s8, s13  }
0x7c: {  	s10 =	sshll.u32 s10, $0x10;
	s8 =	sshll.u32 s8, $0x18  }
0x7d: {  	s10 =	sshra.s32 s10, $0x10;
	s8 =	sshra.s32 s8, $0x18  }
0x7e: {  	s10 =	sshll.u32 s10, $0x9;
	s8 =	sshll.u32 s8, $0xD  }
0x7f: {  	_ =	swait.ge [sflag:s29], $0x2000;
	s10 =	sshra.s32 s10, $0x2;
	s8 =	sshra.s32 s8, $0x2  }
0x80: {  	[sflag:s29] =	ssyncset.done $0x0;
	s8 =	sadd.s32 s10, s8  }
0x81: {  	[sflag:s29] =	ssyncadd.s32 $0xFFFFE000;
	s8 =	sadd.s32 $0x9000, s8  }
0x82: {  	[spmem:s0] =	stream.indirect.scatter.add.f32 [tilespmem:s30], [sflag:$0x7], $0x40, s8, s28, $0xb8;
	[tilespmem:$0x1EA90] =	vst v63  }
0x83: {  	_ = 	snop  }
0x84: {  	[spmem:s4] =	stream.indirect.scatter.add.f32 [tilespmem:s31], [sflag:$0x7], $0x1, s8, s28, $0xb8;
	[tilespmem:$0x1EA90] =	vst v63  }
0x85: {  	_ =	swait.ge [sflag:s3], $0x2000  }
0x86: {  	[sflag:s3] =	ssyncset.done $0x0  }
0x87: {  	[sflag:s3] =	ssyncadd.s32 $0xFFFFE000  }
0x88: {  	_ =	swait.ge [sflag:s3], $0x80  }
0x89: {  	s8 =	sadd.s32 $0x1, s14;
	[sflag:s3] =	ssyncset.done $0x0  }
0x8a: {  	s10 =	sor.u32 $0x8080, s22;
	s13 =	sshll.u32 s8, $0x10;
	[sflag:s3] =	ssyncadd.s32 $0xFFFFFF80  }
0x8b: {  	[tilespmem:s1], [sflag:$0x2] =	stream.indirect.gather [spmem:s2], $0x40, s10, s28, $0xb8;
	[tilespmem:$0x1EA90] =	vst v63  }
0x8c: {  	s10 =	sshra.s32 s13, $0x1F  }
0x8d: {  	s10 =	sand.u32 $0xF, s10  }
0x8e: {  	s10 =	sadd.s32 s10, s8  }
0x8f: {  	s7 =	sshll.u32 s10, $0x10  }
0x90: {  	s13 =	sshra.s32 s7, $0x14;
	s7 =	sshra.s32 s8, $0x1F  }
0x91: {  	s7 =	sadd.s32 s13, s7  }
0x92: {  	s13 =	sand.u32 $0x80, s7  }
0x93: {  	s13 =	sshrl.u32 s13, $0x7  }
0x94: {  	s13 =	sadd.s32 s13, s7  }
0x95: {  	s10 =	sand.u32 $0xFFF0, s10;
	s13 =	sand.u32 $0xFE, s13  }
0x96: {  	s8 =	ssub.s32 s8, s10;
	s7 =	ssub.s32 s7, s13  }
0x97: {  	s8 =	sshll.u32 s8, $0x10;
	s7 =	sshll.u32 s7, $0x18  }
0x98: {  	s8 =	sshra.s32 s8, $0x10;
	s7 =	sshra.s32 s7, $0x18  }
0x99: {  	s8 =	sshll.u32 s8, $0x9;
	s7 =	sshll.u32 s7, $0xD  }
0x9a: {  	_ =	swait.ge [sflag:s12], $0x2000;
	s8 =	sshra.s32 s8, $0x2;
	s7 =	sshra.s32 s7, $0x2  }
0x9b: {  	[sflag:s12] =	ssyncset.done $0x0;
	s7 =	sadd.s32 s8, s7  }
0x9c: {  	[sflag:s12] =	ssyncadd.s32 $0xFFFFE000;
	s7 =	sadd.s32 $0x9000, s7  }
0x9d: {  	[spmem:s0] =	stream.indirect.scatter.add.f32 [tilespmem:s25], [sflag:$0x8], $0x40, s7, s28, $0xb8;
	[tilespmem:$0x1EA90] =	vst v63  }
0x9e: {  	_ = 	snop  }
0x9f: {  	[spmem:s4] =	stream.indirect.scatter.add.f32 [tilespmem:s31], [sflag:$0x8], $0x1, s7, s28, $0xb8;
	[tilespmem:$0x1EA90] =	vst v63  }
0xa0: {  	_ =	swait.ge [sflag:s18], $0x2000  }
.Ltmp3:
0xa1: {  	[sflag:s18] =	ssyncset.done $0x0;
	(pc) =	sbr.rel .LBB2_7-.Ltmp3, $4  }
0xa2: {  	[sflag:s18] =	ssyncadd.s32 $0xFFFFE000  }
0xa3: {  	_ =	swait.ge [sflag:s18], $0x80  }
0xa4: {  	[sflag:s18] =	ssyncset.done $0x0  }
0xa5: {  	p1 =	por $0x0, $0x0;
	s10 =	sor.u32 $0x80, s22;
	[sflag:s18] =	ssyncadd.s32 $0xFFFFFF80  }
.LBB2_5:
0xa6: {  	p1 =	sne.s32 s14, $0xFFFFFFFE  }
.Ltmp4:
0xa7: {  	_ = 	snop;
	(pc) =	sbr.rel @p1 .LBB2_4-.Ltmp4, $4  }
.Ltmp5:
0xa8: {  	_ = 	snop;
	(pc) =	sbr.rel @!p1 .LBB2_6-.Ltmp5, $4  }
0xa9: {  	_ = 	snop  }
0xaa: {  	_ = 	snop  }
0xab: {  	_ = 	snop  }
0xac: {  	_ = 	snop  }
.LBB2_8:
0xad: {  	_ =	swait.ge [sflag:s29], $0x2000  }
0xae: {  	[sflag:s29] =	ssyncset.done $0x0  }
0xaf: {  	s7 =	simm.s32 $0x9F00;
	[sflag:s29] =	ssyncadd.s32 $0xFFFFE000  }
0xb0: {  	[spmem:s0] =	stream.indirect.scatter.add.f32 [tilespmem:s30], [sflag:$0x7], $0x40, s7, s28, $0xb8;
	[tilespmem:$0x1EA90] =	vst v63  }
0xb1: {  	_ = 	snop  }
0xb2: {  	[spmem:s4] =	stream.indirect.scatter.add.f32 [tilespmem:s31], [sflag:$0x7], $0x1, s7, s28, $0xb8;
	[tilespmem:$0x1EA90] =	vst v63  }
0xb3: {  	_ =	swait.ge [sflag:s12], $0x2000  }
0xb4: {  	[sflag:s12] =	ssyncset.done $0x0  }
0xb5: {  	s14 =	simm.s32 $0x9F80;
	[sflag:s12] =	ssyncadd.s32 $0xFFFFE000  }
0xb6: {  	[spmem:s0] =	stream.indirect.scatter.add.f32 [tilespmem:s25], [sflag:$0x8], $0x40, s14, s28, $0xb8;
	[tilespmem:$0x1EA90] =	vst v63  }
0xb7: {  	_ = 	snop  }
0xb8: {  	[spmem:s4] =	stream.indirect.scatter.add.f32 [tilespmem:s31], [sflag:$0x8], $0x1, s14, s28, $0xb8;
	[tilespmem:$0x1EA90] =	vst v63  }
0xb9: {  	_ =	swait.ge [sflag:s26], $0x2000  }
0xba: {  	[sflag:s26] =	ssyncset.done $0x0  }
0xbb: {  	[sflag:s26] =	ssyncadd.s32 $0xFFFFE000  }
0xbc: {  	_ =	swait.ge [sflag:s26], $0x80  }
0xbd: {  	[sflag:s26] =	ssyncset.done $0x0  }
0xbe: {  	[sflag:s26] =	ssyncadd.s32 $0xFFFFFF80  }
0xbf: {  	_ =	swait.ge [sflag:s3], $0x2000  }
0xc0: {  	[sflag:s3] =	ssyncset.done $0x0  }
0xc1: {  	[sflag:s3] =	ssyncadd.s32 $0xFFFFE000  }
0xc2: {  	_ =	swait.ge [sflag:s3], $0x80  }
0xc3: {  	[sflag:s3] =	ssyncset.done $0x0  }
0xc4: {  	[sflag:s3] =	ssyncadd.s32 $0xFFFFFF80  }
0xc5: {  	_ =	swait.ge [sflag:s18], $0x2000  }
0xc6: {  	[sflag:s18] =	ssyncset.done $0x0  }
0xc7: {  	[sflag:s18] =	ssyncadd.s32 $0xFFFFE000  }
0xc8: {  	_ =	swait.ge [sflag:s18], $0x80  }
0xc9: {  	[sflag:s18] =	ssyncset.done $0x0  }
0xca: {  	s15 =	simm.s32 $0x8;
	[sflag:s18] =	ssyncadd.s32 $0xFFFFFF80  }
0xcb: {  	_ =	swait.ge [sflag:s15], $0x2000  }
0xcc: {  	[sflag:s15] =	ssyncset.done $0x0  }
0xcd: {  	[sflag:s15] =	ssyncadd.s32 $0xFFFFE000  }
0xce: {  	_ =	swait.ge [sflag:s15], $0x80  }
0xcf: {  	[sflag:s15] =	ssyncset.done $0x0  }
0xd0: {  	[sflag:s15] =	ssyncadd.s32 $0xFFFFFF80  }
0xd1: {  	[bflag:$0x0] =	sbarrier.arrive $0xFFFF  }
0xd2: {  	s8 =	simm.s32 $0xA080;
	s16 =	rddreg [dreg:$0xd]  }
0xd3: {  	[tilespmem:s8], [sflag:$0x9] =	stream.linear.gather [spmem:s16], $0x280, $0x38;
	[tilespmem:$0x1EA90] =	vst v63  }
0xd4: {  	_ =	swait.ge [sflag:s23], $0x280  }
0xd5: {  	[sflag:s23] =	ssyncset.done $0x0  }
0xd6: {  	[sflag:s23] =	ssyncadd.s32 $0xFFFFFD80  }
0xd7: {  	v1 =	vld [tilespmem:$0xA080]  }
0xd8: {  	v2 =	vld [tilespmem:$0xA090]  }
0xd9: {  	v3 =	vld [tilespmem:$0xA0A0]  }
0xda: {  	v4 =	vld [tilespmem:$0xA0B0]  }
0xdb: {  	v5 =	vld [tilespmem:$0xA0C0]  }
0xdc: {  	v6 =	vld [tilespmem:$0xA0D0];
	(erf) = vrcp.f32 v1  }
0xdd: {  	v7 =	vld [tilespmem:$0xA0E0];
	(erf) = vrcp.f32 v2  }
0xde: {  	v8 =	vld [tilespmem:$0xA0F0];
	(erf) = vrcp.f32 v3  }
0xdf: {  	v9 =	vld [tilespmem:$0xA100];
	(erf) = vrcp.f32 v4  }
0xe0: {  	v10 =	vld [tilespmem:$0xA110];
	(erf) = vrcp.f32 v5  }
0xe1: {  	v11 =	vld [tilespmem:$0xA120];
	(erf) = vrcp.f32 v6  }
0xe2: {  	v12 =	vld [tilespmem:$0xA130];
	(erf) = vrcp.f32 v7  }
0xe3: {  	v13 =	vld [tilespmem:$0xA140];
	(erf) = vrcp.f32 v8  }
0xe4: {  	v14 =	vld [tilespmem:$0xA150];
	(erf) = vrcp.f32 v9  }
0xe5: {  	v15 =	vld [tilespmem:$0xA160];
	vm0 =	vgt.f32 v1, $0.0e+00;
	v1 =	vpop (erf);
	(erf) = vrcp.f32 v10  }
0xe6: {  	v16 =	vld [tilespmem:$0xA170];
	vm13 =	vgt.f32 v2, $0.0e+00;
	v1 =	vnsel vm0, $0x0, v1;
	v2 =	vpop (erf);
	(erf) = vrcp.f32 v11  }
0xe7: {  	vm14 =	vgt.f32 v3, $0.0e+00;
	v3 =	vld [tilespmem:$0xA180];
	[tilespmem:$0xA300] =	vst v1;
	v1 =	vnsel vm13, $0x0, v2;
	v2 =	vpop (erf);
	(erf) = vrcp.f32 v12  }
0xe8: {  	v40 =	vld [tilespmem:$0xA190];
	vm15 =	vgt.f32 v4, $0.0e+00;
	[tilespmem:$0xA310] =	vst v1;
	v1 =	vnsel vm14, $0x0, v2;
	v2 =	vpop (erf);
	(erf) = vrcp.f32 v13  }
0xe9: {  	v41 =	vld [tilespmem:$0xA1A0];
	vm4 =	vgt.f32 v5, $0.0e+00;
	[tilespmem:$0xA320] =	vst v1;
	v1 =	vnsel vm15, $0x0, v2;
	v2 =	vpop (erf);
	(erf) = vrcp.f32 v14  }
0xea: {  	v42 =	vld [tilespmem:$0xA1B0];
	vm5 =	vgt.f32 v6, $0.0e+00;
	[tilespmem:$0xA330] =	vst v1;
	v1 =	vnsel vm4, $0x0, v2;
	v2 =	vpop (erf);
	(erf) = vrcp.f32 v15  }
0xeb: {  	v43 =	vld [tilespmem:$0xA1C0];
	vm6 =	vgt.f32 v7, $0.0e+00;
	[tilespmem:$0xA340] =	vst v1;
	v1 =	vnsel vm5, $0x0, v2;
	v2 =	vpop (erf);
	(erf) = vrcp.f32 v16  }
0xec: {  	v44 =	vld [tilespmem:$0xA1D0];
	vm7 =	vgt.f32 v8, $0.0e+00;
	[tilespmem:$0xA350] =	vst v1;
	v1 =	vnsel vm6, $0x0, v2;
	v2 =	vpop (erf);
	(erf) = vrcp.f32 v3  }
0xed: {  	v45 =	vld [tilespmem:$0xA1E0];
	vm8 =	vgt.f32 v9, $0.0e+00;
	[tilespmem:$0xA360] =	vst v1;
	v1 =	vnsel vm7, $0x0, v2;
	v2 =	vpop (erf);
	(erf) = vrcp.f32 v40  }
0xee: {  	v46 =	vld [tilespmem:$0xA1F0];
	vm9 =	vgt.f32 v10, $0.0e+00;
	[tilespmem:$0xA370] =	vst v1;
	v1 =	vnsel vm8, $0x0, v2;
	v2 =	vpop (erf);
	(erf) = vrcp.f32 v41  }
0xef: {  	v47 =	vld [tilespmem:$0xA200];
	vm10 =	vgt.f32 v11, $0.0e+00;
	[tilespmem:$0xA380] =	vst v1;
	v1 =	vnsel vm9, $0x0, v2;
	v2 =	vpop (erf);
	(erf) = vrcp.f32 v42  }
0xf0: {  	v48 =	vld [tilespmem:$0xA210];
	vm11 =	vgt.f32 v12, $0.0e+00;
	[tilespmem:$0xA390] =	vst v1;
	v1 =	vnsel vm10, $0x0, v2;
	v2 =	vpop (erf);
	(erf) = vrcp.f32 v43  }
0xf1: {  	v49 =	vld [tilespmem:$0xA220];
	vm12 =	vgt.f32 v13, $0.0e+00;
	[tilespmem:$0xA3A0] =	vst v1;
	v1 =	vnsel vm11, $0x0, v2;
	v2 =	vpop (erf);
	(erf) = vrcp.f32 v44  }
0xf2: {  	v50 =	vld [tilespmem:$0xA230];
	vm13 =	vgt.f32 v14, $0.0e+00;
	[tilespmem:$0xA3B0] =	vst v1;
	v1 =	vnsel vm12, $0x0, v2;
	v2 =	vpop (erf);
	(erf) = vrcp.f32 v45  }
0xf3: {  	v51 =	vld [tilespmem:$0xA240];
	vm14 =	vgt.f32 v15, $0.0e+00;
	[tilespmem:$0xA3C0] =	vst v1;
	v1 =	vnsel vm13, $0x0, v2;
	v2 =	vpop (erf);
	(erf) = vrcp.f32 v46  }
0xf4: {  	v52 =	vld [tilespmem:$0xA250];
	vm15 =	vgt.f32 v16, $0.0e+00;
	[tilespmem:$0xA3D0] =	vst v1;
	v1 =	vnsel vm14, $0x0, v2;
	v2 =	vpop (erf);
	(erf) = vrcp.f32 v47  }
0xf5: {  	vm4 =	vgt.f32 v3, $0.0e+00;
	v3 =	vld [tilespmem:$0xA260];
	[tilespmem:$0xA3E0] =	vst v1;
	v1 =	vnsel vm15, $0x0, v2;
	v2 =	vpop (erf);
	(erf) = vrcp.f32 v48  }
0xf6: {  	v53 =	vld [tilespmem:$0xA270];
	vm5 =	vgt.f32 v40, $0.0e+00;
	[tilespmem:$0xA3F0] =	vst v1;
	v1 =	vnsel vm4, $0x0, v2;
	v2 =	vpop (erf);
	(erf) = vrcp.f32 v49  }
0xf7: {  	v54 =	vld [tilespmem:$0xA280];
	vm6 =	vgt.f32 v41, $0.0e+00;
	[tilespmem:$0xA400] =	vst v1;
	v1 =	vnsel vm5, $0x0, v2;
	v2 =	vpop (erf);
	(erf) = vrcp.f32 v50  }
0xf8: {  	v55 =	vld [tilespmem:$0xA290];
	vm7 =	vgt.f32 v42, $0.0e+00;
	[tilespmem:$0xA410] =	vst v1;
	v1 =	vnsel vm6, $0x0, v2;
	v2 =	vpop (erf);
	(erf) = vrcp.f32 v51  }
0xf9: {  	v56 =	vld [tilespmem:$0xA2A0];
	vm8 =	vgt.f32 v43, $0.0e+00;
	[tilespmem:$0xA420] =	vst v1;
	v1 =	vnsel vm7, $0x0, v2;
	v2 =	vpop (erf);
	(erf) = vrcp.f32 v52  }
0xfa: {  	v57 =	vld [tilespmem:$0xA2B0];
	vm9 =	vgt.f32 v44, $0.0e+00;
	[tilespmem:$0xA430] =	vst v1;
	v1 =	vnsel vm8, $0x0, v2;
	v2 =	vpop (erf);
	(erf) = vrcp.f32 v3  }
0xfb: {  	v58 =	vld [tilespmem:$0xA2C0];
	vm10 =	vgt.f32 v45, $0.0e+00;
	[tilespmem:$0xA440] =	vst v1;
	v1 =	vnsel vm9, $0x0, v2;
	v2 =	vpop (erf);
	(erf) = vrcp.f32 v53  }
0xfc: {  	v59 =	vld [tilespmem:$0xA2D0];
	vm11 =	vgt.f32 v46, $0.0e+00;
	[tilespmem:$0xA450] =	vst v1;
	v1 =	vnsel vm10, $0x0, v2;
	v2 =	vpop (erf);
	(erf) = vrcp.f32 v54  }
0xfd: {  	v60 =	vld [tilespmem:$0xA2E0];
	vm12 =	vgt.f32 v47, $0.0e+00;
	[tilespmem:$0xA460] =	vst v1;
	v1 =	vnsel vm11, $0x0, v2;
	v2 =	vpop (erf);
	(erf) = vrcp.f32 v55  }
0xfe: {  	v61 =	vld [tilespmem:$0xA2F0];
	vm13 =	vgt.f32 v48, $0.0e+00;
	[tilespmem:$0xA470] =	vst v1;
	v1 =	vnsel vm12, $0x0, v2;
	v2 =	vpop (erf);
	(erf) = vrcp.f32 v56  }
0xff: {  	vm14 =	vgt.f32 v49, $0.0e+00;
	[tilespmem:$0xA480] =	vst v1;
	v1 =	vnsel vm13, $0x0, v2;
	v2 =	vpop (erf);
	(erf) = vrcp.f32 v57  }
0x100: {  	vm15 =	vgt.f32 v50, $0.0e+00;
	[tilespmem:$0xA490] =	vst v1;
	v1 =	vnsel vm14, $0x0, v2;
	v2 =	vpop (erf);
	(erf) = vrcp.f32 v58  }
0x101: {  	vm4 =	vgt.f32 v51, $0.0e+00;
	[tilespmem:$0xA4A0] =	vst v1;
	v1 =	vnsel vm15, $0x0, v2;
	v2 =	vpop (erf);
	(erf) = vrcp.f32 v59  }
0x102: {  	vm5 =	vgt.f32 v52, $0.0e+00;
	[tilespmem:$0xA4B0] =	vst v1;
	v1 =	vnsel vm4, $0x0, v2;
	v2 =	vpop (erf);
	(erf) = vrcp.f32 v60  }
0x103: {  	vm6 =	vgt.f32 v3, $0.0e+00;
	[tilespmem:$0xA4C0] =	vst v1;
	v1 =	vnsel vm5, $0x0, v2;
	v2 =	vpop (erf);
	(erf) = vrcp.f32 v61  }
0x104: {  	vm7 =	vgt.f32 v53, $0.0e+00;
	v3 =	vpop (erf);
	[tilespmem:$0xA4D0] =	vst v1;
	v1 =	vnsel vm6, $0x0, v2  }
0x105: {  	vm8 =	vgt.f32 v54, $0.0e+00;
	v2 =	vpop (erf);
	[tilespmem:$0xA4E0] =	vst v1;
	v1 =	vnsel vm7, $0x0, v3  }
0x106: {  	vm9 =	vgt.f32 v55, $0.0e+00;
	v3 =	vpop (erf);
	[tilespmem:$0xA4F0] =	vst v1;
	v1 =	vnsel vm8, $0x0, v2  }
0x107: {  	vm10 =	vgt.f32 v56, $0.0e+00;
	v2 =	vpop (erf);
	[tilespmem:$0xA500] =	vst v1;
	v1 =	vnsel vm9, $0x0, v3  }
0x108: {  	vm11 =	vgt.f32 v57, $0.0e+00;
	v3 =	vpop (erf);
	[tilespmem:$0xA510] =	vst v1;
	v1 =	vnsel vm10, $0x0, v2  }
0x109: {  	vm12 =	vgt.f32 v58, $0.0e+00;
	v2 =	vpop (erf);
	[tilespmem:$0xA520] =	vst v1;
	v1 =	vnsel vm11, $0x0, v3  }
0x10a: {  	vm13 =	vgt.f32 v59, $0.0e+00;
	v3 =	vpop (erf);
	[tilespmem:$0xA530] =	vst v1;
	v1 =	vnsel vm12, $0x0, v2  }
0x10b: {  	vm14 =	vgt.f32 v60, $0.0e+00;
	v2 =	vpop (erf);
	[tilespmem:$0xA540] =	vst v1;
	v1 =	vnsel vm13, $0x0, v3  }
0x10c: {  	vm15 =	vgt.f32 v61, $0.0e+00;
	[tilespmem:$0xA550] =	vst v1;
	v1 =	vnsel vm14, $0x0, v2;
	v2 =	vpop (erf)  }
0x10d: {  	[tilespmem:$0xA560] =	vst v1;
	v1 =	vnsel vm15, $0x0, v2  }
0x10e: {  	s17 =	simm.s32 $0x0;
	s21 =	rddreg [dreg:$0x9];
	[tilespmem:$0xA570] =	vst v1  }
0x10f: {  	[tilespmem:s17], [sflag:$0x9] =	stream.linear.gather [spmem:s21], $0x5000, $0x38;
	[tilespmem:$0x1EA90] =	vst v63  }
0x110: {  	_ =	swait.ge [sflag:s23], $0x5000  }
0x111: {  	[sflag:s23] =	ssyncset.done $0x0  }
0x112: {  	s22 =	simm.s32 $0x0;
	[sflag:s23] =	ssyncadd.s32 $0xFFFFB000  }
0x113: {  	v1 =	vld [tilespmem:s22+$0xA300];
	_ =	sdelay $0x2  }
0x114: {  	s9 =	simm.s32 $0x20  }
0x115: {  	v2 =	vld [tilespmem:s9+$0xFFFFFFE0]  }
0x116: {  	v3 =	vld [tilespmem:s9+$0xFFFFFFF0];
	v1 =	vadd.f32 $0.0e+00, v1  }
0x117: {  	v62 =	vld [tilespmem:s9+$0x0]  }
0x118: {  	v63 =	vld [tilespmem:s9+$0x10];
	v1 =	vbroadcast v1, $0x0;
	_ =	sdelay $0x1  }
0x119: {  	v2 =	vmul.f32 v1, v2  }
0x11a: {  	v3 =	vmul.f32 v3, v1  }
0x11b: {  	v4 =	vmul.f32 v62, v1;
	[tilespmem:s9+$0xFFFFFFE0] =	vst v2  }
0x11c: {  	v1 =	vmul.f32 v63, v1;
	[tilespmem:s9+$0xFFFFFFF0] =	vst v3  }
0x11d: {  	[tilespmem:s9+$0x0] =	vst v4  }
0x11e: {  	s10 =	simm.s32 $0x1;
	s14 =	simm.s32 $0x8;
	[tilespmem:s9+$0x10] =	vst v1  }
.LBB2_9:
0x11f: {  	p1 =	sne.s32 s14, $0x4FC;
	v1 =	vld [tilespmem:s10+$0xA300]  }
0x120: {  	s9 =	sadd.s32 $0x40, s9  }
0x121: {  	v2 =	vld [tilespmem:s9+$0xFFFFFFF0]  }
0x122: {  	v3 =	vld [tilespmem:s9+$0x10]  }
0x123: {  	v4 =	vld [tilespmem:s9+$0xFFFFFFE0]  }
0x124: {  	v1 =	vadd.f32 $0.0e+00, v1;
	v5 =	vld [tilespmem:s9+$0x0];
	_ =	sdelay $0x1  }
0x125: {  	v1 =	vbroadcast v1, $0x0;
	_ =	sdelay $0x1  }
0x126: {  	v4 =	vmul.f32 v1, v4;
	v2 =	vmul.f32 v2, v1  }
.Ltmp6:
0x127: {  	v5 =	vmul.f32 v5, v1;
	v1 =	vmul.f32 v3, v1;
	(pc) =	sbr.rel @p1 .LBB2_9-.Ltmp6, $4  }
0x128: {  	[tilespmem:s9+$0xFFFFFFE0] =	vst v4  }
0x129: {  	[tilespmem:s9+$0xFFFFFFF0] =	vst v2  }
0x12a: {  	[tilespmem:s9+$0x0] =	vst v5  }
0x12b: {  	s10 =	sshra.s32 s14, $0x2;
	s14 =	sadd.s32 $0x4, s14;
	[tilespmem:s9+$0x10] =	vst v1  }
0x12c: {  	v1 =	vld [tilespmem:s10+$0xA300];
	_ =	sdelay $0x2  }
0x12d: {  	s7 =	sadd.s32 $0x40, s9  }
0x12e: {  	v2 =	vld [tilespmem:s7+$0xFFFFFFE0]  }
0x12f: {  	v3 =	vld [tilespmem:s7+$0xFFFFFFF0];
	v1 =	vadd.f32 $0.0e+00, v1  }
0x130: {  	v4 =	vld [tilespmem:s7+$0x0]  }
0x131: {  	v5 =	vld [tilespmem:s7+$0x10];
	v1 =	vbroadcast v1, $0x0;
	_ =	sdelay $0x1  }
0x132: {  	v2 =	vmul.f32 v1, v2  }
0x133: {  	v3 =	vmul.f32 v3, v1  }
0x134: {  	v4 =	vmul.f32 v4, v1;
	[tilespmem:s7+$0xFFFFFFE0] =	vst v2  }
0x135: {  	v1 =	vmul.f32 v5, v1;
	[tilespmem:s7+$0xFFFFFFF0] =	vst v3  }
0x136: {  	[tilespmem:s7+$0x0] =	vst v4  }
0x137: {  	s17 =	simm.s32 $0x0;
	s8 =	rddreg [dreg:$0x9];
	[tilespmem:s7+$0x10] =	vst v1  }
0x138: {  	[spmem:s8] =	stream.linear.scatter [tilespmem:s17], [sflag:$0x9], $0x5000, $0x38;
	[tilespmem:$0x1EA90] =	vst v63  }
0x139: {  	_ =	swait.ge [sflag:s23], $0x5000  }
0x13a: {  	[sflag:s23] =	ssyncset.done $0x0  }
0x13b: {  	s21 =	rddreg [dreg:$0x11];
	[sflag:s23] =	ssyncadd.s32 $0xFFFFB000  }
0x13c: {  	[tilespmem:s17], [sflag:$0x9] =	stream.linear.gather [spmem:s21], $0x5000, $0x38;
	[tilespmem:$0x1EA90] =	vst v63  }
0x13d: {  	_ =	swait.ge [sflag:s23], $0x5000  }
0x13e: {  	[sflag:s23] =	ssyncset.done $0x0  }
0x13f: {  	s7 =	sand.u32 $0x1FF, s17;
	[sflag:s23] =	ssyncadd.s32 $0xFFFFB000  }
0x140: {  	v1 =	vld [tilespmem:s7+$0xA440];
	_ =	sdelay $0x2  }
0x141: {  	s9 =	simm.s32 $0x20  }
0x142: {  	v2 =	vld [tilespmem:s9+$0xFFFFFFE0]  }
0x143: {  	v3 =	vld [tilespmem:s9+$0xFFFFFFF0];
	v1 =	vadd.f32 $0.0e+00, v1  }
0x144: {  	v62 =	vld [tilespmem:s9+$0x0]  }
0x145: {  	v63 =	vld [tilespmem:s9+$0x10];
	v1 =	vbroadcast v1, $0x0;
	_ =	sdelay $0x1  }
0x146: {  	v2 =	vmul.f32 v1, v2  }
0x147: {  	v3 =	vmul.f32 v3, v1  }
0x148: {  	v4 =	vmul.f32 v62, v1;
	[tilespmem:s9+$0xFFFFFFE0] =	vst v2  }
0x149: {  	v1 =	vmul.f32 v63, v1;
	[tilespmem:s9+$0xFFFFFFF0] =	vst v3  }
0x14a: {  	s22 =	simm.s32 $0x1;
	[tilespmem:s9+$0x0] =	vst v4  }
0x14b: {  	s14 =	simm.s32 $0x2;
	s10 =	sand.u32 $0x1FF, s22;
	[tilespmem:s9+$0x10] =	vst v1  }
.LBB2_11:
0x14c: {  	p1 =	sne.s32 s14, $0x13F;
	v1 =	vld [tilespmem:s10+$0xA440]  }
0x14d: {  	s9 =	sadd.s32 $0x40, s9  }
0x14e: {  	v2 =	vld [tilespmem:s9+$0xFFFFFFF0]  }
0x14f: {  	v3 =	vld [tilespmem:s9+$0x10]  }
0x150: {  	v4 =	vld [tilespmem:s9+$0xFFFFFFE0]  }
0x151: {  	v1 =	vadd.f32 $0.0e+00, v1;
	v5 =	vld [tilespmem:s9+$0x0];
	_ =	sdelay $0x1  }
0x152: {  	v1 =	vbroadcast v1, $0x0;
	_ =	sdelay $0x1  }
0x153: {  	v4 =	vmul.f32 v1, v4;
	v2 =	vmul.f32 v2, v1  }
.Ltmp7:
0x154: {  	v5 =	vmul.f32 v5, v1;
	v1 =	vmul.f32 v3, v1;
	(pc) =	sbr.rel @p1 .LBB2_11-.Ltmp7, $4  }
0x155: {  	[tilespmem:s9+$0xFFFFFFE0] =	vst v4  }
0x156: {  	[tilespmem:s9+$0xFFFFFFF0] =	vst v2  }
0x157: {  	[tilespmem:s9+$0x0] =	vst v5  }
0x158: {  	s10 =	sand.u32 $0x1FF, s14;
	s14 =	sadd.s32 $0x1, s14;
	[tilespmem:s9+$0x10] =	vst v1  }
0x159: {  	v1 =	vld [tilespmem:s10+$0xA440];
	_ =	sdelay $0x2  }
0x15a: {  	s7 =	sadd.s32 $0x40, s9  }
0x15b: {  	v2 =	vld [tilespmem:s7+$0xFFFFFFE0]  }
0x15c: {  	v3 =	vld [tilespmem:s7+$0xFFFFFFF0];
	v1 =	vadd.f32 $0.0e+00, v1  }
0x15d: {  	v4 =	vld [tilespmem:s7+$0x0]  }
0x15e: {  	v5 =	vld [tilespmem:s7+$0x10];
	v1 =	vbroadcast v1, $0x0;
	_ =	sdelay $0x1  }
0x15f: {  	v2 =	vmul.f32 v1, v2  }
0x160: {  	v3 =	vmul.f32 v3, v1  }
0x161: {  	v4 =	vmul.f32 v4, v1;
	[tilespmem:s7+$0xFFFFFFE0] =	vst v2  }
0x162: {  	v1 =	vmul.f32 v5, v1;
	[tilespmem:s7+$0xFFFFFFF0] =	vst v3  }
0x163: {  	[tilespmem:s7+$0x0] =	vst v4  }
0x164: {  	s14 =	simm.s32 $0x0;
	s16 =	rddreg [dreg:$0x11];
	[tilespmem:s7+$0x10] =	vst v1  }
0x165: {  	[spmem:s16] =	stream.linear.scatter [tilespmem:s14], [sflag:$0x9], $0x5000, $0x38;
	[tilespmem:$0x1EA90] =	vst v63  }
0x166: {  	_ =	swait.ge [sflag:s23], $0x5000  }
0x167: {  	s17 =	rddreg [dreg:$0x7]  }
0x168: {  	[sflag:s23] =	ssyncset.done $0x0;
	s8 =	rddreg [dreg:$0xa]  }
0x169: {  	s21 =	rddreg [dreg:$0x17];
	[sflag:s23] =	ssyncadd.s32 $0xFFFFB000  }
0x16a: {  	[spmem:s21], [sflag:s8] =	dma.local [hbm:s17], $0x1400  }
0x16b: {  	_ =	swait.ge [sflag:s23], $0x1400  }
0x16c: {  	[sflag:s23] =	ssyncset.done $0x0  }
0x16d: {  	[sflag:s23] =	ssyncadd.s32 $0xFFFFEC00  }
0x16e: {  	[bflag:$0x0] =	sbarrier.arrive $0xFFFF  }
0x16f: {  	s15 =	rddreg [dreg:$0x10]  }
0x170: {  	[tilespmem:s24], [sflag:$0x9] =	stream.linear.gather [hbm4b:s15+s14], $0x800, $0x38;
	[tilespmem:$0x1EA90] =	vst v63  }
0x171: {  	_ =	swait.ge [sflag:s23], $0x800  }
0x172: {  	s22 =	simm.s32 $0x9000;
	[sflag:s23] =	ssyncset.done $0x0  }
.Ltmp8:
0x173: {  	s16 =	rddreg [dreg:$0xf];
	[sflag:s23] =	ssyncadd.s32 $0xFFFFF800;
	(pc) =	sbr.rel .LBB2_13-.Ltmp8, $4  }
0x174: {  	[tilespmem:s22], [sflag:$0x9] =	stream.linear.gather [hbm4b:s16+s14], $0x800, $0x38;
	[tilespmem:$0x1EA90] =	vst v63  }
0x175: {  	_ =	swait.ge [sflag:s23], $0x800  }
0x176: {  	s13 =	simm.s32 $0xFFFFFFFE;
	[sflag:s23] =	ssyncset.done $0x0  }
0x177: {  	s9 =	simm.s32 $0x0;
	s17 =	simm.s32 $0x0;
	[sflag:s23] =	ssyncadd.s32 $0xFFFFF800  }
.LBB2_17:
0x178: {  	s10 =	simm.s32 $0x80;
	s21 =	simm.s32 $0x0  }
0x179: {  	[tilespmem:s21], [sflag:$0x1] =	stream.indirect.gather [spmem:s0], $0x40, s24, s10, $0xb8;
	[tilespmem:$0x1EA90] =	vst v63  }
0x17a: {  	s7 =	simm.s32 $0x8080;
	p1 =	por $0x1, $0x1  }
0x17b: {  	[tilespmem:s1], [sflag:$0x2] =	stream.indirect.gather [spmem:s0], $0x40, s7, s10, $0xb8;
	[tilespmem:$0x1EA90] =	vst v63  }
.LBB2_18:
0x17c: {  	s7 =	sshrl.u32 s14, $0x2  }
0x17d: {  	s7 =	sand.u32 $0xE00, s7  }
0x17e: {  	s8 =	sor.u32 $0x8100, s7  }
0x17f: {  	[tilespmem:s30], [sflag:$0x3] =	stream.indirect.gather [spmem:s0], $0x40, s8, s28, $0xb8;
	[tilespmem:$0x1EA90] =	vst v63  }
0x180: {  	_ =	swait.ge [sflag:s19], $0x2000  }
0x181: {  	[sflag:s19] =	ssyncset.done $0x0  }
0x182: {  	s21 =	sor.u32 $0x9000, s21;
	[sflag:s19] =	ssyncadd.s32 $0xFFFFE000  }
0x183: {  	[spmem:s2] =	stream.indirect.scatter.add.f32 [tilespmem:s6], [sflag:$0x5], $0x40, s21, s28, $0xb8;
	[tilespmem:$0x1EA90] =	vst v63  }
0x184: {  	s8 =	simm.s32 @!p1 $0x8  }
0x185: {  	[spmem:s5] =	stream.indirect.scatter.add.f32 [tilespmem:s31], [sflag:$0x5], $0x1, s21, s28, $0xb8;
	[tilespmem:$0x1EA90] =	vst v63  }
0x186: {  	_ =	swait.ge @!p1 [sflag:s8], $0x2000  }
0x187: {  	[sflag:s8] =	ssyncset.done @!p1 $0x0  }
0x188: {  	[sflag:s8] =	ssyncadd.s32 @!p1 $0xFFFFE000  }
0x189: {  	_ =	swait.ge @!p1 [sflag:s8], $0x80  }
0x18a: {  	s7 =	sor.u32 $0x8000, s7;
	[sflag:s8] =	ssyncset.done @!p1 $0x0  }
0x18b: {  	s13 =	sadd.s32 $0x4, s13;
	s7 =	sadd.s32 $0x180, s7;
	[sflag:s8] =	ssyncadd.s32 @!p1 $0xFFFFFF80  }
0x18c: {  	[tilespmem:s25], [sflag:$0x4] =	stream.indirect.gather [spmem:s0], $0x40, s7, s28, $0xb8;
	[tilespmem:$0x1EA90] =	vst v63  }
0x18d: {  	p1 =	sne.s32 s13, $0x9E;
	_ =	swait.ge [sflag:s20], $0x2000  }
.Ltmp9:
0x18e: {  	s22 =	sor.u32 $0x9000, s10;
	[sflag:s20] =	ssyncset.done $0x0;
	(pc) =	sbr.rel @!p1 .LBB2_19-.Ltmp9, $4  }
0x18f: {  	s17 =	sadd.s32 $0x1, s17;
	s9 =	sadd.s32 $0x200, s9;
	[sflag:s20] =	ssyncadd.s32 $0xFFFFE000  }
0x190: {  	[spmem:s2] =	stream.indirect.scatter.add.f32 [tilespmem:s1], [sflag:$0x6], $0x40, s22, s28, $0xb8;
	[tilespmem:$0x1EA90] =	vst v63  }
0x191: {  	s16 =	sadd.s32 $0x40, s16;
	s15 =	sadd.s32 $0x40, s15;
	s14 =	sadd.s32 $0x800, s14  }
0x192: {  	[spmem:s5] =	stream.indirect.scatter.add.f32 [tilespmem:s31], [sflag:$0x6], $0x1, s22, s28, $0xb8;
	[tilespmem:$0x1EA90] =	vst v63  }
.LBB2_13:
0x193: {  	s7 =	sand.u32 $0x3, s17;
	p1 =	seq.s32 s13, $0xFFFFFFFE  }
0x194: {  	p2 =	sne.s32 @!p1 s7, $0x0  }
0x195: {  	p1 =	por p1, p2  }
.Ltmp10:
0x196: {  	_ = 	snop;
	(pc) =	sbr.rel @p1 .LBB2_16-.Ltmp10, $1  }
0x197: {  	_ =	sdelay $0x3  }
0x198: {  	s7 =	sand.u32 $0x800, s9  }
0x199: {  	s8 =	sor.u32 $0x8000, s7  }
0x19a: {  	[tilespmem:s8], [sflag:$0x9] =	stream.linear.gather [hbm4b:s15+s6], $0x800, $0x38;
	[tilespmem:$0x1EA90] =	vst v63  }
0x19b: {  	_ =	swait.ge [sflag:s23], $0x800  }
0x19c: {  	[sflag:s23] =	ssyncset.done $0x0  }
0x19d: {  	s7 =	sor.u32 $0x9000, s7;
	[sflag:s23] =	ssyncadd.s32 $0xFFFFF800  }
0x19e: {  	[tilespmem:s7], [sflag:$0x9] =	stream.linear.gather [hbm4b:s16+s6], $0x800, $0x38;
	[tilespmem:$0x1EA90] =	vst v63  }
0x19f: {  	_ =	swait.ge [sflag:s23], $0x800  }
0x1a0: {  	[sflag:s23] =	ssyncset.done $0x0  }
0x1a1: {  	[sflag:s23] =	ssyncadd.s32 $0xFFFFF800  }
.LBB2_15:
0x1a2: {  	_ =	swait.ge [sflag:s26], $0x2000  }
0x1a3: {  	[sflag:s26] =	ssyncset.done $0x0  }
0x1a4: {  	[sflag:s26] =	ssyncadd.s32 $0xFFFFE000  }
0x1a5: {  	_ =	swait.ge [sflag:s26], $0x80  }
0x1a6: {  	s21 =	sand.u32 $0xE00, s9;
	[sflag:s26] =	ssyncset.done $0x0  }
0x1a7: {  	s22 =	sshll.u32 s13, $0x10;
	s7 =	sor.u32 $0x8000, s21;
	[sflag:s26] =	ssyncadd.s32 $0xFFFFFF80  }
0x1a8: {  	[tilespmem:s6], [sflag:$0x1] =	stream.indirect.gather [spmem:s0], $0x40, s7, s28, $0xb8;
	[tilespmem:$0x1EA90] =	vst v63  }
0x1a9: {  	s7 =	sshra.s32 s22, $0x1F  }
0x1aa: {  	s7 =	sand.u32 $0xF, s7  }
0x1ab: {  	s7 =	sadd.s32 s7, s13  }
0x1ac: {  	s8 =	sshll.u32 s7, $0x10  }
0x1ad: {  	s10 =	sshra.s32 s13, $0x1F;
	s8 =	sshra.s32 s8, $0x14  }
0x1ae: {  	s8 =	sadd.s32 s8, s10  }
0x1af: {  	s10 =	sand.u32 $0x80, s8  }
0x1b0: {  	s10 =	sshrl.u32 s10, $0x7  }
0x1b1: {  	s10 =	sadd.s32 s10, s8  }
0x1b2: {  	s7 =	sand.u32 $0xFFF0, s7;
	s10 =	sand.u32 $0xFE, s10  }
0x1b3: {  	s7 =	ssub.s32 s13, s7;
	s8 =	ssub.s32 s8, s10  }
0x1b4: {  	s7 =	sshll.u32 s7, $0x10;
	s8 =	sshll.u32 s8, $0x18  }
0x1b5: {  	s7 =	sshra.s32 s7, $0x10;
	s8 =	sshra.s32 s8, $0x18  }
0x1b6: {  	s7 =	sshll.u32 s7, $0x9;
	s8 =	sshll.u32 s8, $0xD  }
0x1b7: {  	_ =	swait.ge [sflag:s29], $0x2000;
	s7 =	sshra.s32 s7, $0x2;
	s8 =	sshra.s32 s8, $0x2  }
0x1b8: {  	[sflag:s29] =	ssyncset.done $0x0;
	s7 =	sadd.s32 s7, s8  }
0x1b9: {  	[sflag:s29] =	ssyncadd.s32 $0xFFFFE000;
	s7 =	sadd.s32 $0x9000, s7  }
0x1ba: {  	[spmem:s2] =	stream.indirect.scatter.add.f32 [tilespmem:s30], [sflag:$0x7], $0x40, s7, s28, $0xb8;
	[tilespmem:$0x1EA90] =	vst v63  }
0x1bb: {  	_ = 	snop  }
0x1bc: {  	[spmem:s5] =	stream.indirect.scatter.add.f32 [tilespmem:s31], [sflag:$0x7], $0x1, s7, s28, $0xb8;
	[tilespmem:$0x1EA90] =	vst v63  }
0x1bd: {  	_ =	swait.ge [sflag:s3], $0x2000  }
0x1be: {  	[sflag:s3] =	ssyncset.done $0x0  }
0x1bf: {  	[sflag:s3] =	ssyncadd.s32 $0xFFFFE000  }
0x1c0: {  	_ =	swait.ge [sflag:s3], $0x80  }
0x1c1: {  	s7 =	sadd.s32 $0x1, s13;
	[sflag:s3] =	ssyncset.done $0x0  }
0x1c2: {  	s8 =	sor.u32 $0x8080, s21;
	s10 =	sshll.u32 s7, $0x10;
	[sflag:s3] =	ssyncadd.s32 $0xFFFFFF80  }
0x1c3: {  	[tilespmem:s1], [sflag:$0x2] =	stream.indirect.gather [spmem:s0], $0x40, s8, s28, $0xb8;
	[tilespmem:$0x1EA90] =	vst v63  }
0x1c4: {  	s8 =	sshra.s32 s10, $0x1F  }
0x1c5: {  	s8 =	sand.u32 $0xF, s8  }
0x1c6: {  	s8 =	sadd.s32 s8, s7  }
0x1c7: {  	s22 =	sshll.u32 s8, $0x10  }
0x1c8: {  	s10 =	sshra.s32 s22, $0x14;
	s22 =	sshra.s32 s7, $0x1F  }
0x1c9: {  	s10 =	sadd.s32 s10, s22  }
0x1ca: {  	s22 =	sand.u32 $0x80, s10  }
0x1cb: {  	s22 =	sshrl.u32 s22, $0x7  }
0x1cc: {  	s22 =	sadd.s32 s22, s10  }
0x1cd: {  	s8 =	sand.u32 $0xFFF0, s8;
	s22 =	sand.u32 $0xFE, s22  }
0x1ce: {  	s7 =	ssub.s32 s7, s8;
	s22 =	ssub.s32 s10, s22  }
0x1cf: {  	s7 =	sshll.u32 s7, $0x10;
	s8 =	sshll.u32 s22, $0x18  }
0x1d0: {  	s7 =	sshra.s32 s7, $0x10;
	s8 =	sshra.s32 s8, $0x18  }
0x1d1: {  	s7 =	sshll.u32 s7, $0x9;
	s8 =	sshll.u32 s8, $0xD  }
0x1d2: {  	_ =	swait.ge [sflag:s12], $0x2000;
	s7 =	sshra.s32 s7, $0x2;
	s8 =	sshra.s32 s8, $0x2  }
0x1d3: {  	[sflag:s12] =	ssyncset.done $0x0;
	s7 =	sadd.s32 s7, s8  }
0x1d4: {  	[sflag:s12] =	ssyncadd.s32 $0xFFFFE000;
	s7 =	sadd.s32 $0x9000, s7  }
0x1d5: {  	[spmem:s2] =	stream.indirect.scatter.add.f32 [tilespmem:s25], [sflag:$0x8], $0x40, s7, s28, $0xb8;
	[tilespmem:$0x1EA90] =	vst v63  }
0x1d6: {  	_ = 	snop  }
0x1d7: {  	[spmem:s5] =	stream.indirect.scatter.add.f32 [tilespmem:s31], [sflag:$0x8], $0x1, s7, s28, $0xb8;
	[tilespmem:$0x1EA90] =	vst v63  }
0x1d8: {  	_ =	swait.ge [sflag:s18], $0x2000  }
.Ltmp11:
0x1d9: {  	[sflag:s18] =	ssyncset.done $0x0;
	(pc) =	sbr.rel .LBB2_18-.Ltmp11, $4  }
0x1da: {  	[sflag:s18] =	ssyncadd.s32 $0xFFFFE000  }
0x1db: {  	_ =	swait.ge [sflag:s18], $0x80  }
0x1dc: {  	[sflag:s18] =	ssyncset.done $0x0  }
0x1dd: {  	p1 =	por $0x0, $0x0;
	s10 =	sor.u32 $0x80, s21;
	[sflag:s18] =	ssyncadd.s32 $0xFFFFFF80  }
.LBB2_16:
0x1de: {  	p1 =	sne.s32 s13, $0xFFFFFFFE  }
.Ltmp12:
0x1df: {  	_ = 	snop;
	(pc) =	sbr.rel @p1 .LBB2_15-.Ltmp12, $4  }
.Ltmp13:
0x1e0: {  	_ = 	snop;
	(pc) =	sbr.rel @!p1 .LBB2_17-.Ltmp13, $4  }
0x1e1: {  	_ = 	snop  }
0x1e2: {  	_ = 	snop  }
0x1e3: {  	_ = 	snop  }
0x1e4: {  	_ = 	snop  }
.LBB2_19:
0x1e5: {  	_ =	swait.ge [sflag:s29], $0x2000  }
0x1e6: {  	[sflag:s29] =	ssyncset.done $0x0  }
0x1e7: {  	s7 =	simm.s32 $0x9F00;
	[sflag:s29] =	ssyncadd.s32 $0xFFFFE000  }
0x1e8: {  	[spmem:s2] =	stream.indirect.scatter.add.f32 [tilespmem:s30], [sflag:$0x7], $0x40, s7, s28, $0xb8;
	[tilespmem:$0x1EA90] =	vst v63  }
0x1e9: {  	_ = 	snop  }
0x1ea: {  	[spmem:s5] =	stream.indirect.scatter.add.f32 [tilespmem:s31], [sflag:$0x7], $0x1, s7, s28, $0xb8;
	[tilespmem:$0x1EA90] =	vst v63  }
0x1eb: {  	_ =	swait.ge [sflag:s12], $0x2000  }
0x1ec: {  	[sflag:s12] =	ssyncset.done $0x0  }
0x1ed: {  	s15 =	simm.s32 $0x9F80;
	[sflag:s12] =	ssyncadd.s32 $0xFFFFE000  }
0x1ee: {  	[spmem:s2] =	stream.indirect.scatter.add.f32 [tilespmem:s25], [sflag:$0x8], $0x40, s15, s28, $0xb8;
	[tilespmem:$0x1EA90] =	vst v63  }
0x1ef: {  	_ = 	snop  }
0x1f0: {  	[spmem:s5] =	stream.indirect.scatter.add.f32 [tilespmem:s31], [sflag:$0x8], $0x1, s15, s28, $0xb8;
	[tilespmem:$0x1EA90] =	vst v63  }
0x1f1: {  	_ =	swait.ge [sflag:s26], $0x2000  }
0x1f2: {  	[sflag:s26] =	ssyncset.done $0x0  }
0x1f3: {  	[sflag:s26] =	ssyncadd.s32 $0xFFFFE000  }
0x1f4: {  	_ =	swait.ge [sflag:s26], $0x80  }
0x1f5: {  	[sflag:s26] =	ssyncset.done $0x0  }
0x1f6: {  	[sflag:s26] =	ssyncadd.s32 $0xFFFFFF80  }
0x1f7: {  	_ =	swait.ge [sflag:s3], $0x2000  }
0x1f8: {  	[sflag:s3] =	ssyncset.done $0x0  }
0x1f9: {  	[sflag:s3] =	ssyncadd.s32 $0xFFFFE000  }
0x1fa: {  	_ =	swait.ge [sflag:s3], $0x80  }
0x1fb: {  	[sflag:s3] =	ssyncset.done $0x0  }
0x1fc: {  	[sflag:s3] =	ssyncadd.s32 $0xFFFFFF80  }
0x1fd: {  	_ =	swait.ge [sflag:s18], $0x2000  }
0x1fe: {  	[sflag:s18] =	ssyncset.done $0x0  }
0x1ff: {  	[sflag:s18] =	ssyncadd.s32 $0xFFFFE000  }
0x200: {  	_ =	swait.ge [sflag:s18], $0x80  }
0x201: {  	[sflag:s18] =	ssyncset.done $0x0  }
0x202: {  	s16 =	simm.s32 $0x8;
	[sflag:s18] =	ssyncadd.s32 $0xFFFFFF80  }
0x203: {  	_ =	swait.ge [sflag:s16], $0x2000  }
0x204: {  	[sflag:s16] =	ssyncset.done $0x0  }
0x205: {  	[sflag:s16] =	ssyncadd.s32 $0xFFFFE000  }
0x206: {  	_ =	swait.ge [sflag:s16], $0x80  }
0x207: {  	[sflag:s16] =	ssyncset.done $0x0  }
0x208: {  	[sflag:s16] =	ssyncadd.s32 $0xFFFFFF80  }
0x209: {  	[bflag:$0x0] =	sbarrier.arrive $0xFFFF  }
0x20a: {  	s17 =	simm.s32 $0xA080;
	s16 =	rddreg [dreg:$0xe]  }
0x20b: {  	[tilespmem:s17], [sflag:$0x9] =	stream.linear.gather [spmem:s16], $0x280, $0x38;
	[tilespmem:$0x1EA90] =	vst v63  }
0x20c: {  	_ =	swait.ge [sflag:s23], $0x280  }
0x20d: {  	[sflag:s23] =	ssyncset.done $0x0  }
0x20e: {  	[sflag:s23] =	ssyncadd.s32 $0xFFFFFD80  }
0x20f: {  	v1 =	vld [tilespmem:$0xA080]  }
0x210: {  	v2 =	vld [tilespmem:$0xA090]  }
0x211: {  	v3 =	vld [tilespmem:$0xA0A0]  }
0x212: {  	v4 =	vld [tilespmem:$0xA0B0]  }
0x213: {  	v5 =	vld [tilespmem:$0xA0C0]  }
0x214: {  	v6 =	vld [tilespmem:$0xA0D0];
	(erf) = vrcp.f32 v1  }
0x215: {  	v7 =	vld [tilespmem:$0xA0E0];
	(erf) = vrcp.f32 v2  }
0x216: {  	v8 =	vld [tilespmem:$0xA0F0];
	(erf) = vrcp.f32 v3  }
0x217: {  	v9 =	vld [tilespmem:$0xA100];
	(erf) = vrcp.f32 v4  }
0x218: {  	v10 =	vld [tilespmem:$0xA110];
	(erf) = vrcp.f32 v5  }
0x219: {  	v11 =	vld [tilespmem:$0xA120];
	(erf) = vrcp.f32 v6  }
0x21a: {  	v12 =	vld [tilespmem:$0xA130];
	(erf) = vrcp.f32 v7  }
0x21b: {  	v13 =	vld [tilespmem:$0xA140];
	(erf) = vrcp.f32 v8  }
0x21c: {  	v14 =	vld [tilespmem:$0xA150];
	(erf) = vrcp.f32 v9  }
0x21d: {  	v15 =	vld [tilespmem:$0xA160];
	vm0 =	vgt.f32 v1, $0.0e+00;
	v1 =	vpop (erf);
	(erf) = vrcp.f32 v10  }
0x21e: {  	v16 =	vld [tilespmem:$0xA170];
	vm13 =	vgt.f32 v2, $0.0e+00;
	v1 =	vnsel vm0, $0x0, v1;
	v2 =	vpop (erf);
	(erf) = vrcp.f32 v11  }
0x21f: {  	vm14 =	vgt.f32 v3, $0.0e+00;
	v3 =	vld [tilespmem:$0xA180];
	[tilespmem:$0xA300] =	vst v1;
	v1 =	vnsel vm13, $0x0, v2;
	v2 =	vpop (erf);
	(erf) = vrcp.f32 v12  }
0x220: {  	v40 =	vld [tilespmem:$0xA190];
	vm15 =	vgt.f32 v4, $0.0e+00;
	[tilespmem:$0xA310] =	vst v1;
	v1 =	vnsel vm14, $0x0, v2;
	v2 =	vpop (erf);
	(erf) = vrcp.f32 v13  }
0x221: {  	v41 =	vld [tilespmem:$0xA1A0];
	vm4 =	vgt.f32 v5, $0.0e+00;
	[tilespmem:$0xA320] =	vst v1;
	v1 =	vnsel vm15, $0x0, v2;
	v2 =	vpop (erf);
	(erf) = vrcp.f32 v14  }
0x222: {  	v42 =	vld [tilespmem:$0xA1B0];
	vm5 =	vgt.f32 v6, $0.0e+00;
	[tilespmem:$0xA330] =	vst v1;
	v1 =	vnsel vm4, $0x0, v2;
	v2 =	vpop (erf);
	(erf) = vrcp.f32 v15  }
0x223: {  	v43 =	vld [tilespmem:$0xA1C0];
	vm6 =	vgt.f32 v7, $0.0e+00;
	[tilespmem:$0xA340] =	vst v1;
	v1 =	vnsel vm5, $0x0, v2;
	v2 =	vpop (erf);
	(erf) = vrcp.f32 v16  }
0x224: {  	v44 =	vld [tilespmem:$0xA1D0];
	vm7 =	vgt.f32 v8, $0.0e+00;
	[tilespmem:$0xA350] =	vst v1;
	v1 =	vnsel vm6, $0x0, v2;
	v2 =	vpop (erf);
	(erf) = vrcp.f32 v3  }
0x225: {  	v45 =	vld [tilespmem:$0xA1E0];
	vm8 =	vgt.f32 v9, $0.0e+00;
	[tilespmem:$0xA360] =	vst v1;
	v1 =	vnsel vm7, $0x0, v2;
	v2 =	vpop (erf);
	(erf) = vrcp.f32 v40  }
0x226: {  	v46 =	vld [tilespmem:$0xA1F0];
	vm9 =	vgt.f32 v10, $0.0e+00;
	[tilespmem:$0xA370] =	vst v1;
	v1 =	vnsel vm8, $0x0, v2;
	v2 =	vpop (erf);
	(erf) = vrcp.f32 v41  }
0x227: {  	v47 =	vld [tilespmem:$0xA200];
	vm10 =	vgt.f32 v11, $0.0e+00;
	[tilespmem:$0xA380] =	vst v1;
	v1 =	vnsel vm9, $0x0, v2;
	v2 =	vpop (erf);
	(erf) = vrcp.f32 v42  }
0x228: {  	v48 =	vld [tilespmem:$0xA210];
	vm11 =	vgt.f32 v12, $0.0e+00;
	[tilespmem:$0xA390] =	vst v1;
	v1 =	vnsel vm10, $0x0, v2;
	v2 =	vpop (erf);
	(erf) = vrcp.f32 v43  }
0x229: {  	v49 =	vld [tilespmem:$0xA220];
	vm12 =	vgt.f32 v13, $0.0e+00;
	[tilespmem:$0xA3A0] =	vst v1;
	v1 =	vnsel vm11, $0x0, v2;
	v2 =	vpop (erf);
	(erf) = vrcp.f32 v44  }
0x22a: {  	v50 =	vld [tilespmem:$0xA230];
	vm13 =	vgt.f32 v14, $0.0e+00;
	[tilespmem:$0xA3B0] =	vst v1;
	v1 =	vnsel vm12, $0x0, v2;
	v2 =	vpop (erf);
	(erf) = vrcp.f32 v45  }
0x22b: {  	v51 =	vld [tilespmem:$0xA240];
	vm14 =	vgt.f32 v15, $0.0e+00;
	[tilespmem:$0xA3C0] =	vst v1;
	v1 =	vnsel vm13, $0x0, v2;
	v2 =	vpop (erf);
	(erf) = vrcp.f32 v46  }
0x22c: {  	v52 =	vld [tilespmem:$0xA250];
	vm15 =	vgt.f32 v16, $0.0e+00;
	[tilespmem:$0xA3D0] =	vst v1;
	v1 =	vnsel vm14, $0x0, v2;
	v2 =	vpop (erf);
	(erf) = vrcp.f32 v47  }
0x22d: {  	vm4 =	vgt.f32 v3, $0.0e+00;
	v3 =	vld [tilespmem:$0xA260];
	[tilespmem:$0xA3E0] =	vst v1;
	v1 =	vnsel vm15, $0x0, v2;
	v2 =	vpop (erf);
	(erf) = vrcp.f32 v48  }
0x22e: {  	v53 =	vld [tilespmem:$0xA270];
	vm5 =	vgt.f32 v40, $0.0e+00;
	[tilespmem:$0xA3F0] =	vst v1;
	v1 =	vnsel vm4, $0x0, v2;
	v2 =	vpop (erf);
	(erf) = vrcp.f32 v49  }
0x22f: {  	v54 =	vld [tilespmem:$0xA280];
	vm6 =	vgt.f32 v41, $0.0e+00;
	[tilespmem:$0xA400] =	vst v1;
	v1 =	vnsel vm5, $0x0, v2;
	v2 =	vpop (erf);
	(erf) = vrcp.f32 v50  }
0x230: {  	v55 =	vld [tilespmem:$0xA290];
	vm7 =	vgt.f32 v42, $0.0e+00;
	[tilespmem:$0xA410] =	vst v1;
	v1 =	vnsel vm6, $0x0, v2;
	v2 =	vpop (erf);
	(erf) = vrcp.f32 v51  }
0x231: {  	v56 =	vld [tilespmem:$0xA2A0];
	vm8 =	vgt.f32 v43, $0.0e+00;
	[tilespmem:$0xA420] =	vst v1;
	v1 =	vnsel vm7, $0x0, v2;
	v2 =	vpop (erf);
	(erf) = vrcp.f32 v52  }
0x232: {  	v57 =	vld [tilespmem:$0xA2B0];
	vm9 =	vgt.f32 v44, $0.0e+00;
	[tilespmem:$0xA430] =	vst v1;
	v1 =	vnsel vm8, $0x0, v2;
	v2 =	vpop (erf);
	(erf) = vrcp.f32 v3  }
0x233: {  	v58 =	vld [tilespmem:$0xA2C0];
	vm10 =	vgt.f32 v45, $0.0e+00;
	[tilespmem:$0xA440] =	vst v1;
	v1 =	vnsel vm9, $0x0, v2;
	v2 =	vpop (erf);
	(erf) = vrcp.f32 v53  }
0x234: {  	v59 =	vld [tilespmem:$0xA2D0];
	vm11 =	vgt.f32 v46, $0.0e+00;
	[tilespmem:$0xA450] =	vst v1;
	v1 =	vnsel vm10, $0x0, v2;
	v2 =	vpop (erf);
	(erf) = vrcp.f32 v54  }
0x235: {  	v60 =	vld [tilespmem:$0xA2E0];
	vm12 =	vgt.f32 v47, $0.0e+00;
	[tilespmem:$0xA460] =	vst v1;
	v1 =	vnsel vm11, $0x0, v2;
	v2 =	vpop (erf);
	(erf) = vrcp.f32 v55  }
0x236: {  	v61 =	vld [tilespmem:$0xA2F0];
	vm13 =	vgt.f32 v48, $0.0e+00;
	[tilespmem:$0xA470] =	vst v1;
	v1 =	vnsel vm12, $0x0, v2;
	v2 =	vpop (erf);
	(erf) = vrcp.f32 v56  }
0x237: {  	vm14 =	vgt.f32 v49, $0.0e+00;
	[tilespmem:$0xA480] =	vst v1;
	v1 =	vnsel vm13, $0x0, v2;
	v2 =	vpop (erf);
	(erf) = vrcp.f32 v57  }
0x238: {  	vm15 =	vgt.f32 v50, $0.0e+00;
	[tilespmem:$0xA490] =	vst v1;
	v1 =	vnsel vm14, $0x0, v2;
	v2 =	vpop (erf);
	(erf) = vrcp.f32 v58  }
0x239: {  	vm4 =	vgt.f32 v51, $0.0e+00;
	[tilespmem:$0xA4A0] =	vst v1;
	v1 =	vnsel vm15, $0x0, v2;
	v2 =	vpop (erf);
	(erf) = vrcp.f32 v59  }
0x23a: {  	vm5 =	vgt.f32 v52, $0.0e+00;
	[tilespmem:$0xA4B0] =	vst v1;
	v1 =	vnsel vm4, $0x0, v2;
	v2 =	vpop (erf);
	(erf) = vrcp.f32 v60  }
0x23b: {  	vm6 =	vgt.f32 v3, $0.0e+00;
	[tilespmem:$0xA4C0] =	vst v1;
	v1 =	vnsel vm5, $0x0, v2;
	v2 =	vpop (erf);
	(erf) = vrcp.f32 v61  }
0x23c: {  	vm7 =	vgt.f32 v53, $0.0e+00;
	v3 =	vpop (erf);
	[tilespmem:$0xA4D0] =	vst v1;
	v1 =	vnsel vm6, $0x0, v2  }
0x23d: {  	vm8 =	vgt.f32 v54, $0.0e+00;
	v2 =	vpop (erf);
	[tilespmem:$0xA4E0] =	vst v1;
	v1 =	vnsel vm7, $0x0, v3  }
0x23e: {  	vm9 =	vgt.f32 v55, $0.0e+00;
	v3 =	vpop (erf);
	[tilespmem:$0xA4F0] =	vst v1;
	v1 =	vnsel vm8, $0x0, v2  }
0x23f: {  	vm10 =	vgt.f32 v56, $0.0e+00;
	v2 =	vpop (erf);
	[tilespmem:$0xA500] =	vst v1;
	v1 =	vnsel vm9, $0x0, v3  }
0x240: {  	vm11 =	vgt.f32 v57, $0.0e+00;
	v3 =	vpop (erf);
	[tilespmem:$0xA510] =	vst v1;
	v1 =	vnsel vm10, $0x0, v2  }
0x241: {  	vm12 =	vgt.f32 v58, $0.0e+00;
	v2 =	vpop (erf);
	[tilespmem:$0xA520] =	vst v1;
	v1 =	vnsel vm11, $0x0, v3  }
0x242: {  	vm13 =	vgt.f32 v59, $0.0e+00;
	v3 =	vpop (erf);
	[tilespmem:$0xA530] =	vst v1;
	v1 =	vnsel vm12, $0x0, v2  }
0x243: {  	vm14 =	vgt.f32 v60, $0.0e+00;
	v2 =	vpop (erf);
	[tilespmem:$0xA540] =	vst v1;
	v1 =	vnsel vm13, $0x0, v3  }
0x244: {  	vm15 =	vgt.f32 v61, $0.0e+00;
	[tilespmem:$0xA550] =	vst v1;
	v1 =	vnsel vm14, $0x0, v2;
	v2 =	vpop (erf)  }
0x245: {  	[tilespmem:$0xA560] =	vst v1;
	v1 =	vnsel vm15, $0x0, v2  }
0x246: {  	s21 =	simm.s32 $0x0;
	s15 =	rddreg [dreg:$0xb];
	[tilespmem:$0xA570] =	vst v1  }
0x247: {  	[tilespmem:s21], [sflag:$0x9] =	stream.linear.gather [spmem:s15], $0x5000, $0x38;
	[tilespmem:$0x1EA90] =	vst v63  }
0x248: {  	_ =	swait.ge [sflag:s23], $0x5000  }
0x249: {  	[sflag:s23] =	ssyncset.done $0x0  }
0x24a: {  	s22 =	simm.s32 $0x0;
	[sflag:s23] =	ssyncadd.s32 $0xFFFFB000  }
0x24b: {  	v1 =	vld [tilespmem:s22+$0xA300];
	_ =	sdelay $0x2  }
0x24c: {  	s9 =	simm.s32 $0x20  }
0x24d: {  	v2 =	vld [tilespmem:s9+$0xFFFFFFE0]  }
0x24e: {  	v3 =	vld [tilespmem:s9+$0xFFFFFFF0];
	v1 =	vadd.f32 $0.0e+00, v1  }
0x24f: {  	v62 =	vld [tilespmem:s9+$0x0]  }
0x250: {  	v63 =	vld [tilespmem:s9+$0x10];
	v1 =	vbroadcast v1, $0x0;
	_ =	sdelay $0x1  }
0x251: {  	v2 =	vmul.f32 v1, v2  }
0x252: {  	v3 =	vmul.f32 v3, v1  }
0x253: {  	v4 =	vmul.f32 v62, v1;
	[tilespmem:s9+$0xFFFFFFE0] =	vst v2  }
0x254: {  	v1 =	vmul.f32 v63, v1;
	[tilespmem:s9+$0xFFFFFFF0] =	vst v3  }
0x255: {  	[tilespmem:s9+$0x0] =	vst v4  }
0x256: {  	s10 =	simm.s32 $0x1;
	s13 =	simm.s32 $0x8;
	[tilespmem:s9+$0x10] =	vst v1  }
.LBB2_20:
0x257: {  	p1 =	sne.s32 s13, $0x4FC;
	v1 =	vld [tilespmem:s10+$0xA300]  }
0x258: {  	s9 =	sadd.s32 $0x40, s9  }
0x259: {  	v2 =	vld [tilespmem:s9+$0xFFFFFFF0]  }
0x25a: {  	v3 =	vld [tilespmem:s9+$0x10]  }
0x25b: {  	v4 =	vld [tilespmem:s9+$0xFFFFFFE0]  }
0x25c: {  	v1 =	vadd.f32 $0.0e+00, v1;
	v5 =	vld [tilespmem:s9+$0x0];
	_ =	sdelay $0x1  }
0x25d: {  	v1 =	vbroadcast v1, $0x0;
	_ =	sdelay $0x1  }
0x25e: {  	v4 =	vmul.f32 v1, v4;
	v2 =	vmul.f32 v2, v1  }
.Ltmp14:
0x25f: {  	v5 =	vmul.f32 v5, v1;
	v1 =	vmul.f32 v3, v1;
	(pc) =	sbr.rel @p1 .LBB2_20-.Ltmp14, $4  }
0x260: {  	[tilespmem:s9+$0xFFFFFFE0] =	vst v4  }
0x261: {  	[tilespmem:s9+$0xFFFFFFF0] =	vst v2  }
0x262: {  	[tilespmem:s9+$0x0] =	vst v5  }
0x263: {  	s10 =	sshra.s32 s13, $0x2;
	s13 =	sadd.s32 $0x4, s13;
	[tilespmem:s9+$0x10] =	vst v1  }
0x264: {  	v1 =	vld [tilespmem:s10+$0xA300];
	_ =	sdelay $0x2  }
0x265: {  	s7 =	sadd.s32 $0x40, s9  }
0x266: {  	v2 =	vld [tilespmem:s7+$0xFFFFFFE0]  }
0x267: {  	v3 =	vld [tilespmem:s7+$0xFFFFFFF0];
	v1 =	vadd.f32 $0.0e+00, v1  }
0x268: {  	v4 =	vld [tilespmem:s7+$0x0]  }
0x269: {  	v5 =	vld [tilespmem:s7+$0x10];
	v1 =	vbroadcast v1, $0x0;
	_ =	sdelay $0x1  }
0x26a: {  	v2 =	vmul.f32 v1, v2  }
0x26b: {  	v3 =	vmul.f32 v3, v1  }
0x26c: {  	v4 =	vmul.f32 v4, v1;
	[tilespmem:s7+$0xFFFFFFE0] =	vst v2  }
0x26d: {  	v1 =	vmul.f32 v5, v1;
	[tilespmem:s7+$0xFFFFFFF0] =	vst v3  }
0x26e: {  	[tilespmem:s7+$0x0] =	vst v4  }
0x26f: {  	s17 =	simm.s32 $0x0;
	s8 =	rddreg [dreg:$0x16];
	[tilespmem:s7+$0x10] =	vst v1  }
0x270: {  	[hbm4b:s8+s17] =	stream.linear.scatter [tilespmem:s17], [sflag:$0x9], $0x5000, $0x38;
	[tilespmem:$0x1EA90] =	vst v63  }
0x271: {  	_ =	swait.ge [sflag:s23], $0x5000  }
0x272: {  	[sflag:s23] =	ssyncset.done $0x0  }
0x273: {  	s21 =	rddreg [dreg:$0x12];
	[sflag:s23] =	ssyncadd.s32 $0xFFFFB000  }
0x274: {  	[tilespmem:s17], [sflag:$0x9] =	stream.linear.gather [spmem:s21], $0x5000, $0x38;
	[tilespmem:$0x1EA90] =	vst v63  }
0x275: {  	_ =	swait.ge [sflag:s23], $0x5000  }
0x276: {  	[sflag:s23] =	ssyncset.done $0x0  }
0x277: {  	s7 =	sand.u32 $0x1FF, s17;
	[sflag:s23] =	ssyncadd.s32 $0xFFFFB000  }
0x278: {  	v1 =	vld [tilespmem:s7+$0xA440];
	_ =	sdelay $0x2  }
0x279: {  	s9 =	simm.s32 $0x20  }
0x27a: {  	v2 =	vld [tilespmem:s9+$0xFFFFFFE0]  }
0x27b: {  	v3 =	vld [tilespmem:s9+$0xFFFFFFF0];
	v1 =	vadd.f32 $0.0e+00, v1  }
0x27c: {  	v62 =	vld [tilespmem:s9+$0x0]  }
0x27d: {  	v63 =	vld [tilespmem:s9+$0x10];
	v1 =	vbroadcast v1, $0x0;
	_ =	sdelay $0x1  }
0x27e: {  	v2 =	vmul.f32 v1, v2  }
0x27f: {  	v3 =	vmul.f32 v3, v1  }
0x280: {  	v4 =	vmul.f32 v62, v1;
	[tilespmem:s9+$0xFFFFFFE0] =	vst v2  }
0x281: {  	v1 =	vmul.f32 v63, v1;
	[tilespmem:s9+$0xFFFFFFF0] =	vst v3  }
0x282: {  	s22 =	simm.s32 $0x1;
	[tilespmem:s9+$0x0] =	vst v4  }
0x283: {  	s13 =	simm.s32 $0x2;
	s10 =	sand.u32 $0x1FF, s22;
	[tilespmem:s9+$0x10] =	vst v1  }
.LBB2_22:
0x284: {  	p1 =	sne.s32 s13, $0x13F;
	v1 =	vld [tilespmem:s10+$0xA440]  }
0x285: {  	s9 =	sadd.s32 $0x40, s9  }
0x286: {  	v2 =	vld [tilespmem:s9+$0xFFFFFFF0]  }
0x287: {  	v3 =	vld [tilespmem:s9+$0x10]  }
0x288: {  	v4 =	vld [tilespmem:s9+$0xFFFFFFE0]  }
0x289: {  	v1 =	vadd.f32 $0.0e+00, v1;
	v5 =	vld [tilespmem:s9+$0x0];
	_ =	sdelay $0x1  }
0x28a: {  	v1 =	vbroadcast v1, $0x0;
	_ =	sdelay $0x1  }
0x28b: {  	v4 =	vmul.f32 v1, v4;
	v2 =	vmul.f32 v2, v1  }
.Ltmp15:
0x28c: {  	v5 =	vmul.f32 v5, v1;
	v1 =	vmul.f32 v3, v1;
	(pc) =	sbr.rel @p1 .LBB2_22-.Ltmp15, $4  }
0x28d: {  	[tilespmem:s9+$0xFFFFFFE0] =	vst v4  }
0x28e: {  	[tilespmem:s9+$0xFFFFFFF0] =	vst v2  }
0x28f: {  	[tilespmem:s9+$0x0] =	vst v5  }
0x290: {  	s10 =	sand.u32 $0x1FF, s13;
	s13 =	sadd.s32 $0x1, s13;
	[tilespmem:s9+$0x10] =	vst v1  }
0x291: {  	v1 =	vld [tilespmem:s10+$0xA440];
	_ =	sdelay $0x2  }
0x292: {  	s7 =	sadd.s32 $0x40, s9  }
0x293: {  	v2 =	vld [tilespmem:s7+$0xFFFFFFE0]  }
0x294: {  	v3 =	vld [tilespmem:s7+$0xFFFFFFF0];
	v1 =	vadd.f32 $0.0e+00, v1  }
0x295: {  	v4 =	vld [tilespmem:s7+$0x0]  }
0x296: {  	v5 =	vld [tilespmem:s7+$0x10];
	v1 =	vbroadcast v1, $0x0;
	_ =	sdelay $0x1  }
0x297: {  	v2 =	vmul.f32 v1, v2  }
0x298: {  	v3 =	vmul.f32 v3, v1  }
0x299: {  	v4 =	vmul.f32 v4, v1;
	[tilespmem:s7+$0xFFFFFFE0] =	vst v2  }
0x29a: {  	v1 =	vmul.f32 v5, v1;
	[tilespmem:s7+$0xFFFFFFF0] =	vst v3  }
0x29b: {  	[tilespmem:s7+$0x0] =	vst v4  }
0x29c: {  	s8 =	rddreg [dreg:$0x14];
	[tilespmem:s7+$0x10] =	vst v1;
	s7 =	simm.s32 @p0 $0x0  }
0x29d: {  	[hbm4b:s8+s7] =	stream.linear.scatter @p0 [tilespmem:s7], [sflag:$0x9], $0x1400, $0x38;
	[tilespmem:$0x1EA90] =	vst v63  }
0x29e: {  	s7 =	simm.s32 @p0 $0x9  }
0x29f: {  	_ =	swait.ge @p0 [sflag:s7], $0x1400  }
0x2a0: {  	[sflag:s7] =	ssyncset.done @p0 $0x0  }
0x2a1: {  	s8 =	rddreg [dreg:$0x13];
	[sflag:s7] =	ssyncadd.s32 @p0 $0xFFFFEC00;
	s7 =	simm.s32 @!p0 $0x0  }
0x2a2: {  	[hbm4b:s8+s7] =	stream.linear.scatter @!p0 [tilespmem:s7], [sflag:$0x9], $0x5000, $0x38;
	[tilespmem:$0x1EA90] =	vst v63  }
0x2a3: {  	s7 =	simm.s32 @!p0 $0x9  }
0x2a4: {  	_ =	swait.ge @!p0 [sflag:s7], $0x5000  }
0x2a5: {  	s11 =	sadd.s32 $0x1, s11;
	s22 =	rddreg [dreg:$0x15]  }
0x2a6: {  	p1 =	sne.s32 s11, s22  }
.Ltmp16:
0x2a7: {  	_ = 	snop;
	(pc) =	sbr.rel @p1 .LBB2_1-.Ltmp16, $3  }
0x2a8: {  	_ =	sdelay $0x1  }
0x2a9: {  	[sflag:s7] =	ssyncset.done @!p0 $0x0  }
0x2aa: {  	[sflag:s7] =	ssyncadd.s32 @!p0 $0xFFFFB000  }
0x2ab: {  	_ =	sfence.sel $0x180000  }
0x2ac: {  	[bflag:$0x0] =	sbarrier.arrive $0xFFFF  }
0x2ad: {  	_ =	strace $0x90000047  }
0x2ae: {  	s0 =	stileid.u32;
	[bflag:$0x2] =	sbarrier.arrive $0xFFFF  }
0x2af: {  	p0 =	sne.s32 s0, $0x0;
	s0 =	rddreg [dreg:$0x6]  }
0x2b0: {  	s0 =	sadd.s32 @!p0 $0x100000, s0  }
0x2b1: {  	[sflag:s0] =	ssyncadd.tile.s32 @!p0 $0x1;
	_ =	shalt  }
.Lfunc_end2:
_tile_overlayer_lowered:
.L_overlay_start_2:
0x2b2: {  	(tag) =	ssettag $0x2  }
0x2b3: {  	s0 =	rddreg [dreg:$0x0];
	s2 =	stileid.u32  }
0x2b4: {  	s1 =	rddreg [dreg:$0x1];
	p0 =	sne.s32 s2, $0x0  }
0x2b5: {  	s3 =	rddreg [dreg:$0x2];
	[bflag:$0x3] =	sbarrier.arrive $0xFFFF;
	s2 =	simm.s32 @!p0 $0x1C09  }
0x2b6: {  	[timem:s3], [sflag:s2] =	dma.local @!p0 [hbm:s0], s1  }
0x2b7: {  	s0 =	simm.s32 @!p0 $0x9  }
0x2b8: {  	_ =	swait.ge @!p0 [sflag:s0], s1  }
0x2b9: {  	s1 =	ssub.s32 @!p0 $0x0, s1;
	[sflag:s0] =	ssyncset.done @!p0 $0x0  }
0x2ba: {  	[sflag:s0] =	ssyncadd.s32 @!p0 s1  }
0x2bb: {  	[bflag:$0x3] =	sbarrier.arrive $0xFFFF  }
0x2bc: {  	_ =	shalt  }

</sc_bundles>
